<compile_context>
chip_gen: v7x
topology: tpu7x:2x2x1
jax: 0.10.2.dev20260603
libtpu: 0.0.44.dev20260713+nightly
codegen_flags: <defaults>
</compile_context>

<pallas_src>
import functools

import jax
import jax.numpy as jnp
from jax import lax
from jax.experimental import pallas as pl
from jax.experimental.pallas import tpu as pltpu
from jax.experimental.pallas import tpu_sc as plsc

N = 10000
E = 320000
F_IN = 128
H = 256
HH = 128
G = 64
C = 128

K = 128
CPT = 160
SCH = 32
SUP = CPT // SCH
EROWS = 16 * CPT
EPAD = EROWS * K
RPT = 632
NACC = 16 * RPT
LAST = N - 15 * RPT

_MESH = plsc.VectorSubcoreMesh(core_axis_name="c", subcore_axis_name="s")


@functools.partial(
    pl.kernel,
    mesh=_MESH,
    out_type=jax.ShapeDtypeStruct((2, N, HH), jnp.float32),
    scratch_types=[
        pltpu.VMEM_SHARED((NACC, HH), jnp.float32),
        pltpu.VMEM((SCH, K), jnp.int32),
        pltpu.VMEM((K, HH), jnp.float32),
    ],
)
def _deg(col_hbm, deg_hbm, dacc, cbig, ones_v):
    cid = lax.axis_index("c")
    sid = lax.axis_index("s")

    def zfill(i, _):
        for t in range(HH // 16):
            ones_v[i, pl.ds(t * 16, 16)] = jnp.zeros((16,), jnp.float32)
        return 0
    lax.fori_loop(0, K, zfill, 0)
    for off, sz in ((0, K), (K, K), (2 * K, K), (3 * K, K), (4 * K, RPT - 4 * K)):
        pltpu.sync_copy(ones_v.at[pl.ds(0, sz)] if sz != K else ones_v,
                        dacc.at[pl.ds(sid * RPT + off, sz)])

    def ofill(i, _):
        for t in range(HH // 16):
            ones_v[i, pl.ds(t * 16, 16)] = jnp.ones((16,), jnp.float32)
        return 0
    lax.fori_loop(0, K, ofill, 0)
    plsc.subcore_barrier()

    def outer(s, _):
        pltpu.sync_copy(col_hbm.at[pl.ds(sid * CPT + s * SCH, SCH)], cbig)

        def body(j, _):
            pltpu.sync_copy(ones_v, dacc.at[cbig.at[j]], add=True)
            return 0
        lax.fori_loop(cid * (SCH // 2), (cid + 1) * (SCH // 2), body, 0)
        return 0
    lax.fori_loop(0, SUP, outer, 0)
    plsc.subcore_barrier()

    @pl.when(sid < 15)
    def _():
        pltpu.sync_copy(dacc.at[pl.ds(sid * RPT, RPT)],
                        deg_hbm.at[cid, pl.ds(sid * RPT, RPT)])

    @pl.when(sid == 15)
    def _():
        pltpu.sync_copy(dacc.at[pl.ds(15 * RPT, LAST)],
                        deg_hbm.at[cid, pl.ds(15 * RPT, LAST)])


@functools.partial(
    pl.kernel,
    mesh=_MESH,
    out_type=jax.ShapeDtypeStruct((2 * N, HH), jnp.float32),
    scratch_types=[
        pltpu.VMEM_SHARED((NACC, HH), jnp.float32),
        pltpu.VMEM((SCH, K), jnp.int32),
        pltpu.VMEM((SCH, K), jnp.int32),
        pltpu.VMEM((K, HH), jnp.float32),
        pltpu.VMEM((K, HH), jnp.float32),
        pltpu.SemaphoreType.DMA,
        pltpu.SemaphoreType.DMA,
    ],
)
def _agg(y_hbm, row_hbm, col_hbm, seg_hbm,
         acc, rbig, cbig, rows0, rows1, sem0, sem1):
    cid = lax.axis_index("c")
    sid = lax.axis_index("s")

    def zfill(i, _):
        for t in range(HH // 16):
            rows0[i, pl.ds(t * 16, 16)] = jnp.zeros((16,), jnp.float32)
        return 0
    lax.fori_loop(0, K, zfill, 0)
    for off, sz in ((0, K), (K, K), (2 * K, K), (3 * K, K), (4 * K, RPT - 4 * K)):
        pltpu.sync_copy(rows0.at[pl.ds(0, sz)] if sz != K else rows0,
                        acc.at[pl.ds(sid * RPT + off, sz)])
    plsc.subcore_barrier()

    off_v = jnp.full((16,), 1, jnp.int32) * (cid * N)

    def outer(s, _):
        base = sid * CPT + s * SCH
        pltpu.sync_copy(row_hbm.at[pl.ds(base, SCH)], rbig)
        pltpu.sync_copy(col_hbm.at[pl.ds(base, SCH)], cbig)

        def adj(i, _):
            for t in range(K // 16):
                rbig[i, pl.ds(t * 16, 16)] = rbig[i, pl.ds(t * 16, 16)] + off_v
            return 0
        lax.fori_loop(0, SCH, adj, 0)

        pltpu.async_copy(y_hbm.at[rbig.at[0]], rows0, sem0)

        def body(i, _):
            a = 2 * i
            b = a + 1
            g1 = pltpu.async_copy(y_hbm.at[rbig.at[b]], rows1, sem1)
            pltpu.make_async_copy(y_hbm.at[rbig.at[a]], rows0, sem0).wait()
            pltpu.sync_copy(rows0, acc.at[cbig.at[a]], add=True)

            @pl.when(i < SCH // 2 - 1)
            def _():
                pltpu.async_copy(y_hbm.at[rbig.at[a + 2]], rows0, sem0)

            g1.wait()
            pltpu.sync_copy(rows1, acc.at[cbig.at[b]], add=True)
            return 0
        lax.fori_loop(0, SCH // 2, body, 0)
        return 0
    lax.fori_loop(0, SUP, outer, 0)

    plsc.subcore_barrier()

    @pl.when(sid < 15)
    def _():
        pltpu.sync_copy(acc.at[pl.ds(sid * RPT, RPT)],
                        seg_hbm.at[pl.ds(cid * N + sid * RPT, RPT)])

    @pl.when(sid == 15)
    def _():
        pltpu.sync_copy(acc.at[pl.ds(15 * RPT, LAST)],
                        seg_hbm.at[pl.ds(cid * N + 15 * RPT, LAST)])


NB = 400
NSTEPS = N // NB

_DOT = dict(preferred_element_type=jnp.float32,
            precision=jax.lax.Precision.HIGHEST)


def _dis_of(deg_blk):
    return lax.rsqrt(deg_blk[0, :, 0:1] + deg_blk[1, :, 0:1] + 1.0)


def _tc1_body(x_ref, w_ref, deg_ref, out_ref):
    dis = _dis_of(deg_ref[...])
    y = jnp.dot(x_ref[...], w_ref[...], **_DOT) * dis
    out_ref[0] = y[:, :HH]
    out_ref[1] = y[:, HH:]


def _tc1(x, W1, deg16):
    return pl.pallas_call(
        _tc1_body,
        grid=(NSTEPS,),
        in_specs=[
            pl.BlockSpec((NB, F_IN), lambda i: (i, 0)),
            pl.BlockSpec((F_IN, H), lambda i: (0, 0)),
            pl.BlockSpec((2, NB, HH), lambda i: (0, i, 0)),
        ],
        out_specs=pl.BlockSpec((2, NB, HH), lambda i: (0, i, 0)),
        out_shape=jax.ShapeDtypeStruct((2, N, HH), jnp.float32),
    )(x, W1, deg16)


def _tcmid_body(seg_ref, y_ref, deg_ref, w_ref, b_ref, out_ref):
    dis = _dis_of(deg_ref[...])
    conv = jnp.concatenate(
        [seg_ref[0] + y_ref[0], seg_ref[1] + y_ref[1]], axis=1)
    h = jnp.maximum(dis * conv + b_ref[...], 0.0)
    y = jnp.dot(h, w_ref[...], **_DOT) * dis
    out_ref[0] = y[:, :HH]
    out_ref[1] = y[:, HH:]


def _tcmid(seg, ytab, deg16, b_prev, W_next):
    return pl.pallas_call(
        _tcmid_body,
        grid=(NSTEPS,),
        in_specs=[
            pl.BlockSpec((2, NB, HH), lambda i: (0, i, 0)),
            pl.BlockSpec((2, NB, HH), lambda i: (0, i, 0)),
            pl.BlockSpec((2, NB, HH), lambda i: (0, i, 0)),
            pl.BlockSpec((H, H), lambda i: (0, 0)),
            pl.BlockSpec((1, H), lambda i: (0, 0)),
        ],
        out_specs=pl.BlockSpec((2, NB, HH), lambda i: (0, i, 0)),
        out_shape=jax.ShapeDtypeStruct((2, N, HH), jnp.float32),
    )(seg, ytab, deg16, W_next, b_prev)


def _tcfinal_body(seg_ref, y_ref, deg_ref, b_ref, batch_ref, wl_ref, bl_ref,
                  out_ref, sums_ref, cnt_ref):
    i = pl.program_id(0)

    @pl.when(i == 0)
    def _():
        sums_ref[...] = jnp.zeros_like(sums_ref)
        cnt_ref[...] = jnp.zeros_like(cnt_ref)

    dis = _dis_of(deg_ref[...])
    conv = jnp.concatenate(
        [seg_ref[0] + y_ref[0], seg_ref[1] + y_ref[1]], axis=1)
    h = jnp.maximum(dis * conv + b_ref[...], 0.0)

    bt = batch_ref[0, 0, :]
    mask = (bt[:, None] == lax.broadcasted_iota(jnp.int32, (NB, G), 1)
            ).astype(jnp.float32)
    sums_ref[...] += lax.dot_general(mask, h, (((0,), (0,)), ((), ())), **_DOT)
    cnt_ref[0, :] += jnp.sum(mask, axis=0)

    @pl.when(i == NSTEPS - 1)
    def _():
        pooled = sums_ref[...] / jnp.maximum(cnt_ref[0, :], 1.0)[:, None]
        out_ref[...] = jnp.dot(pooled, wl_ref[...], **_DOT) + bl_ref[...]


def _tcfinal(seg, ytab, deg16, b3, batch3, Wl, bl):
    return pl.pallas_call(
        _tcfinal_body,
        grid=(NSTEPS,),
        in_specs=[
            pl.BlockSpec((2, NB, HH), lambda i: (0, i, 0)),
            pl.BlockSpec((2, NB, HH), lambda i: (0, i, 0)),
            pl.BlockSpec((2, NB, HH), lambda i: (0, i, 0)),
            pl.BlockSpec((1, H), lambda i: (0, 0)),
            pl.BlockSpec((1, 1, NB), lambda i: (i, 0, 0)),
            pl.BlockSpec((H, C), lambda i: (0, 0)),
            pl.BlockSpec((1, C), lambda i: (0, 0)),
        ],
        out_specs=pl.BlockSpec((G, C), lambda i: (0, 0)),
        out_shape=jax.ShapeDtypeStruct((G, C), jnp.float32),
        scratch_shapes=[
            pltpu.VMEM((G, H), jnp.float32),
            pltpu.VMEM((1, G), jnp.float32),
        ],
    )(seg, ytab, deg16, b3, batch3, Wl, bl)


def kernel(x, edge_index, batch, W1, b1, W2, b2, W3, b3, Wl, bl):
    pad = EPAD - E
    row2 = jnp.concatenate(
        [edge_index[0], jnp.zeros((pad,), jnp.int32)]).reshape(EROWS, K)
    col2 = jnp.concatenate(
        [edge_index[1], jnp.full((pad,), N, jnp.int32)]).reshape(EROWS, K)
    batch3 = batch.reshape(NSTEPS, 1, NB)
    b1r = b1.reshape(1, H)
    b2r = b2.reshape(1, H)
    b3r = b3.reshape(1, H)
    blr = bl.reshape(1, C)

    deg16 = _deg(col2)

    ytab1 = _tc1(x, W1, deg16)
    seg1 = _agg(ytab1.reshape(2 * N, HH), row2, col2).reshape(2, N, HH)
    ytab2 = _tcmid(seg1, ytab1, deg16, b1r, W2)
    seg2 = _agg(ytab2.reshape(2 * N, HH), row2, col2).reshape(2, N, HH)
    ytab3 = _tcmid(seg2, ytab2, deg16, b2r, W3)
    seg3 = _agg(ytab3.reshape(2 * N, HH), row2, col2).reshape(2, N, HH)
    return _tcfinal(seg3, ytab3, deg16, b3r, batch3, Wl, blr)

# --- scband reference (transcript-rebuilt; emitter-appended) ---
"""Pipeline reference for scband-simple-gnn-12326556139977 (READ-ONLY COPY).

The authoritative reference and input builder live on the scoring server;
editing this copy changes nothing except your own understanding.
"""

import jax, jax.numpy as jnp
import numpy as np

N = 10000
E = 320000
F_IN = 128
H = 256
C = 128
G = 64


def setup_inputs(seed: int = 0) -> dict:
    key = jax.random.key(seed)
    ks = jax.random.split(key, 12)
    x = jax.random.normal(ks[0], (N, F_IN), dtype=jnp.float32)
    edge_index = jax.random.randint(ks[1], (2, E), 0, N, dtype=jnp.int32)
    batch = jnp.sort(jax.random.randint(ks[2], (N,), 0, G, dtype=jnp.int32))
    W1 = jax.random.normal(ks[3], (F_IN, H), dtype=jnp.float32) * (1.0 / np.sqrt(F_IN))
    b1 = jnp.zeros((H,), dtype=jnp.float32)
    W2 = jax.random.normal(ks[4], (H, H), dtype=jnp.float32) * (1.0 / np.sqrt(H))
    b2 = jnp.zeros((H,), dtype=jnp.float32)
    W3 = jax.random.normal(ks[5], (H, H), dtype=jnp.float32) * (1.0 / np.sqrt(H))
    b3 = jnp.zeros((H,), dtype=jnp.float32)
    Wl = jax.random.normal(ks[6], (H, C), dtype=jnp.float32) * (1.0 / np.sqrt(H))
    bl = jnp.zeros((C,), dtype=jnp.float32)
    return {"x": x, "edge_index": edge_index, "batch": batch,
            "W1": W1, "b1": b1, "W2": W2, "b2": b2, "W3": W3, "b3": b3,
            "Wl": Wl, "bl": bl}


def gcn_conv(x, edge_index, W, b):
    # Faithful PyG GCNConv: linear transform, add self-loops, symmetric deg^-1/2 norm, scatter-add
    n = x.shape[0]
    loop = jnp.arange(n, dtype=edge_index.dtype)
    row = jnp.concatenate([edge_index[0], loop])
    col = jnp.concatenate([edge_index[1], loop])
    deg = jax.ops.segment_sum(jnp.ones(row.shape[0], dtype=x.dtype), col, num_segments=n)
    dis = jnp.where(deg > 0, jax.lax.rsqrt(jnp.maximum(deg, 1e-12)), 0.0)
    norm = dis[row] * dis[col]
    xw = x @ W
    msg = xw[row] * norm[:, None]
    out = jax.ops.segment_sum(msg, col, num_segments=n)
    return out + b


def reference(x, edge_index, batch, W1, b1, W2, b2, W3, b3, Wl, bl):
    h = jax.nn.relu(gcn_conv(x, edge_index, W1, b1))
    # dropout is identity in eval mode
    h = jax.nn.relu(gcn_conv(h, edge_index, W2, b2))
    h = jax.nn.relu(gcn_conv(h, edge_index, W3, b3))
    # global_mean_pool over batch assignment
    sums = jax.ops.segment_sum(h, batch, num_segments=G)
    cnt = jax.ops.segment_sum(jnp.ones((h.shape[0],), dtype=h.dtype), batch, num_segments=G)
    pooled = sums / jnp.maximum(cnt, 1.0)[:, None]
    return pooled @ Wl + bl

if __name__ == "__main__":
    import jax
    _d = setup_inputs()
    print(jax.jit(kernel)(*tuple(_d.values())))

</pallas_src>

<mosaic_0001>
#map = affine_map<(d0, d1) -> (0, 0)>
module attributes {stable_mosaic.version = 14 : i64} {
  func.func @_agg(%arg0: i32, %arg1: i32, %arg2: memref<20000x128xf32, #tpu.memory_space<hbm>>, %arg3: memref<2560x128xi32, #tpu.memory_space<hbm>>, %arg4: memref<2560x128xi32, #tpu.memory_space<hbm>>, %arg5: memref<20000x128xf32, #tpu.memory_space<hbm>>, %arg6: memref<10112x128xf32, #tpu.memory_space<vmem_shared>>, %arg7: memref<32x128xi32, #tpu.memory_space<vmem>>, %arg8: memref<32x128xi32, #tpu.memory_space<vmem>>, %arg9: memref<128x128xf32, #tpu.memory_space<vmem>>, %arg10: memref<128x128xf32, #tpu.memory_space<vmem>>, %arg11: memref<!tpu.dma_semaphore, #tpu.memory_space<semaphore_mem>>, %arg12: memref<!tpu.dma_semaphore, #tpu.memory_space<semaphore_mem>>) attributes {dimension_semantics = [#tpu.dimension_semantics<core_parallel>, #tpu.dimension_semantics<subcore_parallel>], iteration_bounds = array<i64: 2, 16>, scalar_prefetch = 0 : i64, scratch_operands = 7 : i64, tpu.core_type = #tpu.core_type<sc_vector_subcore>, window_params = [{transform_indices = #map}, {transform_indices = #map}, {transform_indices = #map}, {transform_indices = #map}]} {
    %scan3A = arith.constant 0 : i32
    %scan3A_0 = arith.constant 0 : i32
    %scan3A_1 = arith.constant 128 : i32
    %scan3A_2 = arith.addi %scan3A_0, %scan3A_1 : i32
    %scan3A_3 = arith.constant 1 : i32
    %scan3A_4 = scf.for %scan3A_43 = %scan3A_0 to %scan3A_2 step %scan3A_3 iter_args(%scan3A_44 = %scan3A) -> (i32)  : i32 {
      %broadcast_in_dim3A_45 = arith.constant 0.000000e+00 : f32
      %broadcast_in_dim3A_46 = vector.broadcast %broadcast_in_dim3A_45 : f32 to vector<16xf32>
      %swap3A = arith.index_cast %scan3A_43 : i32 to index
      %swap3A_47 = arith.constant 0 : index
      %swap3A_48 = tpu.vector_load %arg9[%swap3A, %swap3A_47] {strides = array<i32>} : memref<128x128xf32, #tpu.memory_space<vmem>>, vector<1x16xf32>,
      %swap3A_49 = vector.shape_cast %swap3A_48 : vector<1x16xf32> to vector<16xf32>
      %swap3A_50 = vector.shape_cast %broadcast_in_dim3A_46 : vector<16xf32> to vector<1x16xf32>
      tpu.vector_store %arg9[%swap3A, %swap3A_47], %swap3A_50 {strides = array<i32>} : memref<128x128xf32, #tpu.memory_space<vmem>>, vector<1x16xf32>,
      %broadcast_in_dim3A_51 = arith.constant 0.000000e+00 : f32
      %broadcast_in_dim3A_52 = vector.broadcast %broadcast_in_dim3A_51 : f32 to vector<16xf32>
      %swap3A_53 = arith.index_cast %scan3A_43 : i32 to index
      %swap3A_54 = arith.constant 16 : index
      %swap3A_55 = tpu.vector_load %arg9[%swap3A_53, %swap3A_54] {strides = array<i32>} : memref<128x128xf32, #tpu.memory_space<vmem>>, vector<1x16xf32>,
      %swap3A_56 = vector.shape_cast %swap3A_55 : vector<1x16xf32> to vector<16xf32>
      %swap3A_57 = vector.shape_cast %broadcast_in_dim3A_52 : vector<16xf32> to vector<1x16xf32>
      tpu.vector_store %arg9[%swap3A_53, %swap3A_54], %swap3A_57 {strides = array<i32>} : memref<128x128xf32, #tpu.memory_space<vmem>>, vector<1x16xf32>,
      %broadcast_in_dim3A_58 = arith.constant 0.000000e+00 : f32
      %broadcast_in_dim3A_59 = vector.broadcast %broadcast_in_dim3A_58 : f32 to vector<16xf32>
      %swap3A_60 = arith.index_cast %scan3A_43 : i32 to index
      %swap3A_61 = arith.constant 32 : index
      %swap3A_62 = tpu.vector_load %arg9[%swap3A_60, %swap3A_61] {strides = array<i32>} : memref<128x128xf32, #tpu.memory_space<vmem>>, vector<1x16xf32>,
      %swap3A_63 = vector.shape_cast %swap3A_62 : vector<1x16xf32> to vector<16xf32>
      %swap3A_64 = vector.shape_cast %broadcast_in_dim3A_59 : vector<16xf32> to vector<1x16xf32>
      tpu.vector_store %arg9[%swap3A_60, %swap3A_61], %swap3A_64 {strides = array<i32>} : memref<128x128xf32, #tpu.memory_space<vmem>>, vector<1x16xf32>,
      %broadcast_in_dim3A_65 = arith.constant 0.000000e+00 : f32
      %broadcast_in_dim3A_66 = vector.broadcast %broadcast_in_dim3A_65 : f32 to vector<16xf32>
      %swap3A_67 = arith.index_cast %scan3A_43 : i32 to index
      %swap3A_68 = arith.constant 48 : index
      %swap3A_69 = tpu.vector_load %arg9[%swap3A_67, %swap3A_68] {strides = array<i32>} : memref<128x128xf32, #tpu.memory_space<vmem>>, vector<1x16xf32>,
      %swap3A_70 = vector.shape_cast %swap3A_69 : vector<1x16xf32> to vector<16xf32>
      %swap3A_71 = vector.shape_cast %broadcast_in_dim3A_66 : vector<16xf32> to vector<1x16xf32>
      tpu.vector_store %arg9[%swap3A_67, %swap3A_68], %swap3A_71 {strides = array<i32>} : memref<128x128xf32, #tpu.memory_space<vmem>>, vector<1x16xf32>,
      %broadcast_in_dim3A_72 = arith.constant 0.000000e+00 : f32
      %broadcast_in_dim3A_73 = vector.broadcast %broadcast_in_dim3A_72 : f32 to vector<16xf32>
      %swap3A_74 = arith.index_cast %scan3A_43 : i32 to index
      %swap3A_75 = arith.constant 64 : index
      %swap3A_76 = tpu.vector_load %arg9[%swap3A_74, %swap3A_75] {strides = array<i32>} : memref<128x128xf32, #tpu.memory_space<vmem>>, vector<1x16xf32>,
      %swap3A_77 = vector.shape_cast %swap3A_76 : vector<1x16xf32> to vector<16xf32>
      %swap3A_78 = vector.shape_cast %broadcast_in_dim3A_73 : vector<16xf32> to vector<1x16xf32>
      tpu.vector_store %arg9[%swap3A_74, %swap3A_75], %swap3A_78 {strides = array<i32>} : memref<128x128xf32, #tpu.memory_space<vmem>>, vector<1x16xf32>,
      %broadcast_in_dim3A_79 = arith.constant 0.000000e+00 : f32
      %broadcast_in_dim3A_80 = vector.broadcast %broadcast_in_dim3A_79 : f32 to vector<16xf32>
      %swap3A_81 = arith.index_cast %scan3A_43 : i32 to index
      %swap3A_82 = arith.constant 80 : index
      %swap3A_83 = tpu.vector_load %arg9[%swap3A_81, %swap3A_82] {strides = array<i32>} : memref<128x128xf32, #tpu.memory_space<vmem>>, vector<1x16xf32>,
      %swap3A_84 = vector.shape_cast %swap3A_83 : vector<1x16xf32> to vector<16xf32>
      %swap3A_85 = vector.shape_cast %broadcast_in_dim3A_80 : vector<16xf32> to vector<1x16xf32>
      tpu.vector_store %arg9[%swap3A_81, %swap3A_82], %swap3A_85 {strides = array<i32>} : memref<128x128xf32, #tpu.memory_space<vmem>>, vector<1x16xf32>,
      %broadcast_in_dim3A_86 = arith.constant 0.000000e+00 : f32
      %broadcast_in_dim3A_87 = vector.broadcast %broadcast_in_dim3A_86 : f32 to vector<16xf32>
      %swap3A_88 = arith.index_cast %scan3A_43 : i32 to index
      %swap3A_89 = arith.constant 96 : index
      %swap3A_90 = tpu.vector_load %arg9[%swap3A_88, %swap3A_89] {strides = array<i32>} : memref<128x128xf32, #tpu.memory_space<vmem>>, vector<1x16xf32>,
      %swap3A_91 = vector.shape_cast %swap3A_90 : vector<1x16xf32> to vector<16xf32>
      %swap3A_92 = vector.shape_cast %broadcast_in_dim3A_87 : vector<16xf32> to vector<1x16xf32>
      tpu.vector_store %arg9[%swap3A_88, %swap3A_89], %swap3A_92 {strides = array<i32>} : memref<128x128xf32, #tpu.memory_space<vmem>>, vector<1x16xf32>,
      %broadcast_in_dim3A_93 = arith.constant 0.000000e+00 : f32
      %broadcast_in_dim3A_94 = vector.broadcast %broadcast_in_dim3A_93 : f32 to vector<16xf32>
      %swap3A_95 = arith.index_cast %scan3A_43 : i32 to index
      %swap3A_96 = arith.constant 112 : index
      %swap3A_97 = tpu.vector_load %arg9[%swap3A_95, %swap3A_96] {strides = array<i32>} : memref<128x128xf32, #tpu.memory_space<vmem>>, vector<1x16xf32>,
      %swap3A_98 = vector.shape_cast %swap3A_97 : vector<1x16xf32> to vector<16xf32>
      %swap3A_99 = vector.shape_cast %broadcast_in_dim3A_94 : vector<16xf32> to vector<1x16xf32>
      tpu.vector_store %arg9[%swap3A_95, %swap3A_96], %swap3A_99 {strides = array<i32>} : memref<128x128xf32, #tpu.memory_space<vmem>>, vector<1x16xf32>,
      %scan3A_100 = arith.constant 0 : i32
      scf.yield %scan3A_100 : i32
    }
    %scan3A_5 = arith.constant 128 : i32
    %mul3A = arith.constant 632 : i32
    %mul3A_6 = arith.muli %arg1, %mul3A : i32
    %add3A = arith.constant 0 : i32
    %add3A_7 = arith.addi %mul3A_6, %add3A : i32
    "tpu.region"() ({
      %run_scoped3A = tpu.sem_alloc : memref<!tpu.dma_semaphore, #tpu.memory_space<semaphore_mem>>
      %dma_start3A = arith.constant 0 : i32
      %dma_start3A_43 = tpu.memref_slice %arg6[%add3A_7, %dma_start3A] : memref<10112x128xf32, #tpu.memory_space<vmem_shared>> -> memref<128x128xf32, #tpu.memory_space<vmem_shared>>
      %dma_start3A_44 = arith.constant 0 : i32
      %dma_start3A_45 = tpu.memref_slice %arg6[%add3A_7, %dma_start3A_44] : memref<10112x128xf32, #tpu.memory_space<vmem_shared>> -> memref<128x128xf32, #tpu.memory_space<vmem_shared>>
      tpu.enqueue_dma source(%arg9 : memref<128x128xf32, #tpu.memory_space<vmem>>) target(%dma_start3A_45 : memref<128x128xf32, #tpu.memory_space<vmem_shared>>) target_semaphore(%run_scoped3A : memref<!tpu.dma_semaphore, #tpu.memory_space<semaphore_mem>>)
      %dma_wait3A = arith.constant 0 : i32
      %dma_wait3A_46 = tpu.memref_slice %arg6[%add3A_7, %dma_wait3A] : memref<10112x128xf32, #tpu.memory_space<vmem_shared>> -> memref<128x128xf32, #tpu.memory_space<vmem_shared>>
      %dma_wait3A_47 = arith.constant 0 : i32
      %dma_wait3A_48 = tpu.memref_slice %arg6[%add3A_7, %dma_wait3A_47] : memref<10112x128xf32, #tpu.memory_space<vmem_shared>> -> memref<128x128xf32, #tpu.memory_space<vmem_shared>>
      tpu.wait_dma2 semaphore(%run_scoped3A : memref<!tpu.dma_semaphore, #tpu.memory_space<semaphore_mem>>) src(%arg9 : memref<128x128xf32, #tpu.memory_space<vmem>>) dst(%dma_wait3A_48 : memref<128x128xf32, #tpu.memory_space<vmem_shared>>)
      tpu.yield
    }) : () -> ()
    %mul3A_8 = arith.constant 632 : i32
    %mul3A_9 = arith.muli %arg1, %mul3A_8 : i32
    %add3A_10 = arith.constant 128 : i32
    %add3A_11 = arith.addi %mul3A_9, %add3A_10 : i32
    "tpu.region"() ({
      %run_scoped3A = tpu.sem_alloc : memref<!tpu.dma_semaphore, #tpu.memory_space<semaphore_mem>>
      %dma_start3A = arith.constant 0 : i32
      %dma_start3A_43 = tpu.memref_slice %arg6[%add3A_11, %dma_start3A] : memref<10112x128xf32, #tpu.memory_space<vmem_shared>> -> memref<128x128xf32, #tpu.memory_space<vmem_shared>>
      %dma_start3A_44 = arith.constant 0 : i32
      %dma_start3A_45 = tpu.memref_slice %arg6[%add3A_11, %dma_start3A_44] : memref<10112x128xf32, #tpu.memory_space<vmem_shared>> -> memref<128x128xf32, #tpu.memory_space<vmem_shared>>
      tpu.enqueue_dma source(%arg9 : memref<128x128xf32, #tpu.memory_space<vmem>>) target(%dma_start3A_45 : memref<128x128xf32, #tpu.memory_space<vmem_shared>>) target_semaphore(%run_scoped3A : memref<!tpu.dma_semaphore, #tpu.memory_space<semaphore_mem>>)
      %dma_wait3A = arith.constant 0 : i32
      %dma_wait3A_46 = tpu.memref_slice %arg6[%add3A_11, %dma_wait3A] : memref<10112x128xf32, #tpu.memory_space<vmem_shared>> -> memref<128x128xf32, #tpu.memory_space<vmem_shared>>
      %dma_wait3A_47 = arith.constant 0 : i32
      %dma_wait3A_48 = tpu.memref_slice %arg6[%add3A_11, %dma_wait3A_47] : memref<10112x128xf32, #tpu.memory_space<vmem_shared>> -> memref<128x128xf32, #tpu.memory_space<vmem_shared>>
      tpu.wait_dma2 semaphore(%run_scoped3A : memref<!tpu.dma_semaphore, #tpu.memory_space<semaphore_mem>>) src(%arg9 : memref<128x128xf32, #tpu.memory_space<vmem>>) dst(%dma_wait3A_48 : memref<128x128xf32, #tpu.memory_space<vmem_shared>>)
      tpu.yield
    }) : () -> ()
    %mul3A_12 = arith.constant 632 : i32
    %mul3A_13 = arith.muli %arg1, %mul3A_12 : i32
    %add3A_14 = arith.constant 256 : i32
    %add3A_15 = arith.addi %mul3A_13, %add3A_14 : i32
    "tpu.region"() ({
      %run_scoped3A = tpu.sem_alloc : memref<!tpu.dma_semaphore, #tpu.memory_space<semaphore_mem>>
      %dma_start3A = arith.constant 0 : i32
      %dma_start3A_43 = tpu.memref_slice %arg6[%add3A_15, %dma_start3A] : memref<10112x128xf32, #tpu.memory_space<vmem_shared>> -> memref<128x128xf32, #tpu.memory_space<vmem_shared>>
      %dma_start3A_44 = arith.constant 0 : i32
      %dma_start3A_45 = tpu.memref_slice %arg6[%add3A_15, %dma_start3A_44] : memref<10112x128xf32, #tpu.memory_space<vmem_shared>> -> memref<128x128xf32, #tpu.memory_space<vmem_shared>>
      tpu.enqueue_dma source(%arg9 : memref<128x128xf32, #tpu.memory_space<vmem>>) target(%dma_start3A_45 : memref<128x128xf32, #tpu.memory_space<vmem_shared>>) target_semaphore(%run_scoped3A : memref<!tpu.dma_semaphore, #tpu.memory_space<semaphore_mem>>)
      %dma_wait3A = arith.constant 0 : i32
      %dma_wait3A_46 = tpu.memref_slice %arg6[%add3A_15, %dma_wait3A] : memref<10112x128xf32, #tpu.memory_space<vmem_shared>> -> memref<128x128xf32, #tpu.memory_space<vmem_shared>>
      %dma_wait3A_47 = arith.constant 0 : i32
      %dma_wait3A_48 = tpu.memref_slice %arg6[%add3A_15, %dma_wait3A_47] : memref<10112x128xf32, #tpu.memory_space<vmem_shared>> -> memref<128x128xf32, #tpu.memory_space<vmem_shared>>
      tpu.wait_dma2 semaphore(%run_scoped3A : memref<!tpu.dma_semaphore, #tpu.memory_space<semaphore_mem>>) src(%arg9 : memref<128x128xf32, #tpu.memory_space<vmem>>) dst(%dma_wait3A_48 : memref<128x128xf32, #tpu.memory_space<vmem_shared>>)
      tpu.yield
    }) : () -> ()
    %mul3A_16 = arith.constant 632 : i32
    %mul3A_17 = arith.muli %arg1, %mul3A_16 : i32
    %add3A_18 = arith.constant 384 : i32
    %add3A_19 = arith.addi %mul3A_17, %add3A_18 : i32
    "tpu.region"() ({
      %run_scoped3A = tpu.sem_alloc : memref<!tpu.dma_semaphore, #tpu.memory_space<semaphore_mem>>
      %dma_start3A = arith.constant 0 : i32
      %dma_start3A_43 = tpu.memref_slice %arg6[%add3A_19, %dma_start3A] : memref<10112x128xf32, #tpu.memory_space<vmem_shared>> -> memref<128x128xf32, #tpu.memory_space<vmem_shared>>
      %dma_start3A_44 = arith.constant 0 : i32
      %dma_start3A_45 = tpu.memref_slice %arg6[%add3A_19, %dma_start3A_44] : memref<10112x128xf32, #tpu.memory_space<vmem_shared>> -> memref<128x128xf32, #tpu.memory_space<vmem_shared>>
      tpu.enqueue_dma source(%arg9 : memref<128x128xf32, #tpu.memory_space<vmem>>) target(%dma_start3A_45 : memref<128x128xf32, #tpu.memory_space<vmem_shared>>) target_semaphore(%run_scoped3A : memref<!tpu.dma_semaphore, #tpu.memory_space<semaphore_mem>>)
      %dma_wait3A = arith.constant 0 : i32
      %dma_wait3A_46 = tpu.memref_slice %arg6[%add3A_19, %dma_wait3A] : memref<10112x128xf32, #tpu.memory_space<vmem_shared>> -> memref<128x128xf32, #tpu.memory_space<vmem_shared>>
      %dma_wait3A_47 = arith.constant 0 : i32
      %dma_wait3A_48 = tpu.memref_slice %arg6[%add3A_19, %dma_wait3A_47] : memref<10112x128xf32, #tpu.memory_space<vmem_shared>> -> memref<128x128xf32, #tpu.memory_space<vmem_shared>>
      tpu.wait_dma2 semaphore(%run_scoped3A : memref<!tpu.dma_semaphore, #tpu.memory_space<semaphore_mem>>) src(%arg9 : memref<128x128xf32, #tpu.memory_space<vmem>>) dst(%dma_wait3A_48 : memref<128x128xf32, #tpu.memory_space<vmem_shared>>)
      tpu.yield
    }) : () -> ()
    %mul3A_20 = arith.constant 632 : i32
    %mul3A_21 = arith.muli %arg1, %mul3A_20 : i32
    %add3A_22 = arith.constant 512 : i32
    %add3A_23 = arith.addi %mul3A_21, %add3A_22 : i32
    "tpu.region"() ({
      %run_scoped3A = tpu.sem_alloc : memref<!tpu.dma_semaphore, #tpu.memory_space<semaphore_mem>>
      %dma_start3A = arith.constant 0 : i32
      %dma_start3A_43 = arith.constant 0 : i32
      %dma_start3A_44 = tpu.memref_slice %arg9[%dma_start3A, %dma_start3A_43] : memref<128x128xf32, #tpu.memory_space<vmem>> -> memref<120x128xf32, #tpu.memory_space<vmem>>
      %dma_start3A_45 = arith.constant 0 : i32
      %dma_start3A_46 = tpu.memref_slice %arg6[%add3A_23, %dma_start3A_45] : memref<10112x128xf32, #tpu.memory_space<vmem_shared>> -> memref<120x128xf32, #tpu.memory_space<vmem_shared>>
      %dma_start3A_47 = arith.constant 0 : i32
      %dma_start3A_48 = tpu.memref_slice %arg6[%add3A_23, %dma_start3A_47] : memref<10112x128xf32, #tpu.memory_space<vmem_shared>> -> memref<120x128xf32, #tpu.memory_space<vmem_shared>>
      %dma_start3A_49 = arith.constant 0 : i32
      %dma_start3A_50 = arith.constant 0 : i32
      %dma_start3A_51 = tpu.memref_slice %arg9[%dma_start3A_49, %dma_start3A_50] : memref<128x128xf32, #tpu.memory_space<vmem>> -> memref<120x128xf32, #tpu.memory_space<vmem>>
      tpu.enqueue_dma source(%dma_start3A_51 : memref<120x128xf32, #tpu.memory_space<vmem>>) target(%dma_start3A_48 : memref<120x128xf32, #tpu.memory_space<vmem_shared>>) target_semaphore(%run_scoped3A : memref<!tpu.dma_semaphore, #tpu.memory_space<semaphore_mem>>)
      %dma_wait3A = arith.constant 0 : i32
      %dma_wait3A_52 = arith.constant 0 : i32
      %dma_wait3A_53 = tpu.memref_slice %arg9[%dma_wait3A, %dma_wait3A_52] : memref<128x128xf32, #tpu.memory_space<vmem>> -> memref<120x128xf32, #tpu.memory_space<vmem>>
      %dma_wait3A_54 = arith.constant 0 : i32
      %dma_wait3A_55 = tpu.memref_slice %arg6[%add3A_23, %dma_wait3A_54] : memref<10112x128xf32, #tpu.memory_space<vmem_shared>> -> memref<120x128xf32, #tpu.memory_space<vmem_shared>>
      %dma_wait3A_56 = arith.constant 0 : i32
      %dma_wait3A_57 = tpu.memref_slice %arg6[%add3A_23, %dma_wait3A_56] : memref<10112x128xf32, #tpu.memory_space<vmem_shared>> -> memref<120x128xf32, #tpu.memory_space<vmem_shared>>
      %dma_wait3A_58 = arith.constant 0 : i32
      %dma_wait3A_59 = arith.constant 0 : i32
      %dma_wait3A_60 = tpu.memref_slice %arg9[%dma_wait3A_58, %dma_wait3A_59] : memref<128x128xf32, #tpu.memory_space<vmem>> -> memref<120x128xf32, #tpu.memory_space<vmem>>
      tpu.wait_dma2 semaphore(%run_scoped3A : memref<!tpu.dma_semaphore, #tpu.memory_space<semaphore_mem>>) src(%dma_wait3A_60 : memref<120x128xf32, #tpu.memory_space<vmem>>) dst(%dma_wait3A_57 : memref<120x128xf32, #tpu.memory_space<vmem_shared>>)
      tpu.yield
    }) : () -> ()
    %barrier3A = arith.constant 0 : index
    tpu.barrier barrier_id(%barrier3A)
    %broadcast_in_dim3A = arith.constant 1 : i32
    %broadcast_in_dim3A_24 = vector.broadcast %broadcast_in_dim3A : i32 to vector<16xi32>
    %mul3A_25 = arith.constant 10000 : i32
    %mul3A_26 = arith.muli %arg0, %mul3A_25 : i32
    %mul3A_27 = vector.broadcast %mul3A_26 : i32 to vector<16xi32>
    %mul3A_28 = arith.muli %broadcast_in_dim3A_24, %mul3A_27 : vector<16xi32>
    %scan3A_29 = arith.constant 0 : i32
    %scan3A_30 = arith.constant 0 : i32
    %scan3A_31 = arith.constant 5 : i32
    %scan3A_32 = arith.addi %scan3A_30, %scan3A_31 : i32
    %scan3A_33 = arith.constant 1 : i32
    %scan3A_34 = scf.for %scan3A_43 = %scan3A_30 to %scan3A_32 step %scan3A_33 iter_args(%scan3A_44 = %scan3A_29) -> (i32)  : i32 {
      %mul3A_45 = arith.constant 160 : i32
      %mul3A_46 = arith.muli %arg1, %mul3A_45 : i32
      %mul3A_47 = arith.constant 32 : i32
      %mul3A_48 = arith.muli %scan3A_43, %mul3A_47 : i32
      %add3A_49 = arith.addi %mul3A_46, %mul3A_48 : i32
      "tpu.region"() ({
        %run_scoped3A = tpu.sem_alloc : memref<!tpu.dma_semaphore, #tpu.memory_space<semaphore_mem>>
        %dma_start3A_71 = arith.constant 0 : i32
        %dma_start3A_72 = tpu.memref_slice %arg3[%add3A_49, %dma_start3A_71] : memref<2560x128xi32, #tpu.memory_space<hbm>> -> memref<32x128xi32, #tpu.memory_space<hbm>>
        %dma_start3A_73 = arith.constant 0 : i32
        %dma_start3A_74 = tpu.memref_slice %arg3[%add3A_49, %dma_start3A_73] : memref<2560x128xi32, #tpu.memory_space<hbm>> -> memref<32x128xi32, #tpu.memory_space<hbm>>
        tpu.enqueue_dma source(%dma_start3A_74 : memref<32x128xi32, #tpu.memory_space<hbm>>) target(%arg7 : memref<32x128xi32, #tpu.memory_space<vmem>>) target_semaphore(%run_scoped3A : memref<!tpu.dma_semaphore, #tpu.memory_space<semaphore_mem>>)
        %dma_wait3A = arith.constant 0 : i32
        %dma_wait3A_75 = tpu.memref_slice %arg3[%add3A_49, %dma_wait3A] : memref<2560x128xi32, #tpu.memory_space<hbm>> -> memref<32x128xi32, #tpu.memory_space<hbm>>
        %dma_wait3A_76 = arith.constant 0 : i32
        %dma_wait3A_77 = tpu.memref_slice %arg3[%add3A_49, %dma_wait3A_76] : memref<2560x128xi32, #tpu.memory_space<hbm>> -> memref<32x128xi32, #tpu.memory_space<hbm>>
        tpu.wait_dma2 semaphore(%run_scoped3A : memref<!tpu.dma_semaphore, #tpu.memory_space<semaphore_mem>>) src(%dma_wait3A_77 : memref<32x128xi32, #tpu.memory_space<hbm>>) dst(%arg7 : memref<32x128xi32, #tpu.memory_space<vmem>>)
        tpu.yield
      }) : () -> ()
      "tpu.region"() ({
        %run_scoped3A = tpu.sem_alloc : memref<!tpu.dma_semaphore, #tpu.memory_space<semaphore_mem>>
        %dma_start3A_71 = arith.constant 0 : i32
        %dma_start3A_72 = tpu.memref_slice %arg4[%add3A_49, %dma_start3A_71] : memref<2560x128xi32, #tpu.memory_space<hbm>> -> memref<32x128xi32, #tpu.memory_space<hbm>>
        %dma_start3A_73 = arith.constant 0 : i32
        %dma_start3A_74 = tpu.memref_slice %arg4[%add3A_49, %dma_start3A_73] : memref<2560x128xi32, #tpu.memory_space<hbm>> -> memref<32x128xi32, #tpu.memory_space<hbm>>
        tpu.enqueue_dma source(%dma_start3A_74 : memref<32x128xi32, #tpu.memory_space<hbm>>) target(%arg8 : memref<32x128xi32, #tpu.memory_space<vmem>>) target_semaphore(%run_scoped3A : memref<!tpu.dma_semaphore, #tpu.memory_space<semaphore_mem>>)
        %dma_wait3A = arith.constant 0 : i32
        %dma_wait3A_75 = tpu.memref_slice %arg4[%add3A_49, %dma_wait3A] : memref<2560x128xi32, #tpu.memory_space<hbm>> -> memref<32x128xi32, #tpu.memory_space<hbm>>
        %dma_wait3A_76 = arith.constant 0 : i32
        %dma_wait3A_77 = tpu.memref_slice %arg4[%add3A_49, %dma_wait3A_76] : memref<2560x128xi32, #tpu.memory_space<hbm>> -> memref<32x128xi32, #tpu.memory_space<hbm>>
        tpu.wait_dma2 semaphore(%run_scoped3A : memref<!tpu.dma_semaphore, #tpu.memory_space<semaphore_mem>>) src(%dma_wait3A_77 : memref<32x128xi32, #tpu.memory_space<hbm>>) dst(%arg8 : memref<32x128xi32, #tpu.memory_space<vmem>>)
        tpu.yield
      }) : () -> ()
      %scan3A_50 = arith.constant 0 : i32
      %scan3A_51 = arith.constant 0 : i32
      %scan3A_52 = arith.constant 32 : i32
      %scan3A_53 = arith.addi %scan3A_51, %scan3A_52 : i32
      %scan3A_54 = arith.constant 1 : i32
      %scan3A_55 = scf.for %scan3A_71 = %scan3A_51 to %scan3A_53 step %scan3A_54 iter_args(%scan3A_72 = %scan3A_50) -> (i32)  : i32 {
        %get3A = arith.index_cast %scan3A_71 : i32 to index
        %get3A_73 = arith.constant 0 : index
        %get3A_74 = tpu.vector_load %arg7[%get3A, %get3A_73] {strides = array<i32>} : memref<32x128xi32, #tpu.memory_space<vmem>>, vector<1x16xi32>,
        %get3A_75 = vector.shape_cast %get3A_74 : vector<1x16xi32> to vector<16xi32>
        %add3A_76 = arith.addi %get3A_75, %mul3A_28 : vector<16xi32>
        %swap3A = arith.index_cast %scan3A_71 : i32 to index
        %swap3A_77 = arith.constant 0 : index
        %swap3A_78 = tpu.vector_load %arg7[%swap3A, %swap3A_77] {strides = array<i32>} : memref<32x128xi32, #tpu.memory_space<vmem>>, vector<1x16xi32>,
        %swap3A_79 = vector.shape_cast %swap3A_78 : vector<1x16xi32> to vector<16xi32>
        %swap3A_80 = vector.shape_cast %add3A_76 : vector<16xi32> to vector<1x16xi32>
        tpu.vector_store %arg7[%swap3A, %swap3A_77], %swap3A_80 {strides = array<i32>} : memref<32x128xi32, #tpu.memory_space<vmem>>, vector<1x16xi32>,
        %get3A_81 = arith.index_cast %scan3A_71 : i32 to index
        %get3A_82 = arith.constant 16 : index
        %get3A_83 = tpu.vector_load %arg7[%get3A_81, %get3A_82] {strides = array<i32>} : memref<32x128xi32, #tpu.memory_space<vmem>>, vector<1x16xi32>,
        %get3A_84 = vector.shape_cast %get3A_83 : vector<1x16xi32> to vector<16xi32>
        %add3A_85 = arith.addi %get3A_84, %mul3A_28 : vector<16xi32>
        %swap3A_86 = arith.index_cast %scan3A_71 : i32 to index
        %swap3A_87 = arith.constant 16 : index
        %swap3A_88 = tpu.vector_load %arg7[%swap3A_86, %swap3A_87] {strides = array<i32>} : memref<32x128xi32, #tpu.memory_space<vmem>>, vector<1x16xi32>,
        %swap3A_89 = vector.shape_cast %swap3A_88 : vector<1x16xi32> to vector<16xi32>
        %swap3A_90 = vector.shape_cast %add3A_85 : vector<16xi32> to vector<1x16xi32>
        tpu.vector_store %arg7[%swap3A_86, %swap3A_87], %swap3A_90 {strides = array<i32>} : memref<32x128xi32, #tpu.memory_space<vmem>>, vector<1x16xi32>,
        %get3A_91 = arith.index_cast %scan3A_71 : i32 to index
        %get3A_92 = arith.constant 32 : index
        %get3A_93 = tpu.vector_load %arg7[%get3A_91, %get3A_92] {strides = array<i32>} : memref<32x128xi32, #tpu.memory_space<vmem>>, vector<1x16xi32>,
        %get3A_94 = vector.shape_cast %get3A_93 : vector<1x16xi32> to vector<16xi32>
        %add3A_95 = arith.addi %get3A_94, %mul3A_28 : vector<16xi32>
        %swap3A_96 = arith.index_cast %scan3A_71 : i32 to index
        %swap3A_97 = arith.constant 32 : index
        %swap3A_98 = tpu.vector_load %arg7[%swap3A_96, %swap3A_97] {strides = array<i32>} : memref<32x128xi32, #tpu.memory_space<vmem>>, vector<1x16xi32>,
        %swap3A_99 = vector.shape_cast %swap3A_98 : vector<1x16xi32> to vector<16xi32>
        %swap3A_100 = vector.shape_cast %add3A_95 : vector<16xi32> to vector<1x16xi32>
        tpu.vector_store %arg7[%swap3A_96, %swap3A_97], %swap3A_100 {strides = array<i32>} : memref<32x128xi32, #tpu.memory_space<vmem>>, vector<1x16xi32>,
        %get3A_101 = arith.index_cast %scan3A_71 : i32 to index
        %get3A_102 = arith.constant 48 : index
        %get3A_103 = tpu.vector_load %arg7[%get3A_101, %get3A_102] {strides = array<i32>} : memref<32x128xi32, #tpu.memory_space<vmem>>, vector<1x16xi32>,
        %get3A_104 = vector.shape_cast %get3A_103 : vector<1x16xi32> to vector<16xi32>
        %add3A_105 = arith.addi %get3A_104, %mul3A_28 : vector<16xi32>
        %swap3A_106 = arith.index_cast %scan3A_71 : i32 to index
        %swap3A_107 = arith.constant 48 : index
        %swap3A_108 = tpu.vector_load %arg7[%swap3A_106, %swap3A_107] {strides = array<i32>} : memref<32x128xi32, #tpu.memory_space<vmem>>, vector<1x16xi32>,
        %swap3A_109 = vector.shape_cast %swap3A_108 : vector<1x16xi32> to vector<16xi32>
        %swap3A_110 = vector.shape_cast %add3A_105 : vector<16xi32> to vector<1x16xi32>
        tpu.vector_store %arg7[%swap3A_106, %swap3A_107], %swap3A_110 {strides = array<i32>} : memref<32x128xi32, #tpu.memory_space<vmem>>, vector<1x16xi32>,
        %get3A_111 = arith.index_cast %scan3A_71 : i32 to index
        %get3A_112 = arith.constant 64 : index
        %get3A_113 = tpu.vector_load %arg7[%get3A_111, %get3A_112] {strides = array<i32>} : memref<32x128xi32, #tpu.memory_space<vmem>>, vector<1x16xi32>,
        %get3A_114 = vector.shape_cast %get3A_113 : vector<1x16xi32> to vector<16xi32>
        %add3A_115 = arith.addi %get3A_114, %mul3A_28 : vector<16xi32>
        %swap3A_116 = arith.index_cast %scan3A_71 : i32 to index
        %swap3A_117 = arith.constant 64 : index
        %swap3A_118 = tpu.vector_load %arg7[%swap3A_116, %swap3A_117] {strides = array<i32>} : memref<32x128xi32, #tpu.memory_space<vmem>>, vector<1x16xi32>,
        %swap3A_119 = vector.shape_cast %swap3A_118 : vector<1x16xi32> to vector<16xi32>
        %swap3A_120 = vector.shape_cast %add3A_115 : vector<16xi32> to vector<1x16xi32>
        tpu.vector_store %arg7[%swap3A_116, %swap3A_117], %swap3A_120 {strides = array<i32>} : memref<32x128xi32, #tpu.memory_space<vmem>>, vector<1x16xi32>,
        %get3A_121 = arith.index_cast %scan3A_71 : i32 to index
        %get3A_122 = arith.constant 80 : index
        %get3A_123 = tpu.vector_load %arg7[%get3A_121, %get3A_122] {strides = array<i32>} : memref<32x128xi32, #tpu.memory_space<vmem>>, vector<1x16xi32>,
        %get3A_124 = vector.shape_cast %get3A_123 : vector<1x16xi32> to vector<16xi32>
        %add3A_125 = arith.addi %get3A_124, %mul3A_28 : vector<16xi32>
        %swap3A_126 = arith.index_cast %scan3A_71 : i32 to index
        %swap3A_127 = arith.constant 80 : index
        %swap3A_128 = tpu.vector_load %arg7[%swap3A_126, %swap3A_127] {strides = array<i32>} : memref<32x128xi32, #tpu.memory_space<vmem>>, vector<1x16xi32>,
        %swap3A_129 = vector.shape_cast %swap3A_128 : vector<1x16xi32> to vector<16xi32>
        %swap3A_130 = vector.shape_cast %add3A_125 : vector<16xi32> to vector<1x16xi32>
        tpu.vector_store %arg7[%swap3A_126, %swap3A_127], %swap3A_130 {strides = array<i32>} : memref<32x128xi32, #tpu.memory_space<vmem>>, vector<1x16xi32>,
        %get3A_131 = arith.index_cast %scan3A_71 : i32 to index
        %get3A_132 = arith.constant 96 : index
        %get3A_133 = tpu.vector_load %arg7[%get3A_131, %get3A_132] {strides = array<i32>} : memref<32x128xi32, #tpu.memory_space<vmem>>, vector<1x16xi32>,
        %get3A_134 = vector.shape_cast %get3A_133 : vector<1x16xi32> to vector<16xi32>
        %add3A_135 = arith.addi %get3A_134, %mul3A_28 : vector<16xi32>
        %swap3A_136 = arith.index_cast %scan3A_71 : i32 to index
        %swap3A_137 = arith.constant 96 : index
        %swap3A_138 = tpu.vector_load %arg7[%swap3A_136, %swap3A_137] {strides = array<i32>} : memref<32x128xi32, #tpu.memory_space<vmem>>, vector<1x16xi32>,
        %swap3A_139 = vector.shape_cast %swap3A_138 : vector<1x16xi32> to vector<16xi32>
        %swap3A_140 = vector.shape_cast %add3A_135 : vector<16xi32> to vector<1x16xi32>
        tpu.vector_store %arg7[%swap3A_136, %swap3A_137], %swap3A_140 {strides = array<i32>} : memref<32x128xi32, #tpu.memory_space<vmem>>, vector<1x16xi32>,
        %get3A_141 = arith.index_cast %scan3A_71 : i32 to index
        %get3A_142 = arith.constant 112 : index
        %get3A_143 = tpu.vector_load %arg7[%get3A_141, %get3A_142] {strides = array<i32>} : memref<32x128xi32, #tpu.memory_space<vmem>>, vector<1x16xi32>,
        %get3A_144 = vector.shape_cast %get3A_143 : vector<1x16xi32> to vector<16xi32>
        %add3A_145 = arith.addi %get3A_144, %mul3A_28 : vector<16xi32>
        %swap3A_146 = arith.index_cast %scan3A_71 : i32 to index
        %swap3A_147 = arith.constant 112 : index
        %swap3A_148 = tpu.vector_load %arg7[%swap3A_146, %swap3A_147] {strides = array<i32>} : memref<32x128xi32, #tpu.memory_space<vmem>>, vector<1x16xi32>,
        %swap3A_149 = vector.shape_cast %swap3A_148 : vector<1x16xi32> to vector<16xi32>
        %swap3A_150 = vector.shape_cast %add3A_145 : vector<16xi32> to vector<1x16xi32>
        tpu.vector_store %arg7[%swap3A_146, %swap3A_147], %swap3A_150 {strides = array<i32>} : memref<32x128xi32, #tpu.memory_space<vmem>>, vector<1x16xi32>,
        %scan3A_151 = arith.constant 0 : i32
        scf.yield %scan3A_151 : i32
      }
      %scan3A_56 = arith.constant 32 : i32
      %dma_start3A = arith.constant 0 : i32
      %dma_start3A_57 = arith.constant 0 : i32
      %dma_start3A_58 = tpu.memref_slice %arg7[%dma_start3A, %dma_start3A_57] : memref<32x128xi32, #tpu.memory_space<vmem>> -> memref<1x128xi32, #tpu.memory_space<vmem>>
      %dma_start3A_59 = tpu.memref_squeeze %dma_start3A_58 : memref<1x128xi32, #tpu.memory_space<vmem>> -> memref<128xi32, #tpu.memory_space<vmem>>
      %dma_start3A_60 = arith.constant 0 : i32
      %dma_start3A_61 = arith.constant 0 : i32
      %dma_start3A_62 = tpu.memref_slice %arg2[%dma_start3A_60, %dma_start3A_61] : memref<20000x128xf32, #tpu.memory_space<hbm>> -> memref<20000x128xf32, #tpu.memory_space<hbm>>
      tpu.enqueue_indirect_dma source(%dma_start3A_62 : memref<20000x128xf32, #tpu.memory_space<hbm>>) target(%arg9 : memref<128x128xf32, #tpu.memory_space<vmem>>) offsets(%dma_start3A_59 : memref<128xi32, #tpu.memory_space<vmem>>) semaphore(%arg11 : memref<!tpu.dma_semaphore, #tpu.memory_space<semaphore_mem>>)
      %scan3A_63 = arith.constant 0 : i32
      %scan3A_64 = arith.constant 0 : i32
      %scan3A_65 = arith.constant 16 : i32
      %scan3A_66 = arith.addi %scan3A_64, %scan3A_65 : i32
      %scan3A_67 = arith.constant 1 : i32
      %scan3A_68 = scf.for %scan3A_71 = %scan3A_64 to %scan3A_66 step %scan3A_67 iter_args(%scan3A_72 = %scan3A_63) -> (i32)  : i32 {
        %mul3A_73 = arith.constant 2 : i32
        %mul3A_74 = arith.muli %mul3A_73, %scan3A_71 : i32
        %add3A_75 = arith.constant 1 : i32
        %add3A_76 = arith.addi %mul3A_74, %add3A_75 : i32
        %dma_start3A_77 = arith.constant 0 : i32
        %dma_start3A_78 = tpu.memref_slice %arg7[%add3A_76, %dma_start3A_77] : memref<32x128xi32, #tpu.memory_space<vmem>> -> memref<1x128xi32, #tpu.memory_space<vmem>>
        %dma_start3A_79 = tpu.memref_squeeze %dma_start3A_78 : memref<1x128xi32, #tpu.memory_space<vmem>> -> memref<128xi32, #tpu.memory_space<vmem>>
        %dma_start3A_80 = arith.constant 0 : i32
        %dma_start3A_81 = arith.constant 0 : i32
        %dma_start3A_82 = tpu.memref_slice %arg2[%dma_start3A_80, %dma_start3A_81] : memref<20000x128xf32, #tpu.memory_space<hbm>> -> memref<20000x128xf32, #tpu.memory_space<hbm>>
        tpu.enqueue_indirect_dma source(%dma_start3A_82 : memref<20000x128xf32, #tpu.memory_space<hbm>>) target(%arg10 : memref<128x128xf32, #tpu.memory_space<vmem>>) offsets(%dma_start3A_79 : memref<128xi32, #tpu.memory_space<vmem>>) semaphore(%arg12 : memref<!tpu.dma_semaphore, #tpu.memory_space<semaphore_mem>>)
        %dma_wait3A = arith.constant 0 : i32
        %dma_wait3A_83 = tpu.memref_slice %arg7[%mul3A_74, %dma_wait3A] : memref<32x128xi32, #tpu.memory_space<vmem>> -> memref<1x128xi32, #tpu.memory_space<vmem>>
        %dma_wait3A_84 = tpu.memref_squeeze %dma_wait3A_83 : memref<1x128xi32, #tpu.memory_space<vmem>> -> memref<128xi32, #tpu.memory_space<vmem>>
        %dma_wait3A_85 = arith.constant 0 : i32
        %dma_wait3A_86 = arith.constant 0 : i32
        %dma_wait3A_87 = tpu.memref_slice %arg2[%dma_wait3A_85, %dma_wait3A_86] : memref<20000x128xf32, #tpu.memory_space<hbm>> -> memref<20000x128xf32, #tpu.memory_space<hbm>>
        tpu.wait_indirect_dma semaphore(%arg11 : memref<!tpu.dma_semaphore, #tpu.memory_space<semaphore_mem>>) src(%dma_wait3A_87 : memref<20000x128xf32, #tpu.memory_space<hbm>>) dst(%arg9 : memref<128x128xf32, #tpu.memory_space<vmem>>)
        "tpu.region"() ({
          %run_scoped3A = tpu.sem_alloc : memref<!tpu.dma_semaphore, #tpu.memory_space<semaphore_mem>>
          %dma_start3A_100 = arith.constant 0 : i32
          %dma_start3A_101 = tpu.memref_slice %arg8[%mul3A_74, %dma_start3A_100] : memref<32x128xi32, #tpu.memory_space<vmem>> -> memref<1x128xi32, #tpu.memory_space<vmem>>
          %dma_start3A_102 = tpu.memref_squeeze %dma_start3A_101 : memref<1x128xi32, #tpu.memory_space<vmem>> -> memref<128xi32, #tpu.memory_space<vmem>>
          %dma_start3A_103 = arith.constant 0 : i32
          %dma_start3A_104 = arith.constant 0 : i32
          %dma_start3A_105 = tpu.memref_slice %arg6[%dma_start3A_103, %dma_start3A_104] : memref<10112x128xf32, #tpu.memory_space<vmem_shared>> -> memref<10112x128xf32, #tpu.memory_space<vmem_shared>>
          tpu.enqueue_indirect_dma source(%arg9 : memref<128x128xf32, #tpu.memory_space<vmem>>) target(%dma_start3A_105 : memref<10112x128xf32, #tpu.memory_space<vmem_shared>>) offsets(%dma_start3A_102 : memref<128xi32, #tpu.memory_space<vmem>>) semaphore(%run_scoped3A : memref<!tpu.dma_semaphore, #tpu.memory_space<semaphore_mem>>) {add = true}
          %dma_wait3A_106 = arith.constant 0 : i32
          %dma_wait3A_107 = tpu.memref_slice %arg8[%mul3A_74, %dma_wait3A_106] : memref<32x128xi32, #tpu.memory_space<vmem>> -> memref<1x128xi32, #tpu.memory_space<vmem>>
          %dma_wait3A_108 = tpu.memref_squeeze %dma_wait3A_107 : memref<1x128xi32, #tpu.memory_space<vmem>> -> memref<128xi32, #tpu.memory_space<vmem>>
          %dma_wait3A_109 = arith.constant 0 : i32
          %dma_wait3A_110 = arith.constant 0 : i32
          %dma_wait3A_111 = tpu.memref_slice %arg6[%dma_wait3A_109, %dma_wait3A_110] : memref<10112x128xf32, #tpu.memory_space<vmem_shared>> -> memref<10112x128xf32, #tpu.memory_space<vmem_shared>>
          tpu.wait_indirect_dma semaphore(%run_scoped3A : memref<!tpu.dma_semaphore, #tpu.memory_space<semaphore_mem>>) src(%arg9 : memref<128x128xf32, #tpu.memory_space<vmem>>) dst(%dma_wait3A_111 : memref<10112x128xf32, #tpu.memory_space<vmem_shared>>)
          tpu.yield
        }) : () -> ()
        %lt3A_88 = arith.constant 15 : i32
        %lt3A_89 = arith.cmpi slt, %scan3A_71, %lt3A_88 : i32
        %convert_element_type3A_90 = arith.extui %lt3A_89 : i1 to i32
        %cond3A_91 = arith.constant 0 : i32
        %cond3A_92 = arith.cmpi ne, %convert_element_type3A_90, %cond3A_91 : i32
        scf.if %cond3A_92 {
          %add3A_100 = arith.constant 2 : i32
          %add3A_101 = arith.addi %mul3A_74, %add3A_100 : i32
          %dma_start3A_102 = arith.constant 0 : i32
          %dma_start3A_103 = tpu.memref_slice %arg7[%add3A_101, %dma_start3A_102] : memref<32x128xi32, #tpu.memory_space<vmem>> -> memref<1x128xi32, #tpu.memory_space<vmem>>
          %dma_start3A_104 = tpu.memref_squeeze %dma_start3A_103 : memref<1x128xi32, #tpu.memory_space<vmem>> -> memref<128xi32, #tpu.memory_space<vmem>>
          %dma_start3A_105 = arith.constant 0 : i32
          %dma_start3A_106 = arith.constant 0 : i32
          %dma_start3A_107 = tpu.memref_slice %arg2[%dma_start3A_105, %dma_start3A_106] : memref<20000x128xf32, #tpu.memory_space<hbm>> -> memref<20000x128xf32, #tpu.memory_space<hbm>>
          tpu.enqueue_indirect_dma source(%dma_start3A_107 : memref<20000x128xf32, #tpu.memory_space<hbm>>) target(%arg9 : memref<128x128xf32, #tpu.memory_space<vmem>>) offsets(%dma_start3A_104 : memref<128xi32, #tpu.memory_space<vmem>>) semaphore(%arg11 : memref<!tpu.dma_semaphore, #tpu.memory_space<semaphore_mem>>)
        } else {
        }
        %dma_wait3A_93 = arith.constant 0 : i32
        %dma_wait3A_94 = tpu.memref_slice %arg7[%add3A_76, %dma_wait3A_93] : memref<32x128xi32, #tpu.memory_space<vmem>> -> memref<1x128xi32, #tpu.memory_space<vmem>>
        %dma_wait3A_95 = tpu.memref_squeeze %dma_wait3A_94 : memref<1x128xi32, #tpu.memory_space<vmem>> -> memref<128xi32, #tpu.memory_space<vmem>>
        %dma_wait3A_96 = arith.constant 0 : i32
        %dma_wait3A_97 = arith.constant 0 : i32
        %dma_wait3A_98 = tpu.memref_slice %arg2[%dma_wait3A_96, %dma_wait3A_97] : memref<20000x128xf32, #tpu.memory_space<hbm>> -> memref<20000x128xf32, #tpu.memory_space<hbm>>
        tpu.wait_indirect_dma semaphore(%arg12 : memref<!tpu.dma_semaphore, #tpu.memory_space<semaphore_mem>>) src(%dma_wait3A_98 : memref<20000x128xf32, #tpu.memory_space<hbm>>) dst(%arg10 : memref<128x128xf32, #tpu.memory_space<vmem>>)
        "tpu.region"() ({
          %run_scoped3A = tpu.sem_alloc : memref<!tpu.dma_semaphore, #tpu.memory_space<semaphore_mem>>
          %dma_start3A_100 = arith.constant 0 : i32
          %dma_start3A_101 = tpu.memref_slice %arg8[%add3A_76, %dma_start3A_100] : memref<32x128xi32, #tpu.memory_space<vmem>> -> memref<1x128xi32, #tpu.memory_space<vmem>>
          %dma_start3A_102 = tpu.memref_squeeze %dma_start3A_101 : memref<1x128xi32, #tpu.memory_space<vmem>> -> memref<128xi32, #tpu.memory_space<vmem>>
          %dma_start3A_103 = arith.constant 0 : i32
          %dma_start3A_104 = arith.constant 0 : i32
          %dma_start3A_105 = tpu.memref_slice %arg6[%dma_start3A_103, %dma_start3A_104] : memref<10112x128xf32, #tpu.memory_space<vmem_shared>> -> memref<10112x128xf32, #tpu.memory_space<vmem_shared>>
          tpu.enqueue_indirect_dma source(%arg10 : memref<128x128xf32, #tpu.memory_space<vmem>>) target(%dma_start3A_105 : memref<10112x128xf32, #tpu.memory_space<vmem_shared>>) offsets(%dma_start3A_102 : memref<128xi32, #tpu.memory_space<vmem>>) semaphore(%run_scoped3A : memref<!tpu.dma_semaphore, #tpu.memory_space<semaphore_mem>>) {add = true}
          %dma_wait3A_106 = arith.constant 0 : i32
          %dma_wait3A_107 = tpu.memref_slice %arg8[%add3A_76, %dma_wait3A_106] : memref<32x128xi32, #tpu.memory_space<vmem>> -> memref<1x128xi32, #tpu.memory_space<vmem>>
          %dma_wait3A_108 = tpu.memref_squeeze %dma_wait3A_107 : memref<1x128xi32, #tpu.memory_space<vmem>> -> memref<128xi32, #tpu.memory_space<vmem>>
          %dma_wait3A_109 = arith.constant 0 : i32
          %dma_wait3A_110 = arith.constant 0 : i32
          %dma_wait3A_111 = tpu.memref_slice %arg6[%dma_wait3A_109, %dma_wait3A_110] : memref<10112x128xf32, #tpu.memory_space<vmem_shared>> -> memref<10112x128xf32, #tpu.memory_space<vmem_shared>>
          tpu.wait_indirect_dma semaphore(%run_scoped3A : memref<!tpu.dma_semaphore, #tpu.memory_space<semaphore_mem>>) src(%arg10 : memref<128x128xf32, #tpu.memory_space<vmem>>) dst(%dma_wait3A_111 : memref<10112x128xf32, #tpu.memory_space<vmem_shared>>)
          tpu.yield
        }) : () -> ()
        %scan3A_99 = arith.constant 0 : i32
        scf.yield %scan3A_99 : i32
      }
      %scan3A_69 = arith.constant 16 : i32
      %scan3A_70 = arith.constant 0 : i32
      scf.yield %scan3A_70 : i32
    }
    %scan3A_35 = arith.constant 5 : i32
    %barrier3A_36 = arith.constant 0 : index
    tpu.barrier barrier_id(%barrier3A_36)
    %lt3A = arith.constant 15 : i32
    %lt3A_37 = arith.cmpi slt, %arg1, %lt3A : i32
    %convert_element_type3A = arith.extui %lt3A_37 : i1 to i32
    %cond3A = arith.constant 0 : i32
    %cond3A_38 = arith.cmpi ne, %convert_element_type3A, %cond3A : i32
    scf.if %cond3A_38 {
      %mul3A_43 = arith.constant 632 : i32
      %mul3A_44 = arith.muli %arg1, %mul3A_43 : i32
      %mul3A_45 = arith.constant 10000 : i32
      %mul3A_46 = arith.muli %arg0, %mul3A_45 : i32
      %mul3A_47 = arith.constant 632 : i32
      %mul3A_48 = arith.muli %arg1, %mul3A_47 : i32
      %add3A_49 = arith.addi %mul3A_46, %mul3A_48 : i32
      "tpu.region"() ({
        %run_scoped3A = tpu.sem_alloc : memref<!tpu.dma_semaphore, #tpu.memory_space<semaphore_mem>>
        %dma_start3A = arith.constant 0 : i32
        %dma_start3A_50 = tpu.memref_slice %arg5[%add3A_49, %dma_start3A] : memref<20000x128xf32, #tpu.memory_space<hbm>> -> memref<632x128xf32, #tpu.memory_space<hbm>>
        %dma_start3A_51 = arith.constant 0 : i32
        %dma_start3A_52 = tpu.memref_slice %arg6[%mul3A_44, %dma_start3A_51] : memref<10112x128xf32, #tpu.memory_space<vmem_shared>> -> memref<632x128xf32, #tpu.memory_space<vmem_shared>>
        tpu.enqueue_dma source(%dma_start3A_52 : memref<632x128xf32, #tpu.memory_space<vmem_shared>>) target(%dma_start3A_50 : memref<632x128xf32, #tpu.memory_space<hbm>>) target_semaphore(%run_scoped3A : memref<!tpu.dma_semaphore, #tpu.memory_space<semaphore_mem>>)
        %dma_wait3A = arith.constant 0 : i32
        %dma_wait3A_53 = tpu.memref_slice %arg5[%add3A_49, %dma_wait3A] : memref<20000x128xf32, #tpu.memory_space<hbm>> -> memref<632x128xf32, #tpu.memory_space<hbm>>
        %dma_wait3A_54 = arith.constant 0 : i32
        %dma_wait3A_55 = tpu.memref_slice %arg6[%mul3A_44, %dma_wait3A_54] : memref<10112x128xf32, #tpu.memory_space<vmem_shared>> -> memref<632x128xf32, #tpu.memory_space<vmem_shared>>
        tpu.wait_dma2 semaphore(%run_scoped3A : memref<!tpu.dma_semaphore, #tpu.memory_space<semaphore_mem>>) src(%dma_wait3A_55 : memref<632x128xf32, #tpu.memory_space<vmem_shared>>) dst(%dma_wait3A_53 : memref<632x128xf32, #tpu.memory_space<hbm>>)
        tpu.yield
      }) : () -> ()
    } else {
    }
    %eq3A = arith.constant 15 : i32
    %eq3A_39 = arith.cmpi eq, %arg1, %eq3A : i32
    %convert_element_type3A_40 = arith.extui %eq3A_39 : i1 to i32
    %cond3A_41 = arith.constant 0 : i32
    %cond3A_42 = arith.cmpi ne, %convert_element_type3A_40, %cond3A_41 : i32
    scf.if %cond3A_42 {
      %mul3A_43 = arith.constant 10000 : i32
      %mul3A_44 = arith.muli %arg0, %mul3A_43 : i32
      %add3A_45 = arith.constant 9480 : i32
      %add3A_46 = arith.addi %mul3A_44, %add3A_45 : i32
      "tpu.region"() ({
        %run_scoped3A = tpu.sem_alloc : memref<!tpu.dma_semaphore, #tpu.memory_space<semaphore_mem>>
        %dma_start3A = arith.constant 0 : i32
        %dma_start3A_47 = tpu.memref_slice %arg5[%add3A_46, %dma_start3A] : memref<20000x128xf32, #tpu.memory_space<hbm>> -> memref<520x128xf32, #tpu.memory_space<hbm>>
        %dma_start3A_48 = arith.constant 9480 : i32
        %dma_start3A_49 = arith.constant 0 : i32
        %dma_start3A_50 = tpu.memref_slice %arg6[%dma_start3A_48, %dma_start3A_49] : memref<10112x128xf32, #tpu.memory_space<vmem_shared>> -> memref<520x128xf32, #tpu.memory_space<vmem_shared>>
        tpu.enqueue_dma source(%dma_start3A_50 : memref<520x128xf32, #tpu.memory_space<vmem_shared>>) target(%dma_start3A_47 : memref<520x128xf32, #tpu.memory_space<hbm>>) target_semaphore(%run_scoped3A : memref<!tpu.dma_semaphore, #tpu.memory_space<semaphore_mem>>)
        %dma_wait3A = arith.constant 0 : i32
        %dma_wait3A_51 = tpu.memref_slice %arg5[%add3A_46, %dma_wait3A] : memref<20000x128xf32, #tpu.memory_space<hbm>> -> memref<520x128xf32, #tpu.memory_space<hbm>>
        %dma_wait3A_52 = arith.constant 9480 : i32
        %dma_wait3A_53 = arith.constant 0 : i32
        %dma_wait3A_54 = tpu.memref_slice %arg6[%dma_wait3A_52, %dma_wait3A_53] : memref<10112x128xf32, #tpu.memory_space<vmem_shared>> -> memref<520x128xf32, #tpu.memory_space<vmem_shared>>
        tpu.wait_dma2 semaphore(%run_scoped3A : memref<!tpu.dma_semaphore, #tpu.memory_space<semaphore_mem>>) src(%dma_wait3A_54 : memref<520x128xf32, #tpu.memory_space<vmem_shared>>) dst(%dma_wait3A_51 : memref<520x128xf32, #tpu.memory_space<hbm>>)
        tpu.yield
      }) : () -> ()
    } else {
    }
    return
  }
}

#map = affine_map<(d0, d1) -> (0, 0)>
#map1 = affine_map<(d0, d1) -> (0, 0, 0)>
module attributes {stable_mosaic.version = 14 : i64} {
  func.func @_deg(%arg0: i32, %arg1: i32, %arg2: memref<2560x128xi32, #tpu.memory_space<hbm>>, %arg3: memref<2x10000x128xf32, #tpu.memory_space<hbm>>, %arg4: memref<10112x128xf32, #tpu.memory_space<vmem_shared>>, %arg5: memref<32x128xi32, #tpu.memory_space<vmem>>, %arg6: memref<128x128xf32, #tpu.memory_space<vmem>>) attributes {dimension_semantics = [#tpu.dimension_semantics<core_parallel>, #tpu.dimension_semantics<subcore_parallel>], iteration_bounds = array<i64: 2, 16>, scalar_prefetch = 0 : i64, scratch_operands = 3 : i64, tpu.core_type = #tpu.core_type<sc_vector_subcore>, window_params = [{transform_indices = #map}, {transform_indices = #map1}]} {
    %scan3A = arith.constant 0 : i32
    %scan3A_0 = arith.constant 0 : i32
    %scan3A_1 = arith.constant 128 : i32
    %scan3A_2 = arith.addi %scan3A_0, %scan3A_1 : i32
    %scan3A_3 = arith.constant 1 : i32
    %scan3A_4 = scf.for %scan3A_45 = %scan3A_0 to %scan3A_2 step %scan3A_3 iter_args(%scan3A_46 = %scan3A) -> (i32)  : i32 {
      %broadcast_in_dim3A = arith.constant 0.000000e+00 : f32
      %broadcast_in_dim3A_47 = vector.broadcast %broadcast_in_dim3A : f32 to vector<16xf32>
      %swap3A = arith.index_cast %scan3A_45 : i32 to index
      %swap3A_48 = arith.constant 0 : index
      %swap3A_49 = tpu.vector_load %arg6[%swap3A, %swap3A_48] {strides = array<i32>} : memref<128x128xf32, #tpu.memory_space<vmem>>, vector<1x16xf32>,
      %swap3A_50 = vector.shape_cast %swap3A_49 : vector<1x16xf32> to vector<16xf32>
      %swap3A_51 = vector.shape_cast %broadcast_in_dim3A_47 : vector<16xf32> to vector<1x16xf32>
      tpu.vector_store %arg6[%swap3A, %swap3A_48], %swap3A_51 {strides = array<i32>} : memref<128x128xf32, #tpu.memory_space<vmem>>, vector<1x16xf32>,
      %broadcast_in_dim3A_52 = arith.constant 0.000000e+00 : f32
      %broadcast_in_dim3A_53 = vector.broadcast %broadcast_in_dim3A_52 : f32 to vector<16xf32>
      %swap3A_54 = arith.index_cast %scan3A_45 : i32 to index
      %swap3A_55 = arith.constant 16 : index
      %swap3A_56 = tpu.vector_load %arg6[%swap3A_54, %swap3A_55] {strides = array<i32>} : memref<128x128xf32, #tpu.memory_space<vmem>>, vector<1x16xf32>,
      %swap3A_57 = vector.shape_cast %swap3A_56 : vector<1x16xf32> to vector<16xf32>
      %swap3A_58 = vector.shape_cast %broadcast_in_dim3A_53 : vector<16xf32> to vector<1x16xf32>
      tpu.vector_store %arg6[%swap3A_54, %swap3A_55], %swap3A_58 {strides = array<i32>} : memref<128x128xf32, #tpu.memory_space<vmem>>, vector<1x16xf32>,
      %broadcast_in_dim3A_59 = arith.constant 0.000000e+00 : f32
      %broadcast_in_dim3A_60 = vector.broadcast %broadcast_in_dim3A_59 : f32 to vector<16xf32>
      %swap3A_61 = arith.index_cast %scan3A_45 : i32 to index
      %swap3A_62 = arith.constant 32 : index
      %swap3A_63 = tpu.vector_load %arg6[%swap3A_61, %swap3A_62] {strides = array<i32>} : memref<128x128xf32, #tpu.memory_space<vmem>>, vector<1x16xf32>,
      %swap3A_64 = vector.shape_cast %swap3A_63 : vector<1x16xf32> to vector<16xf32>
      %swap3A_65 = vector.shape_cast %broadcast_in_dim3A_60 : vector<16xf32> to vector<1x16xf32>
      tpu.vector_store %arg6[%swap3A_61, %swap3A_62], %swap3A_65 {strides = array<i32>} : memref<128x128xf32, #tpu.memory_space<vmem>>, vector<1x16xf32>,
      %broadcast_in_dim3A_66 = arith.constant 0.000000e+00 : f32
      %broadcast_in_dim3A_67 = vector.broadcast %broadcast_in_dim3A_66 : f32 to vector<16xf32>
      %swap3A_68 = arith.index_cast %scan3A_45 : i32 to index
      %swap3A_69 = arith.constant 48 : index
      %swap3A_70 = tpu.vector_load %arg6[%swap3A_68, %swap3A_69] {strides = array<i32>} : memref<128x128xf32, #tpu.memory_space<vmem>>, vector<1x16xf32>,
      %swap3A_71 = vector.shape_cast %swap3A_70 : vector<1x16xf32> to vector<16xf32>
      %swap3A_72 = vector.shape_cast %broadcast_in_dim3A_67 : vector<16xf32> to vector<1x16xf32>
      tpu.vector_store %arg6[%swap3A_68, %swap3A_69], %swap3A_72 {strides = array<i32>} : memref<128x128xf32, #tpu.memory_space<vmem>>, vector<1x16xf32>,
      %broadcast_in_dim3A_73 = arith.constant 0.000000e+00 : f32
      %broadcast_in_dim3A_74 = vector.broadcast %broadcast_in_dim3A_73 : f32 to vector<16xf32>
      %swap3A_75 = arith.index_cast %scan3A_45 : i32 to index
      %swap3A_76 = arith.constant 64 : index
      %swap3A_77 = tpu.vector_load %arg6[%swap3A_75, %swap3A_76] {strides = array<i32>} : memref<128x128xf32, #tpu.memory_space<vmem>>, vector<1x16xf32>,
      %swap3A_78 = vector.shape_cast %swap3A_77 : vector<1x16xf32> to vector<16xf32>
      %swap3A_79 = vector.shape_cast %broadcast_in_dim3A_74 : vector<16xf32> to vector<1x16xf32>
      tpu.vector_store %arg6[%swap3A_75, %swap3A_76], %swap3A_79 {strides = array<i32>} : memref<128x128xf32, #tpu.memory_space<vmem>>, vector<1x16xf32>,
      %broadcast_in_dim3A_80 = arith.constant 0.000000e+00 : f32
      %broadcast_in_dim3A_81 = vector.broadcast %broadcast_in_dim3A_80 : f32 to vector<16xf32>
      %swap3A_82 = arith.index_cast %scan3A_45 : i32 to index
      %swap3A_83 = arith.constant 80 : index
      %swap3A_84 = tpu.vector_load %arg6[%swap3A_82, %swap3A_83] {strides = array<i32>} : memref<128x128xf32, #tpu.memory_space<vmem>>, vector<1x16xf32>,
      %swap3A_85 = vector.shape_cast %swap3A_84 : vector<1x16xf32> to vector<16xf32>
      %swap3A_86 = vector.shape_cast %broadcast_in_dim3A_81 : vector<16xf32> to vector<1x16xf32>
      tpu.vector_store %arg6[%swap3A_82, %swap3A_83], %swap3A_86 {strides = array<i32>} : memref<128x128xf32, #tpu.memory_space<vmem>>, vector<1x16xf32>,
      %broadcast_in_dim3A_87 = arith.constant 0.000000e+00 : f32
      %broadcast_in_dim3A_88 = vector.broadcast %broadcast_in_dim3A_87 : f32 to vector<16xf32>
      %swap3A_89 = arith.index_cast %scan3A_45 : i32 to index
      %swap3A_90 = arith.constant 96 : index
      %swap3A_91 = tpu.vector_load %arg6[%swap3A_89, %swap3A_90] {strides = array<i32>} : memref<128x128xf32, #tpu.memory_space<vmem>>, vector<1x16xf32>,
      %swap3A_92 = vector.shape_cast %swap3A_91 : vector<1x16xf32> to vector<16xf32>
      %swap3A_93 = vector.shape_cast %broadcast_in_dim3A_88 : vector<16xf32> to vector<1x16xf32>
      tpu.vector_store %arg6[%swap3A_89, %swap3A_90], %swap3A_93 {strides = array<i32>} : memref<128x128xf32, #tpu.memory_space<vmem>>, vector<1x16xf32>,
      %broadcast_in_dim3A_94 = arith.constant 0.000000e+00 : f32
      %broadcast_in_dim3A_95 = vector.broadcast %broadcast_in_dim3A_94 : f32 to vector<16xf32>
      %swap3A_96 = arith.index_cast %scan3A_45 : i32 to index
      %swap3A_97 = arith.constant 112 : index
      %swap3A_98 = tpu.vector_load %arg6[%swap3A_96, %swap3A_97] {strides = array<i32>} : memref<128x128xf32, #tpu.memory_space<vmem>>, vector<1x16xf32>,
      %swap3A_99 = vector.shape_cast %swap3A_98 : vector<1x16xf32> to vector<16xf32>
      %swap3A_100 = vector.shape_cast %broadcast_in_dim3A_95 : vector<16xf32> to vector<1x16xf32>
      tpu.vector_store %arg6[%swap3A_96, %swap3A_97], %swap3A_100 {strides = array<i32>} : memref<128x128xf32, #tpu.memory_space<vmem>>, vector<1x16xf32>,
      %scan3A_101 = arith.constant 0 : i32
      scf.yield %scan3A_101 : i32
    }
    %scan3A_5 = arith.constant 128 : i32
    %mul3A = arith.constant 632 : i32
    %mul3A_6 = arith.muli %arg1, %mul3A : i32
    %add3A = arith.constant 0 : i32
    %add3A_7 = arith.addi %mul3A_6, %add3A : i32
    "tpu.region"() ({
      %run_scoped3A = tpu.sem_alloc : memref<!tpu.dma_semaphore, #tpu.memory_space<semaphore_mem>>
      %dma_start3A = arith.constant 0 : i32
      %dma_start3A_45 = tpu.memref_slice %arg4[%add3A_7, %dma_start3A] : memref<10112x128xf32, #tpu.memory_space<vmem_shared>> -> memref<128x128xf32, #tpu.memory_space<vmem_shared>>
      %dma_start3A_46 = arith.constant 0 : i32
      %dma_start3A_47 = tpu.memref_slice %arg4[%add3A_7, %dma_start3A_46] : memref<10112x128xf32, #tpu.memory_space<vmem_shared>> -> memref<128x128xf32, #tpu.memory_space<vmem_shared>>
      tpu.enqueue_dma source(%arg6 : memref<128x128xf32, #tpu.memory_space<vmem>>) target(%dma_start3A_47 : memref<128x128xf32, #tpu.memory_space<vmem_shared>>) target_semaphore(%run_scoped3A : memref<!tpu.dma_semaphore, #tpu.memory_space<semaphore_mem>>)
      %dma_wait3A = arith.constant 0 : i32
      %dma_wait3A_48 = tpu.memref_slice %arg4[%add3A_7, %dma_wait3A] : memref<10112x128xf32, #tpu.memory_space<vmem_shared>> -> memref<128x128xf32, #tpu.memory_space<vmem_shared>>
      %dma_wait3A_49 = arith.constant 0 : i32
      %dma_wait3A_50 = tpu.memref_slice %arg4[%add3A_7, %dma_wait3A_49] : memref<10112x128xf32, #tpu.memory_space<vmem_shared>> -> memref<128x128xf32, #tpu.memory_space<vmem_shared>>
      tpu.wait_dma2 semaphore(%run_scoped3A : memref<!tpu.dma_semaphore, #tpu.memory_space<semaphore_mem>>) src(%arg6 : memref<128x128xf32, #tpu.memory_space<vmem>>) dst(%dma_wait3A_50 : memref<128x128xf32, #tpu.memory_space<vmem_shared>>)
      tpu.yield
    }) : () -> ()
    %mul3A_8 = arith.constant 632 : i32
    %mul3A_9 = arith.muli %arg1, %mul3A_8 : i32
    %add3A_10 = arith.constant 128 : i32
    %add3A_11 = arith.addi %mul3A_9, %add3A_10 : i32
    "tpu.region"() ({
      %run_scoped3A = tpu.sem_alloc : memref<!tpu.dma_semaphore, #tpu.memory_space<semaphore_mem>>
      %dma_start3A = arith.constant 0 : i32
      %dma_start3A_45 = tpu.memref_slice %arg4[%add3A_11, %dma_start3A] : memref<10112x128xf32, #tpu.memory_space<vmem_shared>> -> memref<128x128xf32, #tpu.memory_space<vmem_shared>>
      %dma_start3A_46 = arith.constant 0 : i32
      %dma_start3A_47 = tpu.memref_slice %arg4[%add3A_11, %dma_start3A_46] : memref<10112x128xf32, #tpu.memory_space<vmem_shared>> -> memref<128x128xf32, #tpu.memory_space<vmem_shared>>
      tpu.enqueue_dma source(%arg6 : memref<128x128xf32, #tpu.memory_space<vmem>>) target(%dma_start3A_47 : memref<128x128xf32, #tpu.memory_space<vmem_shared>>) target_semaphore(%run_scoped3A : memref<!tpu.dma_semaphore, #tpu.memory_space<semaphore_mem>>)
      %dma_wait3A = arith.constant 0 : i32
      %dma_wait3A_48 = tpu.memref_slice %arg4[%add3A_11, %dma_wait3A] : memref<10112x128xf32, #tpu.memory_space<vmem_shared>> -> memref<128x128xf32, #tpu.memory_space<vmem_shared>>
      %dma_wait3A_49 = arith.constant 0 : i32
      %dma_wait3A_50 = tpu.memref_slice %arg4[%add3A_11, %dma_wait3A_49] : memref<10112x128xf32, #tpu.memory_space<vmem_shared>> -> memref<128x128xf32, #tpu.memory_space<vmem_shared>>
      tpu.wait_dma2 semaphore(%run_scoped3A : memref<!tpu.dma_semaphore, #tpu.memory_space<semaphore_mem>>) src(%arg6 : memref<128x128xf32, #tpu.memory_space<vmem>>) dst(%dma_wait3A_50 : memref<128x128xf32, #tpu.memory_space<vmem_shared>>)
      tpu.yield
    }) : () -> ()
    %mul3A_12 = arith.constant 632 : i32
    %mul3A_13 = arith.muli %arg1, %mul3A_12 : i32
    %add3A_14 = arith.constant 256 : i32
    %add3A_15 = arith.addi %mul3A_13, %add3A_14 : i32
    "tpu.region"() ({
      %run_scoped3A = tpu.sem_alloc : memref<!tpu.dma_semaphore, #tpu.memory_space<semaphore_mem>>
      %dma_start3A = arith.constant 0 : i32
      %dma_start3A_45 = tpu.memref_slice %arg4[%add3A_15, %dma_start3A] : memref<10112x128xf32, #tpu.memory_space<vmem_shared>> -> memref<128x128xf32, #tpu.memory_space<vmem_shared>>
      %dma_start3A_46 = arith.constant 0 : i32
      %dma_start3A_47 = tpu.memref_slice %arg4[%add3A_15, %dma_start3A_46] : memref<10112x128xf32, #tpu.memory_space<vmem_shared>> -> memref<128x128xf32, #tpu.memory_space<vmem_shared>>
      tpu.enqueue_dma source(%arg6 : memref<128x128xf32, #tpu.memory_space<vmem>>) target(%dma_start3A_47 : memref<128x128xf32, #tpu.memory_space<vmem_shared>>) target_semaphore(%run_scoped3A : memref<!tpu.dma_semaphore, #tpu.memory_space<semaphore_mem>>)
      %dma_wait3A = arith.constant 0 : i32
      %dma_wait3A_48 = tpu.memref_slice %arg4[%add3A_15, %dma_wait3A] : memref<10112x128xf32, #tpu.memory_space<vmem_shared>> -> memref<128x128xf32, #tpu.memory_space<vmem_shared>>
      %dma_wait3A_49 = arith.constant 0 : i32
      %dma_wait3A_50 = tpu.memref_slice %arg4[%add3A_15, %dma_wait3A_49] : memref<10112x128xf32, #tpu.memory_space<vmem_shared>> -> memref<128x128xf32, #tpu.memory_space<vmem_shared>>
      tpu.wait_dma2 semaphore(%run_scoped3A : memref<!tpu.dma_semaphore, #tpu.memory_space<semaphore_mem>>) src(%arg6 : memref<128x128xf32, #tpu.memory_space<vmem>>) dst(%dma_wait3A_50 : memref<128x128xf32, #tpu.memory_space<vmem_shared>>)
      tpu.yield
    }) : () -> ()
    %mul3A_16 = arith.constant 632 : i32
    %mul3A_17 = arith.muli %arg1, %mul3A_16 : i32
    %add3A_18 = arith.constant 384 : i32
    %add3A_19 = arith.addi %mul3A_17, %add3A_18 : i32
    "tpu.region"() ({
      %run_scoped3A = tpu.sem_alloc : memref<!tpu.dma_semaphore, #tpu.memory_space<semaphore_mem>>
      %dma_start3A = arith.constant 0 : i32
      %dma_start3A_45 = tpu.memref_slice %arg4[%add3A_19, %dma_start3A] : memref<10112x128xf32, #tpu.memory_space<vmem_shared>> -> memref<128x128xf32, #tpu.memory_space<vmem_shared>>
      %dma_start3A_46 = arith.constant 0 : i32
      %dma_start3A_47 = tpu.memref_slice %arg4[%add3A_19, %dma_start3A_46] : memref<10112x128xf32, #tpu.memory_space<vmem_shared>> -> memref<128x128xf32, #tpu.memory_space<vmem_shared>>
      tpu.enqueue_dma source(%arg6 : memref<128x128xf32, #tpu.memory_space<vmem>>) target(%dma_start3A_47 : memref<128x128xf32, #tpu.memory_space<vmem_shared>>) target_semaphore(%run_scoped3A : memref<!tpu.dma_semaphore, #tpu.memory_space<semaphore_mem>>)
      %dma_wait3A = arith.constant 0 : i32
      %dma_wait3A_48 = tpu.memref_slice %arg4[%add3A_19, %dma_wait3A] : memref<10112x128xf32, #tpu.memory_space<vmem_shared>> -> memref<128x128xf32, #tpu.memory_space<vmem_shared>>
      %dma_wait3A_49 = arith.constant 0 : i32
      %dma_wait3A_50 = tpu.memref_slice %arg4[%add3A_19, %dma_wait3A_49] : memref<10112x128xf32, #tpu.memory_space<vmem_shared>> -> memref<128x128xf32, #tpu.memory_space<vmem_shared>>
      tpu.wait_dma2 semaphore(%run_scoped3A : memref<!tpu.dma_semaphore, #tpu.memory_space<semaphore_mem>>) src(%arg6 : memref<128x128xf32, #tpu.memory_space<vmem>>) dst(%dma_wait3A_50 : memref<128x128xf32, #tpu.memory_space<vmem_shared>>)
      tpu.yield
    }) : () -> ()
    %mul3A_20 = arith.constant 632 : i32
    %mul3A_21 = arith.muli %arg1, %mul3A_20 : i32
    %add3A_22 = arith.constant 512 : i32
    %add3A_23 = arith.addi %mul3A_21, %add3A_22 : i32
    "tpu.region"() ({
      %run_scoped3A = tpu.sem_alloc : memref<!tpu.dma_semaphore, #tpu.memory_space<semaphore_mem>>
      %dma_start3A = arith.constant 0 : i32
      %dma_start3A_45 = arith.constant 0 : i32
      %dma_start3A_46 = tpu.memref_slice %arg6[%dma_start3A, %dma_start3A_45] : memref<128x128xf32, #tpu.memory_space<vmem>> -> memref<120x128xf32, #tpu.memory_space<vmem>>
      %dma_start3A_47 = arith.constant 0 : i32
      %dma_start3A_48 = tpu.memref_slice %arg4[%add3A_23, %dma_start3A_47] : memref<10112x128xf32, #tpu.memory_space<vmem_shared>> -> memref<120x128xf32, #tpu.memory_space<vmem_shared>>
      %dma_start3A_49 = arith.constant 0 : i32
      %dma_start3A_50 = tpu.memref_slice %arg4[%add3A_23, %dma_start3A_49] : memref<10112x128xf32, #tpu.memory_space<vmem_shared>> -> memref<120x128xf32, #tpu.memory_space<vmem_shared>>
      %dma_start3A_51 = arith.constant 0 : i32
      %dma_start3A_52 = arith.constant 0 : i32
      %dma_start3A_53 = tpu.memref_slice %arg6[%dma_start3A_51, %dma_start3A_52] : memref<128x128xf32, #tpu.memory_space<vmem>> -> memref<120x128xf32, #tpu.memory_space<vmem>>
      tpu.enqueue_dma source(%dma_start3A_53 : memref<120x128xf32, #tpu.memory_space<vmem>>) target(%dma_start3A_50 : memref<120x128xf32, #tpu.memory_space<vmem_shared>>) target_semaphore(%run_scoped3A : memref<!tpu.dma_semaphore, #tpu.memory_space<semaphore_mem>>)
      %dma_wait3A = arith.constant 0 : i32
      %dma_wait3A_54 = arith.constant 0 : i32
      %dma_wait3A_55 = tpu.memref_slice %arg6[%dma_wait3A, %dma_wait3A_54] : memref<128x128xf32, #tpu.memory_space<vmem>> -> memref<120x128xf32, #tpu.memory_space<vmem>>
      %dma_wait3A_56 = arith.constant 0 : i32
      %dma_wait3A_57 = tpu.memref_slice %arg4[%add3A_23, %dma_wait3A_56] : memref<10112x128xf32, #tpu.memory_space<vmem_shared>> -> memref<120x128xf32, #tpu.memory_space<vmem_shared>>
      %dma_wait3A_58 = arith.constant 0 : i32
      %dma_wait3A_59 = tpu.memref_slice %arg4[%add3A_23, %dma_wait3A_58] : memref<10112x128xf32, #tpu.memory_space<vmem_shared>> -> memref<120x128xf32, #tpu.memory_space<vmem_shared>>
      %dma_wait3A_60 = arith.constant 0 : i32
      %dma_wait3A_61 = arith.constant 0 : i32
      %dma_wait3A_62 = tpu.memref_slice %arg6[%dma_wait3A_60, %dma_wait3A_61] : memref<128x128xf32, #tpu.memory_space<vmem>> -> memref<120x128xf32, #tpu.memory_space<vmem>>
      tpu.wait_dma2 semaphore(%run_scoped3A : memref<!tpu.dma_semaphore, #tpu.memory_space<semaphore_mem>>) src(%dma_wait3A_62 : memref<120x128xf32, #tpu.memory_space<vmem>>) dst(%dma_wait3A_59 : memref<120x128xf32, #tpu.memory_space<vmem_shared>>)
      tpu.yield
    }) : () -> ()
    %scan3A_24 = arith.constant 0 : i32
    %scan3A_25 = arith.constant 0 : i32
    %scan3A_26 = arith.constant 128 : i32
    %scan3A_27 = arith.addi %scan3A_25, %scan3A_26 : i32
    %scan3A_28 = arith.constant 1 : i32
    %scan3A_29 = scf.for %scan3A_45 = %scan3A_25 to %scan3A_27 step %scan3A_28 iter_args(%scan3A_46 = %scan3A_24) -> (i32)  : i32 {
      %broadcast_in_dim3A = arith.constant 1.000000e+00 : f32
      %broadcast_in_dim3A_47 = vector.broadcast %broadcast_in_dim3A : f32 to vector<16xf32>
      %swap3A = arith.index_cast %scan3A_45 : i32 to index
      %swap3A_48 = arith.constant 0 : index
      %swap3A_49 = tpu.vector_load %arg6[%swap3A, %swap3A_48] {strides = array<i32>} : memref<128x128xf32, #tpu.memory_space<vmem>>, vector<1x16xf32>,
      %swap3A_50 = vector.shape_cast %swap3A_49 : vector<1x16xf32> to vector<16xf32>
      %swap3A_51 = vector.shape_cast %broadcast_in_dim3A_47 : vector<16xf32> to vector<1x16xf32>
      tpu.vector_store %arg6[%swap3A, %swap3A_48], %swap3A_51 {strides = array<i32>} : memref<128x128xf32, #tpu.memory_space<vmem>>, vector<1x16xf32>,
      %broadcast_in_dim3A_52 = arith.constant 1.000000e+00 : f32
      %broadcast_in_dim3A_53 = vector.broadcast %broadcast_in_dim3A_52 : f32 to vector<16xf32>
      %swap3A_54 = arith.index_cast %scan3A_45 : i32 to index
      %swap3A_55 = arith.constant 16 : index
      %swap3A_56 = tpu.vector_load %arg6[%swap3A_54, %swap3A_55] {strides = array<i32>} : memref<128x128xf32, #tpu.memory_space<vmem>>, vector<1x16xf32>,
      %swap3A_57 = vector.shape_cast %swap3A_56 : vector<1x16xf32> to vector<16xf32>
      %swap3A_58 = vector.shape_cast %broadcast_in_dim3A_53 : vector<16xf32> to vector<1x16xf32>
      tpu.vector_store %arg6[%swap3A_54, %swap3A_55], %swap3A_58 {strides = array<i32>} : memref<128x128xf32, #tpu.memory_space<vmem>>, vector<1x16xf32>,
      %broadcast_in_dim3A_59 = arith.constant 1.000000e+00 : f32
      %broadcast_in_dim3A_60 = vector.broadcast %broadcast_in_dim3A_59 : f32 to vector<16xf32>
      %swap3A_61 = arith.index_cast %scan3A_45 : i32 to index
      %swap3A_62 = arith.constant 32 : index
      %swap3A_63 = tpu.vector_load %arg6[%swap3A_61, %swap3A_62] {strides = array<i32>} : memref<128x128xf32, #tpu.memory_space<vmem>>, vector<1x16xf32>,
      %swap3A_64 = vector.shape_cast %swap3A_63 : vector<1x16xf32> to vector<16xf32>
      %swap3A_65 = vector.shape_cast %broadcast_in_dim3A_60 : vector<16xf32> to vector<1x16xf32>
      tpu.vector_store %arg6[%swap3A_61, %swap3A_62], %swap3A_65 {strides = array<i32>} : memref<128x128xf32, #tpu.memory_space<vmem>>, vector<1x16xf32>,
      %broadcast_in_dim3A_66 = arith.constant 1.000000e+00 : f32
      %broadcast_in_dim3A_67 = vector.broadcast %broadcast_in_dim3A_66 : f32 to vector<16xf32>
      %swap3A_68 = arith.index_cast %scan3A_45 : i32 to index
      %swap3A_69 = arith.constant 48 : index
      %swap3A_70 = tpu.vector_load %arg6[%swap3A_68, %swap3A_69] {strides = array<i32>} : memref<128x128xf32, #tpu.memory_space<vmem>>, vector<1x16xf32>,
      %swap3A_71 = vector.shape_cast %swap3A_70 : vector<1x16xf32> to vector<16xf32>
      %swap3A_72 = vector.shape_cast %broadcast_in_dim3A_67 : vector<16xf32> to vector<1x16xf32>
      tpu.vector_store %arg6[%swap3A_68, %swap3A_69], %swap3A_72 {strides = array<i32>} : memref<128x128xf32, #tpu.memory_space<vmem>>, vector<1x16xf32>,
      %broadcast_in_dim3A_73 = arith.constant 1.000000e+00 : f32
      %broadcast_in_dim3A_74 = vector.broadcast %broadcast_in_dim3A_73 : f32 to vector<16xf32>
      %swap3A_75 = arith.index_cast %scan3A_45 : i32 to index
      %swap3A_76 = arith.constant 64 : index
      %swap3A_77 = tpu.vector_load %arg6[%swap3A_75, %swap3A_76] {strides = array<i32>} : memref<128x128xf32, #tpu.memory_space<vmem>>, vector<1x16xf32>,
      %swap3A_78 = vector.shape_cast %swap3A_77 : vector<1x16xf32> to vector<16xf32>
      %swap3A_79 = vector.shape_cast %broadcast_in_dim3A_74 : vector<16xf32> to vector<1x16xf32>
      tpu.vector_store %arg6[%swap3A_75, %swap3A_76], %swap3A_79 {strides = array<i32>} : memref<128x128xf32, #tpu.memory_space<vmem>>, vector<1x16xf32>,
      %broadcast_in_dim3A_80 = arith.constant 1.000000e+00 : f32
      %broadcast_in_dim3A_81 = vector.broadcast %broadcast_in_dim3A_80 : f32 to vector<16xf32>
      %swap3A_82 = arith.index_cast %scan3A_45 : i32 to index
      %swap3A_83 = arith.constant 80 : index
      %swap3A_84 = tpu.vector_load %arg6[%swap3A_82, %swap3A_83] {strides = array<i32>} : memref<128x128xf32, #tpu.memory_space<vmem>>, vector<1x16xf32>,
      %swap3A_85 = vector.shape_cast %swap3A_84 : vector<1x16xf32> to vector<16xf32>
      %swap3A_86 = vector.shape_cast %broadcast_in_dim3A_81 : vector<16xf32> to vector<1x16xf32>
      tpu.vector_store %arg6[%swap3A_82, %swap3A_83], %swap3A_86 {strides = array<i32>} : memref<128x128xf32, #tpu.memory_space<vmem>>, vector<1x16xf32>,
      %broadcast_in_dim3A_87 = arith.constant 1.000000e+00 : f32
      %broadcast_in_dim3A_88 = vector.broadcast %broadcast_in_dim3A_87 : f32 to vector<16xf32>
      %swap3A_89 = arith.index_cast %scan3A_45 : i32 to index
      %swap3A_90 = arith.constant 96 : index
      %swap3A_91 = tpu.vector_load %arg6[%swap3A_89, %swap3A_90] {strides = array<i32>} : memref<128x128xf32, #tpu.memory_space<vmem>>, vector<1x16xf32>,
      %swap3A_92 = vector.shape_cast %swap3A_91 : vector<1x16xf32> to vector<16xf32>
      %swap3A_93 = vector.shape_cast %broadcast_in_dim3A_88 : vector<16xf32> to vector<1x16xf32>
      tpu.vector_store %arg6[%swap3A_89, %swap3A_90], %swap3A_93 {strides = array<i32>} : memref<128x128xf32, #tpu.memory_space<vmem>>, vector<1x16xf32>,
      %broadcast_in_dim3A_94 = arith.constant 1.000000e+00 : f32
      %broadcast_in_dim3A_95 = vector.broadcast %broadcast_in_dim3A_94 : f32 to vector<16xf32>
      %swap3A_96 = arith.index_cast %scan3A_45 : i32 to index
      %swap3A_97 = arith.constant 112 : index
      %swap3A_98 = tpu.vector_load %arg6[%swap3A_96, %swap3A_97] {strides = array<i32>} : memref<128x128xf32, #tpu.memory_space<vmem>>, vector<1x16xf32>,
      %swap3A_99 = vector.shape_cast %swap3A_98 : vector<1x16xf32> to vector<16xf32>
      %swap3A_100 = vector.shape_cast %broadcast_in_dim3A_95 : vector<16xf32> to vector<1x16xf32>
      tpu.vector_store %arg6[%swap3A_96, %swap3A_97], %swap3A_100 {strides = array<i32>} : memref<128x128xf32, #tpu.memory_space<vmem>>, vector<1x16xf32>,
      %scan3A_101 = arith.constant 0 : i32
      scf.yield %scan3A_101 : i32
    }
    %scan3A_30 = arith.constant 128 : i32
    %barrier3A = arith.constant 0 : index
    tpu.barrier barrier_id(%barrier3A)
    %scan3A_31 = arith.constant 0 : i32
    %scan3A_32 = arith.constant 0 : i32
    %scan3A_33 = arith.constant 5 : i32
    %scan3A_34 = arith.addi %scan3A_32, %scan3A_33 : i32
    %scan3A_35 = arith.constant 1 : i32
    %scan3A_36 = scf.for %scan3A_45 = %scan3A_32 to %scan3A_34 step %scan3A_35 iter_args(%scan3A_46 = %scan3A_31) -> (i32)  : i32 {
      %mul3A_47 = arith.constant 160 : i32
      %mul3A_48 = arith.muli %arg1, %mul3A_47 : i32
      %mul3A_49 = arith.constant 32 : i32
      %mul3A_50 = arith.muli %scan3A_45, %mul3A_49 : i32
      %add3A_51 = arith.addi %mul3A_48, %mul3A_50 : i32
      "tpu.region"() ({
        %run_scoped3A = tpu.sem_alloc : memref<!tpu.dma_semaphore, #tpu.memory_space<semaphore_mem>>
        %dma_start3A = arith.constant 0 : i32
        %dma_start3A_69 = tpu.memref_slice %arg2[%add3A_51, %dma_start3A] : memref<2560x128xi32, #tpu.memory_space<hbm>> -> memref<32x128xi32, #tpu.memory_space<hbm>>
        %dma_start3A_70 = arith.constant 0 : i32
        %dma_start3A_71 = tpu.memref_slice %arg2[%add3A_51, %dma_start3A_70] : memref<2560x128xi32, #tpu.memory_space<hbm>> -> memref<32x128xi32, #tpu.memory_space<hbm>>
        tpu.enqueue_dma source(%dma_start3A_71 : memref<32x128xi32, #tpu.memory_space<hbm>>) target(%arg5 : memref<32x128xi32, #tpu.memory_space<vmem>>) target_semaphore(%run_scoped3A : memref<!tpu.dma_semaphore, #tpu.memory_space<semaphore_mem>>)
        %dma_wait3A = arith.constant 0 : i32
        %dma_wait3A_72 = tpu.memref_slice %arg2[%add3A_51, %dma_wait3A] : memref<2560x128xi32, #tpu.memory_space<hbm>> -> memref<32x128xi32, #tpu.memory_space<hbm>>
        %dma_wait3A_73 = arith.constant 0 : i32
        %dma_wait3A_74 = tpu.memref_slice %arg2[%add3A_51, %dma_wait3A_73] : memref<2560x128xi32, #tpu.memory_space<hbm>> -> memref<32x128xi32, #tpu.memory_space<hbm>>
        tpu.wait_dma2 semaphore(%run_scoped3A : memref<!tpu.dma_semaphore, #tpu.memory_space<semaphore_mem>>) src(%dma_wait3A_74 : memref<32x128xi32, #tpu.memory_space<hbm>>) dst(%arg5 : memref<32x128xi32, #tpu.memory_space<vmem>>)
        tpu.yield
      }) : () -> ()
      %mul3A_52 = arith.constant 16 : i32
      %mul3A_53 = arith.muli %arg0, %mul3A_52 : i32
      %add3A_54 = arith.constant 1 : i32
      %add3A_55 = arith.addi %arg0, %add3A_54 : i32
      %mul3A_56 = arith.constant 16 : i32
      %mul3A_57 = arith.muli %add3A_55, %mul3A_56 : i32
      %while3A = arith.constant 0 : i32
      %while3A_58 = arith.subi %mul3A_57, %mul3A_53 : i32
      %while3A_59 = arith.addi %mul3A_53, %while3A_58 : i32
      %while3A_60 = arith.constant 1 : i32
      %while3A_61 = arith.divsi %while3A_58, %while3A_60 : i32
      %while3A_62 = arith.muli %while3A_61, %while3A_60 : i32
      %while3A_63 = arith.addi %mul3A_53, %while3A_62 : i32
      %while3A_64 = arith.constant 1 : i32
      %while3A_65 = scf.for %while3A_69 = %mul3A_53 to %while3A_63 step %while3A_64 iter_args(%while3A_70 = %while3A) -> (i32)  : i32 {
        "tpu.region"() ({
          %run_scoped3A = tpu.sem_alloc : memref<!tpu.dma_semaphore, #tpu.memory_space<semaphore_mem>>
          %dma_start3A = arith.constant 0 : i32
          %dma_start3A_72 = tpu.memref_slice %arg5[%while3A_69, %dma_start3A] : memref<32x128xi32, #tpu.memory_space<vmem>> -> memref<1x128xi32, #tpu.memory_space<vmem>>
          %dma_start3A_73 = tpu.memref_squeeze %dma_start3A_72 : memref<1x128xi32, #tpu.memory_space<vmem>> -> memref<128xi32, #tpu.memory_space<vmem>>
          %dma_start3A_74 = arith.constant 0 : i32
          %dma_start3A_75 = arith.constant 0 : i32
          %dma_start3A_76 = tpu.memref_slice %arg4[%dma_start3A_74, %dma_start3A_75] : memref<10112x128xf32, #tpu.memory_space<vmem_shared>> -> memref<10112x128xf32, #tpu.memory_space<vmem_shared>>
          tpu.enqueue_indirect_dma source(%arg6 : memref<128x128xf32, #tpu.memory_space<vmem>>) target(%dma_start3A_76 : memref<10112x128xf32, #tpu.memory_space<vmem_shared>>) offsets(%dma_start3A_73 : memref<128xi32, #tpu.memory_space<vmem>>) semaphore(%run_scoped3A : memref<!tpu.dma_semaphore, #tpu.memory_space<semaphore_mem>>) {add = true}
          %dma_wait3A = arith.constant 0 : i32
          %dma_wait3A_77 = tpu.memref_slice %arg5[%while3A_69, %dma_wait3A] : memref<32x128xi32, #tpu.memory_space<vmem>> -> memref<1x128xi32, #tpu.memory_space<vmem>>
          %dma_wait3A_78 = tpu.memref_squeeze %dma_wait3A_77 : memref<1x128xi32, #tpu.memory_space<vmem>> -> memref<128xi32, #tpu.memory_space<vmem>>
          %dma_wait3A_79 = arith.constant 0 : i32
          %dma_wait3A_80 = arith.constant 0 : i32
          %dma_wait3A_81 = tpu.memref_slice %arg4[%dma_wait3A_79, %dma_wait3A_80] : memref<10112x128xf32, #tpu.memory_space<vmem_shared>> -> memref<10112x128xf32, #tpu.memory_space<vmem_shared>>
          tpu.wait_indirect_dma semaphore(%run_scoped3A : memref<!tpu.dma_semaphore, #tpu.memory_space<semaphore_mem>>) src(%arg6 : memref<128x128xf32, #tpu.memory_space<vmem>>) dst(%dma_wait3A_81 : memref<10112x128xf32, #tpu.memory_space<vmem_shared>>)
          tpu.yield
        }) : () -> ()
        %while3A_71 = arith.constant 0 : i32
        scf.yield %while3A_71 : i32
      }
      %while3A_66 = arith.constant 1 : i32
      %while3A_67 = scf.for %while3A_69 = %while3A_63 to %while3A_59 step %while3A_66 iter_args(%while3A_70 = %while3A_65) -> (i32)  : i32 {
        "tpu.region"() ({
          %run_scoped3A = tpu.sem_alloc : memref<!tpu.dma_semaphore, #tpu.memory_space<semaphore_mem>>
          %dma_start3A = arith.constant 0 : i32
          %dma_start3A_72 = tpu.memref_slice %arg5[%while3A_69, %dma_start3A] : memref<32x128xi32, #tpu.memory_space<vmem>> -> memref<1x128xi32, #tpu.memory_space<vmem>>
          %dma_start3A_73 = tpu.memref_squeeze %dma_start3A_72 : memref<1x128xi32, #tpu.memory_space<vmem>> -> memref<128xi32, #tpu.memory_space<vmem>>
          %dma_start3A_74 = arith.constant 0 : i32
          %dma_start3A_75 = arith.constant 0 : i32
          %dma_start3A_76 = tpu.memref_slice %arg4[%dma_start3A_74, %dma_start3A_75] : memref<10112x128xf32, #tpu.memory_space<vmem_shared>> -> memref<10112x128xf32, #tpu.memory_space<vmem_shared>>
          tpu.enqueue_indirect_dma source(%arg6 : memref<128x128xf32, #tpu.memory_space<vmem>>) target(%dma_start3A_76 : memref<10112x128xf32, #tpu.memory_space<vmem_shared>>) offsets(%dma_start3A_73 : memref<128xi32, #tpu.memory_space<vmem>>) semaphore(%run_scoped3A : memref<!tpu.dma_semaphore, #tpu.memory_space<semaphore_mem>>) {add = true}
          %dma_wait3A = arith.constant 0 : i32
          %dma_wait3A_77 = tpu.memref_slice %arg5[%while3A_69, %dma_wait3A] : memref<32x128xi32, #tpu.memory_space<vmem>> -> memref<1x128xi32, #tpu.memory_space<vmem>>
          %dma_wait3A_78 = tpu.memref_squeeze %dma_wait3A_77 : memref<1x128xi32, #tpu.memory_space<vmem>> -> memref<128xi32, #tpu.memory_space<vmem>>
          %dma_wait3A_79 = arith.constant 0 : i32
          %dma_wait3A_80 = arith.constant 0 : i32
          %dma_wait3A_81 = tpu.memref_slice %arg4[%dma_wait3A_79, %dma_wait3A_80] : memref<10112x128xf32, #tpu.memory_space<vmem_shared>> -> memref<10112x128xf32, #tpu.memory_space<vmem_shared>>
          tpu.wait_indirect_dma semaphore(%run_scoped3A : memref<!tpu.dma_semaphore, #tpu.memory_space<semaphore_mem>>) src(%arg6 : memref<128x128xf32, #tpu.memory_space<vmem>>) dst(%dma_wait3A_81 : memref<10112x128xf32, #tpu.memory_space<vmem_shared>>)
          tpu.yield
        }) : () -> ()
        %while3A_71 = arith.constant 0 : i32
        scf.yield %while3A_71 : i32
      }
      %scan3A_68 = arith.constant 0 : i32
      scf.yield %scan3A_68 : i32
    }
    %scan3A_37 = arith.constant 5 : i32
    %barrier3A_38 = arith.constant 0 : index
    tpu.barrier barrier_id(%barrier3A_38)
    %lt3A = arith.constant 15 : i32
    %lt3A_39 = arith.cmpi slt, %arg1, %lt3A : i32
    %convert_element_type3A = arith.extui %lt3A_39 : i1 to i32
    %cond3A = arith.constant 0 : i32
    %cond3A_40 = arith.cmpi ne, %convert_element_type3A, %cond3A : i32
    scf.if %cond3A_40 {
      %mul3A_45 = arith.constant 632 : i32
      %mul3A_46 = arith.muli %arg1, %mul3A_45 : i32
      %mul3A_47 = arith.constant 632 : i32
      %mul3A_48 = arith.muli %arg1, %mul3A_47 : i32
      "tpu.region"() ({
        %run_scoped3A = tpu.sem_alloc : memref<!tpu.dma_semaphore, #tpu.memory_space<semaphore_mem>>
        %dma_start3A = arith.constant 0 : i32
        %dma_start3A_49 = tpu.memref_slice %arg3[%arg0, %mul3A_48, %dma_start3A] : memref<2x10000x128xf32, #tpu.memory_space<hbm>> -> memref<1x632x128xf32, #tpu.memory_space<hbm>>
        %dma_start3A_50 = tpu.memref_squeeze %dma_start3A_49 : memref<1x632x128xf32, #tpu.memory_space<hbm>> -> memref<632x128xf32, #tpu.memory_space<hbm>>
        %dma_start3A_51 = arith.constant 0 : i32
        %dma_start3A_52 = tpu.memref_slice %arg4[%mul3A_46, %dma_start3A_51] : memref<10112x128xf32, #tpu.memory_space<vmem_shared>> -> memref<632x128xf32, #tpu.memory_space<vmem_shared>>
        tpu.enqueue_dma source(%dma_start3A_52 : memref<632x128xf32, #tpu.memory_space<vmem_shared>>) target(%dma_start3A_50 : memref<632x128xf32, #tpu.memory_space<hbm>>) target_semaphore(%run_scoped3A : memref<!tpu.dma_semaphore, #tpu.memory_space<semaphore_mem>>)
        %dma_wait3A = arith.constant 0 : i32
        %dma_wait3A_53 = tpu.memref_slice %arg3[%arg0, %mul3A_48, %dma_wait3A] : memref<2x10000x128xf32, #tpu.memory_space<hbm>> -> memref<1x632x128xf32, #tpu.memory_space<hbm>>
        %dma_wait3A_54 = tpu.memref_squeeze %dma_wait3A_53 : memref<1x632x128xf32, #tpu.memory_space<hbm>> -> memref<632x128xf32, #tpu.memory_space<hbm>>
        %dma_wait3A_55 = arith.constant 0 : i32
        %dma_wait3A_56 = tpu.memref_slice %arg4[%mul3A_46, %dma_wait3A_55] : memref<10112x128xf32, #tpu.memory_space<vmem_shared>> -> memref<632x128xf32, #tpu.memory_space<vmem_shared>>
        tpu.wait_dma2 semaphore(%run_scoped3A : memref<!tpu.dma_semaphore, #tpu.memory_space<semaphore_mem>>) src(%dma_wait3A_56 : memref<632x128xf32, #tpu.memory_space<vmem_shared>>) dst(%dma_wait3A_54 : memref<632x128xf32, #tpu.memory_space<hbm>>)
        tpu.yield
      }) : () -> ()
    } else {
    }
    %eq3A = arith.constant 15 : i32
    %eq3A_41 = arith.cmpi eq, %arg1, %eq3A : i32
    %convert_element_type3A_42 = arith.extui %eq3A_41 : i1 to i32
    %cond3A_43 = arith.constant 0 : i32
    %cond3A_44 = arith.cmpi ne, %convert_element_type3A_42, %cond3A_43 : i32
    scf.if %cond3A_44 {
      "tpu.region"() ({
        %run_scoped3A = tpu.sem_alloc : memref<!tpu.dma_semaphore, #tpu.memory_space<semaphore_mem>>
        %dma_start3A = arith.constant 9480 : i32
        %dma_start3A_45 = arith.constant 0 : i32
        %dma_start3A_46 = tpu.memref_slice %arg3[%arg0, %dma_start3A, %dma_start3A_45] : memref<2x10000x128xf32, #tpu.memory_space<hbm>> -> memref<1x520x128xf32, #tpu.memory_space<hbm>>
        %dma_start3A_47 = tpu.memref_squeeze %dma_start3A_46 : memref<1x520x128xf32, #tpu.memory_space<hbm>> -> memref<520x128xf32, #tpu.memory_space<hbm>>
        %dma_start3A_48 = arith.constant 9480 : i32
        %dma_start3A_49 = arith.constant 0 : i32
        %dma_start3A_50 = tpu.memref_slice %arg4[%dma_start3A_48, %dma_start3A_49] : memref<10112x128xf32, #tpu.memory_space<vmem_shared>> -> memref<520x128xf32, #tpu.memory_space<vmem_shared>>
        tpu.enqueue_dma source(%dma_start3A_50 : memref<520x128xf32, #tpu.memory_space<vmem_shared>>) target(%dma_start3A_47 : memref<520x128xf32, #tpu.memory_space<hbm>>) target_semaphore(%run_scoped3A : memref<!tpu.dma_semaphore, #tpu.memory_space<semaphore_mem>>)
        %dma_wait3A = arith.constant 9480 : i32
        %dma_wait3A_51 = arith.constant 0 : i32
        %dma_wait3A_52 = tpu.memref_slice %arg3[%arg0, %dma_wait3A, %dma_wait3A_51] : memref<2x10000x128xf32, #tpu.memory_space<hbm>> -> memref<1x520x128xf32, #tpu.memory_space<hbm>>
        %dma_wait3A_53 = tpu.memref_squeeze %dma_wait3A_52 : memref<1x520x128xf32, #tpu.memory_space<hbm>> -> memref<520x128xf32, #tpu.memory_space<hbm>>
        %dma_wait3A_54 = arith.constant 9480 : i32
        %dma_wait3A_55 = arith.constant 0 : i32
        %dma_wait3A_56 = tpu.memref_slice %arg4[%dma_wait3A_54, %dma_wait3A_55] : memref<10112x128xf32, #tpu.memory_space<vmem_shared>> -> memref<520x128xf32, #tpu.memory_space<vmem_shared>>
        tpu.wait_dma2 semaphore(%run_scoped3A : memref<!tpu.dma_semaphore, #tpu.memory_space<semaphore_mem>>) src(%dma_wait3A_56 : memref<520x128xf32, #tpu.memory_space<vmem_shared>>) dst(%dma_wait3A_53 : memref<520x128xf32, #tpu.memory_space<hbm>>)
        tpu.yield
      }) : () -> ()
    } else {
    }
    return
  }
}

#map = affine_map<(d0, d1) -> (0, 0)>
module attributes {stable_mosaic.version = 14 : i64} {
  func.func @_agg(%arg0: i32, %arg1: i32, %arg2: memref<20000x128xf32, #tpu.memory_space<hbm>>, %arg3: memref<2560x128xi32, #tpu.memory_space<hbm>>, %arg4: memref<2560x128xi32, #tpu.memory_space<hbm>>, %arg5: memref<20000x128xf32, #tpu.memory_space<hbm>>, %arg6: memref<10112x128xf32, #tpu.memory_space<vmem_shared>>, %arg7: memref<32x128xi32, #tpu.memory_space<vmem>>, %arg8: memref<32x128xi32, #tpu.memory_space<vmem>>, %arg9: memref<128x128xf32, #tpu.memory_space<vmem>>, %arg10: memref<128x128xf32, #tpu.memory_space<vmem>>, %arg11: memref<!tpu.dma_semaphore, #tpu.memory_space<semaphore_mem>>, %arg12: memref<!tpu.dma_semaphore, #tpu.memory_space<semaphore_mem>>) attributes {dimension_semantics = [#tpu.dimension_semantics<core_parallel>, #tpu.dimension_semantics<subcore_parallel>], iteration_bounds = array<i64: 2, 16>, scalar_prefetch = 0 : i64, scratch_operands = 7 : i64, tpu.core_type = #tpu.core_type<sc_vector_subcore>, window_params = [{transform_indices = #map}, {transform_indices = #map}, {transform_indices = #map}, {transform_indices = #map}]} {
    %scan3A = arith.constant 0 : i32
    %scan3A_0 = arith.constant 0 : i32
    %scan3A_1 = arith.constant 128 : i32
    %scan3A_2 = arith.addi %scan3A_0, %scan3A_1 : i32
    %scan3A_3 = arith.constant 1 : i32
    %scan3A_4 = scf.for %scan3A_43 = %scan3A_0 to %scan3A_2 step %scan3A_3 iter_args(%scan3A_44 = %scan3A) -> (i32)  : i32 {
      %broadcast_in_dim3A_45 = arith.constant 0.000000e+00 : f32
      %broadcast_in_dim3A_46 = vector.broadcast %broadcast_in_dim3A_45 : f32 to vector<16xf32>
      %swap3A = arith.index_cast %scan3A_43 : i32 to index
      %swap3A_47 = arith.constant 0 : index
      %swap3A_48 = tpu.vector_load %arg9[%swap3A, %swap3A_47] {strides = array<i32>} : memref<128x128xf32, #tpu.memory_space<vmem>>, vector<1x16xf32>,
      %swap3A_49 = vector.shape_cast %swap3A_48 : vector<1x16xf32> to vector<16xf32>
      %swap3A_50 = vector.shape_cast %broadcast_in_dim3A_46 : vector<16xf32> to vector<1x16xf32>
      tpu.vector_store %arg9[%swap3A, %swap3A_47], %swap3A_50 {strides = array<i32>} : memref<128x128xf32, #tpu.memory_space<vmem>>, vector<1x16xf32>,
      %broadcast_in_dim3A_51 = arith.constant 0.000000e+00 : f32
      %broadcast_in_dim3A_52 = vector.broadcast %broadcast_in_dim3A_51 : f32 to vector<16xf32>
      %swap3A_53 = arith.index_cast %scan3A_43 : i32 to index
      %swap3A_54 = arith.constant 16 : index
      %swap3A_55 = tpu.vector_load %arg9[%swap3A_53, %swap3A_54] {strides = array<i32>} : memref<128x128xf32, #tpu.memory_space<vmem>>, vector<1x16xf32>,
      %swap3A_56 = vector.shape_cast %swap3A_55 : vector<1x16xf32> to vector<16xf32>
      %swap3A_57 = vector.shape_cast %broadcast_in_dim3A_52 : vector<16xf32> to vector<1x16xf32>
      tpu.vector_store %arg9[%swap3A_53, %swap3A_54], %swap3A_57 {strides = array<i32>} : memref<128x128xf32, #tpu.memory_space<vmem>>, vector<1x16xf32>,
      %broadcast_in_dim3A_58 = arith.constant 0.000000e+00 : f32
      %broadcast_in_dim3A_59 = vector.broadcast %broadcast_in_dim3A_58 : f32 to vector<16xf32>
      %swap3A_60 = arith.index_cast %scan3A_43 : i32 to index
      %swap3A_61 = arith.constant 32 : index
      %swap3A_62 = tpu.vector_load %arg9[%swap3A_60, %swap3A_61] {strides = array<i32>} : memref<128x128xf32, #tpu.memory_space<vmem>>, vector<1x16xf32>,
      %swap3A_63 = vector.shape_cast %swap3A_62 : vector<1x16xf32> to vector<16xf32>
      %swap3A_64 = vector.shape_cast %broadcast_in_dim3A_59 : vector<16xf32> to vector<1x16xf32>
      tpu.vector_store %arg9[%swap3A_60, %swap3A_61], %swap3A_64 {strides = array<i32>} : memref<128x128xf32, #tpu.memory_space<vmem>>, vector<1x16xf32>,
      %broadcast_in_dim3A_65 = arith.constant 0.000000e+00 : f32
      %broadcast_in_dim3A_66 = vector.broadcast %broadcast_in_dim3A_65 : f32 to vector<16xf32>
      %swap3A_67 = arith.index_cast %scan3A_43 : i32 to index
      %swap3A_68 = arith.constant 48 : index
      %swap3A_69 = tpu.vector_load %arg9[%swap3A_67, %swap3A_68] {strides = array<i32>} : memref<128x128xf32, #tpu.memory_space<vmem>>, vector<1x16xf32>,
      %swap3A_70 = vector.shape_cast %swap3A_69 : vector<1x16xf32> to vector<16xf32>
      %swap3A_71 = vector.shape_cast %broadcast_in_dim3A_66 : vector<16xf32> to vector<1x16xf32>
      tpu.vector_store %arg9[%swap3A_67, %swap3A_68], %swap3A_71 {strides = array<i32>} : memref<128x128xf32, #tpu.memory_space<vmem>>, vector<1x16xf32>,
      %broadcast_in_dim3A_72 = arith.constant 0.000000e+00 : f32
      %broadcast_in_dim3A_73 = vector.broadcast %broadcast_in_dim3A_72 : f32 to vector<16xf32>
      %swap3A_74 = arith.index_cast %scan3A_43 : i32 to index
      %swap3A_75 = arith.constant 64 : index
      %swap3A_76 = tpu.vector_load %arg9[%swap3A_74, %swap3A_75] {strides = array<i32>} : memref<128x128xf32, #tpu.memory_space<vmem>>, vector<1x16xf32>,
      %swap3A_77 = vector.shape_cast %swap3A_76 : vector<1x16xf32> to vector<16xf32>
      %swap3A_78 = vector.shape_cast %broadcast_in_dim3A_73 : vector<16xf32> to vector<1x16xf32>
      tpu.vector_store %arg9[%swap3A_74, %swap3A_75], %swap3A_78 {strides = array<i32>} : memref<128x128xf32, #tpu.memory_space<vmem>>, vector<1x16xf32>,
      %broadcast_in_dim3A_79 = arith.constant 0.000000e+00 : f32
      %broadcast_in_dim3A_80 = vector.broadcast %broadcast_in_dim3A_79 : f32 to vector<16xf32>
      %swap3A_81 = arith.index_cast %scan3A_43 : i32 to index
      %swap3A_82 = arith.constant 80 : index
      %swap3A_83 = tpu.vector_load %arg9[%swap3A_81, %swap3A_82] {strides = array<i32>} : memref<128x128xf32, #tpu.memory_space<vmem>>, vector<1x16xf32>,
      %swap3A_84 = vector.shape_cast %swap3A_83 : vector<1x16xf32> to vector<16xf32>
      %swap3A_85 = vector.shape_cast %broadcast_in_dim3A_80 : vector<16xf32> to vector<1x16xf32>
      tpu.vector_store %arg9[%swap3A_81, %swap3A_82], %swap3A_85 {strides = array<i32>} : memref<128x128xf32, #tpu.memory_space<vmem>>, vector<1x16xf32>,
      %broadcast_in_dim3A_86 = arith.constant 0.000000e+00 : f32
      %broadcast_in_dim3A_87 = vector.broadcast %broadcast_in_dim3A_86 : f32 to vector<16xf32>
      %swap3A_88 = arith.index_cast %scan3A_43 : i32 to index
      %swap3A_89 = arith.constant 96 : index
      %swap3A_90 = tpu.vector_load %arg9[%swap3A_88, %swap3A_89] {strides = array<i32>} : memref<128x128xf32, #tpu.memory_space<vmem>>, vector<1x16xf32>,
      %swap3A_91 = vector.shape_cast %swap3A_90 : vector<1x16xf32> to vector<16xf32>
      %swap3A_92 = vector.shape_cast %broadcast_in_dim3A_87 : vector<16xf32> to vector<1x16xf32>
      tpu.vector_store %arg9[%swap3A_88, %swap3A_89], %swap3A_92 {strides = array<i32>} : memref<128x128xf32, #tpu.memory_space<vmem>>, vector<1x16xf32>,
      %broadcast_in_dim3A_93 = arith.constant 0.000000e+00 : f32
      %broadcast_in_dim3A_94 = vector.broadcast %broadcast_in_dim3A_93 : f32 to vector<16xf32>
      %swap3A_95 = arith.index_cast %scan3A_43 : i32 to index
      %swap3A_96 = arith.constant 112 : index
      %swap3A_97 = tpu.vector_load %arg9[%swap3A_95, %swap3A_96] {strides = array<i32>} : memref<128x128xf32, #tpu.memory_space<vmem>>, vector<1x16xf32>,
      %swap3A_98 = vector.shape_cast %swap3A_97 : vector<1x16xf32> to vector<16xf32>
      %swap3A_99 = vector.shape_cast %broadcast_in_dim3A_94 : vector<16xf32> to vector<1x16xf32>
      tpu.vector_store %arg9[%swap3A_95, %swap3A_96], %swap3A_99 {strides = array<i32>} : memref<128x128xf32, #tpu.memory_space<vmem>>, vector<1x16xf32>,
      %scan3A_100 = arith.constant 0 : i32
      scf.yield %scan3A_100 : i32
    }
    %scan3A_5 = arith.constant 128 : i32
    %mul3A = arith.constant 632 : i32
    %mul3A_6 = arith.muli %arg1, %mul3A : i32
    %add3A = arith.constant 0 : i32
    %add3A_7 = arith.addi %mul3A_6, %add3A : i32
    "tpu.region"() ({
      %run_scoped3A = tpu.sem_alloc : memref<!tpu.dma_semaphore, #tpu.memory_space<semaphore_mem>>
      %dma_start3A = arith.constant 0 : i32
      %dma_start3A_43 = tpu.memref_slice %arg6[%add3A_7, %dma_start3A] : memref<10112x128xf32, #tpu.memory_space<vmem_shared>> -> memref<128x128xf32, #tpu.memory_space<vmem_shared>>
      %dma_start3A_44 = arith.constant 0 : i32
      %dma_start3A_45 = tpu.memref_slice %arg6[%add3A_7, %dma_start3A_44] : memref<10112x128xf32, #tpu.memory_space<vmem_shared>> -> memref<128x128xf32, #tpu.memory_space<vmem_shared>>
      tpu.enqueue_dma source(%arg9 : memref<128x128xf32, #tpu.memory_space<vmem>>) target(%dma_start3A_45 : memref<128x128xf32, #tpu.memory_space<vmem_shared>>) target_semaphore(%run_scoped3A : memref<!tpu.dma_semaphore, #tpu.memory_space<semaphore_mem>>)
      %dma_wait3A = arith.constant 0 : i32
      %dma_wait3A_46 = tpu.memref_slice %arg6[%add3A_7, %dma_wait3A] : memref<10112x128xf32, #tpu.memory_space<vmem_shared>> -> memref<128x128xf32, #tpu.memory_space<vmem_shared>>
      %dma_wait3A_47 = arith.constant 0 : i32
      %dma_wait3A_48 = tpu.memref_slice %arg6[%add3A_7, %dma_wait3A_47] : memref<10112x128xf32, #tpu.memory_space<vmem_shared>> -> memref<128x128xf32, #tpu.memory_space<vmem_shared>>
      tpu.wait_dma2 semaphore(%run_scoped3A : memref<!tpu.dma_semaphore, #tpu.memory_space<semaphore_mem>>) src(%arg9 : memref<128x128xf32, #tpu.memory_space<vmem>>) dst(%dma_wait3A_48 : memref<128x128xf32, #tpu.memory_space<vmem_shared>>)
      tpu.yield
    }) : () -> ()
    %mul3A_8 = arith.constant 632 : i32
    %mul3A_9 = arith.muli %arg1, %mul3A_8 : i32
    %add3A_10 = arith.constant 128 : i32
    %add3A_11 = arith.addi %mul3A_9, %add3A_10 : i32
    "tpu.region"() ({
      %run_scoped3A = tpu.sem_alloc : memref<!tpu.dma_semaphore, #tpu.memory_space<semaphore_mem>>
      %dma_start3A = arith.constant 0 : i32
      %dma_start3A_43 = tpu.memref_slice %arg6[%add3A_11, %dma_start3A] : memref<10112x128xf32, #tpu.memory_space<vmem_shared>> -> memref<128x128xf32, #tpu.memory_space<vmem_shared>>
      %dma_start3A_44 = arith.constant 0 : i32
      %dma_start3A_45 = tpu.memref_slice %arg6[%add3A_11, %dma_start3A_44] : memref<10112x128xf32, #tpu.memory_space<vmem_shared>> -> memref<128x128xf32, #tpu.memory_space<vmem_shared>>
      tpu.enqueue_dma source(%arg9 : memref<128x128xf32, #tpu.memory_space<vmem>>) target(%dma_start3A_45 : memref<128x128xf32, #tpu.memory_space<vmem_shared>>) target_semaphore(%run_scoped3A : memref<!tpu.dma_semaphore, #tpu.memory_space<semaphore_mem>>)
      %dma_wait3A = arith.constant 0 : i32
      %dma_wait3A_46 = tpu.memref_slice %arg6[%add3A_11, %dma_wait3A] : memref<10112x128xf32, #tpu.memory_space<vmem_shared>> -> memref<128x128xf32, #tpu.memory_space<vmem_shared>>
      %dma_wait3A_47 = arith.constant 0 : i32
      %dma_wait3A_48 = tpu.memref_slice %arg6[%add3A_11, %dma_wait3A_47] : memref<10112x128xf32, #tpu.memory_space<vmem_shared>> -> memref<128x128xf32, #tpu.memory_space<vmem_shared>>
      tpu.wait_dma2 semaphore(%run_scoped3A : memref<!tpu.dma_semaphore, #tpu.memory_space<semaphore_mem>>) src(%arg9 : memref<128x128xf32, #tpu.memory_space<vmem>>) dst(%dma_wait3A_48 : memref<128x128xf32, #tpu.memory_space<vmem_shared>>)
      tpu.yield
    }) : () -> ()
    %mul3A_12 = arith.constant 632 : i32
    %mul3A_13 = arith.muli %arg1, %mul3A_12 : i32
    %add3A_14 = arith.constant 256 : i32
    %add3A_15 = arith.addi %mul3A_13, %add3A_14 : i32
    "tpu.region"() ({
      %run_scoped3A = tpu.sem_alloc : memref<!tpu.dma_semaphore, #tpu.memory_space<semaphore_mem>>
      %dma_start3A = arith.constant 0 : i32
      %dma_start3A_43 = tpu.memref_slice %arg6[%add3A_15, %dma_start3A] : memref<10112x128xf32, #tpu.memory_space<vmem_shared>> -> memref<128x128xf32, #tpu.memory_space<vmem_shared>>
      %dma_start3A_44 = arith.constant 0 : i32
      %dma_start3A_45 = tpu.memref_slice %arg6[%add3A_15, %dma_start3A_44] : memref<10112x128xf32, #tpu.memory_space<vmem_shared>> -> memref<128x128xf32, #tpu.memory_space<vmem_shared>>
      tpu.enqueue_dma source(%arg9 : memref<128x128xf32, #tpu.memory_space<vmem>>) target(%dma_start3A_45 : memref<128x128xf32, #tpu.memory_space<vmem_shared>>) target_semaphore(%run_scoped3A : memref<!tpu.dma_semaphore, #tpu.memory_space<semaphore_mem>>)
      %dma_wait3A = arith.constant 0 : i32
      %dma_wait3A_46 = tpu.memref_slice %arg6[%add3A_15, %dma_wait3A] : memref<10112x128xf32, #tpu.memory_space<vmem_shared>> -> memref<128x128xf32, #tpu.memory_space<vmem_shared>>
      %dma_wait3A_47 = arith.constant 0 : i32
      %dma_wait3A_48 = tpu.memref_slice %arg6[%add3A_15, %dma_wait3A_47] : memref<10112x128xf32, #tpu.memory_space<vmem_shared>> -> memref<128x128xf32, #tpu.memory_space<vmem_shared>>
      tpu.wait_dma2 semaphore(%run_scoped3A : memref<!tpu.dma_semaphore, #tpu.memory_space<semaphore_mem>>) src(%arg9 : memref<128x128xf32, #tpu.memory_space<vmem>>) dst(%dma_wait3A_48 : memref<128x128xf32, #tpu.memory_space<vmem_shared>>)
      tpu.yield
    }) : () -> ()
    %mul3A_16 = arith.constant 632 : i32
    %mul3A_17 = arith.muli %arg1, %mul3A_16 : i32
    %add3A_18 = arith.constant 384 : i32
    %add3A_19 = arith.addi %mul3A_17, %add3A_18 : i32
    "tpu.region"() ({
      %run_scoped3A = tpu.sem_alloc : memref<!tpu.dma_semaphore, #tpu.memory_space<semaphore_mem>>
      %dma_start3A = arith.constant 0 : i32
      %dma_start3A_43 = tpu.memref_slice %arg6[%add3A_19, %dma_start3A] : memref<10112x128xf32, #tpu.memory_space<vmem_shared>> -> memref<128x128xf32, #tpu.memory_space<vmem_shared>>
      %dma_start3A_44 = arith.constant 0 : i32
      %dma_start3A_45 = tpu.memref_slice %arg6[%add3A_19, %dma_start3A_44] : memref<10112x128xf32, #tpu.memory_space<vmem_shared>> -> memref<128x128xf32, #tpu.memory_space<vmem_shared>>
      tpu.enqueue_dma source(%arg9 : memref<128x128xf32, #tpu.memory_space<vmem>>) target(%dma_start3A_45 : memref<128x128xf32, #tpu.memory_space<vmem_shared>>) target_semaphore(%run_scoped3A : memref<!tpu.dma_semaphore, #tpu.memory_space<semaphore_mem>>)
      %dma_wait3A = arith.constant 0 : i32
      %dma_wait3A_46 = tpu.memref_slice %arg6[%add3A_19, %dma_wait3A] : memref<10112x128xf32, #tpu.memory_space<vmem_shared>> -> memref<128x128xf32, #tpu.memory_space<vmem_shared>>
      %dma_wait3A_47 = arith.constant 0 : i32
      %dma_wait3A_48 = tpu.memref_slice %arg6[%add3A_19, %dma_wait3A_47] : memref<10112x128xf32, #tpu.memory_space<vmem_shared>> -> memref<128x128xf32, #tpu.memory_space<vmem_shared>>
      tpu.wait_dma2 semaphore(%run_scoped3A : memref<!tpu.dma_semaphore, #tpu.memory_space<semaphore_mem>>) src(%arg9 : memref<128x128xf32, #tpu.memory_space<vmem>>) dst(%dma_wait3A_48 : memref<128x128xf32, #tpu.memory_space<vmem_shared>>)
      tpu.yield
    }) : () -> ()
    %mul3A_20 = arith.constant 632 : i32
    %mul3A_21 = arith.muli %arg1, %mul3A_20 : i32
    %add3A_22 = arith.constant 512 : i32
    %add3A_23 = arith.addi %mul3A_21, %add3A_22 : i32
    "tpu.region"() ({
      %run_scoped3A = tpu.sem_alloc : memref<!tpu.dma_semaphore, #tpu.memory_space<semaphore_mem>>
      %dma_start3A = arith.constant 0 : i32
      %dma_start3A_43 = arith.constant 0 : i32
      %dma_start3A_44 = tpu.memref_slice %arg9[%dma_start3A, %dma_start3A_43] : memref<128x128xf32, #tpu.memory_space<vmem>> -> memref<120x128xf32, #tpu.memory_space<vmem>>
      %dma_start3A_45 = arith.constant 0 : i32
      %dma_start3A_46 = tpu.memref_slice %arg6[%add3A_23, %dma_start3A_45] : memref<10112x128xf32, #tpu.memory_space<vmem_shared>> -> memref<120x128xf32, #tpu.memory_space<vmem_shared>>
      %dma_start3A_47 = arith.constant 0 : i32
      %dma_start3A_48 = tpu.memref_slice %arg6[%add3A_23, %dma_start3A_47] : memref<10112x128xf32, #tpu.memory_space<vmem_shared>> -> memref<120x128xf32, #tpu.memory_space<vmem_shared>>
      %dma_start3A_49 = arith.constant 0 : i32
      %dma_start3A_50 = arith.constant 0 : i32
      %dma_start3A_51 = tpu.memref_slice %arg9[%dma_start3A_49, %dma_start3A_50] : memref<128x128xf32, #tpu.memory_space<vmem>> -> memref<120x128xf32, #tpu.memory_space<vmem>>
      tpu.enqueue_dma source(%dma_start3A_51 : memref<120x128xf32, #tpu.memory_space<vmem>>) target(%dma_start3A_48 : memref<120x128xf32, #tpu.memory_space<vmem_shared>>) target_semaphore(%run_scoped3A : memref<!tpu.dma_semaphore, #tpu.memory_space<semaphore_mem>>)
      %dma_wait3A = arith.constant 0 : i32
      %dma_wait3A_52 = arith.constant 0 : i32
      %dma_wait3A_53 = tpu.memref_slice %arg9[%dma_wait3A, %dma_wait3A_52] : memref<128x128xf32, #tpu.memory_space<vmem>> -> memref<120x128xf32, #tpu.memory_space<vmem>>
      %dma_wait3A_54 = arith.constant 0 : i32
      %dma_wait3A_55 = tpu.memref_slice %arg6[%add3A_23, %dma_wait3A_54] : memref<10112x128xf32, #tpu.memory_space<vmem_shared>> -> memref<120x128xf32, #tpu.memory_space<vmem_shared>>
      %dma_wait3A_56 = arith.constant 0 : i32
      %dma_wait3A_57 = tpu.memref_slice %arg6[%add3A_23, %dma_wait3A_56] : memref<10112x128xf32, #tpu.memory_space<vmem_shared>> -> memref<120x128xf32, #tpu.memory_space<vmem_shared>>
      %dma_wait3A_58 = arith.constant 0 : i32
      %dma_wait3A_59 = arith.constant 0 : i32
      %dma_wait3A_60 = tpu.memref_slice %arg9[%dma_wait3A_58, %dma_wait3A_59] : memref<128x128xf32, #tpu.memory_space<vmem>> -> memref<120x128xf32, #tpu.memory_space<vmem>>
      tpu.wait_dma2 semaphore(%run_scoped3A : memref<!tpu.dma_semaphore, #tpu.memory_space<semaphore_mem>>) src(%dma_wait3A_60 : memref<120x128xf32, #tpu.memory_space<vmem>>) dst(%dma_wait3A_57 : memref<120x128xf32, #tpu.memory_space<vmem_shared>>)
      tpu.yield
    }) : () -> ()
    %barrier3A = arith.constant 0 : index
    tpu.barrier barrier_id(%barrier3A)
    %broadcast_in_dim3A = arith.constant 1 : i32
    %broadcast_in_dim3A_24 = vector.broadcast %broadcast_in_dim3A : i32 to vector<16xi32>
    %mul3A_25 = arith.constant 10000 : i32
    %mul3A_26 = arith.muli %arg0, %mul3A_25 : i32
    %mul3A_27 = vector.broadcast %mul3A_26 : i32 to vector<16xi32>
    %mul3A_28 = arith.muli %broadcast_in_dim3A_24, %mul3A_27 : vector<16xi32>
    %scan3A_29 = arith.constant 0 : i32
    %scan3A_30 = arith.constant 0 : i32
    %scan3A_31 = arith.constant 5 : i32
    %scan3A_32 = arith.addi %scan3A_30, %scan3A_31 : i32
    %scan3A_33 = arith.constant 1 : i32
    %scan3A_34 = scf.for %scan3A_43 = %scan3A_30 to %scan3A_32 step %scan3A_33 iter_args(%scan3A_44 = %scan3A_29) -> (i32)  : i32 {
      %mul3A_45 = arith.constant 160 : i32
      %mul3A_46 = arith.muli %arg1, %mul3A_45 : i32
      %mul3A_47 = arith.constant 32 : i32
      %mul3A_48 = arith.muli %scan3A_43, %mul3A_47 : i32
      %add3A_49 = arith.addi %mul3A_46, %mul3A_48 : i32
      "tpu.region"() ({
        %run_scoped3A = tpu.sem_alloc : memref<!tpu.dma_semaphore, #tpu.memory_space<semaphore_mem>>
        %dma_start3A_71 = arith.constant 0 : i32
        %dma_start3A_72 = tpu.memref_slice %arg3[%add3A_49, %dma_start3A_71] : memref<2560x128xi32, #tpu.memory_space<hbm>> -> memref<32x128xi32, #tpu.memory_space<hbm>>
        %dma_start3A_73 = arith.constant 0 : i32
        %dma_start3A_74 = tpu.memref_slice %arg3[%add3A_49, %dma_start3A_73] : memref<2560x128xi32, #tpu.memory_space<hbm>> -> memref<32x128xi32, #tpu.memory_space<hbm>>
        tpu.enqueue_dma source(%dma_start3A_74 : memref<32x128xi32, #tpu.memory_space<hbm>>) target(%arg7 : memref<32x128xi32, #tpu.memory_space<vmem>>) target_semaphore(%run_scoped3A : memref<!tpu.dma_semaphore, #tpu.memory_space<semaphore_mem>>)
        %dma_wait3A = arith.constant 0 : i32
        %dma_wait3A_75 = tpu.memref_slice %arg3[%add3A_49, %dma_wait3A] : memref<2560x128xi32, #tpu.memory_space<hbm>> -> memref<32x128xi32, #tpu.memory_space<hbm>>
        %dma_wait3A_76 = arith.constant 0 : i32
        %dma_wait3A_77 = tpu.memref_slice %arg3[%add3A_49, %dma_wait3A_76] : memref<2560x128xi32, #tpu.memory_space<hbm>> -> memref<32x128xi32, #tpu.memory_space<hbm>>
        tpu.wait_dma2 semaphore(%run_scoped3A : memref<!tpu.dma_semaphore, #tpu.memory_space<semaphore_mem>>) src(%dma_wait3A_77 : memref<32x128xi32, #tpu.memory_space<hbm>>) dst(%arg7 : memref<32x128xi32, #tpu.memory_space<vmem>>)
        tpu.yield
      }) : () -> ()
      "tpu.region"() ({
        %run_scoped3A = tpu.sem_alloc : memref<!tpu.dma_semaphore, #tpu.memory_space<semaphore_mem>>
        %dma_start3A_71 = arith.constant 0 : i32
        %dma_start3A_72 = tpu.memref_slice %arg4[%add3A_49, %dma_start3A_71] : memref<2560x128xi32, #tpu.memory_space<hbm>> -> memref<32x128xi32, #tpu.memory_space<hbm>>
        %dma_start3A_73 = arith.constant 0 : i32
        %dma_start3A_74 = tpu.memref_slice %arg4[%add3A_49, %dma_start3A_73] : memref<2560x128xi32, #tpu.memory_space<hbm>> -> memref<32x128xi32, #tpu.memory_space<hbm>>
        tpu.enqueue_dma source(%dma_start3A_74 : memref<32x128xi32, #tpu.memory_space<hbm>>) target(%arg8 : memref<32x128xi32, #tpu.memory_space<vmem>>) target_semaphore(%run_scoped3A : memref<!tpu.dma_semaphore, #tpu.memory_space<semaphore_mem>>)
        %dma_wait3A = arith.constant 0 : i32
        %dma_wait3A_75 = tpu.memref_slice %arg4[%add3A_49, %dma_wait3A] : memref<2560x128xi32, #tpu.memory_space<hbm>> -> memref<32x128xi32, #tpu.memory_space<hbm>>
        %dma_wait3A_76 = arith.constant 0 : i32
        %dma_wait3A_77 = tpu.memref_slice %arg4[%add3A_49, %dma_wait3A_76] : memref<2560x128xi32, #tpu.memory_space<hbm>> -> memref<32x128xi32, #tpu.memory_space<hbm>>
        tpu.wait_dma2 semaphore(%run_scoped3A : memref<!tpu.dma_semaphore, #tpu.memory_space<semaphore_mem>>) src(%dma_wait3A_77 : memref<32x128xi32, #tpu.memory_space<hbm>>) dst(%arg8 : memref<32x128xi32, #tpu.memory_space<vmem>>)
        tpu.yield
      }) : () -> ()
      %scan3A_50 = arith.constant 0 : i32
      %scan3A_51 = arith.constant 0 : i32
      %scan3A_52 = arith.constant 32 : i32
      %scan3A_53 = arith.addi %scan3A_51, %scan3A_52 : i32
      %scan3A_54 = arith.constant 1 : i32
      %scan3A_55 = scf.for %scan3A_71 = %scan3A_51 to %scan3A_53 step %scan3A_54 iter_args(%scan3A_72 = %scan3A_50) -> (i32)  : i32 {
        %get3A = arith.index_cast %scan3A_71 : i32 to index
        %get3A_73 = arith.constant 0 : index
        %get3A_74 = tpu.vector_load %arg7[%get3A, %get3A_73] {strides = array<i32>} : memref<32x128xi32, #tpu.memory_space<vmem>>, vector<1x16xi32>,
        %get3A_75 = vector.shape_cast %get3A_74 : vector<1x16xi32> to vector<16xi32>
        %add3A_76 = arith.addi %get3A_75, %mul3A_28 : vector<16xi32>
        %swap3A = arith.index_cast %scan3A_71 : i32 to index
        %swap3A_77 = arith.constant 0 : index
        %swap3A_78 = tpu.vector_load %arg7[%swap3A, %swap3A_77] {strides = array<i32>} : memref<32x128xi32, #tpu.memory_space<vmem>>, vector<1x16xi32>,
        %swap3A_79 = vector.shape_cast %swap3A_78 : vector<1x16xi32> to vector<16xi32>
        %swap3A_80 = vector.shape_cast %add3A_76 : vector<16xi32> to vector<1x16xi32>
        tpu.vector_store %arg7[%swap3A, %swap3A_77], %swap3A_80 {strides = array<i32>} : memref<32x128xi32, #tpu.memory_space<vmem>>, vector<1x16xi32>,
        %get3A_81 = arith.index_cast %scan3A_71 : i32 to index
        %get3A_82 = arith.constant 16 : index
        %get3A_83 = tpu.vector_load %arg7[%get3A_81, %get3A_82] {strides = array<i32>} : memref<32x128xi32, #tpu.memory_space<vmem>>, vector<1x16xi32>,
        %get3A_84 = vector.shape_cast %get3A_83 : vector<1x16xi32> to vector<16xi32>
        %add3A_85 = arith.addi %get3A_84, %mul3A_28 : vector<16xi32>
        %swap3A_86 = arith.index_cast %scan3A_71 : i32 to index
        %swap3A_87 = arith.constant 16 : index
        %swap3A_88 = tpu.vector_load %arg7[%swap3A_86, %swap3A_87] {strides = array<i32>} : memref<32x128xi32, #tpu.memory_space<vmem>>, vector<1x16xi32>,
        %swap3A_89 = vector.shape_cast %swap3A_88 : vector<1x16xi32> to vector<16xi32>
        %swap3A_90 = vector.shape_cast %add3A_85 : vector<16xi32> to vector<1x16xi32>
        tpu.vector_store %arg7[%swap3A_86, %swap3A_87], %swap3A_90 {strides = array<i32>} : memref<32x128xi32, #tpu.memory_space<vmem>>, vector<1x16xi32>,
        %get3A_91 = arith.index_cast %scan3A_71 : i32 to index
        %get3A_92 = arith.constant 32 : index
        %get3A_93 = tpu.vector_load %arg7[%get3A_91, %get3A_92] {strides = array<i32>} : memref<32x128xi32, #tpu.memory_space<vmem>>, vector<1x16xi32>,
        %get3A_94 = vector.shape_cast %get3A_93 : vector<1x16xi32> to vector<16xi32>
        %add3A_95 = arith.addi %get3A_94, %mul3A_28 : vector<16xi32>
        %swap3A_96 = arith.index_cast %scan3A_71 : i32 to index
        %swap3A_97 = arith.constant 32 : index
        %swap3A_98 = tpu.vector_load %arg7[%swap3A_96, %swap3A_97] {strides = array<i32>} : memref<32x128xi32, #tpu.memory_space<vmem>>, vector<1x16xi32>,
        %swap3A_99 = vector.shape_cast %swap3A_98 : vector<1x16xi32> to vector<16xi32>
        %swap3A_100 = vector.shape_cast %add3A_95 : vector<16xi32> to vector<1x16xi32>
        tpu.vector_store %arg7[%swap3A_96, %swap3A_97], %swap3A_100 {strides = array<i32>} : memref<32x128xi32, #tpu.memory_space<vmem>>, vector<1x16xi32>,
        %get3A_101 = arith.index_cast %scan3A_71 : i32 to index
        %get3A_102 = arith.constant 48 : index
        %get3A_103 = tpu.vector_load %arg7[%get3A_101, %get3A_102] {strides = array<i32>} : memref<32x128xi32, #tpu.memory_space<vmem>>, vector<1x16xi32>,
        %get3A_104 = vector.shape_cast %get3A_103 : vector<1x16xi32> to vector<16xi32>
        %add3A_105 = arith.addi %get3A_104, %mul3A_28 : vector<16xi32>
        %swap3A_106 = arith.index_cast %scan3A_71 : i32 to index
        %swap3A_107 = arith.constant 48 : index
        %swap3A_108 = tpu.vector_load %arg7[%swap3A_106, %swap3A_107] {strides = array<i32>} : memref<32x128xi32, #tpu.memory_space<vmem>>, vector<1x16xi32>,
        %swap3A_109 = vector.shape_cast %swap3A_108 : vector<1x16xi32> to vector<16xi32>
        %swap3A_110 = vector.shape_cast %add3A_105 : vector<16xi32> to vector<1x16xi32>
        tpu.vector_store %arg7[%swap3A_106, %swap3A_107], %swap3A_110 {strides = array<i32>} : memref<32x128xi32, #tpu.memory_space<vmem>>, vector<1x16xi32>,
        %get3A_111 = arith.index_cast %scan3A_71 : i32 to index
        %get3A_112 = arith.constant 64 : index
        %get3A_113 = tpu.vector_load %arg7[%get3A_111, %get3A_112] {strides = array<i32>} : memref<32x128xi32, #tpu.memory_space<vmem>>, vector<1x16xi32>,
        %get3A_114 = vector.shape_cast %get3A_113 : vector<1x16xi32> to vector<16xi32>
        %add3A_115 = arith.addi %get3A_114, %mul3A_28 : vector<16xi32>
        %swap3A_116 = arith.index_cast %scan3A_71 : i32 to index
        %swap3A_117 = arith.constant 64 : index
        %swap3A_118 = tpu.vector_load %arg7[%swap3A_116, %swap3A_117] {strides = array<i32>} : memref<32x128xi32, #tpu.memory_space<vmem>>, vector<1x16xi32>,
        %swap3A_119 = vector.shape_cast %swap3A_118 : vector<1x16xi32> to vector<16xi32>
        %swap3A_120 = vector.shape_cast %add3A_115 : vector<16xi32> to vector<1x16xi32>
        tpu.vector_store %arg7[%swap3A_116, %swap3A_117], %swap3A_120 {strides = array<i32>} : memref<32x128xi32, #tpu.memory_space<vmem>>, vector<1x16xi32>,
        %get3A_121 = arith.index_cast %scan3A_71 : i32 to index
        %get3A_122 = arith.constant 80 : index
        %get3A_123 = tpu.vector_load %arg7[%get3A_121, %get3A_122] {strides = array<i32>} : memref<32x128xi32, #tpu.memory_space<vmem>>, vector<1x16xi32>,
        %get3A_124 = vector.shape_cast %get3A_123 : vector<1x16xi32> to vector<16xi32>
        %add3A_125 = arith.addi %get3A_124, %mul3A_28 : vector<16xi32>
        %swap3A_126 = arith.index_cast %scan3A_71 : i32 to index
        %swap3A_127 = arith.constant 80 : index
        %swap3A_128 = tpu.vector_load %arg7[%swap3A_126, %swap3A_127] {strides = array<i32>} : memref<32x128xi32, #tpu.memory_space<vmem>>, vector<1x16xi32>,
        %swap3A_129 = vector.shape_cast %swap3A_128 : vector<1x16xi32> to vector<16xi32>
        %swap3A_130 = vector.shape_cast %add3A_125 : vector<16xi32> to vector<1x16xi32>
        tpu.vector_store %arg7[%swap3A_126, %swap3A_127], %swap3A_130 {strides = array<i32>} : memref<32x128xi32, #tpu.memory_space<vmem>>, vector<1x16xi32>,
        %get3A_131 = arith.index_cast %scan3A_71 : i32 to index
        %get3A_132 = arith.constant 96 : index
        %get3A_133 = tpu.vector_load %arg7[%get3A_131, %get3A_132] {strides = array<i32>} : memref<32x128xi32, #tpu.memory_space<vmem>>, vector<1x16xi32>,
        %get3A_134 = vector.shape_cast %get3A_133 : vector<1x16xi32> to vector<16xi32>
        %add3A_135 = arith.addi %get3A_134, %mul3A_28 : vector<16xi32>
        %swap3A_136 = arith.index_cast %scan3A_71 : i32 to index
        %swap3A_137 = arith.constant 96 : index
        %swap3A_138 = tpu.vector_load %arg7[%swap3A_136, %swap3A_137] {strides = array<i32>} : memref<32x128xi32, #tpu.memory_space<vmem>>, vector<1x16xi32>,
        %swap3A_139 = vector.shape_cast %swap3A_138 : vector<1x16xi32> to vector<16xi32>
        %swap3A_140 = vector.shape_cast %add3A_135 : vector<16xi32> to vector<1x16xi32>
        tpu.vector_store %arg7[%swap3A_136, %swap3A_137], %swap3A_140 {strides = array<i32>} : memref<32x128xi32, #tpu.memory_space<vmem>>, vector<1x16xi32>,
        %get3A_141 = arith.index_cast %scan3A_71 : i32 to index
        %get3A_142 = arith.constant 112 : index
        %get3A_143 = tpu.vector_load %arg7[%get3A_141, %get3A_142] {strides = array<i32>} : memref<32x128xi32, #tpu.memory_space<vmem>>, vector<1x16xi32>,
        %get3A_144 = vector.shape_cast %get3A_143 : vector<1x16xi32> to vector<16xi32>
        %add3A_145 = arith.addi %get3A_144, %mul3A_28 : vector<16xi32>
        %swap3A_146 = arith.index_cast %scan3A_71 : i32 to index
        %swap3A_147 = arith.constant 112 : index
        %swap3A_148 = tpu.vector_load %arg7[%swap3A_146, %swap3A_147] {strides = array<i32>} : memref<32x128xi32, #tpu.memory_space<vmem>>, vector<1x16xi32>,
        %swap3A_149 = vector.shape_cast %swap3A_148 : vector<1x16xi32> to vector<16xi32>
        %swap3A_150 = vector.shape_cast %add3A_145 : vector<16xi32> to vector<1x16xi32>
        tpu.vector_store %arg7[%swap3A_146, %swap3A_147], %swap3A_150 {strides = array<i32>} : memref<32x128xi32, #tpu.memory_space<vmem>>, vector<1x16xi32>,
        %scan3A_151 = arith.constant 0 : i32
        scf.yield %scan3A_151 : i32
      }
      %scan3A_56 = arith.constant 32 : i32
      %dma_start3A = arith.constant 0 : i32
      %dma_start3A_57 = arith.constant 0 : i32
      %dma_start3A_58 = tpu.memref_slice %arg7[%dma_start3A, %dma_start3A_57] : memref<32x128xi32, #tpu.memory_space<vmem>> -> memref<1x128xi32, #tpu.memory_space<vmem>>
      %dma_start3A_59 = tpu.memref_squeeze %dma_start3A_58 : memref<1x128xi32, #tpu.memory_space<vmem>> -> memref<128xi32, #tpu.memory_space<vmem>>
      %dma_start3A_60 = arith.constant 0 : i32
      %dma_start3A_61 = arith.constant 0 : i32
      %dma_start3A_62 = tpu.memref_slice %arg2[%dma_start3A_60, %dma_start3A_61] : memref<20000x128xf32, #tpu.memory_space<hbm>> -> memref<20000x128xf32, #tpu.memory_space<hbm>>
      tpu.enqueue_indirect_dma source(%dma_start3A_62 : memref<20000x128xf32, #tpu.memory_space<hbm>>) target(%arg9 : memref<128x128xf32, #tpu.memory_space<vmem>>) offsets(%dma_start3A_59 : memref<128xi32, #tpu.memory_space<vmem>>) semaphore(%arg11 : memref<!tpu.dma_semaphore, #tpu.memory_space<semaphore_mem>>)
      %scan3A_63 = arith.constant 0 : i32
      %scan3A_64 = arith.constant 0 : i32
      %scan3A_65 = arith.constant 16 : i32
      %scan3A_66 = arith.addi %scan3A_64, %scan3A_65 : i32
      %scan3A_67 = arith.constant 1 : i32
      %scan3A_68 = scf.for %scan3A_71 = %scan3A_64 to %scan3A_66 step %scan3A_67 iter_args(%scan3A_72 = %scan3A_63) -> (i32)  : i32 {
        %mul3A_73 = arith.constant 2 : i32
        %mul3A_74 = arith.muli %mul3A_73, %scan3A_71 : i32
        %add3A_75 = arith.constant 1 : i32
        %add3A_76 = arith.addi %mul3A_74, %add3A_75 : i32
        %dma_start3A_77 = arith.constant 0 : i32
        %dma_start3A_78 = tpu.memref_slice %arg7[%add3A_76, %dma_start3A_77] : memref<32x128xi32, #tpu.memory_space<vmem>> -> memref<1x128xi32, #tpu.memory_space<vmem>>
        %dma_start3A_79 = tpu.memref_squeeze %dma_start3A_78 : memref<1x128xi32, #tpu.memory_space<vmem>> -> memref<128xi32, #tpu.memory_space<vmem>>
        %dma_start3A_80 = arith.constant 0 : i32
        %dma_start3A_81 = arith.constant 0 : i32
        %dma_start3A_82 = tpu.memref_slice %arg2[%dma_start3A_80, %dma_start3A_81] : memref<20000x128xf32, #tpu.memory_space<hbm>> -> memref<20000x128xf32, #tpu.memory_space<hbm>>
        tpu.enqueue_indirect_dma source(%dma_start3A_82 : memref<20000x128xf32, #tpu.memory_space<hbm>>) target(%arg10 : memref<128x128xf32, #tpu.memory_space<vmem>>) offsets(%dma_start3A_79 : memref<128xi32, #tpu.memory_space<vmem>>) semaphore(%arg12 : memref<!tpu.dma_semaphore, #tpu.memory_space<semaphore_mem>>)
        %dma_wait3A = arith.constant 0 : i32
        %dma_wait3A_83 = tpu.memref_slice %arg7[%mul3A_74, %dma_wait3A] : memref<32x128xi32, #tpu.memory_space<vmem>> -> memref<1x128xi32, #tpu.memory_space<vmem>>
        %dma_wait3A_84 = tpu.memref_squeeze %dma_wait3A_83 : memref<1x128xi32, #tpu.memory_space<vmem>> -> memref<128xi32, #tpu.memory_space<vmem>>
        %dma_wait3A_85 = arith.constant 0 : i32
        %dma_wait3A_86 = arith.constant 0 : i32
        %dma_wait3A_87 = tpu.memref_slice %arg2[%dma_wait3A_85, %dma_wait3A_86] : memref<20000x128xf32, #tpu.memory_space<hbm>> -> memref<20000x128xf32, #tpu.memory_space<hbm>>
        tpu.wait_indirect_dma semaphore(%arg11 : memref<!tpu.dma_semaphore, #tpu.memory_space<semaphore_mem>>) src(%dma_wait3A_87 : memref<20000x128xf32, #tpu.memory_space<hbm>>) dst(%arg9 : memref<128x128xf32, #tpu.memory_space<vmem>>)
        "tpu.region"() ({
          %run_scoped3A = tpu.sem_alloc : memref<!tpu.dma_semaphore, #tpu.memory_space<semaphore_mem>>
          %dma_start3A_100 = arith.constant 0 : i32
          %dma_start3A_101 = tpu.memref_slice %arg8[%mul3A_74, %dma_start3A_100] : memref<32x128xi32, #tpu.memory_space<vmem>> -> memref<1x128xi32, #tpu.memory_space<vmem>>
          %dma_start3A_102 = tpu.memref_squeeze %dma_start3A_101 : memref<1x128xi32, #tpu.memory_space<vmem>> -> memref<128xi32, #tpu.memory_space<vmem>>
          %dma_start3A_103 = arith.constant 0 : i32
          %dma_start3A_104 = arith.constant 0 : i32
          %dma_start3A_105 = tpu.memref_slice %arg6[%dma_start3A_103, %dma_start3A_104] : memref<10112x128xf32, #tpu.memory_space<vmem_shared>> -> memref<10112x128xf32, #tpu.memory_space<vmem_shared>>
          tpu.enqueue_indirect_dma source(%arg9 : memref<128x128xf32, #tpu.memory_space<vmem>>) target(%dma_start3A_105 : memref<10112x128xf32, #tpu.memory_space<vmem_shared>>) offsets(%dma_start3A_102 : memref<128xi32, #tpu.memory_space<vmem>>) semaphore(%run_scoped3A : memref<!tpu.dma_semaphore, #tpu.memory_space<semaphore_mem>>) {add = true}
          %dma_wait3A_106 = arith.constant 0 : i32
          %dma_wait3A_107 = tpu.memref_slice %arg8[%mul3A_74, %dma_wait3A_106] : memref<32x128xi32, #tpu.memory_space<vmem>> -> memref<1x128xi32, #tpu.memory_space<vmem>>
          %dma_wait3A_108 = tpu.memref_squeeze %dma_wait3A_107 : memref<1x128xi32, #tpu.memory_space<vmem>> -> memref<128xi32, #tpu.memory_space<vmem>>
          %dma_wait3A_109 = arith.constant 0 : i32
          %dma_wait3A_110 = arith.constant 0 : i32
          %dma_wait3A_111 = tpu.memref_slice %arg6[%dma_wait3A_109, %dma_wait3A_110] : memref<10112x128xf32, #tpu.memory_space<vmem_shared>> -> memref<10112x128xf32, #tpu.memory_space<vmem_shared>>
          tpu.wait_indirect_dma semaphore(%run_scoped3A : memref<!tpu.dma_semaphore, #tpu.memory_space<semaphore_mem>>) src(%arg9 : memref<128x128xf32, #tpu.memory_space<vmem>>) dst(%dma_wait3A_111 : memref<10112x128xf32, #tpu.memory_space<vmem_shared>>)
          tpu.yield
        }) : () -> ()
        %lt3A_88 = arith.constant 15 : i32
        %lt3A_89 = arith.cmpi slt, %scan3A_71, %lt3A_88 : i32
        %convert_element_type3A_90 = arith.extui %lt3A_89 : i1 to i32
        %cond3A_91 = arith.constant 0 : i32
        %cond3A_92 = arith.cmpi ne, %convert_element_type3A_90, %cond3A_91 : i32
        scf.if %cond3A_92 {
          %add3A_100 = arith.constant 2 : i32
          %add3A_101 = arith.addi %mul3A_74, %add3A_100 : i32
          %dma_start3A_102 = arith.constant 0 : i32
          %dma_start3A_103 = tpu.memref_slice %arg7[%add3A_101, %dma_start3A_102] : memref<32x128xi32, #tpu.memory_space<vmem>> -> memref<1x128xi32, #tpu.memory_space<vmem>>
          %dma_start3A_104 = tpu.memref_squeeze %dma_start3A_103 : memref<1x128xi32, #tpu.memory_space<vmem>> -> memref<128xi32, #tpu.memory_space<vmem>>
          %dma_start3A_105 = arith.constant 0 : i32
          %dma_start3A_106 = arith.constant 0 : i32
          %dma_start3A_107 = tpu.memref_slice %arg2[%dma_start3A_105, %dma_start3A_106] : memref<20000x128xf32, #tpu.memory_space<hbm>> -> memref<20000x128xf32, #tpu.memory_space<hbm>>
          tpu.enqueue_indirect_dma source(%dma_start3A_107 : memref<20000x128xf32, #tpu.memory_space<hbm>>) target(%arg9 : memref<128x128xf32, #tpu.memory_space<vmem>>) offsets(%dma_start3A_104 : memref<128xi32, #tpu.memory_space<vmem>>) semaphore(%arg11 : memref<!tpu.dma_semaphore, #tpu.memory_space<semaphore_mem>>)
        } else {
        }
        %dma_wait3A_93 = arith.constant 0 : i32
        %dma_wait3A_94 = tpu.memref_slice %arg7[%add3A_76, %dma_wait3A_93] : memref<32x128xi32, #tpu.memory_space<vmem>> -> memref<1x128xi32, #tpu.memory_space<vmem>>
        %dma_wait3A_95 = tpu.memref_squeeze %dma_wait3A_94 : memref<1x128xi32, #tpu.memory_space<vmem>> -> memref<128xi32, #tpu.memory_space<vmem>>
        %dma_wait3A_96 = arith.constant 0 : i32
        %dma_wait3A_97 = arith.constant 0 : i32
        %dma_wait3A_98 = tpu.memref_slice %arg2[%dma_wait3A_96, %dma_wait3A_97] : memref<20000x128xf32, #tpu.memory_space<hbm>> -> memref<20000x128xf32, #tpu.memory_space<hbm>>
        tpu.wait_indirect_dma semaphore(%arg12 : memref<!tpu.dma_semaphore, #tpu.memory_space<semaphore_mem>>) src(%dma_wait3A_98 : memref<20000x128xf32, #tpu.memory_space<hbm>>) dst(%arg10 : memref<128x128xf32, #tpu.memory_space<vmem>>)
        "tpu.region"() ({
          %run_scoped3A = tpu.sem_alloc : memref<!tpu.dma_semaphore, #tpu.memory_space<semaphore_mem>>
          %dma_start3A_100 = arith.constant 0 : i32
          %dma_start3A_101 = tpu.memref_slice %arg8[%add3A_76, %dma_start3A_100] : memref<32x128xi32, #tpu.memory_space<vmem>> -> memref<1x128xi32, #tpu.memory_space<vmem>>
          %dma_start3A_102 = tpu.memref_squeeze %dma_start3A_101 : memref<1x128xi32, #tpu.memory_space<vmem>> -> memref<128xi32, #tpu.memory_space<vmem>>
          %dma_start3A_103 = arith.constant 0 : i32
          %dma_start3A_104 = arith.constant 0 : i32
          %dma_start3A_105 = tpu.memref_slice %arg6[%dma_start3A_103, %dma_start3A_104] : memref<10112x128xf32, #tpu.memory_space<vmem_shared>> -> memref<10112x128xf32, #tpu.memory_space<vmem_shared>>
          tpu.enqueue_indirect_dma source(%arg10 : memref<128x128xf32, #tpu.memory_space<vmem>>) target(%dma_start3A_105 : memref<10112x128xf32, #tpu.memory_space<vmem_shared>>) offsets(%dma_start3A_102 : memref<128xi32, #tpu.memory_space<vmem>>) semaphore(%run_scoped3A : memref<!tpu.dma_semaphore, #tpu.memory_space<semaphore_mem>>) {add = true}
          %dma_wait3A_106 = arith.constant 0 : i32
          %dma_wait3A_107 = tpu.memref_slice %arg8[%add3A_76, %dma_wait3A_106] : memref<32x128xi32, #tpu.memory_space<vmem>> -> memref<1x128xi32, #tpu.memory_space<vmem>>
          %dma_wait3A_108 = tpu.memref_squeeze %dma_wait3A_107 : memref<1x128xi32, #tpu.memory_space<vmem>> -> memref<128xi32, #tpu.memory_space<vmem>>
          %dma_wait3A_109 = arith.constant 0 : i32
          %dma_wait3A_110 = arith.constant 0 : i32
          %dma_wait3A_111 = tpu.memref_slice %arg6[%dma_wait3A_109, %dma_wait3A_110] : memref<10112x128xf32, #tpu.memory_space<vmem_shared>> -> memref<10112x128xf32, #tpu.memory_space<vmem_shared>>
          tpu.wait_indirect_dma semaphore(%run_scoped3A : memref<!tpu.dma_semaphore, #tpu.memory_space<semaphore_mem>>) src(%arg10 : memref<128x128xf32, #tpu.memory_space<vmem>>) dst(%dma_wait3A_111 : memref<10112x128xf32, #tpu.memory_space<vmem_shared>>)
          tpu.yield
        }) : () -> ()
        %scan3A_99 = arith.constant 0 : i32
        scf.yield %scan3A_99 : i32
      }
      %scan3A_69 = arith.constant 16 : i32
      %scan3A_70 = arith.constant 0 : i32
      scf.yield %scan3A_70 : i32
    }
    %scan3A_35 = arith.constant 5 : i32
    %barrier3A_36 = arith.constant 0 : index
    tpu.barrier barrier_id(%barrier3A_36)
    %lt3A = arith.constant 15 : i32
    %lt3A_37 = arith.cmpi slt, %arg1, %lt3A : i32
    %convert_element_type3A = arith.extui %lt3A_37 : i1 to i32
    %cond3A = arith.constant 0 : i32
    %cond3A_38 = arith.cmpi ne, %convert_element_type3A, %cond3A : i32
    scf.if %cond3A_38 {
      %mul3A_43 = arith.constant 632 : i32
      %mul3A_44 = arith.muli %arg1, %mul3A_43 : i32
      %mul3A_45 = arith.constant 10000 : i32
      %mul3A_46 = arith.muli %arg0, %mul3A_45 : i32
      %mul3A_47 = arith.constant 632 : i32
      %mul3A_48 = arith.muli %arg1, %mul3A_47 : i32
      %add3A_49 = arith.addi %mul3A_46, %mul3A_48 : i32
      "tpu.region"() ({
        %run_scoped3A = tpu.sem_alloc : memref<!tpu.dma_semaphore, #tpu.memory_space<semaphore_mem>>
        %dma_start3A = arith.constant 0 : i32
        %dma_start3A_50 = tpu.memref_slice %arg5[%add3A_49, %dma_start3A] : memref<20000x128xf32, #tpu.memory_space<hbm>> -> memref<632x128xf32, #tpu.memory_space<hbm>>
        %dma_start3A_51 = arith.constant 0 : i32
        %dma_start3A_52 = tpu.memref_slice %arg6[%mul3A_44, %dma_start3A_51] : memref<10112x128xf32, #tpu.memory_space<vmem_shared>> -> memref<632x128xf32, #tpu.memory_space<vmem_shared>>
        tpu.enqueue_dma source(%dma_start3A_52 : memref<632x128xf32, #tpu.memory_space<vmem_shared>>) target(%dma_start3A_50 : memref<632x128xf32, #tpu.memory_space<hbm>>) target_semaphore(%run_scoped3A : memref<!tpu.dma_semaphore, #tpu.memory_space<semaphore_mem>>)
        %dma_wait3A = arith.constant 0 : i32
        %dma_wait3A_53 = tpu.memref_slice %arg5[%add3A_49, %dma_wait3A] : memref<20000x128xf32, #tpu.memory_space<hbm>> -> memref<632x128xf32, #tpu.memory_space<hbm>>
        %dma_wait3A_54 = arith.constant 0 : i32
        %dma_wait3A_55 = tpu.memref_slice %arg6[%mul3A_44, %dma_wait3A_54] : memref<10112x128xf32, #tpu.memory_space<vmem_shared>> -> memref<632x128xf32, #tpu.memory_space<vmem_shared>>
        tpu.wait_dma2 semaphore(%run_scoped3A : memref<!tpu.dma_semaphore, #tpu.memory_space<semaphore_mem>>) src(%dma_wait3A_55 : memref<632x128xf32, #tpu.memory_space<vmem_shared>>) dst(%dma_wait3A_53 : memref<632x128xf32, #tpu.memory_space<hbm>>)
        tpu.yield
      }) : () -> ()
    } else {
    }
    %eq3A = arith.constant 15 : i32
    %eq3A_39 = arith.cmpi eq, %arg1, %eq3A : i32
    %convert_element_type3A_40 = arith.extui %eq3A_39 : i1 to i32
    %cond3A_41 = arith.constant 0 : i32
    %cond3A_42 = arith.cmpi ne, %convert_element_type3A_40, %cond3A_41 : i32
    scf.if %cond3A_42 {
      %mul3A_43 = arith.constant 10000 : i32
      %mul3A_44 = arith.muli %arg0, %mul3A_43 : i32
      %add3A_45 = arith.constant 9480 : i32
      %add3A_46 = arith.addi %mul3A_44, %add3A_45 : i32
      "tpu.region"() ({
        %run_scoped3A = tpu.sem_alloc : memref<!tpu.dma_semaphore, #tpu.memory_space<semaphore_mem>>
        %dma_start3A = arith.constant 0 : i32
        %dma_start3A_47 = tpu.memref_slice %arg5[%add3A_46, %dma_start3A] : memref<20000x128xf32, #tpu.memory_space<hbm>> -> memref<520x128xf32, #tpu.memory_space<hbm>>
        %dma_start3A_48 = arith.constant 9480 : i32
        %dma_start3A_49 = arith.constant 0 : i32
        %dma_start3A_50 = tpu.memref_slice %arg6[%dma_start3A_48, %dma_start3A_49] : memref<10112x128xf32, #tpu.memory_space<vmem_shared>> -> memref<520x128xf32, #tpu.memory_space<vmem_shared>>
        tpu.enqueue_dma source(%dma_start3A_50 : memref<520x128xf32, #tpu.memory_space<vmem_shared>>) target(%dma_start3A_47 : memref<520x128xf32, #tpu.memory_space<hbm>>) target_semaphore(%run_scoped3A : memref<!tpu.dma_semaphore, #tpu.memory_space<semaphore_mem>>)
        %dma_wait3A = arith.constant 0 : i32
        %dma_wait3A_51 = tpu.memref_slice %arg5[%add3A_46, %dma_wait3A] : memref<20000x128xf32, #tpu.memory_space<hbm>> -> memref<520x128xf32, #tpu.memory_space<hbm>>
        %dma_wait3A_52 = arith.constant 9480 : i32
        %dma_wait3A_53 = arith.constant 0 : i32
        %dma_wait3A_54 = tpu.memref_slice %arg6[%dma_wait3A_52, %dma_wait3A_53] : memref<10112x128xf32, #tpu.memory_space<vmem_shared>> -> memref<520x128xf32, #tpu.memory_space<vmem_shared>>
        tpu.wait_dma2 semaphore(%run_scoped3A : memref<!tpu.dma_semaphore, #tpu.memory_space<semaphore_mem>>) src(%dma_wait3A_54 : memref<520x128xf32, #tpu.memory_space<vmem_shared>>) dst(%dma_wait3A_51 : memref<520x128xf32, #tpu.memory_space<hbm>>)
        tpu.yield
      }) : () -> ()
    } else {
    }
    return
  }
}

#map = affine_map<(d0, d1) -> (0, 0)>
module attributes {stable_mosaic.version = 14 : i64} {
  func.func @_agg(%arg0: i32, %arg1: i32, %arg2: memref<20000x128xf32, #tpu.memory_space<hbm>>, %arg3: memref<2560x128xi32, #tpu.memory_space<hbm>>, %arg4: memref<2560x128xi32, #tpu.memory_space<hbm>>, %arg5: memref<20000x128xf32, #tpu.memory_space<hbm>>, %arg6: memref<10112x128xf32, #tpu.memory_space<vmem_shared>>, %arg7: memref<32x128xi32, #tpu.memory_space<vmem>>, %arg8: memref<32x128xi32, #tpu.memory_space<vmem>>, %arg9: memref<128x128xf32, #tpu.memory_space<vmem>>, %arg10: memref<128x128xf32, #tpu.memory_space<vmem>>, %arg11: memref<!tpu.dma_semaphore, #tpu.memory_space<semaphore_mem>>, %arg12: memref<!tpu.dma_semaphore, #tpu.memory_space<semaphore_mem>>) attributes {dimension_semantics = [#tpu.dimension_semantics<core_parallel>, #tpu.dimension_semantics<subcore_parallel>], iteration_bounds = array<i64: 2, 16>, scalar_prefetch = 0 : i64, scratch_operands = 7 : i64, tpu.core_type = #tpu.core_type<sc_vector_subcore>, window_params = [{transform_indices = #map}, {transform_indices = #map}, {transform_indices = #map}, {transform_indices = #map}]} {
    %scan3A = arith.constant 0 : i32
    %scan3A_0 = arith.constant 0 : i32
    %scan3A_1 = arith.constant 128 : i32
    %scan3A_2 = arith.addi %scan3A_0, %scan3A_1 : i32
    %scan3A_3 = arith.constant 1 : i32
    %scan3A_4 = scf.for %scan3A_43 = %scan3A_0 to %scan3A_2 step %scan3A_3 iter_args(%scan3A_44 = %scan3A) -> (i32)  : i32 {
      %broadcast_in_dim3A_45 = arith.constant 0.000000e+00 : f32
      %broadcast_in_dim3A_46 = vector.broadcast %broadcast_in_dim3A_45 : f32 to vector<16xf32>
      %swap3A = arith.index_cast %scan3A_43 : i32 to index
      %swap3A_47 = arith.constant 0 : index
      %swap3A_48 = tpu.vector_load %arg9[%swap3A, %swap3A_47] {strides = array<i32>} : memref<128x128xf32, #tpu.memory_space<vmem>>, vector<1x16xf32>,
      %swap3A_49 = vector.shape_cast %swap3A_48 : vector<1x16xf32> to vector<16xf32>
      %swap3A_50 = vector.shape_cast %broadcast_in_dim3A_46 : vector<16xf32> to vector<1x16xf32>
      tpu.vector_store %arg9[%swap3A, %swap3A_47], %swap3A_50 {strides = array<i32>} : memref<128x128xf32, #tpu.memory_space<vmem>>, vector<1x16xf32>,
      %broadcast_in_dim3A_51 = arith.constant 0.000000e+00 : f32
      %broadcast_in_dim3A_52 = vector.broadcast %broadcast_in_dim3A_51 : f32 to vector<16xf32>
      %swap3A_53 = arith.index_cast %scan3A_43 : i32 to index
      %swap3A_54 = arith.constant 16 : index
      %swap3A_55 = tpu.vector_load %arg9[%swap3A_53, %swap3A_54] {strides = array<i32>} : memref<128x128xf32, #tpu.memory_space<vmem>>, vector<1x16xf32>,
      %swap3A_56 = vector.shape_cast %swap3A_55 : vector<1x16xf32> to vector<16xf32>
      %swap3A_57 = vector.shape_cast %broadcast_in_dim3A_52 : vector<16xf32> to vector<1x16xf32>
      tpu.vector_store %arg9[%swap3A_53, %swap3A_54], %swap3A_57 {strides = array<i32>} : memref<128x128xf32, #tpu.memory_space<vmem>>, vector<1x16xf32>,
      %broadcast_in_dim3A_58 = arith.constant 0.000000e+00 : f32
      %broadcast_in_dim3A_59 = vector.broadcast %broadcast_in_dim3A_58 : f32 to vector<16xf32>
      %swap3A_60 = arith.index_cast %scan3A_43 : i32 to index
      %swap3A_61 = arith.constant 32 : index
      %swap3A_62 = tpu.vector_load %arg9[%swap3A_60, %swap3A_61] {strides = array<i32>} : memref<128x128xf32, #tpu.memory_space<vmem>>, vector<1x16xf32>,
      %swap3A_63 = vector.shape_cast %swap3A_62 : vector<1x16xf32> to vector<16xf32>
      %swap3A_64 = vector.shape_cast %broadcast_in_dim3A_59 : vector<16xf32> to vector<1x16xf32>
      tpu.vector_store %arg9[%swap3A_60, %swap3A_61], %swap3A_64 {strides = array<i32>} : memref<128x128xf32, #tpu.memory_space<vmem>>, vector<1x16xf32>,
      %broadcast_in_dim3A_65 = arith.constant 0.000000e+00 : f32
      %broadcast_in_dim3A_66 = vector.broadcast %broadcast_in_dim3A_65 : f32 to vector<16xf32>
      %swap3A_67 = arith.index_cast %scan3A_43 : i32 to index
      %swap3A_68 = arith.constant 48 : index
      %swap3A_69 = tpu.vector_load %arg9[%swap3A_67, %swap3A_68] {strides = array<i32>} : memref<128x128xf32, #tpu.memory_space<vmem>>, vector<1x16xf32>,
      %swap3A_70 = vector.shape_cast %swap3A_69 : vector<1x16xf32> to vector<16xf32>
      %swap3A_71 = vector.shape_cast %broadcast_in_dim3A_66 : vector<16xf32> to vector<1x16xf32>
      tpu.vector_store %arg9[%swap3A_67, %swap3A_68], %swap3A_71 {strides = array<i32>} : memref<128x128xf32, #tpu.memory_space<vmem>>, vector<1x16xf32>,
      %broadcast_in_dim3A_72 = arith.constant 0.000000e+00 : f32
      %broadcast_in_dim3A_73 = vector.broadcast %broadcast_in_dim3A_72 : f32 to vector<16xf32>
      %swap3A_74 = arith.index_cast %scan3A_43 : i32 to index
      %swap3A_75 = arith.constant 64 : index
      %swap3A_76 = tpu.vector_load %arg9[%swap3A_74, %swap3A_75] {strides = array<i32>} : memref<128x128xf32, #tpu.memory_space<vmem>>, vector<1x16xf32>,
      %swap3A_77 = vector.shape_cast %swap3A_76 : vector<1x16xf32> to vector<16xf32>
      %swap3A_78 = vector.shape_cast %broadcast_in_dim3A_73 : vector<16xf32> to vector<1x16xf32>
      tpu.vector_store %arg9[%swap3A_74, %swap3A_75], %swap3A_78 {strides = array<i32>} : memref<128x128xf32, #tpu.memory_space<vmem>>, vector<1x16xf32>,
      %broadcast_in_dim3A_79 = arith.constant 0.000000e+00 : f32
      %broadcast_in_dim3A_80 = vector.broadcast %broadcast_in_dim3A_79 : f32 to vector<16xf32>
      %swap3A_81 = arith.index_cast %scan3A_43 : i32 to index
      %swap3A_82 = arith.constant 80 : index
      %swap3A_83 = tpu.vector_load %arg9[%swap3A_81, %swap3A_82] {strides = array<i32>} : memref<128x128xf32, #tpu.memory_space<vmem>>, vector<1x16xf32>,
      %swap3A_84 = vector.shape_cast %swap3A_83 : vector<1x16xf32> to vector<16xf32>
      %swap3A_85 = vector.shape_cast %broadcast_in_dim3A_80 : vector<16xf32> to vector<1x16xf32>
      tpu.vector_store %arg9[%swap3A_81, %swap3A_82], %swap3A_85 {strides = array<i32>} : memref<128x128xf32, #tpu.memory_space<vmem>>, vector<1x16xf32>,
      %broadcast_in_dim3A_86 = arith.constant 0.000000e+00 : f32
      %broadcast_in_dim3A_87 = vector.broadcast %broadcast_in_dim3A_86 : f32 to vector<16xf32>
      %swap3A_88 = arith.index_cast %scan3A_43 : i32 to index
      %swap3A_89 = arith.constant 96 : index
      %swap3A_90 = tpu.vector_load %arg9[%swap3A_88, %swap3A_89] {strides = array<i32>} : memref<128x128xf32, #tpu.memory_space<vmem>>, vector<1x16xf32>,
      %swap3A_91 = vector.shape_cast %swap3A_90 : vector<1x16xf32> to vector<16xf32>
      %swap3A_92 = vector.shape_cast %broadcast_in_dim3A_87 : vector<16xf32> to vector<1x16xf32>
      tpu.vector_store %arg9[%swap3A_88, %swap3A_89], %swap3A_92 {strides = array<i32>} : memref<128x128xf32, #tpu.memory_space<vmem>>, vector<1x16xf32>,
      %broadcast_in_dim3A_93 = arith.constant 0.000000e+00 : f32
      %broadcast_in_dim3A_94 = vector.broadcast %broadcast_in_dim3A_93 : f32 to vector<16xf32>
      %swap3A_95 = arith.index_cast %scan3A_43 : i32 to index
      %swap3A_96 = arith.constant 112 : index
      %swap3A_97 = tpu.vector_load %arg9[%swap3A_95, %swap3A_96] {strides = array<i32>} : memref<128x128xf32, #tpu.memory_space<vmem>>, vector<1x16xf32>,
      %swap3A_98 = vector.shape_cast %swap3A_97 : vector<1x16xf32> to vector<16xf32>
      %swap3A_99 = vector.shape_cast %broadcast_in_dim3A_94 : vector<16xf32> to vector<1x16xf32>
      tpu.vector_store %arg9[%swap3A_95, %swap3A_96], %swap3A_99 {strides = array<i32>} : memref<128x128xf32, #tpu.memory_space<vmem>>, vector<1x16xf32>,
      %scan3A_100 = arith.constant 0 : i32
      scf.yield %scan3A_100 : i32
    }
    %scan3A_5 = arith.constant 128 : i32
    %mul3A = arith.constant 632 : i32
    %mul3A_6 = arith.muli %arg1, %mul3A : i32
    %add3A = arith.constant 0 : i32
    %add3A_7 = arith.addi %mul3A_6, %add3A : i32
    "tpu.region"() ({
      %run_scoped3A = tpu.sem_alloc : memref<!tpu.dma_semaphore, #tpu.memory_space<semaphore_mem>>
      %dma_start3A = arith.constant 0 : i32
      %dma_start3A_43 = tpu.memref_slice %arg6[%add3A_7, %dma_start3A] : memref<10112x128xf32, #tpu.memory_space<vmem_shared>> -> memref<128x128xf32, #tpu.memory_space<vmem_shared>>
      %dma_start3A_44 = arith.constant 0 : i32
      %dma_start3A_45 = tpu.memref_slice %arg6[%add3A_7, %dma_start3A_44] : memref<10112x128xf32, #tpu.memory_space<vmem_shared>> -> memref<128x128xf32, #tpu.memory_space<vmem_shared>>
      tpu.enqueue_dma source(%arg9 : memref<128x128xf32, #tpu.memory_space<vmem>>) target(%dma_start3A_45 : memref<128x128xf32, #tpu.memory_space<vmem_shared>>) target_semaphore(%run_scoped3A : memref<!tpu.dma_semaphore, #tpu.memory_space<semaphore_mem>>)
      %dma_wait3A = arith.constant 0 : i32
      %dma_wait3A_46 = tpu.memref_slice %arg6[%add3A_7, %dma_wait3A] : memref<10112x128xf32, #tpu.memory_space<vmem_shared>> -> memref<128x128xf32, #tpu.memory_space<vmem_shared>>
      %dma_wait3A_47 = arith.constant 0 : i32
      %dma_wait3A_48 = tpu.memref_slice %arg6[%add3A_7, %dma_wait3A_47] : memref<10112x128xf32, #tpu.memory_space<vmem_shared>> -> memref<128x128xf32, #tpu.memory_space<vmem_shared>>
      tpu.wait_dma2 semaphore(%run_scoped3A : memref<!tpu.dma_semaphore, #tpu.memory_space<semaphore_mem>>) src(%arg9 : memref<128x128xf32, #tpu.memory_space<vmem>>) dst(%dma_wait3A_48 : memref<128x128xf32, #tpu.memory_space<vmem_shared>>)
      tpu.yield
    }) : () -> ()
    %mul3A_8 = arith.constant 632 : i32
    %mul3A_9 = arith.muli %arg1, %mul3A_8 : i32
    %add3A_10 = arith.constant 128 : i32
    %add3A_11 = arith.addi %mul3A_9, %add3A_10 : i32
    "tpu.region"() ({
      %run_scoped3A = tpu.sem_alloc : memref<!tpu.dma_semaphore, #tpu.memory_space<semaphore_mem>>
      %dma_start3A = arith.constant 0 : i32
      %dma_start3A_43 = tpu.memref_slice %arg6[%add3A_11, %dma_start3A] : memref<10112x128xf32, #tpu.memory_space<vmem_shared>> -> memref<128x128xf32, #tpu.memory_space<vmem_shared>>
      %dma_start3A_44 = arith.constant 0 : i32
      %dma_start3A_45 = tpu.memref_slice %arg6[%add3A_11, %dma_start3A_44] : memref<10112x128xf32, #tpu.memory_space<vmem_shared>> -> memref<128x128xf32, #tpu.memory_space<vmem_shared>>
      tpu.enqueue_dma source(%arg9 : memref<128x128xf32, #tpu.memory_space<vmem>>) target(%dma_start3A_45 : memref<128x128xf32, #tpu.memory_space<vmem_shared>>) target_semaphore(%run_scoped3A : memref<!tpu.dma_semaphore, #tpu.memory_space<semaphore_mem>>)
      %dma_wait3A = arith.constant 0 : i32
      %dma_wait3A_46 = tpu.memref_slice %arg6[%add3A_11, %dma_wait3A] : memref<10112x128xf32, #tpu.memory_space<vmem_shared>> -> memref<128x128xf32, #tpu.memory_space<vmem_shared>>
      %dma_wait3A_47 = arith.constant 0 : i32
      %dma_wait3A_48 = tpu.memref_slice %arg6[%add3A_11, %dma_wait3A_47] : memref<10112x128xf32, #tpu.memory_space<vmem_shared>> -> memref<128x128xf32, #tpu.memory_space<vmem_shared>>
      tpu.wait_dma2 semaphore(%run_scoped3A : memref<!tpu.dma_semaphore, #tpu.memory_space<semaphore_mem>>) src(%arg9 : memref<128x128xf32, #tpu.memory_space<vmem>>) dst(%dma_wait3A_48 : memref<128x128xf32, #tpu.memory_space<vmem_shared>>)
      tpu.yield
    }) : () -> ()
    %mul3A_12 = arith.constant 632 : i32
    %mul3A_13 = arith.muli %arg1, %mul3A_12 : i32
    %add3A_14 = arith.constant 256 : i32
    %add3A_15 = arith.addi %mul3A_13, %add3A_14 : i32
    "tpu.region"() ({
      %run_scoped3A = tpu.sem_alloc : memref<!tpu.dma_semaphore, #tpu.memory_space<semaphore_mem>>
      %dma_start3A = arith.constant 0 : i32
      %dma_start3A_43 = tpu.memref_slice %arg6[%add3A_15, %dma_start3A] : memref<10112x128xf32, #tpu.memory_space<vmem_shared>> -> memref<128x128xf32, #tpu.memory_space<vmem_shared>>
      %dma_start3A_44 = arith.constant 0 : i32
      %dma_start3A_45 = tpu.memref_slice %arg6[%add3A_15, %dma_start3A_44] : memref<10112x128xf32, #tpu.memory_space<vmem_shared>> -> memref<128x128xf32, #tpu.memory_space<vmem_shared>>
      tpu.enqueue_dma source(%arg9 : memref<128x128xf32, #tpu.memory_space<vmem>>) target(%dma_start3A_45 : memref<128x128xf32, #tpu.memory_space<vmem_shared>>) target_semaphore(%run_scoped3A : memref<!tpu.dma_semaphore, #tpu.memory_space<semaphore_mem>>)
      %dma_wait3A = arith.constant 0 : i32
      %dma_wait3A_46 = tpu.memref_slice %arg6[%add3A_15, %dma_wait3A] : memref<10112x128xf32, #tpu.memory_space<vmem_shared>> -> memref<128x128xf32, #tpu.memory_space<vmem_shared>>
      %dma_wait3A_47 = arith.constant 0 : i32
      %dma_wait3A_48 = tpu.memref_slice %arg6[%add3A_15, %dma_wait3A_47] : memref<10112x128xf32, #tpu.memory_space<vmem_shared>> -> memref<128x128xf32, #tpu.memory_space<vmem_shared>>
      tpu.wait_dma2 semaphore(%run_scoped3A : memref<!tpu.dma_semaphore, #tpu.memory_space<semaphore_mem>>) src(%arg9 : memref<128x128xf32, #tpu.memory_space<vmem>>) dst(%dma_wait3A_48 : memref<128x128xf32, #tpu.memory_space<vmem_shared>>)
      tpu.yield
    }) : () -> ()
    %mul3A_16 = arith.constant 632 : i32
    %mul3A_17 = arith.muli %arg1, %mul3A_16 : i32
    %add3A_18 = arith.constant 384 : i32
    %add3A_19 = arith.addi %mul3A_17, %add3A_18 : i32
    "tpu.region"() ({
      %run_scoped3A = tpu.sem_alloc : memref<!tpu.dma_semaphore, #tpu.memory_space<semaphore_mem>>
      %dma_start3A = arith.constant 0 : i32
      %dma_start3A_43 = tpu.memref_slice %arg6[%add3A_19, %dma_start3A] : memref<10112x128xf32, #tpu.memory_space<vmem_shared>> -> memref<128x128xf32, #tpu.memory_space<vmem_shared>>
      %dma_start3A_44 = arith.constant 0 : i32
      %dma_start3A_45 = tpu.memref_slice %arg6[%add3A_19, %dma_start3A_44] : memref<10112x128xf32, #tpu.memory_space<vmem_shared>> -> memref<128x128xf32, #tpu.memory_space<vmem_shared>>
      tpu.enqueue_dma source(%arg9 : memref<128x128xf32, #tpu.memory_space<vmem>>) target(%dma_start3A_45 : memref<128x128xf32, #tpu.memory_space<vmem_shared>>) target_semaphore(%run_scoped3A : memref<!tpu.dma_semaphore, #tpu.memory_space<semaphore_mem>>)
      %dma_wait3A = arith.constant 0 : i32
      %dma_wait3A_46 = tpu.memref_slice %arg6[%add3A_19, %dma_wait3A] : memref<10112x128xf32, #tpu.memory_space<vmem_shared>> -> memref<128x128xf32, #tpu.memory_space<vmem_shared>>
      %dma_wait3A_47 = arith.constant 0 : i32
      %dma_wait3A_48 = tpu.memref_slice %arg6[%add3A_19, %dma_wait3A_47] : memref<10112x128xf32, #tpu.memory_space<vmem_shared>> -> memref<128x128xf32, #tpu.memory_space<vmem_shared>>
      tpu.wait_dma2 semaphore(%run_scoped3A : memref<!tpu.dma_semaphore, #tpu.memory_space<semaphore_mem>>) src(%arg9 : memref<128x128xf32, #tpu.memory_space<vmem>>) dst(%dma_wait3A_48 : memref<128x128xf32, #tpu.memory_space<vmem_shared>>)
      tpu.yield
    }) : () -> ()
    %mul3A_20 = arith.constant 632 : i32
    %mul3A_21 = arith.muli %arg1, %mul3A_20 : i32
    %add3A_22 = arith.constant 512 : i32
    %add3A_23 = arith.addi %mul3A_21, %add3A_22 : i32
    "tpu.region"() ({
      %run_scoped3A = tpu.sem_alloc : memref<!tpu.dma_semaphore, #tpu.memory_space<semaphore_mem>>
      %dma_start3A = arith.constant 0 : i32
      %dma_start3A_43 = arith.constant 0 : i32
      %dma_start3A_44 = tpu.memref_slice %arg9[%dma_start3A, %dma_start3A_43] : memref<128x128xf32, #tpu.memory_space<vmem>> -> memref<120x128xf32, #tpu.memory_space<vmem>>
      %dma_start3A_45 = arith.constant 0 : i32
      %dma_start3A_46 = tpu.memref_slice %arg6[%add3A_23, %dma_start3A_45] : memref<10112x128xf32, #tpu.memory_space<vmem_shared>> -> memref<120x128xf32, #tpu.memory_space<vmem_shared>>
      %dma_start3A_47 = arith.constant 0 : i32
      %dma_start3A_48 = tpu.memref_slice %arg6[%add3A_23, %dma_start3A_47] : memref<10112x128xf32, #tpu.memory_space<vmem_shared>> -> memref<120x128xf32, #tpu.memory_space<vmem_shared>>
      %dma_start3A_49 = arith.constant 0 : i32
      %dma_start3A_50 = arith.constant 0 : i32
      %dma_start3A_51 = tpu.memref_slice %arg9[%dma_start3A_49, %dma_start3A_50] : memref<128x128xf32, #tpu.memory_space<vmem>> -> memref<120x128xf32, #tpu.memory_space<vmem>>
      tpu.enqueue_dma source(%dma_start3A_51 : memref<120x128xf32, #tpu.memory_space<vmem>>) target(%dma_start3A_48 : memref<120x128xf32, #tpu.memory_space<vmem_shared>>) target_semaphore(%run_scoped3A : memref<!tpu.dma_semaphore, #tpu.memory_space<semaphore_mem>>)
      %dma_wait3A = arith.constant 0 : i32
      %dma_wait3A_52 = arith.constant 0 : i32
      %dma_wait3A_53 = tpu.memref_slice %arg9[%dma_wait3A, %dma_wait3A_52] : memref<128x128xf32, #tpu.memory_space<vmem>> -> memref<120x128xf32, #tpu.memory_space<vmem>>
      %dma_wait3A_54 = arith.constant 0 : i32
      %dma_wait3A_55 = tpu.memref_slice %arg6[%add3A_23, %dma_wait3A_54] : memref<10112x128xf32, #tpu.memory_space<vmem_shared>> -> memref<120x128xf32, #tpu.memory_space<vmem_shared>>
      %dma_wait3A_56 = arith.constant 0 : i32
      %dma_wait3A_57 = tpu.memref_slice %arg6[%add3A_23, %dma_wait3A_56] : memref<10112x128xf32, #tpu.memory_space<vmem_shared>> -> memref<120x128xf32, #tpu.memory_space<vmem_shared>>
      %dma_wait3A_58 = arith.constant 0 : i32
      %dma_wait3A_59 = arith.constant 0 : i32
      %dma_wait3A_60 = tpu.memref_slice %arg9[%dma_wait3A_58, %dma_wait3A_59] : memref<128x128xf32, #tpu.memory_space<vmem>> -> memref<120x128xf32, #tpu.memory_space<vmem>>
      tpu.wait_dma2 semaphore(%run_scoped3A : memref<!tpu.dma_semaphore, #tpu.memory_space<semaphore_mem>>) src(%dma_wait3A_60 : memref<120x128xf32, #tpu.memory_space<vmem>>) dst(%dma_wait3A_57 : memref<120x128xf32, #tpu.memory_space<vmem_shared>>)
      tpu.yield
    }) : () -> ()
    %barrier3A = arith.constant 0 : index
    tpu.barrier barrier_id(%barrier3A)
    %broadcast_in_dim3A = arith.constant 1 : i32
    %broadcast_in_dim3A_24 = vector.broadcast %broadcast_in_dim3A : i32 to vector<16xi32>
    %mul3A_25 = arith.constant 10000 : i32
    %mul3A_26 = arith.muli %arg0, %mul3A_25 : i32
    %mul3A_27 = vector.broadcast %mul3A_26 : i32 to vector<16xi32>
    %mul3A_28 = arith.muli %broadcast_in_dim3A_24, %mul3A_27 : vector<16xi32>
    %scan3A_29 = arith.constant 0 : i32
    %scan3A_30 = arith.constant 0 : i32
    %scan3A_31 = arith.constant 5 : i32
    %scan3A_32 = arith.addi %scan3A_30, %scan3A_31 : i32
    %scan3A_33 = arith.constant 1 : i32
    %scan3A_34 = scf.for %scan3A_43 = %scan3A_30 to %scan3A_32 step %scan3A_33 iter_args(%scan3A_44 = %scan3A_29) -> (i32)  : i32 {
      %mul3A_45 = arith.constant 160 : i32
      %mul3A_46 = arith.muli %arg1, %mul3A_45 : i32
      %mul3A_47 = arith.constant 32 : i32
      %mul3A_48 = arith.muli %scan3A_43, %mul3A_47 : i32
      %add3A_49 = arith.addi %mul3A_46, %mul3A_48 : i32
      "tpu.region"() ({
        %run_scoped3A = tpu.sem_alloc : memref<!tpu.dma_semaphore, #tpu.memory_space<semaphore_mem>>
        %dma_start3A_71 = arith.constant 0 : i32
        %dma_start3A_72 = tpu.memref_slice %arg3[%add3A_49, %dma_start3A_71] : memref<2560x128xi32, #tpu.memory_space<hbm>> -> memref<32x128xi32, #tpu.memory_space<hbm>>
        %dma_start3A_73 = arith.constant 0 : i32
        %dma_start3A_74 = tpu.memref_slice %arg3[%add3A_49, %dma_start3A_73] : memref<2560x128xi32, #tpu.memory_space<hbm>> -> memref<32x128xi32, #tpu.memory_space<hbm>>
        tpu.enqueue_dma source(%dma_start3A_74 : memref<32x128xi32, #tpu.memory_space<hbm>>) target(%arg7 : memref<32x128xi32, #tpu.memory_space<vmem>>) target_semaphore(%run_scoped3A : memref<!tpu.dma_semaphore, #tpu.memory_space<semaphore_mem>>)
        %dma_wait3A = arith.constant 0 : i32
        %dma_wait3A_75 = tpu.memref_slice %arg3[%add3A_49, %dma_wait3A] : memref<2560x128xi32, #tpu.memory_space<hbm>> -> memref<32x128xi32, #tpu.memory_space<hbm>>
        %dma_wait3A_76 = arith.constant 0 : i32
        %dma_wait3A_77 = tpu.memref_slice %arg3[%add3A_49, %dma_wait3A_76] : memref<2560x128xi32, #tpu.memory_space<hbm>> -> memref<32x128xi32, #tpu.memory_space<hbm>>
        tpu.wait_dma2 semaphore(%run_scoped3A : memref<!tpu.dma_semaphore, #tpu.memory_space<semaphore_mem>>) src(%dma_wait3A_77 : memref<32x128xi32, #tpu.memory_space<hbm>>) dst(%arg7 : memref<32x128xi32, #tpu.memory_space<vmem>>)
        tpu.yield
      }) : () -> ()
      "tpu.region"() ({
        %run_scoped3A = tpu.sem_alloc : memref<!tpu.dma_semaphore, #tpu.memory_space<semaphore_mem>>
        %dma_start3A_71 = arith.constant 0 : i32
        %dma_start3A_72 = tpu.memref_slice %arg4[%add3A_49, %dma_start3A_71] : memref<2560x128xi32, #tpu.memory_space<hbm>> -> memref<32x128xi32, #tpu.memory_space<hbm>>
        %dma_start3A_73 = arith.constant 0 : i32
        %dma_start3A_74 = tpu.memref_slice %arg4[%add3A_49, %dma_start3A_73] : memref<2560x128xi32, #tpu.memory_space<hbm>> -> memref<32x128xi32, #tpu.memory_space<hbm>>
        tpu.enqueue_dma source(%dma_start3A_74 : memref<32x128xi32, #tpu.memory_space<hbm>>) target(%arg8 : memref<32x128xi32, #tpu.memory_space<vmem>>) target_semaphore(%run_scoped3A : memref<!tpu.dma_semaphore, #tpu.memory_space<semaphore_mem>>)
        %dma_wait3A = arith.constant 0 : i32
        %dma_wait3A_75 = tpu.memref_slice %arg4[%add3A_49, %dma_wait3A] : memref<2560x128xi32, #tpu.memory_space<hbm>> -> memref<32x128xi32, #tpu.memory_space<hbm>>
        %dma_wait3A_76 = arith.constant 0 : i32
        %dma_wait3A_77 = tpu.memref_slice %arg4[%add3A_49, %dma_wait3A_76] : memref<2560x128xi32, #tpu.memory_space<hbm>> -> memref<32x128xi32, #tpu.memory_space<hbm>>
        tpu.wait_dma2 semaphore(%run_scoped3A : memref<!tpu.dma_semaphore, #tpu.memory_space<semaphore_mem>>) src(%dma_wait3A_77 : memref<32x128xi32, #tpu.memory_space<hbm>>) dst(%arg8 : memref<32x128xi32, #tpu.memory_space<vmem>>)
        tpu.yield
      }) : () -> ()
      %scan3A_50 = arith.constant 0 : i32
      %scan3A_51 = arith.constant 0 : i32
      %scan3A_52 = arith.constant 32 : i32
      %scan3A_53 = arith.addi %scan3A_51, %scan3A_52 : i32
      %scan3A_54 = arith.constant 1 : i32
      %scan3A_55 = scf.for %scan3A_71 = %scan3A_51 to %scan3A_53 step %scan3A_54 iter_args(%scan3A_72 = %scan3A_50) -> (i32)  : i32 {
        %get3A = arith.index_cast %scan3A_71 : i32 to index
        %get3A_73 = arith.constant 0 : index
        %get3A_74 = tpu.vector_load %arg7[%get3A, %get3A_73] {strides = array<i32>} : memref<32x128xi32, #tpu.memory_space<vmem>>, vector<1x16xi32>,
        %get3A_75 = vector.shape_cast %get3A_74 : vector<1x16xi32> to vector<16xi32>
        %add3A_76 = arith.addi %get3A_75, %mul3A_28 : vector<16xi32>
        %swap3A = arith.index_cast %scan3A_71 : i32 to index
        %swap3A_77 = arith.constant 0 : index
        %swap3A_78 = tpu.vector_load %arg7[%swap3A, %swap3A_77] {strides = array<i32>} : memref<32x128xi32, #tpu.memory_space<vmem>>, vector<1x16xi32>,
        %swap3A_79 = vector.shape_cast %swap3A_78 : vector<1x16xi32> to vector<16xi32>
        %swap3A_80 = vector.shape_cast %add3A_76 : vector<16xi32> to vector<1x16xi32>
        tpu.vector_store %arg7[%swap3A, %swap3A_77], %swap3A_80 {strides = array<i32>} : memref<32x128xi32, #tpu.memory_space<vmem>>, vector<1x16xi32>,
        %get3A_81 = arith.index_cast %scan3A_71 : i32 to index
        %get3A_82 = arith.constant 16 : index
        %get3A_83 = tpu.vector_load %arg7[%get3A_81, %get3A_82] {strides = array<i32>} : memref<32x128xi32, #tpu.memory_space<vmem>>, vector<1x16xi32>,
        %get3A_84 = vector.shape_cast %get3A_83 : vector<1x16xi32> to vector<16xi32>
        %add3A_85 = arith.addi %get3A_84, %mul3A_28 : vector<16xi32>
        %swap3A_86 = arith.index_cast %scan3A_71 : i32 to index
        %swap3A_87 = arith.constant 16 : index
        %swap3A_88 = tpu.vector_load %arg7[%swap3A_86, %swap3A_87] {strides = array<i32>} : memref<32x128xi32, #tpu.memory_space<vmem>>, vector<1x16xi32>,
        %swap3A_89 = vector.shape_cast %swap3A_88 : vector<1x16xi32> to vector<16xi32>
        %swap3A_90 = vector.shape_cast %add3A_85 : vector<16xi32> to vector<1x16xi32>
        tpu.vector_store %arg7[%swap3A_86, %swap3A_87], %swap3A_90 {strides = array<i32>} : memref<32x128xi32, #tpu.memory_space<vmem>>, vector<1x16xi32>,
        %get3A_91 = arith.index_cast %scan3A_71 : i32 to index
        %get3A_92 = arith.constant 32 : index
        %get3A_93 = tpu.vector_load %arg7[%get3A_91, %get3A_92] {strides = array<i32>} : memref<32x128xi32, #tpu.memory_space<vmem>>, vector<1x16xi32>,
        %get3A_94 = vector.shape_cast %get3A_93 : vector<1x16xi32> to vector<16xi32>
        %add3A_95 = arith.addi %get3A_94, %mul3A_28 : vector<16xi32>
        %swap3A_96 = arith.index_cast %scan3A_71 : i32 to index
        %swap3A_97 = arith.constant 32 : index
        %swap3A_98 = tpu.vector_load %arg7[%swap3A_96, %swap3A_97] {strides = array<i32>} : memref<32x128xi32, #tpu.memory_space<vmem>>, vector<1x16xi32>,
        %swap3A_99 = vector.shape_cast %swap3A_98 : vector<1x16xi32> to vector<16xi32>
        %swap3A_100 = vector.shape_cast %add3A_95 : vector<16xi32> to vector<1x16xi32>
        tpu.vector_store %arg7[%swap3A_96, %swap3A_97], %swap3A_100 {strides = array<i32>} : memref<32x128xi32, #tpu.memory_space<vmem>>, vector<1x16xi32>,
        %get3A_101 = arith.index_cast %scan3A_71 : i32 to index
        %get3A_102 = arith.constant 48 : index
        %get3A_103 = tpu.vector_load %arg7[%get3A_101, %get3A_102] {strides = array<i32>} : memref<32x128xi32, #tpu.memory_space<vmem>>, vector<1x16xi32>,
        %get3A_104 = vector.shape_cast %get3A_103 : vector<1x16xi32> to vector<16xi32>
        %add3A_105 = arith.addi %get3A_104, %mul3A_28 : vector<16xi32>
        %swap3A_106 = arith.index_cast %scan3A_71 : i32 to index
        %swap3A_107 = arith.constant 48 : index
        %swap3A_108 = tpu.vector_load %arg7[%swap3A_106, %swap3A_107] {strides = array<i32>} : memref<32x128xi32, #tpu.memory_space<vmem>>, vector<1x16xi32>,
        %swap3A_109 = vector.shape_cast %swap3A_108 : vector<1x16xi32> to vector<16xi32>
        %swap3A_110 = vector.shape_cast %add3A_105 : vector<16xi32> to vector<1x16xi32>
        tpu.vector_store %arg7[%swap3A_106, %swap3A_107], %swap3A_110 {strides = array<i32>} : memref<32x128xi32, #tpu.memory_space<vmem>>, vector<1x16xi32>,
        %get3A_111 = arith.index_cast %scan3A_71 : i32 to index
        %get3A_112 = arith.constant 64 : index
        %get3A_113 = tpu.vector_load %arg7[%get3A_111, %get3A_112] {strides = array<i32>} : memref<32x128xi32, #tpu.memory_space<vmem>>, vector<1x16xi32>,
        %get3A_114 = vector.shape_cast %get3A_113 : vector<1x16xi32> to vector<16xi32>
        %add3A_115 = arith.addi %get3A_114, %mul3A_28 : vector<16xi32>
        %swap3A_116 = arith.index_cast %scan3A_71 : i32 to index
        %swap3A_117 = arith.constant 64 : index
        %swap3A_118 = tpu.vector_load %arg7[%swap3A_116, %swap3A_117] {strides = array<i32>} : memref<32x128xi32, #tpu.memory_space<vmem>>, vector<1x16xi32>,
        %swap3A_119 = vector.shape_cast %swap3A_118 : vector<1x16xi32> to vector<16xi32>
        %swap3A_120 = vector.shape_cast %add3A_115 : vector<16xi32> to vector<1x16xi32>
        tpu.vector_store %arg7[%swap3A_116, %swap3A_117], %swap3A_120 {strides = array<i32>} : memref<32x128xi32, #tpu.memory_space<vmem>>, vector<1x16xi32>,
        %get3A_121 = arith.index_cast %scan3A_71 : i32 to index
        %get3A_122 = arith.constant 80 : index
        %get3A_123 = tpu.vector_load %arg7[%get3A_121, %get3A_122] {strides = array<i32>} : memref<32x128xi32, #tpu.memory_space<vmem>>, vector<1x16xi32>,
        %get3A_124 = vector.shape_cast %get3A_123 : vector<1x16xi32> to vector<16xi32>
        %add3A_125 = arith.addi %get3A_124, %mul3A_28 : vector<16xi32>
        %swap3A_126 = arith.index_cast %scan3A_71 : i32 to index
        %swap3A_127 = arith.constant 80 : index
        %swap3A_128 = tpu.vector_load %arg7[%swap3A_126, %swap3A_127] {strides = array<i32>} : memref<32x128xi32, #tpu.memory_space<vmem>>, vector<1x16xi32>,
        %swap3A_129 = vector.shape_cast %swap3A_128 : vector<1x16xi32> to vector<16xi32>
        %swap3A_130 = vector.shape_cast %add3A_125 : vector<16xi32> to vector<1x16xi32>
        tpu.vector_store %arg7[%swap3A_126, %swap3A_127], %swap3A_130 {strides = array<i32>} : memref<32x128xi32, #tpu.memory_space<vmem>>, vector<1x16xi32>,
        %get3A_131 = arith.index_cast %scan3A_71 : i32 to index
        %get3A_132 = arith.constant 96 : index
        %get3A_133 = tpu.vector_load %arg7[%get3A_131, %get3A_132] {strides = array<i32>} : memref<32x128xi32, #tpu.memory_space<vmem>>, vector<1x16xi32>,
        %get3A_134 = vector.shape_cast %get3A_133 : vector<1x16xi32> to vector<16xi32>
        %add3A_135 = arith.addi %get3A_134, %mul3A_28 : vector<16xi32>
        %swap3A_136 = arith.index_cast %scan3A_71 : i32 to index
        %swap3A_137 = arith.constant 96 : index
        %swap3A_138 = tpu.vector_load %arg7[%swap3A_136, %swap3A_137] {strides = array<i32>} : memref<32x128xi32, #tpu.memory_space<vmem>>, vector<1x16xi32>,
        %swap3A_139 = vector.shape_cast %swap3A_138 : vector<1x16xi32> to vector<16xi32>
        %swap3A_140 = vector.shape_cast %add3A_135 : vector<16xi32> to vector<1x16xi32>
        tpu.vector_store %arg7[%swap3A_136, %swap3A_137], %swap3A_140 {strides = array<i32>} : memref<32x128xi32, #tpu.memory_space<vmem>>, vector<1x16xi32>,
        %get3A_141 = arith.index_cast %scan3A_71 : i32 to index
        %get3A_142 = arith.constant 112 : index
        %get3A_143 = tpu.vector_load %arg7[%get3A_141, %get3A_142] {strides = array<i32>} : memref<32x128xi32, #tpu.memory_space<vmem>>, vector<1x16xi32>,
        %get3A_144 = vector.shape_cast %get3A_143 : vector<1x16xi32> to vector<16xi32>
        %add3A_145 = arith.addi %get3A_144, %mul3A_28 : vector<16xi32>
        %swap3A_146 = arith.index_cast %scan3A_71 : i32 to index
        %swap3A_147 = arith.constant 112 : index
        %swap3A_148 = tpu.vector_load %arg7[%swap3A_146, %swap3A_147] {strides = array<i32>} : memref<32x128xi32, #tpu.memory_space<vmem>>, vector<1x16xi32>,
        %swap3A_149 = vector.shape_cast %swap3A_148 : vector<1x16xi32> to vector<16xi32>
        %swap3A_150 = vector.shape_cast %add3A_145 : vector<16xi32> to vector<1x16xi32>
        tpu.vector_store %arg7[%swap3A_146, %swap3A_147], %swap3A_150 {strides = array<i32>} : memref<32x128xi32, #tpu.memory_space<vmem>>, vector<1x16xi32>,
        %scan3A_151 = arith.constant 0 : i32
        scf.yield %scan3A_151 : i32
      }
      %scan3A_56 = arith.constant 32 : i32
      %dma_start3A = arith.constant 0 : i32
      %dma_start3A_57 = arith.constant 0 : i32
      %dma_start3A_58 = tpu.memref_slice %arg7[%dma_start3A, %dma_start3A_57] : memref<32x128xi32, #tpu.memory_space<vmem>> -> memref<1x128xi32, #tpu.memory_space<vmem>>
      %dma_start3A_59 = tpu.memref_squeeze %dma_start3A_58 : memref<1x128xi32, #tpu.memory_space<vmem>> -> memref<128xi32, #tpu.memory_space<vmem>>
      %dma_start3A_60 = arith.constant 0 : i32
      %dma_start3A_61 = arith.constant 0 : i32
      %dma_start3A_62 = tpu.memref_slice %arg2[%dma_start3A_60, %dma_start3A_61] : memref<20000x128xf32, #tpu.memory_space<hbm>> -> memref<20000x128xf32, #tpu.memory_space<hbm>>
      tpu.enqueue_indirect_dma source(%dma_start3A_62 : memref<20000x128xf32, #tpu.memory_space<hbm>>) target(%arg9 : memref<128x128xf32, #tpu.memory_space<vmem>>) offsets(%dma_start3A_59 : memref<128xi32, #tpu.memory_space<vmem>>) semaphore(%arg11 : memref<!tpu.dma_semaphore, #tpu.memory_space<semaphore_mem>>)
      %scan3A_63 = arith.constant 0 : i32
      %scan3A_64 = arith.constant 0 : i32
      %scan3A_65 = arith.constant 16 : i32
      %scan3A_66 = arith.addi %scan3A_64, %scan3A_65 : i32
      %scan3A_67 = arith.constant 1 : i32
      %scan3A_68 = scf.for %scan3A_71 = %scan3A_64 to %scan3A_66 step %scan3A_67 iter_args(%scan3A_72 = %scan3A_63) -> (i32)  : i32 {
        %mul3A_73 = arith.constant 2 : i32
        %mul3A_74 = arith.muli %mul3A_73, %scan3A_71 : i32
        %add3A_75 = arith.constant 1 : i32
        %add3A_76 = arith.addi %mul3A_74, %add3A_75 : i32
        %dma_start3A_77 = arith.constant 0 : i32
        %dma_start3A_78 = tpu.memref_slice %arg7[%add3A_76, %dma_start3A_77] : memref<32x128xi32, #tpu.memory_space<vmem>> -> memref<1x128xi32, #tpu.memory_space<vmem>>
        %dma_start3A_79 = tpu.memref_squeeze %dma_start3A_78 : memref<1x128xi32, #tpu.memory_space<vmem>> -> memref<128xi32, #tpu.memory_space<vmem>>
        %dma_start3A_80 = arith.constant 0 : i32
        %dma_start3A_81 = arith.constant 0 : i32
        %dma_start3A_82 = tpu.memref_slice %arg2[%dma_start3A_80, %dma_start3A_81] : memref<20000x128xf32, #tpu.memory_space<hbm>> -> memref<20000x128xf32, #tpu.memory_space<hbm>>
        tpu.enqueue_indirect_dma source(%dma_start3A_82 : memref<20000x128xf32, #tpu.memory_space<hbm>>) target(%arg10 : memref<128x128xf32, #tpu.memory_space<vmem>>) offsets(%dma_start3A_79 : memref<128xi32, #tpu.memory_space<vmem>>) semaphore(%arg12 : memref<!tpu.dma_semaphore, #tpu.memory_space<semaphore_mem>>)
        %dma_wait3A = arith.constant 0 : i32
        %dma_wait3A_83 = tpu.memref_slice %arg7[%mul3A_74, %dma_wait3A] : memref<32x128xi32, #tpu.memory_space<vmem>> -> memref<1x128xi32, #tpu.memory_space<vmem>>
        %dma_wait3A_84 = tpu.memref_squeeze %dma_wait3A_83 : memref<1x128xi32, #tpu.memory_space<vmem>> -> memref<128xi32, #tpu.memory_space<vmem>>
        %dma_wait3A_85 = arith.constant 0 : i32
        %dma_wait3A_86 = arith.constant 0 : i32
        %dma_wait3A_87 = tpu.memref_slice %arg2[%dma_wait3A_85, %dma_wait3A_86] : memref<20000x128xf32, #tpu.memory_space<hbm>> -> memref<20000x128xf32, #tpu.memory_space<hbm>>
        tpu.wait_indirect_dma semaphore(%arg11 : memref<!tpu.dma_semaphore, #tpu.memory_space<semaphore_mem>>) src(%dma_wait3A_87 : memref<20000x128xf32, #tpu.memory_space<hbm>>) dst(%arg9 : memref<128x128xf32, #tpu.memory_space<vmem>>)
        "tpu.region"() ({
          %run_scoped3A = tpu.sem_alloc : memref<!tpu.dma_semaphore, #tpu.memory_space<semaphore_mem>>
          %dma_start3A_100 = arith.constant 0 : i32
          %dma_start3A_101 = tpu.memref_slice %arg8[%mul3A_74, %dma_start3A_100] : memref<32x128xi32, #tpu.memory_space<vmem>> -> memref<1x128xi32, #tpu.memory_space<vmem>>
          %dma_start3A_102 = tpu.memref_squeeze %dma_start3A_101 : memref<1x128xi32, #tpu.memory_space<vmem>> -> memref<128xi32, #tpu.memory_space<vmem>>
          %dma_start3A_103 = arith.constant 0 : i32
          %dma_start3A_104 = arith.constant 0 : i32
          %dma_start3A_105 = tpu.memref_slice %arg6[%dma_start3A_103, %dma_start3A_104] : memref<10112x128xf32, #tpu.memory_space<vmem_shared>> -> memref<10112x128xf32, #tpu.memory_space<vmem_shared>>
          tpu.enqueue_indirect_dma source(%arg9 : memref<128x128xf32, #tpu.memory_space<vmem>>) target(%dma_start3A_105 : memref<10112x128xf32, #tpu.memory_space<vmem_shared>>) offsets(%dma_start3A_102 : memref<128xi32, #tpu.memory_space<vmem>>) semaphore(%run_scoped3A : memref<!tpu.dma_semaphore, #tpu.memory_space<semaphore_mem>>) {add = true}
          %dma_wait3A_106 = arith.constant 0 : i32
          %dma_wait3A_107 = tpu.memref_slice %arg8[%mul3A_74, %dma_wait3A_106] : memref<32x128xi32, #tpu.memory_space<vmem>> -> memref<1x128xi32, #tpu.memory_space<vmem>>
          %dma_wait3A_108 = tpu.memref_squeeze %dma_wait3A_107 : memref<1x128xi32, #tpu.memory_space<vmem>> -> memref<128xi32, #tpu.memory_space<vmem>>
          %dma_wait3A_109 = arith.constant 0 : i32
          %dma_wait3A_110 = arith.constant 0 : i32
          %dma_wait3A_111 = tpu.memref_slice %arg6[%dma_wait3A_109, %dma_wait3A_110] : memref<10112x128xf32, #tpu.memory_space<vmem_shared>> -> memref<10112x128xf32, #tpu.memory_space<vmem_shared>>
          tpu.wait_indirect_dma semaphore(%run_scoped3A : memref<!tpu.dma_semaphore, #tpu.memory_space<semaphore_mem>>) src(%arg9 : memref<128x128xf32, #tpu.memory_space<vmem>>) dst(%dma_wait3A_111 : memref<10112x128xf32, #tpu.memory_space<vmem_shared>>)
          tpu.yield
        }) : () -> ()
        %lt3A_88 = arith.constant 15 : i32
        %lt3A_89 = arith.cmpi slt, %scan3A_71, %lt3A_88 : i32
        %convert_element_type3A_90 = arith.extui %lt3A_89 : i1 to i32
        %cond3A_91 = arith.constant 0 : i32
        %cond3A_92 = arith.cmpi ne, %convert_element_type3A_90, %cond3A_91 : i32
        scf.if %cond3A_92 {
          %add3A_100 = arith.constant 2 : i32
          %add3A_101 = arith.addi %mul3A_74, %add3A_100 : i32
          %dma_start3A_102 = arith.constant 0 : i32
          %dma_start3A_103 = tpu.memref_slice %arg7[%add3A_101, %dma_start3A_102] : memref<32x128xi32, #tpu.memory_space<vmem>> -> memref<1x128xi32, #tpu.memory_space<vmem>>
          %dma_start3A_104 = tpu.memref_squeeze %dma_start3A_103 : memref<1x128xi32, #tpu.memory_space<vmem>> -> memref<128xi32, #tpu.memory_space<vmem>>
          %dma_start3A_105 = arith.constant 0 : i32
          %dma_start3A_106 = arith.constant 0 : i32
          %dma_start3A_107 = tpu.memref_slice %arg2[%dma_start3A_105, %dma_start3A_106] : memref<20000x128xf32, #tpu.memory_space<hbm>> -> memref<20000x128xf32, #tpu.memory_space<hbm>>
          tpu.enqueue_indirect_dma source(%dma_start3A_107 : memref<20000x128xf32, #tpu.memory_space<hbm>>) target(%arg9 : memref<128x128xf32, #tpu.memory_space<vmem>>) offsets(%dma_start3A_104 : memref<128xi32, #tpu.memory_space<vmem>>) semaphore(%arg11 : memref<!tpu.dma_semaphore, #tpu.memory_space<semaphore_mem>>)
        } else {
        }
        %dma_wait3A_93 = arith.constant 0 : i32
        %dma_wait3A_94 = tpu.memref_slice %arg7[%add3A_76, %dma_wait3A_93] : memref<32x128xi32, #tpu.memory_space<vmem>> -> memref<1x128xi32, #tpu.memory_space<vmem>>
        %dma_wait3A_95 = tpu.memref_squeeze %dma_wait3A_94 : memref<1x128xi32, #tpu.memory_space<vmem>> -> memref<128xi32, #tpu.memory_space<vmem>>
        %dma_wait3A_96 = arith.constant 0 : i32
        %dma_wait3A_97 = arith.constant 0 : i32
        %dma_wait3A_98 = tpu.memref_slice %arg2[%dma_wait3A_96, %dma_wait3A_97] : memref<20000x128xf32, #tpu.memory_space<hbm>> -> memref<20000x128xf32, #tpu.memory_space<hbm>>
        tpu.wait_indirect_dma semaphore(%arg12 : memref<!tpu.dma_semaphore, #tpu.memory_space<semaphore_mem>>) src(%dma_wait3A_98 : memref<20000x128xf32, #tpu.memory_space<hbm>>) dst(%arg10 : memref<128x128xf32, #tpu.memory_space<vmem>>)
        "tpu.region"() ({
          %run_scoped3A = tpu.sem_alloc : memref<!tpu.dma_semaphore, #tpu.memory_space<semaphore_mem>>
          %dma_start3A_100 = arith.constant 0 : i32
          %dma_start3A_101 = tpu.memref_slice %arg8[%add3A_76, %dma_start3A_100] : memref<32x128xi32, #tpu.memory_space<vmem>> -> memref<1x128xi32, #tpu.memory_space<vmem>>
          %dma_start3A_102 = tpu.memref_squeeze %dma_start3A_101 : memref<1x128xi32, #tpu.memory_space<vmem>> -> memref<128xi32, #tpu.memory_space<vmem>>
          %dma_start3A_103 = arith.constant 0 : i32
          %dma_start3A_104 = arith.constant 0 : i32
          %dma_start3A_105 = tpu.memref_slice %arg6[%dma_start3A_103, %dma_start3A_104] : memref<10112x128xf32, #tpu.memory_space<vmem_shared>> -> memref<10112x128xf32, #tpu.memory_space<vmem_shared>>
          tpu.enqueue_indirect_dma source(%arg10 : memref<128x128xf32, #tpu.memory_space<vmem>>) target(%dma_start3A_105 : memref<10112x128xf32, #tpu.memory_space<vmem_shared>>) offsets(%dma_start3A_102 : memref<128xi32, #tpu.memory_space<vmem>>) semaphore(%run_scoped3A : memref<!tpu.dma_semaphore, #tpu.memory_space<semaphore_mem>>) {add = true}
          %dma_wait3A_106 = arith.constant 0 : i32
          %dma_wait3A_107 = tpu.memref_slice %arg8[%add3A_76, %dma_wait3A_106] : memref<32x128xi32, #tpu.memory_space<vmem>> -> memref<1x128xi32, #tpu.memory_space<vmem>>
          %dma_wait3A_108 = tpu.memref_squeeze %dma_wait3A_107 : memref<1x128xi32, #tpu.memory_space<vmem>> -> memref<128xi32, #tpu.memory_space<vmem>>
          %dma_wait3A_109 = arith.constant 0 : i32
          %dma_wait3A_110 = arith.constant 0 : i32
          %dma_wait3A_111 = tpu.memref_slice %arg6[%dma_wait3A_109, %dma_wait3A_110] : memref<10112x128xf32, #tpu.memory_space<vmem_shared>> -> memref<10112x128xf32, #tpu.memory_space<vmem_shared>>
          tpu.wait_indirect_dma semaphore(%run_scoped3A : memref<!tpu.dma_semaphore, #tpu.memory_space<semaphore_mem>>) src(%arg10 : memref<128x128xf32, #tpu.memory_space<vmem>>) dst(%dma_wait3A_111 : memref<10112x128xf32, #tpu.memory_space<vmem_shared>>)
          tpu.yield
        }) : () -> ()
        %scan3A_99 = arith.constant 0 : i32
        scf.yield %scan3A_99 : i32
      }
      %scan3A_69 = arith.constant 16 : i32
      %scan3A_70 = arith.constant 0 : i32
      scf.yield %scan3A_70 : i32
    }
    %scan3A_35 = arith.constant 5 : i32
    %barrier3A_36 = arith.constant 0 : index
    tpu.barrier barrier_id(%barrier3A_36)
    %lt3A = arith.constant 15 : i32
    %lt3A_37 = arith.cmpi slt, %arg1, %lt3A : i32
    %convert_element_type3A = arith.extui %lt3A_37 : i1 to i32
    %cond3A = arith.constant 0 : i32
    %cond3A_38 = arith.cmpi ne, %convert_element_type3A, %cond3A : i32
    scf.if %cond3A_38 {
      %mul3A_43 = arith.constant 632 : i32
      %mul3A_44 = arith.muli %arg1, %mul3A_43 : i32
      %mul3A_45 = arith.constant 10000 : i32
      %mul3A_46 = arith.muli %arg0, %mul3A_45 : i32
      %mul3A_47 = arith.constant 632 : i32
      %mul3A_48 = arith.muli %arg1, %mul3A_47 : i32
      %add3A_49 = arith.addi %mul3A_46, %mul3A_48 : i32
      "tpu.region"() ({
        %run_scoped3A = tpu.sem_alloc : memref<!tpu.dma_semaphore, #tpu.memory_space<semaphore_mem>>
        %dma_start3A = arith.constant 0 : i32
        %dma_start3A_50 = tpu.memref_slice %arg5[%add3A_49, %dma_start3A] : memref<20000x128xf32, #tpu.memory_space<hbm>> -> memref<632x128xf32, #tpu.memory_space<hbm>>
        %dma_start3A_51 = arith.constant 0 : i32
        %dma_start3A_52 = tpu.memref_slice %arg6[%mul3A_44, %dma_start3A_51] : memref<10112x128xf32, #tpu.memory_space<vmem_shared>> -> memref<632x128xf32, #tpu.memory_space<vmem_shared>>
        tpu.enqueue_dma source(%dma_start3A_52 : memref<632x128xf32, #tpu.memory_space<vmem_shared>>) target(%dma_start3A_50 : memref<632x128xf32, #tpu.memory_space<hbm>>) target_semaphore(%run_scoped3A : memref<!tpu.dma_semaphore, #tpu.memory_space<semaphore_mem>>)
        %dma_wait3A = arith.constant 0 : i32
        %dma_wait3A_53 = tpu.memref_slice %arg5[%add3A_49, %dma_wait3A] : memref<20000x128xf32, #tpu.memory_space<hbm>> -> memref<632x128xf32, #tpu.memory_space<hbm>>
        %dma_wait3A_54 = arith.constant 0 : i32
        %dma_wait3A_55 = tpu.memref_slice %arg6[%mul3A_44, %dma_wait3A_54] : memref<10112x128xf32, #tpu.memory_space<vmem_shared>> -> memref<632x128xf32, #tpu.memory_space<vmem_shared>>
        tpu.wait_dma2 semaphore(%run_scoped3A : memref<!tpu.dma_semaphore, #tpu.memory_space<semaphore_mem>>) src(%dma_wait3A_55 : memref<632x128xf32, #tpu.memory_space<vmem_shared>>) dst(%dma_wait3A_53 : memref<632x128xf32, #tpu.memory_space<hbm>>)
        tpu.yield
      }) : () -> ()
    } else {
    }
    %eq3A = arith.constant 15 : i32
    %eq3A_39 = arith.cmpi eq, %arg1, %eq3A : i32
    %convert_element_type3A_40 = arith.extui %eq3A_39 : i1 to i32
    %cond3A_41 = arith.constant 0 : i32
    %cond3A_42 = arith.cmpi ne, %convert_element_type3A_40, %cond3A_41 : i32
    scf.if %cond3A_42 {
      %mul3A_43 = arith.constant 10000 : i32
      %mul3A_44 = arith.muli %arg0, %mul3A_43 : i32
      %add3A_45 = arith.constant 9480 : i32
      %add3A_46 = arith.addi %mul3A_44, %add3A_45 : i32
      "tpu.region"() ({
        %run_scoped3A = tpu.sem_alloc : memref<!tpu.dma_semaphore, #tpu.memory_space<semaphore_mem>>
        %dma_start3A = arith.constant 0 : i32
        %dma_start3A_47 = tpu.memref_slice %arg5[%add3A_46, %dma_start3A] : memref<20000x128xf32, #tpu.memory_space<hbm>> -> memref<520x128xf32, #tpu.memory_space<hbm>>
        %dma_start3A_48 = arith.constant 9480 : i32
        %dma_start3A_49 = arith.constant 0 : i32
        %dma_start3A_50 = tpu.memref_slice %arg6[%dma_start3A_48, %dma_start3A_49] : memref<10112x128xf32, #tpu.memory_space<vmem_shared>> -> memref<520x128xf32, #tpu.memory_space<vmem_shared>>
        tpu.enqueue_dma source(%dma_start3A_50 : memref<520x128xf32, #tpu.memory_space<vmem_shared>>) target(%dma_start3A_47 : memref<520x128xf32, #tpu.memory_space<hbm>>) target_semaphore(%run_scoped3A : memref<!tpu.dma_semaphore, #tpu.memory_space<semaphore_mem>>)
        %dma_wait3A = arith.constant 0 : i32
        %dma_wait3A_51 = tpu.memref_slice %arg5[%add3A_46, %dma_wait3A] : memref<20000x128xf32, #tpu.memory_space<hbm>> -> memref<520x128xf32, #tpu.memory_space<hbm>>
        %dma_wait3A_52 = arith.constant 9480 : i32
        %dma_wait3A_53 = arith.constant 0 : i32
        %dma_wait3A_54 = tpu.memref_slice %arg6[%dma_wait3A_52, %dma_wait3A_53] : memref<10112x128xf32, #tpu.memory_space<vmem_shared>> -> memref<520x128xf32, #tpu.memory_space<vmem_shared>>
        tpu.wait_dma2 semaphore(%run_scoped3A : memref<!tpu.dma_semaphore, #tpu.memory_space<semaphore_mem>>) src(%dma_wait3A_54 : memref<520x128xf32, #tpu.memory_space<vmem_shared>>) dst(%dma_wait3A_51 : memref<520x128xf32, #tpu.memory_space<hbm>>)
        tpu.yield
      }) : () -> ()
    } else {
    }
    return
  }
}

module attributes {stable_mosaic.version = 14 : i64} {
  func.func @_tcmid_body(%arg0: i32, %arg1: memref<2x400x128xf32, #tpu.memory_space<vmem>>, %arg2: memref<2x400x128xf32, #tpu.memory_space<vmem>>, %arg3: memref<2x400x128xf32, #tpu.memory_space<vmem>>, %arg4: memref<256x256xf32, #tpu.memory_space<vmem>>, %arg5: memref<1x256xf32, #tpu.memory_space<vmem>>, %arg6: memref<2x400x128xf32, #tpu.memory_space<vmem>>) attributes {dimension_semantics = [#tpu.dimension_semantics<arbitrary>], iteration_bounds = array<i64: 25>, scalar_prefetch = 0 : i64, scratch_operands = 0 : i64, tpu.core_type = #tpu.core_type<tc>, window_params = [{transform_indices = @transform_0, window_bounds = array<i64: 2, 400, 128>}, {transform_indices = @transform_1, window_bounds = array<i64: 2, 400, 128>}, {transform_indices = @transform_2, window_bounds = array<i64: 2, 400, 128>}, {pipeline_mode = #tpu.pipeline_mode<synchronous>, transform_indices = @transform_3, window_bounds = array<i64: 256, 256>}, {pipeline_mode = #tpu.pipeline_mode<synchronous>, transform_indices = @transform_4, window_bounds = array<i64: 1, 256>}, {transform_indices = @transform_5, window_bounds = array<i64: 2, 400, 128>}]} {
    %get3A = arith.constant 0 : index
    %get3A_0 = arith.constant 0 : index
    %get3A_1 = arith.constant 0 : index
    %get3A_2 = vector.load %arg3[%get3A, %get3A_0, %get3A_1] : memref<2x400x128xf32, #tpu.memory_space<vmem>>, vector<2x400x128xf32>
    %slice3A = vector.extract_strided_slice %get3A_2 {offsets = [0, 0, 0], sizes = [1, 400, 1], strides = [1, 1, 1]} : vector<2x400x128xf32> to vector<1x400x1xf32>
    %squeeze3A = vector.shape_cast %slice3A : vector<1x400x1xf32> to vector<400x1xf32>
    %slice3A_3 = vector.extract_strided_slice %get3A_2 {offsets = [1, 0, 0], sizes = [1, 400, 1], strides = [1, 1, 1]} : vector<2x400x128xf32> to vector<1x400x1xf32>
    %squeeze3A_4 = vector.shape_cast %slice3A_3 : vector<1x400x1xf32> to vector<400x1xf32>
    %add3A = arith.addf %squeeze3A, %squeeze3A_4 : vector<400x1xf32>
    %add3A_5 = arith.constant 1.000000e+00 : f32
    %add3A_6 = vector.broadcast %add3A_5 : f32 to vector<400x1xf32>
    %add3A_7 = arith.addf %add3A, %add3A_6 : vector<400x1xf32>
    %rsqrt3A = math.rsqrt %add3A_7 : vector<400x1xf32>
    %get3A_8 = arith.constant 0 : index
    %get3A_9 = arith.constant 0 : index
    %get3A_10 = arith.constant 0 : index
    %get3A_11 = vector.load %arg1[%get3A_8, %get3A_9, %get3A_10] : memref<2x400x128xf32, #tpu.memory_space<vmem>>, vector<1x400x128xf32>
    %get3A_12 = vector.shape_cast %get3A_11 : vector<1x400x128xf32> to vector<400x128xf32>
    %get3A_13 = arith.constant 0 : index
    %get3A_14 = arith.constant 0 : index
    %get3A_15 = arith.constant 0 : index
    %get3A_16 = vector.load %arg2[%get3A_13, %get3A_14, %get3A_15] : memref<2x400x128xf32, #tpu.memory_space<vmem>>, vector<1x400x128xf32>
    %get3A_17 = vector.shape_cast %get3A_16 : vector<1x400x128xf32> to vector<400x128xf32>
    %add3A_18 = arith.addf %get3A_12, %get3A_17 : vector<400x128xf32>
    %get3A_19 = arith.constant 1 : index
    %get3A_20 = arith.constant 0 : index
    %get3A_21 = arith.constant 0 : index
    %get3A_22 = vector.load %arg1[%get3A_19, %get3A_20, %get3A_21] : memref<2x400x128xf32, #tpu.memory_space<vmem>>, vector<1x400x128xf32>
    %get3A_23 = vector.shape_cast %get3A_22 : vector<1x400x128xf32> to vector<400x128xf32>
    %get3A_24 = arith.constant 1 : index
    %get3A_25 = arith.constant 0 : index
    %get3A_26 = arith.constant 0 : index
    %get3A_27 = vector.load %arg2[%get3A_24, %get3A_25, %get3A_26] : memref<2x400x128xf32, #tpu.memory_space<vmem>>, vector<1x400x128xf32>
    %get3A_28 = vector.shape_cast %get3A_27 : vector<1x400x128xf32> to vector<400x128xf32>
    %add3A_29 = arith.addf %get3A_23, %get3A_28 : vector<400x128xf32>
    %concatenate3A = tpu.concatenate %add3A_18, %add3A_29 in 1 : vector<400x128xf32>, vector<400x128xf32> -> vector<400x256xf32>
    %mul3A = vector.broadcast %rsqrt3A : vector<400x1xf32> to vector<400x256xf32>
    %mul3A_30 = arith.mulf %mul3A, %concatenate3A : vector<400x256xf32>
    %get3A_31 = arith.constant 0 : index
    %get3A_32 = arith.constant 0 : index
    %get3A_33 = vector.load %arg5[%get3A_31, %get3A_32] : memref<1x256xf32, #tpu.memory_space<vmem>>, vector<1x256xf32>
    %add3A_34 = vector.broadcast %get3A_33 : vector<1x256xf32> to vector<400x256xf32>
    %add3A_35 = arith.addf %mul3A_30, %add3A_34 : vector<400x256xf32>
    %max3A = arith.constant 0.000000e+00 : f32
    %max3A_36 = vector.broadcast %max3A : f32 to vector<400x256xf32>
    %max3A_37 = arith.maximumf %add3A_35, %max3A_36 : vector<400x256xf32>
    %get3A_38 = arith.constant 0 : index
    %get3A_39 = arith.constant 0 : index
    %get3A_40 = vector.load %arg4[%get3A_38, %get3A_39] : memref<256x256xf32, #tpu.memory_space<vmem>>, vector<256x256xf32>
    %dot_general3A = arith.constant dense<0.000000e+00> : vector<400x256xf32>
    %dot_general3A_41 = tpu.matmul %max3A_37, %get3A_40, %dot_general3A {dimension_numbers = #tpu.dot_dimension_numbers<[1], [0], [0], [1], [0, 0, 1, 1], [], []>, precision = #tpu.contract_precision<fp32>, transpose_lhs_hint = false} : vector<400x256xf32>, vector<256x256xf32>, vector<400x256xf32> -> vector<400x256xf32>
    %mul3A_42 = vector.broadcast %rsqrt3A : vector<400x1xf32> to vector<400x256xf32>
    %mul3A_43 = arith.mulf %dot_general3A_41, %mul3A_42 : vector<400x256xf32>
    %slice3A_44 = vector.extract_strided_slice %mul3A_43 {offsets = [0, 0], sizes = [400, 128], strides = [1, 1]} : vector<400x256xf32> to vector<400x128xf32>
    %swap3A = arith.constant 0 : index
    %swap3A_45 = arith.constant 0 : index
    %swap3A_46 = arith.constant 0 : index
    %swap3A_47 = vector.load %arg6[%swap3A, %swap3A_45, %swap3A_46] : memref<2x400x128xf32, #tpu.memory_space<vmem>>, vector<1x400x128xf32>
    %swap3A_48 = vector.shape_cast %swap3A_47 : vector<1x400x128xf32> to vector<400x128xf32>
    %swap3A_49 = vector.shape_cast %slice3A_44 : vector<400x128xf32> to vector<1x400x128xf32>
    tpu.vector_store %arg6[%swap3A, %swap3A_45, %swap3A_46], %swap3A_49 {strides = array<i32>} : memref<2x400x128xf32, #tpu.memory_space<vmem>>, vector<1x400x128xf32>,
    %slice3A_50 = vector.extract_strided_slice %mul3A_43 {offsets = [0, 128], sizes = [400, 128], strides = [1, 1]} : vector<400x256xf32> to vector<400x128xf32>
    %swap3A_51 = arith.constant 1 : index
    %swap3A_52 = arith.constant 0 : index
    %swap3A_53 = arith.constant 0 : index
    %swap3A_54 = vector.load %arg6[%swap3A_51, %swap3A_52, %swap3A_53] : memref<2x400x128xf32, #tpu.memory_space<vmem>>, vector<1x400x128xf32>
    %swap3A_55 = vector.shape_cast %swap3A_54 : vector<1x400x128xf32> to vector<400x128xf32>
    %swap3A_56 = vector.shape_cast %slice3A_50 : vector<400x128xf32> to vector<1x400x128xf32>
    tpu.vector_store %arg6[%swap3A_51, %swap3A_52, %swap3A_53], %swap3A_56 {strides = array<i32>} : memref<2x400x128xf32, #tpu.memory_space<vmem>>, vector<1x400x128xf32>,
    return
  }
  func.func @transform_0(%arg0: i32) -> (i32, i32, i32) {
    %c0_i32 = arith.constant 0 : i32
    %c0_i32_0 = arith.constant 0 : i32
    %c0_i32_1 = arith.constant 0 : i32
    return %c0_i32, %arg0, %c0_i32_0 : i32, i32, i32
  }
  func.func @transform_1(%arg0: i32) -> (i32, i32, i32) {
    %c0_i32 = arith.constant 0 : i32
    %c0_i32_0 = arith.constant 0 : i32
    %c0_i32_1 = arith.constant 0 : i32
    return %c0_i32, %arg0, %c0_i32_0 : i32, i32, i32
  }
  func.func @transform_2(%arg0: i32) -> (i32, i32, i32) {
    %c0_i32 = arith.constant 0 : i32
    %c0_i32_0 = arith.constant 0 : i32
    %c0_i32_1 = arith.constant 0 : i32
    return %c0_i32, %arg0, %c0_i32_0 : i32, i32, i32
  }
  func.func @transform_3(%arg0: i32) -> (i32, i32) {
    %c0_i32 = arith.constant 0 : i32
    %c0_i32_0 = arith.constant 0 : i32
    %c0_i32_1 = arith.constant 0 : i32
    return %c0_i32, %c0_i32_0 : i32, i32
  }
  func.func @transform_4(%arg0: i32) -> (i32, i32) {
    %c0_i32 = arith.constant 0 : i32
    %c0_i32_0 = arith.constant 0 : i32
    %c0_i32_1 = arith.constant 0 : i32
    return %c0_i32, %c0_i32_0 : i32, i32
  }
  func.func @transform_5(%arg0: i32) -> (i32, i32, i32) {
    %c0_i32 = arith.constant 0 : i32
    %c0_i32_0 = arith.constant 0 : i32
    %c0_i32_1 = arith.constant 0 : i32
    return %c0_i32, %arg0, %c0_i32_0 : i32, i32, i32
  }
}

module attributes {stable_mosaic.version = 14 : i64} {
  func.func @_tc1_body(%arg0: i32, %arg1: memref<400x128xf32, #tpu.memory_space<vmem>>, %arg2: memref<128x256xf32, #tpu.memory_space<vmem>>, %arg3: memref<2x400x128xf32, #tpu.memory_space<vmem>>, %arg4: memref<2x400x128xf32, #tpu.memory_space<vmem>>) attributes {dimension_semantics = [#tpu.dimension_semantics<arbitrary>], iteration_bounds = array<i64: 25>, scalar_prefetch = 0 : i64, scratch_operands = 0 : i64, tpu.core_type = #tpu.core_type<tc>, window_params = [{transform_indices = @transform_0, window_bounds = array<i64: 400, 128>}, {pipeline_mode = #tpu.pipeline_mode<synchronous>, transform_indices = @transform_1, window_bounds = array<i64: 128, 256>}, {transform_indices = @transform_2, window_bounds = array<i64: 2, 400, 128>}, {transform_indices = @transform_3, window_bounds = array<i64: 2, 400, 128>}]} {
    %get3A = arith.constant 0 : index
    %get3A_0 = arith.constant 0 : index
    %get3A_1 = arith.constant 0 : index
    %get3A_2 = vector.load %arg3[%get3A, %get3A_0, %get3A_1] : memref<2x400x128xf32, #tpu.memory_space<vmem>>, vector<2x400x128xf32>
    %slice3A = vector.extract_strided_slice %get3A_2 {offsets = [0, 0, 0], sizes = [1, 400, 1], strides = [1, 1, 1]} : vector<2x400x128xf32> to vector<1x400x1xf32>
    %squeeze3A = vector.shape_cast %slice3A : vector<1x400x1xf32> to vector<400x1xf32>
    %slice3A_3 = vector.extract_strided_slice %get3A_2 {offsets = [1, 0, 0], sizes = [1, 400, 1], strides = [1, 1, 1]} : vector<2x400x128xf32> to vector<1x400x1xf32>
    %squeeze3A_4 = vector.shape_cast %slice3A_3 : vector<1x400x1xf32> to vector<400x1xf32>
    %add3A = arith.addf %squeeze3A, %squeeze3A_4 : vector<400x1xf32>
    %add3A_5 = arith.constant 1.000000e+00 : f32
    %add3A_6 = vector.broadcast %add3A_5 : f32 to vector<400x1xf32>
    %add3A_7 = arith.addf %add3A, %add3A_6 : vector<400x1xf32>
    %rsqrt3A = math.rsqrt %add3A_7 : vector<400x1xf32>
    %get3A_8 = arith.constant 0 : index
    %get3A_9 = arith.constant 0 : index
    %get3A_10 = vector.load %arg1[%get3A_8, %get3A_9] : memref<400x128xf32, #tpu.memory_space<vmem>>, vector<400x128xf32>
    %get3A_11 = arith.constant 0 : index
    %get3A_12 = arith.constant 0 : index
    %get3A_13 = vector.load %arg2[%get3A_11, %get3A_12] : memref<128x256xf32, #tpu.memory_space<vmem>>, vector<128x256xf32>
    %dot_general3A = arith.constant dense<0.000000e+00> : vector<400x256xf32>
    %dot_general3A_14 = tpu.matmul %get3A_10, %get3A_13, %dot_general3A {dimension_numbers = #tpu.dot_dimension_numbers<[1], [0], [0], [1], [0, 0, 1, 1], [], []>, precision = #tpu.contract_precision<fp32>, transpose_lhs_hint = false} : vector<400x128xf32>, vector<128x256xf32>, vector<400x256xf32> -> vector<400x256xf32>
    %mul3A = vector.broadcast %rsqrt3A : vector<400x1xf32> to vector<400x256xf32>
    %mul3A_15 = arith.mulf %dot_general3A_14, %mul3A : vector<400x256xf32>
    %slice3A_16 = vector.extract_strided_slice %mul3A_15 {offsets = [0, 0], sizes = [400, 128], strides = [1, 1]} : vector<400x256xf32> to vector<400x128xf32>
    %swap3A = arith.constant 0 : index
    %swap3A_17 = arith.constant 0 : index
    %swap3A_18 = arith.constant 0 : index
    %swap3A_19 = vector.load %arg4[%swap3A, %swap3A_17, %swap3A_18] : memref<2x400x128xf32, #tpu.memory_space<vmem>>, vector<1x400x128xf32>
    %swap3A_20 = vector.shape_cast %swap3A_19 : vector<1x400x128xf32> to vector<400x128xf32>
    %swap3A_21 = vector.shape_cast %slice3A_16 : vector<400x128xf32> to vector<1x400x128xf32>
    tpu.vector_store %arg4[%swap3A, %swap3A_17, %swap3A_18], %swap3A_21 {strides = array<i32>} : memref<2x400x128xf32, #tpu.memory_space<vmem>>, vector<1x400x128xf32>,
    %slice3A_22 = vector.extract_strided_slice %mul3A_15 {offsets = [0, 128], sizes = [400, 128], strides = [1, 1]} : vector<400x256xf32> to vector<400x128xf32>
    %swap3A_23 = arith.constant 1 : index
    %swap3A_24 = arith.constant 0 : index
    %swap3A_25 = arith.constant 0 : index
    %swap3A_26 = vector.load %arg4[%swap3A_23, %swap3A_24, %swap3A_25] : memref<2x400x128xf32, #tpu.memory_space<vmem>>, vector<1x400x128xf32>
    %swap3A_27 = vector.shape_cast %swap3A_26 : vector<1x400x128xf32> to vector<400x128xf32>
    %swap3A_28 = vector.shape_cast %slice3A_22 : vector<400x128xf32> to vector<1x400x128xf32>
    tpu.vector_store %arg4[%swap3A_23, %swap3A_24, %swap3A_25], %swap3A_28 {strides = array<i32>} : memref<2x400x128xf32, #tpu.memory_space<vmem>>, vector<1x400x128xf32>,
    return
  }
  func.func @transform_0(%arg0: i32) -> (i32, i32) {
    %c0_i32 = arith.constant 0 : i32
    %c0_i32_0 = arith.constant 0 : i32
    return %arg0, %c0_i32 : i32, i32
  }
  func.func @transform_1(%arg0: i32) -> (i32, i32) {
    %c0_i32 = arith.constant 0 : i32
    %c0_i32_0 = arith.constant 0 : i32
    %c0_i32_1 = arith.constant 0 : i32
    return %c0_i32, %c0_i32_0 : i32, i32
  }
  func.func @transform_2(%arg0: i32) -> (i32, i32, i32) {
    %c0_i32 = arith.constant 0 : i32
    %c0_i32_0 = arith.constant 0 : i32
    %c0_i32_1 = arith.constant 0 : i32
    return %c0_i32, %arg0, %c0_i32_0 : i32, i32, i32
  }
  func.func @transform_3(%arg0: i32) -> (i32, i32, i32) {
    %c0_i32 = arith.constant 0 : i32
    %c0_i32_0 = arith.constant 0 : i32
    %c0_i32_1 = arith.constant 0 : i32
    return %c0_i32, %arg0, %c0_i32_0 : i32, i32, i32
  }
}

module attributes {stable_mosaic.version = 14 : i64} {
  func.func @_tcfinal_body(%arg0: i32, %arg1: memref<2x400x128xf32, #tpu.memory_space<vmem>>, %arg2: memref<2x400x128xf32, #tpu.memory_space<vmem>>, %arg3: memref<2x400x128xf32, #tpu.memory_space<vmem>>, %arg4: memref<1x256xf32, #tpu.memory_space<vmem>>, %arg5: memref<1x1x400xi32, #tpu.memory_space<vmem>>, %arg6: memref<256x128xf32, #tpu.memory_space<vmem>>, %arg7: memref<1x128xf32, #tpu.memory_space<vmem>>, %arg8: memref<64x128xf32, #tpu.memory_space<vmem>>, %arg9: memref<64x256xf32, #tpu.memory_space<vmem>>, %arg10: memref<1x64xf32, #tpu.memory_space<vmem>>) attributes {dimension_semantics = [#tpu.dimension_semantics<arbitrary>], iteration_bounds = array<i64: 25>, scalar_prefetch = 0 : i64, scratch_operands = 2 : i64, tpu.core_type = #tpu.core_type<tc>, window_params = [{transform_indices = @transform_0, window_bounds = array<i64: 2, 400, 128>}, {transform_indices = @transform_1, window_bounds = array<i64: 2, 400, 128>}, {transform_indices = @transform_2, window_bounds = array<i64: 2, 400, 128>}, {pipeline_mode = #tpu.pipeline_mode<synchronous>, transform_indices = @transform_3, window_bounds = array<i64: 1, 256>}, {transform_indices = @transform_4, window_bounds = array<i64: 1, 1, 400>}, {pipeline_mode = #tpu.pipeline_mode<synchronous>, transform_indices = @transform_5, window_bounds = array<i64: 256, 128>}, {pipeline_mode = #tpu.pipeline_mode<synchronous>, transform_indices = @transform_6, window_bounds = array<i64: 1, 128>}, {pipeline_mode = #tpu.pipeline_mode<synchronous>, transform_indices = @transform_7, window_bounds = array<i64: 64, 128>}]} {
    %eq3A = arith.constant 0 : i32
    %eq3A_0 = arith.cmpi eq, %arg0, %eq3A : i32
    %convert_element_type3A = arith.extui %eq3A_0 : i1 to i32
    %cond3A = arith.constant 0 : i32
    %cond3A_1 = arith.cmpi ne, %convert_element_type3A, %cond3A : i32
    scf.if %cond3A_1 {
      %broadcast_in_dim3A_72 = arith.constant 0.000000e+00 : f32
      %broadcast_in_dim3A_73 = vector.broadcast %broadcast_in_dim3A_72 : f32 to vector<64x256xf32>
      %swap3A_74 = arith.constant 0 : index
      %swap3A_75 = arith.constant 0 : index
      %swap3A_76 = vector.load %arg9[%swap3A_74, %swap3A_75] : memref<64x256xf32, #tpu.memory_space<vmem>>, vector<64x256xf32>
      tpu.vector_store %arg9[%swap3A_74, %swap3A_75], %broadcast_in_dim3A_73 {strides = array<i32>} : memref<64x256xf32, #tpu.memory_space<vmem>>, vector<64x256xf32>,
      %broadcast_in_dim3A_77 = arith.constant 0.000000e+00 : f32
      %broadcast_in_dim3A_78 = vector.broadcast %broadcast_in_dim3A_77 : f32 to vector<1x64xf32>
      %swap3A_79 = arith.constant 0 : index
      %swap3A_80 = arith.constant 0 : index
      %swap3A_81 = vector.load %arg10[%swap3A_79, %swap3A_80] : memref<1x64xf32, #tpu.memory_space<vmem>>, vector<1x64xf32>
      tpu.vector_store %arg10[%swap3A_79, %swap3A_80], %broadcast_in_dim3A_78 {strides = array<i32>} : memref<1x64xf32, #tpu.memory_space<vmem>>, vector<1x64xf32>,
    } else {
    }
    %get3A = arith.constant 0 : index
    %get3A_2 = arith.constant 0 : index
    %get3A_3 = arith.constant 0 : index
    %get3A_4 = vector.load %arg3[%get3A, %get3A_2, %get3A_3] : memref<2x400x128xf32, #tpu.memory_space<vmem>>, vector<2x400x128xf32>
    %slice3A = vector.extract_strided_slice %get3A_4 {offsets = [0, 0, 0], sizes = [1, 400, 1], strides = [1, 1, 1]} : vector<2x400x128xf32> to vector<1x400x1xf32>
    %squeeze3A = vector.shape_cast %slice3A : vector<1x400x1xf32> to vector<400x1xf32>
    %slice3A_5 = vector.extract_strided_slice %get3A_4 {offsets = [1, 0, 0], sizes = [1, 400, 1], strides = [1, 1, 1]} : vector<2x400x128xf32> to vector<1x400x1xf32>
    %squeeze3A_6 = vector.shape_cast %slice3A_5 : vector<1x400x1xf32> to vector<400x1xf32>
    %add3A = arith.addf %squeeze3A, %squeeze3A_6 : vector<400x1xf32>
    %add3A_7 = arith.constant 1.000000e+00 : f32
    %add3A_8 = vector.broadcast %add3A_7 : f32 to vector<400x1xf32>
    %add3A_9 = arith.addf %add3A, %add3A_8 : vector<400x1xf32>
    %rsqrt3A = math.rsqrt %add3A_9 : vector<400x1xf32>
    %get3A_10 = arith.constant 0 : index
    %get3A_11 = arith.constant 0 : index
    %get3A_12 = arith.constant 0 : index
    %get3A_13 = vector.load %arg1[%get3A_10, %get3A_11, %get3A_12] : memref<2x400x128xf32, #tpu.memory_space<vmem>>, vector<1x400x128xf32>
    %get3A_14 = vector.shape_cast %get3A_13 : vector<1x400x128xf32> to vector<400x128xf32>
    %get3A_15 = arith.constant 0 : index
    %get3A_16 = arith.constant 0 : index
    %get3A_17 = arith.constant 0 : index
    %get3A_18 = vector.load %arg2[%get3A_15, %get3A_16, %get3A_17] : memref<2x400x128xf32, #tpu.memory_space<vmem>>, vector<1x400x128xf32>
    %get3A_19 = vector.shape_cast %get3A_18 : vector<1x400x128xf32> to vector<400x128xf32>
    %add3A_20 = arith.addf %get3A_14, %get3A_19 : vector<400x128xf32>
    %get3A_21 = arith.constant 1 : index
    %get3A_22 = arith.constant 0 : index
    %get3A_23 = arith.constant 0 : index
    %get3A_24 = vector.load %arg1[%get3A_21, %get3A_22, %get3A_23] : memref<2x400x128xf32, #tpu.memory_space<vmem>>, vector<1x400x128xf32>
    %get3A_25 = vector.shape_cast %get3A_24 : vector<1x400x128xf32> to vector<400x128xf32>
    %get3A_26 = arith.constant 1 : index
    %get3A_27 = arith.constant 0 : index
    %get3A_28 = arith.constant 0 : index
    %get3A_29 = vector.load %arg2[%get3A_26, %get3A_27, %get3A_28] : memref<2x400x128xf32, #tpu.memory_space<vmem>>, vector<1x400x128xf32>
    %get3A_30 = vector.shape_cast %get3A_29 : vector<1x400x128xf32> to vector<400x128xf32>
    %add3A_31 = arith.addf %get3A_25, %get3A_30 : vector<400x128xf32>
    %concatenate3A = tpu.concatenate %add3A_20, %add3A_31 in 1 : vector<400x128xf32>, vector<400x128xf32> -> vector<400x256xf32>
    %mul3A = vector.broadcast %rsqrt3A : vector<400x1xf32> to vector<400x256xf32>
    %mul3A_32 = arith.mulf %mul3A, %concatenate3A : vector<400x256xf32>
    %get3A_33 = arith.constant 0 : index
    %get3A_34 = arith.constant 0 : index
    %get3A_35 = vector.load %arg4[%get3A_33, %get3A_34] : memref<1x256xf32, #tpu.memory_space<vmem>>, vector<1x256xf32>
    %add3A_36 = vector.broadcast %get3A_35 : vector<1x256xf32> to vector<400x256xf32>
    %add3A_37 = arith.addf %mul3A_32, %add3A_36 : vector<400x256xf32>
    %max3A = arith.constant 0.000000e+00 : f32
    %max3A_38 = vector.broadcast %max3A : f32 to vector<400x256xf32>
    %max3A_39 = arith.maximumf %add3A_37, %max3A_38 : vector<400x256xf32>
    %get3A_40 = arith.constant 0 : index
    %get3A_41 = arith.constant 0 : index
    %get3A_42 = arith.constant 0 : index
    %get3A_43 = vector.load %arg5[%get3A_40, %get3A_41, %get3A_42] : memref<1x1x400xi32, #tpu.memory_space<vmem>>, vector<1x1x400xi32>
    %get3A_44 = vector.shape_cast %get3A_43 : vector<1x1x400xi32> to vector<400xi32>
    %broadcast_in_dim3A = vector.shape_cast %get3A_44 : vector<400xi32> to vector<400x1xi32>
    %iota3A = tpu.iota {dimensions = array<i32: 1>} : vector<400x64xi32>
    %eq3A_45 = vector.broadcast %broadcast_in_dim3A : vector<400x1xi32> to vector<400x64xi32>
    %eq3A_46 = arith.cmpi eq, %eq3A_45, %iota3A : vector<400x64xi32>
    %convert_element_type3A_47 = arith.extui %eq3A_46 : vector<400x64xi1> to vector<400x64xi32>
    %convert_element_type3A_48 = arith.sitofp %convert_element_type3A_47 : vector<400x64xi32> to vector<400x64xf32>
    %get3A_49 = arith.constant 0 : index
    %get3A_50 = arith.constant 0 : index
    %get3A_51 = vector.load %arg9[%get3A_49, %get3A_50] : memref<64x256xf32, #tpu.memory_space<vmem>>, vector<64x256xf32>
    %dot_general3A = arith.constant dense<0.000000e+00> : vector<64x256xf32>
    %dot_general3A_52 = tpu.matmul %convert_element_type3A_48, %max3A_39, %dot_general3A {dimension_numbers = #tpu.dot_dimension_numbers<[0], [0], [1], [1], [0, 1, 1, 1], [], []>, precision = #tpu.contract_precision<fp32>, transpose_lhs_hint = false} : vector<400x64xf32>, vector<400x256xf32>, vector<64x256xf32> -> vector<64x256xf32>
    %add3A_53 = arith.addf %get3A_51, %dot_general3A_52 : vector<64x256xf32>
    %swap3A = arith.constant 0 : index
    %swap3A_54 = arith.constant 0 : index
    %swap3A_55 = vector.load %arg9[%swap3A, %swap3A_54] : memref<64x256xf32, #tpu.memory_space<vmem>>, vector<64x256xf32>
    tpu.vector_store %arg9[%swap3A, %swap3A_54], %add3A_53 {strides = array<i32>} : memref<64x256xf32, #tpu.memory_space<vmem>>, vector<64x256xf32>,
    %get3A_56 = arith.constant 0 : index
    %get3A_57 = arith.constant 0 : index
    %get3A_58 = vector.load %arg10[%get3A_56, %get3A_57] : memref<1x64xf32, #tpu.memory_space<vmem>>, vector<1x64xf32>
    %get3A_59 = vector.shape_cast %get3A_58 : vector<1x64xf32> to vector<64xf32>
    %reduce_sum3A = arith.constant dense<0.000000e+00> : vector<64xf32>
    %reduce_sum3A_60 = vector.multi_reduction <add>, %convert_element_type3A_48, %reduce_sum3A [0] : vector<400x64xf32> to vector<64xf32>
    %add3A_61 = arith.addf %get3A_59, %reduce_sum3A_60 : vector<64xf32>
    %swap3A_62 = arith.constant 0 : index
    %swap3A_63 = arith.constant 0 : index
    %swap3A_64 = vector.load %arg10[%swap3A_62, %swap3A_63] : memref<1x64xf32, #tpu.memory_space<vmem>>, vector<1x64xf32>
    %swap3A_65 = vector.shape_cast %swap3A_64 : vector<1x64xf32> to vector<64xf32>
    %swap3A_66 = vector.shape_cast %add3A_61 : vector<64xf32> to vector<1x64xf32>
    tpu.vector_store %arg10[%swap3A_62, %swap3A_63], %swap3A_66 {strides = array<i32>} : memref<1x64xf32, #tpu.memory_space<vmem>>, vector<1x64xf32>,
    %eq3A_67 = arith.constant 24 : i32
    %eq3A_68 = arith.cmpi eq, %arg0, %eq3A_67 : i32
    %convert_element_type3A_69 = arith.extui %eq3A_68 : i1 to i32
    %cond3A_70 = arith.constant 0 : i32
    %cond3A_71 = arith.cmpi ne, %convert_element_type3A_69, %cond3A_70 : i32
    scf.if %cond3A_71 {
      %get3A_72 = arith.constant 0 : index
      %get3A_73 = arith.constant 0 : index
      %get3A_74 = vector.load %arg9[%get3A_72, %get3A_73] : memref<64x256xf32, #tpu.memory_space<vmem>>, vector<64x256xf32>
      %get3A_75 = arith.constant 0 : index
      %get3A_76 = arith.constant 0 : index
      %get3A_77 = vector.load %arg10[%get3A_75, %get3A_76] : memref<1x64xf32, #tpu.memory_space<vmem>>, vector<1x64xf32>
      %get3A_78 = vector.shape_cast %get3A_77 : vector<1x64xf32> to vector<64xf32>
      %max3A_79 = arith.constant 1.000000e+00 : f32
      %max3A_80 = vector.broadcast %max3A_79 : f32 to vector<64xf32>
      %max3A_81 = arith.maximumf %get3A_78, %max3A_80 : vector<64xf32>
      %broadcast_in_dim3A_82 = vector.shape_cast %max3A_81 : vector<64xf32> to vector<64x1xf32>
      %div3A = vector.broadcast %broadcast_in_dim3A_82 : vector<64x1xf32> to vector<64x256xf32>
      %div3A_83 = arith.divf %get3A_74, %div3A : vector<64x256xf32>
      %get3A_84 = arith.constant 0 : index
      %get3A_85 = arith.constant 0 : index
      %get3A_86 = vector.load %arg6[%get3A_84, %get3A_85] : memref<256x128xf32, #tpu.memory_space<vmem>>, vector<256x128xf32>
      %dot_general3A_87 = arith.constant dense<0.000000e+00> : vector<64x128xf32>
      %dot_general3A_88 = tpu.matmul %div3A_83, %get3A_86, %dot_general3A_87 {dimension_numbers = #tpu.dot_dimension_numbers<[1], [0], [0], [1], [0, 0, 1, 1], [], []>, precision = #tpu.contract_precision<fp32>, transpose_lhs_hint = false} : vector<64x256xf32>, vector<256x128xf32>, vector<64x128xf32> -> vector<64x128xf32>
      %get3A_89 = arith.constant 0 : index
      %get3A_90 = arith.constant 0 : index
      %get3A_91 = vector.load %arg7[%get3A_89, %get3A_90] : memref<1x128xf32, #tpu.memory_space<vmem>>, vector<1x128xf32>
      %add3A_92 = vector.broadcast %get3A_91 : vector<1x128xf32> to vector<64x128xf32>
      %add3A_93 = arith.addf %dot_general3A_88, %add3A_92 : vector<64x128xf32>
      %swap3A_94 = arith.constant 0 : index
      %swap3A_95 = arith.constant 0 : index
      %swap3A_96 = vector.load %arg8[%swap3A_94, %swap3A_95] : memref<64x128xf32, #tpu.memory_space<vmem>>, vector<64x128xf32>
      tpu.vector_store %arg8[%swap3A_94, %swap3A_95], %add3A_93 {strides = array<i32>} : memref<64x128xf32, #tpu.memory_space<vmem>>, vector<64x128xf32>,
    } else {
    }
    return
  }
  func.func @transform_0(%arg0: i32) -> (i32, i32, i32) {
    %c0_i32 = arith.constant 0 : i32
    %c0_i32_0 = arith.constant 0 : i32
    %c0_i32_1 = arith.constant 0 : i32
    return %c0_i32, %arg0, %c0_i32_0 : i32, i32, i32
  }
  func.func @transform_1(%arg0: i32) -> (i32, i32, i32) {
    %c0_i32 = arith.constant 0 : i32
    %c0_i32_0 = arith.constant 0 : i32
    %c0_i32_1 = arith.constant 0 : i32
    return %c0_i32, %arg0, %c0_i32_0 : i32, i32, i32
  }
  func.func @transform_2(%arg0: i32) -> (i32, i32, i32) {
    %c0_i32 = arith.constant 0 : i32
    %c0_i32_0 = arith.constant 0 : i32
    %c0_i32_1 = arith.constant 0 : i32
    return %c0_i32, %arg0, %c0_i32_0 : i32, i32, i32
  }
  func.func @transform_3(%arg0: i32) -> (i32, i32) {
    %c0_i32 = arith.constant 0 : i32
    %c0_i32_0 = arith.constant 0 : i32
    %c0_i32_1 = arith.constant 0 : i32
    return %c0_i32, %c0_i32_0 : i32, i32
  }
  func.func @transform_4(%arg0: i32) -> (i32, i32, i32) {
    %c0_i32 = arith.constant 0 : i32
    %c0_i32_0 = arith.constant 0 : i32
    %c0_i32_1 = arith.constant 0 : i32
    return %arg0, %c0_i32, %c0_i32_0 : i32, i32, i32
  }
  func.func @transform_5(%arg0: i32) -> (i32, i32) {
    %c0_i32 = arith.constant 0 : i32
    %c0_i32_0 = arith.constant 0 : i32
    %c0_i32_1 = arith.constant 0 : i32
    return %c0_i32, %c0_i32_0 : i32, i32
  }
  func.func @transform_6(%arg0: i32) -> (i32, i32) {
    %c0_i32 = arith.constant 0 : i32
    %c0_i32_0 = arith.constant 0 : i32
    %c0_i32_1 = arith.constant 0 : i32
    return %c0_i32, %c0_i32_0 : i32, i32
  }
  func.func @transform_7(%arg0: i32) -> (i32, i32) {
    %c0_i32 = arith.constant 0 : i32
    %c0_i32_0 = arith.constant 0 : i32
    %c0_i32_1 = arith.constant 0 : i32
    return %c0_i32, %c0_i32_0 : i32, i32
  }
}

</mosaic_0001>

<sc_bundles>
// kernel: kernel.10.cloned.1.call-start
scs
__scs_entry_jumppad:
0x0: {  	(pc) =	sbr.rel $0x88, $3  }
0x1: {  	(tag) =	ssettag $0x0;
	lr =	simm.s32 $0x1  }
0x2: {  	[smem:$0x3F96] =	sst lr;
	_ =	strace $0xD0000000  }
0x3: {  	_ = 	snop  }
0x4: {  	_ = 	snop  }
0x5: {  	_ = 	snop  }
0x6: {  	_ = 	snop  }
0x7: {  	_ = 	snop  }
__scs_overlays_trampoline_lowered:
0x8: {  	[smem:$0x3FA5] =	sst s0  }
0x9: {  	[smem:$0x3FA6] =	sst s1  }
0xa: {  	[smem:$0x3FA7] =	sst s2  }
0xb: {  	[smem:$0x3FA8] =	sst s3  }
0xc: {  	[smem:$0x3FA9] =	sst s4  }
0xd: {  	[smem:$0x3FAA] =	sst s5  }
0xe: {  	[smem:$0x3FAB] =	sst s6  }
0xf: {  	[smem:$0x3FAC] =	sst s7  }
0x10: {  	[smem:$0x3FAD] =	sst s8  }
0x11: {  	[smem:$0x3FAE] =	sst s9;
	s0 =	simm.s32 @!p0 $0x0  }
0x12: {  	s1 =	sld [smem:$0x3F94];
	s0 =	simm.s32 @p0 $0x1  }
0x13: {  	[smem:$0x3FAF] =	sst s0;
	s0 =	simm.s32 @!p1 $0x0  }
0x14: {  	s2 =	sld [smem:$0x3F93];
	s0 =	simm.s32 @p1 $0x1  }
0x15: {  	[smem:$0x3FB0] =	sst s0;
	s0 =	simm.s32 @!p2 $0x0  }
0x16: {  	s3 =	sld [smem:$0x3FDB];
	s0 =	simm.s32 @p2 $0x1  }
0x17: {  	s4 =	simm.s32 $0x1BF5;
	[smem:$0x3FB2] =	sst s0  }
0x18: {  	s0 =	sld [smem:$0x3F95];
	_ =	swait.ge [sflag:s4], $0x0  }
0x19: {  	s7 =	sld [smem:$0x3F96]  }
0x1a: {  	s8 =	sadd.s32 $0xFFFFE003, lr  }
0x1b: {  	s9 =	sadd.s32 $0xFFFFFEF7, lr;
	s5 =	simm.s32 $0xFFFFFFFF;
	p2 =	slt.u32 s8, $0xFFFFF086  }
0x1c: {  	p1 =	slt.u32 s9, $0xF7A;
	s5 =	simm.s32 @!p2 $0x0  }
0x1d: {  	s5 =	simm.s32 @p1 $0x1;
	p0 =	seq.s32 s7, s2  }
0x1e: {  	s7 =	smul.u32 @!p0 $0xF7A, s2;
	p2 =	seq.s32 @!p0 s5, $0x0  }
0x1f: {  	s9 =	smul.u32 $0xF7A, s1;
	s8 =	simm.s32 @!p0 $0x1BF5;
	p2 =	por !p2, p0  }
0x20: {  	[sflag:s8] =	ssyncset.s32 @!p0 $0xFFFFF086;
	s6 =	sadd.s32 @!p0 s3, s7;
	s7 =	simm.s32 @!p0 $0x108  }
0x21: {  	s3 =	sadd.s32 s3, s9;
	s6 =	sadd.s32 @!p0 $0x88, s6;
	s7 =	simm.s32 @p2 $0x1082  }
0x22: {  	[simem:s7], [sflag:s8] =	dma.local @!p0 [hbm:s6], $0xF7A  }
0x23: {  	s9 =	sor.u32 $0xD0000000, s2;
	s6 =	simm.s32 $0x108;
	_ =	swait.ge @!p0 [sflag:s8], $0x0  }
0x24: {  	s3 =	sadd.s32 $0x88, s3;
	s6 =	simm.s32 @!p1 $0x1082;
	[sflag:s4] =	ssyncset.s32 $0xFFFFF086  }
0x25: {  	[simem:s6], [sflag:s4] =	dma.local [hbm:s3], $0xF7A  }
0x26: {  	[smem:$0x3F96] =	sst s1;
	(tag) =	ssettag s2;
	_ =	strace s9  }
0x27: {  	s1 =	sld [smem:$0x3FA6]  }
0x28: {  	s2 =	sld [smem:$0x3FA7]  }
0x29: {  	s4 =	sld [smem:$0x3FA9]  }
0x2a: {  	p0 =	seq.s32 s5, $0x0;
	s5 =	sld [smem:$0x3FAA]  }
0x2b: {  	s6 =	sld [smem:$0x3FAB]  }
0x2c: {  	s7 =	sld [smem:$0x3FAC]  }
0x2d: {  	s3 =	simm.s32 $0x108;
	s8 =	sld [smem:$0x3FAD]  }
0x2e: {  	s3 =	simm.s32 @!p0 $0x1082;
	s9 =	sld [smem:$0x3FAE]  }
0x2f: {  	lr =	sadd.s32 s0, s3;
	s0 =	sld [smem:$0x3FA5]  }
0x30: {  	s3 =	sld [smem:$0x3FA8]  }
0x31: {  	[smem:$0x3FB1] =	sst s10  }
0x32: {  	s10 =	sld [smem:$0x3FAF];
	_ =	sdelay $0x3  }
0x33: {  	p0 =	seq.s32 s10, $0x1;
	s10 =	sld [smem:$0x3FB1];
	_ =	sdelay $0x3  }
0x34: {  	[smem:$0x3FB1] =	sst s10  }
0x35: {  	s10 =	sld [smem:$0x3FB0];
	_ =	sdelay $0x3  }
0x36: {  	p1 =	seq.s32 s10, $0x1;
	s10 =	sld [smem:$0x3FB1];
	_ =	sdelay $0x3  }
0x37: {  	[smem:$0x3FB1] =	sst s10  }
0x38: {  	s10 =	sld [smem:$0x3FB2]  }
0x39: {  	_ = 	snop;
	(pc) =	sbr.ind lr, $3  }
0x3a: {  	_ = 	snop  }
0x3b: {  	_ = 	snop  }
0x3c: {  	p2 =	seq.s32 s10, $0x1;
	s10 =	sld [smem:$0x3FB1]  }
0x3d: {  	_ =	shalt  }
0x3e: {  	_ =	shalt  }
0x3f: {  	_ =	shalt  }
0x40: {  	_ =	shalt  }
0x41: {  	_ =	shalt  }
0x42: {  	_ =	shalt  }
0x43: {  	_ =	shalt  }
0x44: {  	_ =	shalt  }
0x45: {  	_ =	shalt  }
0x46: {  	_ =	shalt  }
0x47: {  	_ =	shalt  }
0x48: {  	_ =	shalt  }
0x49: {  	_ =	shalt  }
0x4a: {  	_ =	shalt  }
0x4b: {  	_ =	shalt  }
0x4c: {  	_ =	shalt  }
0x4d: {  	_ =	shalt  }
0x4e: {  	_ =	shalt  }
0x4f: {  	_ =	shalt  }
0x50: {  	_ =	shalt  }
0x51: {  	_ =	shalt  }
0x52: {  	_ =	shalt  }
0x53: {  	_ =	shalt  }
0x54: {  	_ =	shalt  }
0x55: {  	_ =	shalt  }
0x56: {  	_ =	shalt  }
0x57: {  	_ =	shalt  }
0x58: {  	_ =	shalt  }
0x59: {  	_ =	shalt  }
0x5a: {  	_ =	shalt  }
0x5b: {  	_ =	shalt  }
0x5c: {  	_ =	shalt  }
0x5d: {  	_ =	shalt  }
0x5e: {  	_ =	shalt  }
0x5f: {  	_ =	shalt  }
0x60: {  	_ =	shalt  }
0x61: {  	_ =	shalt  }
0x62: {  	_ =	shalt  }
0x63: {  	_ =	shalt  }
0x64: {  	_ =	shalt  }
0x65: {  	_ =	shalt  }
0x66: {  	_ =	shalt  }
0x67: {  	_ =	shalt  }
0x68: {  	_ =	shalt  }
0x69: {  	_ =	shalt  }
0x6a: {  	_ =	shalt  }
0x6b: {  	_ =	shalt  }
0x6c: {  	_ =	shalt  }
0x6d: {  	_ =	shalt  }
0x6e: {  	_ =	shalt  }
0x6f: {  	_ =	shalt  }
0x70: {  	_ =	shalt  }
0x71: {  	_ =	shalt  }
0x72: {  	_ =	shalt  }
0x73: {  	_ =	shalt  }
0x74: {  	_ =	shalt  }
0x75: {  	_ =	shalt  }
0x76: {  	_ =	shalt  }
0x77: {  	_ =	shalt  }
0x78: {  	_ =	shalt  }
0x79: {  	_ =	shalt  }
0x7a: {  	_ =	shalt  }
0x7b: {  	_ =	shalt  }
0x7c: {  	_ =	shalt  }
0x7d: {  	_ =	shalt  }
0x7e: {  	_ =	shalt  }
0x7f: {  	_ =	shalt  }
0x80: {  	_ =	shalt  }
0x81: {  	_ =	shalt  }
0x82: {  	_ =	shalt  }
0x83: {  	_ =	shalt  }
0x84: {  	_ =	shalt  }
0x85: {  	_ =	shalt  }
0x86: {  	_ =	shalt  }
0x87: {  	_ =	shalt  }
.Lfunc_end0:
.L_simem_size_0:
called_computation_lowered:
.L_overlay_start_0:
0x88: {  	s2 =	sld [smem:$0x3FD9]  }
0x89: {  	s3 =	sld [smem:$0x3FFE];
	_ =	sdelay $0x1  }
0x8a: {  	s1 =	srdreg.scid  }
0x8b: {  	s0 =	sand.u32 $0x1, s1  }
0x8c: {  	s16 =	sshll.u32 s0, $0xA;
	s2 =	sadd.s32 s3, s2  }
0x8d: {  	s2 =	sadd.s32 s2, s16  }
0x8e: {  	[smem:$0x3FBD] =	sst s2  }
0x8f: {  	_ = 	snop  }
0x90: {  	(tm) =	ssettm $0x1  }
0x91: {  	s17 =	sld [smem:$0x3FFB];
	_ =	sdelay $0x3  }
0x92: {  	_ =	strace s17  }
0x93: {  	s2 =	sld [smem:$0x3FFC];
	_ =	sdelay $0x3  }
0x94: {  	_ =	strace s2  }
0x95: {  	s2 =	sld [smem:$0x3FFD];
	_ =	sdelay $0x3  }
0x96: {  	_ =	strace s2  }
0x97: {  	_ =	strace $0x8FFFFFFF  }
0x98: {  	s18 =	sld [smem:$0x3FDB];
	_ =	sdelay $0x1  }
0x99: {  	s19 =	simm.s32 $_scs_section_size  }
0x9a: {  	s4 =	simm.s32 $_size__tile_overlayer_lowered;
	s5 =	simm.s32 $_tile_overlayer_lowered  }
0x9b: {  	s22 =	simm.s32 $0x1BFF;
	s21 =	sshll.u32 s5, $0x1;
	s2 =	sadd.s32 s19, s18  }
0x9c: {  	s6 =	simm.s32 $0x0;
	s20 =	sshll.u32 s4, $0x1;
	s4 =	sadd.s32 s21, s2  }
0x9d: {  	[timem:s6], [sflag:s22] =	dma.local [hbm:s4], s20  }
0x9e: {  	_ =	swait.ge [sflag:s22], s20  }
0x9f: {  	s3 =	ssub.s32 $0x0, s20;
	[sflag:s22] =	ssyncset.done $0x0  }
0xa0: {  	[sflag:s22] =	ssyncadd.s32 s3;
	_ =	sdelay $0x1  }
0xa1: {  	s23 =	simm.s32 $0x1B8B  }
0xa2: {  	_ =	swait.ge [sflag:s23], $0x1  }
0xa3: {  	[sflag:s23] =	ssyncset.done $0x0  }
0xa4: {  	s25 =	simm.s32 $0x1B8E;
	s24 =	sld [smem:$0x3FFE];
	[sflag:s23] =	ssyncadd.s32 $0xFFFFFFFF  }
0xa5: {  	s26 =	simm.s32 $execute0_lowered;
	[smem:$0x3FD2] =	sst s25  }
0xa6: {  	s4 =	sshll.u32 s26, $0x1;
	_ =	strace $0x80000046;
	[dreg:$0x1] =	wrdreg $0xFFFFFFFF  }
0xa7: {  	s28 =	simm.s32 $_size_execute0_lowered;
	s2 =	sadd.s32 s2, s4;
	[dreg:$0x0] =	wrdreg $0x0  }
0xa8: {  	s4 =	sshll.u32 s28, $0x1;
	[dreg:$0x2] =	wrdreg s2  }
0xa9: {  	[dreg:$0x3] =	wrdreg s4  }
0xaa: {  	[dreg:$0x4] =	wrdreg $0xC0  }
0xab: {  	_ =	task [dreg:s6], $0x5FFFF  }
0xac: {  	[dreg:$0x1] =	wrdreg $0xFFFFFFFF  }
0xad: {  	[dreg:$0x0] =	wrdreg $0x60  }
0xae: {  	[dreg:$0x2] =	wrdreg s24  }
0xaf: {  	[dreg:$0x3] =	wrdreg $0x0  }
0xb0: {  	[dreg:$0x4] =	wrdreg $0x9  }
0xb1: {  	_ =	task.clear_ibuf [dreg:s6], $0x5FFFF;
	_ =	strace $0x90000046  }
0xb2: {  	s29 =	simm.s32 $0x9;
	_ =	strace $0x80000048  }
0xb3: {  	_ =	swait.ge [sflag:s29], $0x1  }
0xb4: {  	[sflag:s29] =	ssyncadd.s32 $0xFFFFFFFF  }
0xb5: {  	_ =	strace $0x90000048  }
0xb6: {  	_ =	sfence  }
0xb7: {  	s30 =	sld [smem:$0x0];
	_ =	sdelay $0x2  }
0xb8: {  	s31 =	sshll.u32 s1, $0xD;
	s1 =	sshrl.u32 s1, $0x2  }
0xb9: {  	s3 =	sand.u32 $0x4000, s31;
	s1 =	sadd.s32 s1, s30  }
0xba: {  	s0 =	sor.u32 s3, s0;
	s1 =	sshll.u32 s1, $0x11  }
0xbb: {  	s0 =	sor.u32 s1, s0  }
0xbc: {  	s0 =	sadd.s32 $0x8F2B, s0  }
0xbd: {  	[sflag:s0] =	ssyncadd.remote.s32 $0x1  }
0xbe: {  	_ =	sfence.sel $0xFFFF  }
0xbf: {  	[dreg:$0x0] =	wrdreg $0xFFFFFFFF;
	(pc) =	sbr.abs _section_cstart, $3  }
0xc0: {  	[dreg:$0x1] =	wrdreg $0xFFFFFFFF  }
0xc1: {  	_ =	task.clear_ibuf [dreg:s6], $0x2FFFF;
	_ =	strace $0x9FFFFFFF  }
0xc2: {  	(tm) =	ssettm $0x7FFFFFFF  }
0xc3: {  	_ =	shalt  }
tec
execute0_lowered:
.L_overlay_start_1:
0x0: {  	(tag) =	ssettag $0x1  }
0x1: {  	s0 =	rddreg [dreg:$0x0];
	s23 =	stileid.u32  }
0x2: {  	s4 =	srdreg.scid;
	s3 =	simm.s32 $0x0;
	s1 =	smul.u32 $0xA00, s23  }
0x3: {  	s31 =	simm.s32 $0x14C00;
	s5 =	sand.u32 $0x1, s4;
	s21 =	smul.u32 $0x4F000, s23  }
0x4: {  	[smem:$0x7FF] =	sst s3;
	s9 =	smul.u32 $0x13C00, s23;
	p0 =	seq.s32 s23, $0xF  }
0x5: {  	s2 =	rddreg [dreg:$0x1];
	s7 =	smul.u32 $0x138800, s5;
	_ =	strace $0x80000047  }
0x6: {  	s6 =	ssub.s32 $0x2, s5;
	s25 =	sshll.u32 s5, $0xB;
	s5 =	sadd.s32 $0x128400, s2  }
0x7: {  	s8 =	sshrl.u32 s6, $0x1;
	s1 =	sadd.s32 s1, s0;
	s0 =	sadd.s32 $0x17C00, s0  }
0x8: {  	s4 =	sshrl.u32 s21, $0x2;
	s10 =	sadd.s32 $0x13D00, s25;
	s11 =	sadd.s32 $0x13D80, s25  }
0x9: {  	s12 =	sadd.s32 $0x13E00, s25;
	s13 =	sadd.s32 $0x13E80, s25;
	s14 =	sadd.s32 $0x13F00, s25  }
0xa: {  	s15 =	sadd.s32 $0x13F80, s25;
	s16 =	sor.u32 $0x14000, s25;
	s17 =	sor.u32 $0x14080, s25  }
0xb: {  	s18 =	sor.u32 $0x14100, s25;
	s19 =	sor.u32 $0x14180, s25;
	s20 =	sor.u32 $0x14200, s25  }
0xc: {  	s21 =	sor.u32 $0x14280, s25;
	s23 =	sor.u32 $0x14380, s25;
	s6 =	ssub.s32 s6, s8  }
0xd: {  	s22 =	sadd.s32 s9, s7;
	s7 =	sshrl.u32 s7, $0x3;
	s4 =	sadd.s32 s4, s2  }
0xe: {  	s9 =	sadd.s32 $0x13C80, s25;
	s8 =	sshrl.u32 s22, $0x3;
	s6 =	smax.u32 s6, $0x1  }
0xf: {  	s7 =	sadd.s32 s0, s7;
	s26 =	sadd.s32 $0x4000, s4;
	[dreg:$0x5] =	wrdreg s6  }
0x10: {  	s22 =	sor.u32 $0x14300, s25;
	s28 =	sadd.s32 $0x8000, s4;
	[dreg:$0x7] =	wrdreg s26  }
0x11: {  	s29 =	sadd.s32 $0xC000, s4;
	s0 =	sadd.s32 s0, s8;
	[dreg:$0x8] =	wrdreg s28  }
0x12: {  	s30 =	sadd.s32 $0x10000, s4;
	s24 =	sadd.s32 $0x25080, s7;
	[dreg:$0x3] =	wrdreg s0  }
0x13: {  	s8 =	sadd.s32 $0x13C00, s25;
	s6 =	simm.s32 $0x0;
	[dreg:$0x4] =	wrdreg s24  }
0x14: {  	s24 =	sadd.s32 $0xDC00, s1;
	s0 =	sshrl.u32 @p0 s5, $0x3;
	s1 =	simm.s32 $0x13C00  }
0x15: {  	v0 =	vimm.f32 $0.0e+00;
	v1 =	vimm.f32 $1.000000000e+00;
	s5 =	simm.s32 $0x80;
	[dreg:$0x6] =	wrdreg s0;
	s0 =	simm.s32 $0x1  }
.LBB2_1:
0x16: {  	s7 =	simm.s32 $0x0;
	s25 =	simm.s32 $0x200  }
.LBB2_2:
0x17: {  	p1 =	sne.s32 s25, $0xFE00;
	[tilespmem:s7+$0x14C70] =	vst v0  }
0x18: {  	[tilespmem:s7+$0x14C00] =	vst v0  }
0x19: {  	[tilespmem:s7+$0x14C10] =	vst v0  }
.Ltmp0:
0x1a: {  	[tilespmem:s7+$0x14C20] =	vst v0;
	(pc) =	sbr.rel @p1 .LBB2_2-.Ltmp0, $4  }
0x1b: {  	[tilespmem:s7+$0x14C30] =	vst v0  }
0x1c: {  	[tilespmem:s7+$0x14C40] =	vst v0  }
0x1d: {  	[tilespmem:s7+$0x14C50] =	vst v0  }
0x1e: {  	[tilespmem:s7+$0x14C60] =	vst v0;
	s7 =	sshra.s32 s25, $0x2;
	s25 =	sadd.s32 $0x200, s25  }
0x1f: {  	[tilespmem:s7+$0x14C70] =	vst v0  }
0x20: {  	[tilespmem:s7+$0x14C00] =	vst v0  }
0x21: {  	[tilespmem:s7+$0x14C10] =	vst v0  }
0x22: {  	[tilespmem:s7+$0x14C20] =	vst v0  }
0x23: {  	[tilespmem:s7+$0x14C30] =	vst v0  }
0x24: {  	[tilespmem:s7+$0x14C40] =	vst v0  }
0x25: {  	[tilespmem:s7+$0x14C50] =	vst v0  }
0x26: {  	[tilespmem:s7+$0x14C60] =	vst v0  }
0x27: {  	[spmem:s4] =	stream.linear.scatter [tilespmem:s31], [sflag:$0x1], $0x4000, $0x38;
	[tilespmem:$0x18C00] =	vst v63  }
0x28: {  	_ =	swait.ge [sflag:s0], $0x4000  }
0x29: {  	[sflag:s0] =	ssyncset.done $0x0  }
0x2a: {  	s26 =	rddreg [dreg:$0x7];
	[sflag:s0] =	ssyncadd.s32 $0xFFFFC000  }
0x2b: {  	[spmem:s26] =	stream.linear.scatter [tilespmem:s31], [sflag:$0x1], $0x4000, $0x38;
	[tilespmem:$0x18C00] =	vst v63  }
0x2c: {  	_ =	swait.ge [sflag:s0], $0x4000  }
0x2d: {  	[sflag:s0] =	ssyncset.done $0x0  }
0x2e: {  	s28 =	rddreg [dreg:$0x8];
	[sflag:s0] =	ssyncadd.s32 $0xFFFFC000  }
0x2f: {  	[spmem:s28] =	stream.linear.scatter [tilespmem:s31], [sflag:$0x1], $0x4000, $0x38;
	[tilespmem:$0x18C00] =	vst v63  }
0x30: {  	_ =	swait.ge [sflag:s0], $0x4000  }
0x31: {  	[sflag:s0] =	ssyncset.done $0x0  }
0x32: {  	[sflag:s0] =	ssyncadd.s32 $0xFFFFC000  }
0x33: {  	[spmem:s29] =	stream.linear.scatter [tilespmem:s31], [sflag:$0x1], $0x4000, $0x38;
	[tilespmem:$0x18C00] =	vst v63  }
0x34: {  	_ =	swait.ge [sflag:s0], $0x4000  }
0x35: {  	[sflag:s0] =	ssyncset.done $0x0  }
0x36: {  	[sflag:s0] =	ssyncadd.s32 $0xFFFFC000  }
0x37: {  	[spmem:s30] =	stream.linear.scatter [tilespmem:s31], [sflag:$0x1], $0x3C00, $0x38;
	[tilespmem:$0x18C00] =	vst v63  }
0x38: {  	_ =	swait.ge [sflag:s0], $0x3C00  }
0x39: {  	[sflag:s0] =	ssyncset.done $0x0  }
0x3a: {  	s7 =	simm.s32 $0x0;
	s25 =	simm.s32 $0x200;
	[sflag:s0] =	ssyncadd.s32 $0xFFFFC400  }
.LBB2_4:
0x3b: {  	p1 =	sne.s32 s25, $0xFE00;
	[tilespmem:s7+$0x14C70] =	vst v1  }
0x3c: {  	[tilespmem:s7+$0x14C00] =	vst v1  }
0x3d: {  	[tilespmem:s7+$0x14C10] =	vst v1  }
.Ltmp1:
0x3e: {  	[tilespmem:s7+$0x14C20] =	vst v1;
	(pc) =	sbr.rel @p1 .LBB2_4-.Ltmp1, $4  }
0x3f: {  	[tilespmem:s7+$0x14C30] =	vst v1  }
0x40: {  	[tilespmem:s7+$0x14C40] =	vst v1  }
0x41: {  	[tilespmem:s7+$0x14C50] =	vst v1  }
0x42: {  	[tilespmem:s7+$0x14C60] =	vst v1;
	s7 =	sshra.s32 s25, $0x2;
	s25 =	sadd.s32 $0x200, s25  }
0x43: {  	[tilespmem:s7+$0x14C70] =	vst v1  }
0x44: {  	[tilespmem:s7+$0x14C00] =	vst v1  }
0x45: {  	[tilespmem:s7+$0x14C10] =	vst v1  }
0x46: {  	[tilespmem:s7+$0x14C20] =	vst v1  }
0x47: {  	[tilespmem:s7+$0x14C30] =	vst v1  }
0x48: {  	[tilespmem:s7+$0x14C40] =	vst v1  }
0x49: {  	[tilespmem:s7+$0x14C50] =	vst v1  }
0x4a: {  	[tilespmem:s7+$0x14C60] =	vst v1  }
0x4b: {  	s28 =	sadd.s32 $0x0, s24;
	[bflag:$0x0] =	sbarrier.arrive $0xFFFF  }
0x4c: {  	[tilespmem:s1], [sflag:$0x1] =	stream.linear.gather [hbm4b:s28+s3], $0x1000, $0x38;
	[tilespmem:$0x18C00] =	vst v63  }
0x4d: {  	_ =	swait.ge [sflag:s0], $0x1000  }
0x4e: {  	[sflag:s0] =	ssyncset.done $0x0  }
0x4f: {  	[sflag:s0] =	ssyncadd.s32 $0xFFFFF000  }
0x50: {  	[spmem:s2] =	stream.indirect.scatter.add.f32 [tilespmem:s31], [sflag:$0x1], $0x80, s8, s5, $0xb8;
	[tilespmem:$0x18C00] =	vst v63  }
0x51: {  	_ =	swait.ge [sflag:s0], $0x4000  }
0x52: {  	[sflag:s0] =	ssyncset.done $0x0  }
0x53: {  	[sflag:s0] =	ssyncadd.s32 $0xFFFFC000  }
0x54: {  	[spmem:s2] =	stream.indirect.scatter.add.f32 [tilespmem:s31], [sflag:$0x1], $0x80, s9, s5, $0xb8;
	[tilespmem:$0x18C00] =	vst v63  }
0x55: {  	_ =	swait.ge [sflag:s0], $0x4000  }
0x56: {  	[sflag:s0] =	ssyncset.done $0x0  }
0x57: {  	[sflag:s0] =	ssyncadd.s32 $0xFFFFC000  }
0x58: {  	[spmem:s2] =	stream.indirect.scatter.add.f32 [tilespmem:s31], [sflag:$0x1], $0x80, s10, s5, $0xb8;
	[tilespmem:$0x18C00] =	vst v63  }
0x59: {  	_ =	swait.ge [sflag:s0], $0x4000  }
0x5a: {  	[sflag:s0] =	ssyncset.done $0x0  }
0x5b: {  	[sflag:s0] =	ssyncadd.s32 $0xFFFFC000  }
0x5c: {  	[spmem:s2] =	stream.indirect.scatter.add.f32 [tilespmem:s31], [sflag:$0x1], $0x80, s11, s5, $0xb8;
	[tilespmem:$0x18C00] =	vst v63  }
0x5d: {  	_ =	swait.ge [sflag:s0], $0x4000  }
0x5e: {  	[sflag:s0] =	ssyncset.done $0x0  }
0x5f: {  	[sflag:s0] =	ssyncadd.s32 $0xFFFFC000  }
0x60: {  	[spmem:s2] =	stream.indirect.scatter.add.f32 [tilespmem:s31], [sflag:$0x1], $0x80, s12, s5, $0xb8;
	[tilespmem:$0x18C00] =	vst v63  }
0x61: {  	_ =	swait.ge [sflag:s0], $0x4000  }
0x62: {  	[sflag:s0] =	ssyncset.done $0x0  }
0x63: {  	[sflag:s0] =	ssyncadd.s32 $0xFFFFC000  }
0x64: {  	[spmem:s2] =	stream.indirect.scatter.add.f32 [tilespmem:s31], [sflag:$0x1], $0x80, s13, s5, $0xb8;
	[tilespmem:$0x18C00] =	vst v63  }
0x65: {  	_ =	swait.ge [sflag:s0], $0x4000  }
0x66: {  	[sflag:s0] =	ssyncset.done $0x0  }
0x67: {  	[sflag:s0] =	ssyncadd.s32 $0xFFFFC000  }
0x68: {  	[spmem:s2] =	stream.indirect.scatter.add.f32 [tilespmem:s31], [sflag:$0x1], $0x80, s14, s5, $0xb8;
	[tilespmem:$0x18C00] =	vst v63  }
0x69: {  	_ =	swait.ge [sflag:s0], $0x4000  }
0x6a: {  	[sflag:s0] =	ssyncset.done $0x0  }
0x6b: {  	[sflag:s0] =	ssyncadd.s32 $0xFFFFC000  }
0x6c: {  	[spmem:s2] =	stream.indirect.scatter.add.f32 [tilespmem:s31], [sflag:$0x1], $0x80, s15, s5, $0xb8;
	[tilespmem:$0x18C00] =	vst v63  }
0x6d: {  	_ =	swait.ge [sflag:s0], $0x4000  }
0x6e: {  	[sflag:s0] =	ssyncset.done $0x0  }
0x6f: {  	[sflag:s0] =	ssyncadd.s32 $0xFFFFC000  }
0x70: {  	[spmem:s2] =	stream.indirect.scatter.add.f32 [tilespmem:s31], [sflag:$0x1], $0x80, s16, s5, $0xb8;
	[tilespmem:$0x18C00] =	vst v63  }
0x71: {  	_ =	swait.ge [sflag:s0], $0x4000  }
0x72: {  	[sflag:s0] =	ssyncset.done $0x0  }
0x73: {  	[sflag:s0] =	ssyncadd.s32 $0xFFFFC000  }
0x74: {  	[spmem:s2] =	stream.indirect.scatter.add.f32 [tilespmem:s31], [sflag:$0x1], $0x80, s17, s5, $0xb8;
	[tilespmem:$0x18C00] =	vst v63  }
0x75: {  	_ =	swait.ge [sflag:s0], $0x4000  }
0x76: {  	[sflag:s0] =	ssyncset.done $0x0  }
0x77: {  	[sflag:s0] =	ssyncadd.s32 $0xFFFFC000  }
0x78: {  	[spmem:s2] =	stream.indirect.scatter.add.f32 [tilespmem:s31], [sflag:$0x1], $0x80, s18, s5, $0xb8;
	[tilespmem:$0x18C00] =	vst v63  }
0x79: {  	_ =	swait.ge [sflag:s0], $0x4000  }
0x7a: {  	[sflag:s0] =	ssyncset.done $0x0  }
0x7b: {  	[sflag:s0] =	ssyncadd.s32 $0xFFFFC000  }
0x7c: {  	[spmem:s2] =	stream.indirect.scatter.add.f32 [tilespmem:s31], [sflag:$0x1], $0x80, s19, s5, $0xb8;
	[tilespmem:$0x18C00] =	vst v63  }
0x7d: {  	_ =	swait.ge [sflag:s0], $0x4000  }
0x7e: {  	[sflag:s0] =	ssyncset.done $0x0  }
0x7f: {  	[sflag:s0] =	ssyncadd.s32 $0xFFFFC000  }
0x80: {  	[spmem:s2] =	stream.indirect.scatter.add.f32 [tilespmem:s31], [sflag:$0x1], $0x80, s20, s5, $0xb8;
	[tilespmem:$0x18C00] =	vst v63  }
0x81: {  	_ =	swait.ge [sflag:s0], $0x4000  }
0x82: {  	[sflag:s0] =	ssyncset.done $0x0  }
0x83: {  	[sflag:s0] =	ssyncadd.s32 $0xFFFFC000  }
0x84: {  	[spmem:s2] =	stream.indirect.scatter.add.f32 [tilespmem:s31], [sflag:$0x1], $0x80, s21, s5, $0xb8;
	[tilespmem:$0x18C00] =	vst v63  }
0x85: {  	_ =	swait.ge [sflag:s0], $0x4000  }
0x86: {  	[sflag:s0] =	ssyncset.done $0x0  }
0x87: {  	[sflag:s0] =	ssyncadd.s32 $0xFFFFC000  }
0x88: {  	[spmem:s2] =	stream.indirect.scatter.add.f32 [tilespmem:s31], [sflag:$0x1], $0x80, s22, s5, $0xb8;
	[tilespmem:$0x18C00] =	vst v63  }
0x89: {  	_ =	swait.ge [sflag:s0], $0x4000  }
0x8a: {  	[sflag:s0] =	ssyncset.done $0x0  }
0x8b: {  	[sflag:s0] =	ssyncadd.s32 $0xFFFFC000  }
0x8c: {  	[spmem:s2] =	stream.indirect.scatter.add.f32 [tilespmem:s31], [sflag:$0x1], $0x80, s23, s5, $0xb8;
	[tilespmem:$0x18C00] =	vst v63  }
0x8d: {  	_ =	swait.ge [sflag:s0], $0x4000  }
0x8e: {  	s7 =	simm.s32 $0x200;
	s25 =	simm.s32 $0x400;
	[sflag:s0] =	ssyncset.done $0x0  }
.LBB2_6:
0x8f: {  	s28 =	sadd.s32 s7, s24  }
0x90: {  	[sflag:s0] =	ssyncadd.s32 $0xFFFFC000;
	s7 =	smov.u32 s25;
	s26 =	sadd.s32 $0x200, s25  }
0x91: {  	[tilespmem:s1], [sflag:$0x1] =	stream.linear.gather [hbm4b:s28+s3], $0x1000, $0x38;
	[tilespmem:$0x18C00] =	vst v63  }
0x92: {  	p1 =	sne.s32 s25, $0x800;
	_ =	swait.ge [sflag:s0], $0x1000  }
0x93: {  	[sflag:s0] =	ssyncset.done $0x0  }
0x94: {  	[sflag:s0] =	ssyncadd.s32 $0xFFFFF000  }
0x95: {  	[spmem:s2] =	stream.indirect.scatter.add.f32 [tilespmem:s31], [sflag:$0x1], $0x80, s8, s5, $0xb8;
	[tilespmem:$0x18C00] =	vst v63  }
0x96: {  	_ =	swait.ge [sflag:s0], $0x4000  }
0x97: {  	[sflag:s0] =	ssyncset.done $0x0  }
0x98: {  	[sflag:s0] =	ssyncadd.s32 $0xFFFFC000  }
0x99: {  	[spmem:s2] =	stream.indirect.scatter.add.f32 [tilespmem:s31], [sflag:$0x1], $0x80, s9, s5, $0xb8;
	[tilespmem:$0x18C00] =	vst v63  }
0x9a: {  	_ =	swait.ge [sflag:s0], $0x4000  }
0x9b: {  	[sflag:s0] =	ssyncset.done $0x0  }
0x9c: {  	[sflag:s0] =	ssyncadd.s32 $0xFFFFC000  }
0x9d: {  	[spmem:s2] =	stream.indirect.scatter.add.f32 [tilespmem:s31], [sflag:$0x1], $0x80, s10, s5, $0xb8;
	[tilespmem:$0x18C00] =	vst v63  }
0x9e: {  	_ =	swait.ge [sflag:s0], $0x4000  }
0x9f: {  	[sflag:s0] =	ssyncset.done $0x0  }
0xa0: {  	[sflag:s0] =	ssyncadd.s32 $0xFFFFC000  }
0xa1: {  	[spmem:s2] =	stream.indirect.scatter.add.f32 [tilespmem:s31], [sflag:$0x1], $0x80, s11, s5, $0xb8;
	[tilespmem:$0x18C00] =	vst v63  }
0xa2: {  	_ =	swait.ge [sflag:s0], $0x4000  }
0xa3: {  	[sflag:s0] =	ssyncset.done $0x0  }
0xa4: {  	[sflag:s0] =	ssyncadd.s32 $0xFFFFC000  }
0xa5: {  	[spmem:s2] =	stream.indirect.scatter.add.f32 [tilespmem:s31], [sflag:$0x1], $0x80, s12, s5, $0xb8;
	[tilespmem:$0x18C00] =	vst v63  }
0xa6: {  	_ =	swait.ge [sflag:s0], $0x4000  }
0xa7: {  	[sflag:s0] =	ssyncset.done $0x0  }
0xa8: {  	[sflag:s0] =	ssyncadd.s32 $0xFFFFC000  }
0xa9: {  	[spmem:s2] =	stream.indirect.scatter.add.f32 [tilespmem:s31], [sflag:$0x1], $0x80, s13, s5, $0xb8;
	[tilespmem:$0x18C00] =	vst v63  }
0xaa: {  	_ =	swait.ge [sflag:s0], $0x4000  }
0xab: {  	[sflag:s0] =	ssyncset.done $0x0  }
0xac: {  	[sflag:s0] =	ssyncadd.s32 $0xFFFFC000  }
0xad: {  	[spmem:s2] =	stream.indirect.scatter.add.f32 [tilespmem:s31], [sflag:$0x1], $0x80, s14, s5, $0xb8;
	[tilespmem:$0x18C00] =	vst v63  }
0xae: {  	_ =	swait.ge [sflag:s0], $0x4000  }
0xaf: {  	[sflag:s0] =	ssyncset.done $0x0  }
0xb0: {  	[sflag:s0] =	ssyncadd.s32 $0xFFFFC000  }
0xb1: {  	[spmem:s2] =	stream.indirect.scatter.add.f32 [tilespmem:s31], [sflag:$0x1], $0x80, s15, s5, $0xb8;
	[tilespmem:$0x18C00] =	vst v63  }
0xb2: {  	_ =	swait.ge [sflag:s0], $0x4000  }
0xb3: {  	[sflag:s0] =	ssyncset.done $0x0  }
0xb4: {  	[sflag:s0] =	ssyncadd.s32 $0xFFFFC000  }
0xb5: {  	[spmem:s2] =	stream.indirect.scatter.add.f32 [tilespmem:s31], [sflag:$0x1], $0x80, s16, s5, $0xb8;
	[tilespmem:$0x18C00] =	vst v63  }
0xb6: {  	_ =	swait.ge [sflag:s0], $0x4000  }
0xb7: {  	[sflag:s0] =	ssyncset.done $0x0  }
0xb8: {  	[sflag:s0] =	ssyncadd.s32 $0xFFFFC000  }
0xb9: {  	[spmem:s2] =	stream.indirect.scatter.add.f32 [tilespmem:s31], [sflag:$0x1], $0x80, s17, s5, $0xb8;
	[tilespmem:$0x18C00] =	vst v63  }
0xba: {  	_ =	swait.ge [sflag:s0], $0x4000  }
0xbb: {  	[sflag:s0] =	ssyncset.done $0x0  }
0xbc: {  	[sflag:s0] =	ssyncadd.s32 $0xFFFFC000  }
0xbd: {  	[spmem:s2] =	stream.indirect.scatter.add.f32 [tilespmem:s31], [sflag:$0x1], $0x80, s18, s5, $0xb8;
	[tilespmem:$0x18C00] =	vst v63  }
0xbe: {  	_ =	swait.ge [sflag:s0], $0x4000  }
0xbf: {  	[sflag:s0] =	ssyncset.done $0x0  }
0xc0: {  	[sflag:s0] =	ssyncadd.s32 $0xFFFFC000  }
0xc1: {  	[spmem:s2] =	stream.indirect.scatter.add.f32 [tilespmem:s31], [sflag:$0x1], $0x80, s19, s5, $0xb8;
	[tilespmem:$0x18C00] =	vst v63  }
0xc2: {  	_ =	swait.ge [sflag:s0], $0x4000  }
0xc3: {  	[sflag:s0] =	ssyncset.done $0x0  }
0xc4: {  	[sflag:s0] =	ssyncadd.s32 $0xFFFFC000  }
0xc5: {  	[spmem:s2] =	stream.indirect.scatter.add.f32 [tilespmem:s31], [sflag:$0x1], $0x80, s20, s5, $0xb8;
	[tilespmem:$0x18C00] =	vst v63  }
0xc6: {  	_ =	swait.ge [sflag:s0], $0x4000  }
0xc7: {  	[sflag:s0] =	ssyncset.done $0x0  }
0xc8: {  	[sflag:s0] =	ssyncadd.s32 $0xFFFFC000  }
0xc9: {  	[spmem:s2] =	stream.indirect.scatter.add.f32 [tilespmem:s31], [sflag:$0x1], $0x80, s21, s5, $0xb8;
	[tilespmem:$0x18C00] =	vst v63  }
0xca: {  	_ =	swait.ge [sflag:s0], $0x4000  }
0xcb: {  	[sflag:s0] =	ssyncset.done $0x0  }
0xcc: {  	[sflag:s0] =	ssyncadd.s32 $0xFFFFC000  }
0xcd: {  	[spmem:s2] =	stream.indirect.scatter.add.f32 [tilespmem:s31], [sflag:$0x1], $0x80, s22, s5, $0xb8;
	[tilespmem:$0x18C00] =	vst v63  }
0xce: {  	_ =	swait.ge [sflag:s0], $0x4000  }
.Ltmp2:
0xcf: {  	[sflag:s0] =	ssyncset.done $0x0;
	(pc) =	sbr.rel @p1 .LBB2_6-.Ltmp2, $4  }
0xd0: {  	[sflag:s0] =	ssyncadd.s32 $0xFFFFC000  }
0xd1: {  	[spmem:s2] =	stream.indirect.scatter.add.f32 [tilespmem:s31], [sflag:$0x1], $0x80, s23, s5, $0xb8;
	[tilespmem:$0x18C00] =	vst v63  }
0xd2: {  	_ =	swait.ge [sflag:s0], $0x4000  }
0xd3: {  	s25 =	smov.u32 s26;
	[sflag:s0] =	ssyncset.done $0x0  }
0xd4: {  	s7 =	sadd.s32 s7, s24;
	[sflag:s0] =	ssyncadd.s32 $0xFFFFC000  }
0xd5: {  	[tilespmem:s1], [sflag:$0x1] =	stream.linear.gather [hbm4b:s7+s3], $0x1000, $0x38;
	[tilespmem:$0x18C00] =	vst v63  }
0xd6: {  	_ =	swait.ge [sflag:s0], $0x1000  }
0xd7: {  	[sflag:s0] =	ssyncset.done $0x0  }
0xd8: {  	[sflag:s0] =	ssyncadd.s32 $0xFFFFF000  }
0xd9: {  	[spmem:s2] =	stream.indirect.scatter.add.f32 [tilespmem:s31], [sflag:$0x1], $0x80, s8, s5, $0xb8;
	[tilespmem:$0x18C00] =	vst v63  }
0xda: {  	_ =	swait.ge [sflag:s0], $0x4000  }
0xdb: {  	[sflag:s0] =	ssyncset.done $0x0  }
0xdc: {  	[sflag:s0] =	ssyncadd.s32 $0xFFFFC000  }
0xdd: {  	[spmem:s2] =	stream.indirect.scatter.add.f32 [tilespmem:s31], [sflag:$0x1], $0x80, s9, s5, $0xb8;
	[tilespmem:$0x18C00] =	vst v63  }
0xde: {  	_ =	swait.ge [sflag:s0], $0x4000  }
0xdf: {  	[sflag:s0] =	ssyncset.done $0x0  }
0xe0: {  	[sflag:s0] =	ssyncadd.s32 $0xFFFFC000  }
0xe1: {  	[spmem:s2] =	stream.indirect.scatter.add.f32 [tilespmem:s31], [sflag:$0x1], $0x80, s10, s5, $0xb8;
	[tilespmem:$0x18C00] =	vst v63  }
0xe2: {  	_ =	swait.ge [sflag:s0], $0x4000  }
0xe3: {  	[sflag:s0] =	ssyncset.done $0x0  }
0xe4: {  	[sflag:s0] =	ssyncadd.s32 $0xFFFFC000  }
0xe5: {  	[spmem:s2] =	stream.indirect.scatter.add.f32 [tilespmem:s31], [sflag:$0x1], $0x80, s11, s5, $0xb8;
	[tilespmem:$0x18C00] =	vst v63  }
0xe6: {  	_ =	swait.ge [sflag:s0], $0x4000  }
0xe7: {  	[sflag:s0] =	ssyncset.done $0x0  }
0xe8: {  	[sflag:s0] =	ssyncadd.s32 $0xFFFFC000  }
0xe9: {  	[spmem:s2] =	stream.indirect.scatter.add.f32 [tilespmem:s31], [sflag:$0x1], $0x80, s12, s5, $0xb8;
	[tilespmem:$0x18C00] =	vst v63  }
0xea: {  	_ =	swait.ge [sflag:s0], $0x4000  }
0xeb: {  	[sflag:s0] =	ssyncset.done $0x0  }
0xec: {  	[sflag:s0] =	ssyncadd.s32 $0xFFFFC000  }
0xed: {  	[spmem:s2] =	stream.indirect.scatter.add.f32 [tilespmem:s31], [sflag:$0x1], $0x80, s13, s5, $0xb8;
	[tilespmem:$0x18C00] =	vst v63  }
0xee: {  	_ =	swait.ge [sflag:s0], $0x4000  }
0xef: {  	[sflag:s0] =	ssyncset.done $0x0  }
0xf0: {  	[sflag:s0] =	ssyncadd.s32 $0xFFFFC000  }
0xf1: {  	[spmem:s2] =	stream.indirect.scatter.add.f32 [tilespmem:s31], [sflag:$0x1], $0x80, s14, s5, $0xb8;
	[tilespmem:$0x18C00] =	vst v63  }
0xf2: {  	_ =	swait.ge [sflag:s0], $0x4000  }
0xf3: {  	[sflag:s0] =	ssyncset.done $0x0  }
0xf4: {  	[sflag:s0] =	ssyncadd.s32 $0xFFFFC000  }
0xf5: {  	[spmem:s2] =	stream.indirect.scatter.add.f32 [tilespmem:s31], [sflag:$0x1], $0x80, s15, s5, $0xb8;
	[tilespmem:$0x18C00] =	vst v63  }
0xf6: {  	_ =	swait.ge [sflag:s0], $0x4000  }
0xf7: {  	[sflag:s0] =	ssyncset.done $0x0  }
0xf8: {  	[sflag:s0] =	ssyncadd.s32 $0xFFFFC000  }
0xf9: {  	[spmem:s2] =	stream.indirect.scatter.add.f32 [tilespmem:s31], [sflag:$0x1], $0x80, s16, s5, $0xb8;
	[tilespmem:$0x18C00] =	vst v63  }
0xfa: {  	_ =	swait.ge [sflag:s0], $0x4000  }
0xfb: {  	[sflag:s0] =	ssyncset.done $0x0  }
0xfc: {  	[sflag:s0] =	ssyncadd.s32 $0xFFFFC000  }
0xfd: {  	[spmem:s2] =	stream.indirect.scatter.add.f32 [tilespmem:s31], [sflag:$0x1], $0x80, s17, s5, $0xb8;
	[tilespmem:$0x18C00] =	vst v63  }
0xfe: {  	_ =	swait.ge [sflag:s0], $0x4000  }
0xff: {  	[sflag:s0] =	ssyncset.done $0x0  }
0x100: {  	[sflag:s0] =	ssyncadd.s32 $0xFFFFC000  }
0x101: {  	[spmem:s2] =	stream.indirect.scatter.add.f32 [tilespmem:s31], [sflag:$0x1], $0x80, s18, s5, $0xb8;
	[tilespmem:$0x18C00] =	vst v63  }
0x102: {  	_ =	swait.ge [sflag:s0], $0x4000  }
0x103: {  	[sflag:s0] =	ssyncset.done $0x0  }
0x104: {  	[sflag:s0] =	ssyncadd.s32 $0xFFFFC000  }
0x105: {  	[spmem:s2] =	stream.indirect.scatter.add.f32 [tilespmem:s31], [sflag:$0x1], $0x80, s19, s5, $0xb8;
	[tilespmem:$0x18C00] =	vst v63  }
0x106: {  	_ =	swait.ge [sflag:s0], $0x4000  }
0x107: {  	[sflag:s0] =	ssyncset.done $0x0  }
0x108: {  	[sflag:s0] =	ssyncadd.s32 $0xFFFFC000  }
0x109: {  	[spmem:s2] =	stream.indirect.scatter.add.f32 [tilespmem:s31], [sflag:$0x1], $0x80, s20, s5, $0xb8;
	[tilespmem:$0x18C00] =	vst v63  }
0x10a: {  	_ =	swait.ge [sflag:s0], $0x4000  }
0x10b: {  	[sflag:s0] =	ssyncset.done $0x0  }
0x10c: {  	[sflag:s0] =	ssyncadd.s32 $0xFFFFC000  }
0x10d: {  	[spmem:s2] =	stream.indirect.scatter.add.f32 [tilespmem:s31], [sflag:$0x1], $0x80, s21, s5, $0xb8;
	[tilespmem:$0x18C00] =	vst v63  }
0x10e: {  	_ =	swait.ge [sflag:s0], $0x4000  }
0x10f: {  	[sflag:s0] =	ssyncset.done $0x0  }
0x110: {  	[sflag:s0] =	ssyncadd.s32 $0xFFFFC000  }
0x111: {  	[spmem:s2] =	stream.indirect.scatter.add.f32 [tilespmem:s31], [sflag:$0x1], $0x80, s22, s5, $0xb8;
	[tilespmem:$0x18C00] =	vst v63  }
0x112: {  	_ =	swait.ge [sflag:s0], $0x4000  }
0x113: {  	[sflag:s0] =	ssyncset.done $0x0  }
0x114: {  	[sflag:s0] =	ssyncadd.s32 $0xFFFFC000  }
0x115: {  	[spmem:s2] =	stream.indirect.scatter.add.f32 [tilespmem:s31], [sflag:$0x1], $0x80, s23, s5, $0xb8;
	[tilespmem:$0x18C00] =	vst v63  }
0x116: {  	_ =	swait.ge [sflag:s0], $0x4000  }
0x117: {  	[sflag:s0] =	ssyncset.done $0x0  }
0x118: {  	[sflag:s0] =	ssyncadd.s32 $0xFFFFC000  }
0x119: {  	[bflag:$0x0] =	sbarrier.arrive $0xFFFF  }
0x11a: {  	s25 =	rddreg [dreg:$0x4]  }
0x11b: {  	s7 =	simm.s32 @p0 $0x1FC1;
	s26 =	rddreg [dreg:$0x6]  }
0x11c: {  	[hbm:s25], [sflag:s7] =	dma.local @p0 [spmem:s26], $0x2080  }
0x11d: {  	s7 =	simm.s32 @p0 $0x1  }
0x11e: {  	s25 =	stileid.u32;
	_ =	swait.ge @p0 [sflag:s7], $0x2080  }
0x11f: {  	s25 =	sshll.u32 @!p0 s25, $0x6;
	[sflag:s7] =	ssyncset.done @p0 $0x0;
	s26 =	rddreg [dreg:$0x3]  }
0x120: {  	[sflag:s7] =	ssyncadd.s32 @p0 $0xFFFFDF80;
	s7 =	sor.u32 @!p0 $0x1C01, s25;
	s25 =	sshrl.u32 @!p0 s4, $0x3  }
0x121: {  	[hbm:s26], [sflag:s7] =	dma.local @!p0 [spmem:s25], $0x2780  }
0x122: {  	s7 =	simm.s32 @!p0 $0x1  }
0x123: {  	_ =	swait.ge @!p0 [sflag:s7], $0x2780  }
0x124: {  	s6 =	sadd.s32 $0x1, s6;
	s28 =	rddreg [dreg:$0x5]  }
0x125: {  	p1 =	sne.s32 s6, s28  }
.Ltmp3:
0x126: {  	_ = 	snop;
	(pc) =	sbr.rel @p1 .LBB2_1-.Ltmp3, $3  }
0x127: {  	_ =	sdelay $0x1  }
0x128: {  	[sflag:s7] =	ssyncset.done @!p0 $0x0  }
0x129: {  	[sflag:s7] =	ssyncadd.s32 @!p0 $0xFFFFD880  }
0x12a: {  	_ =	sfence.sel $0x180000  }
0x12b: {  	[bflag:$0x0] =	sbarrier.arrive $0xFFFF  }
0x12c: {  	_ =	strace $0x90000047  }
0x12d: {  	s0 =	stileid.u32;
	[bflag:$0x2] =	sbarrier.arrive $0xFFFF  }
0x12e: {  	p0 =	sne.s32 s0, $0x0;
	s0 =	rddreg [dreg:$0x2]  }
0x12f: {  	s0 =	sadd.s32 @!p0 $0x100000, s0  }
0x130: {  	[sflag:s0] =	ssyncadd.tile.s32 @!p0 $0x1;
	_ =	shalt  }
.Lfunc_end2:
_tile_overlayer_lowered:
.L_overlay_start_2:
0x131: {  	(tag) =	ssettag $0x2  }
0x132: {  	s0 =	rddreg [dreg:$0x0];
	s2 =	stileid.u32  }
0x133: {  	s1 =	rddreg [dreg:$0x1];
	p0 =	sne.s32 s2, $0x0  }
0x134: {  	s3 =	rddreg [dreg:$0x2];
	[bflag:$0x3] =	sbarrier.arrive $0xFFFF;
	s2 =	simm.s32 @!p0 $0x1C01  }
0x135: {  	[timem:s3], [sflag:s2] =	dma.local @!p0 [hbm:s0], s1  }
0x136: {  	s0 =	simm.s32 @!p0 $0x1  }
0x137: {  	_ =	swait.ge @!p0 [sflag:s0], s1  }
0x138: {  	s1 =	ssub.s32 @!p0 $0x0, s1;
	[sflag:s0] =	ssyncset.done @!p0 $0x0  }
0x139: {  	[sflag:s0] =	ssyncadd.s32 @!p0 s1  }
0x13a: {  	[bflag:$0x3] =	sbarrier.arrive $0xFFFF  }
0x13b: {  	_ =	shalt  }

// kernel: kernel.13.cloned.1.call-start
scs
__scs_entry_jumppad:
0x0: {  	(pc) =	sbr.rel $0x88, $3  }
0x1: {  	(tag) =	ssettag $0x0;
	lr =	simm.s32 $0x1  }
0x2: {  	[smem:$0x3F96] =	sst lr;
	_ =	strace $0xD0000000  }
0x3: {  	_ = 	snop  }
0x4: {  	_ = 	snop  }
0x5: {  	_ = 	snop  }
0x6: {  	_ = 	snop  }
0x7: {  	_ = 	snop  }
__scs_overlays_trampoline_lowered:
0x8: {  	[smem:$0x3FA5] =	sst s0  }
0x9: {  	[smem:$0x3FA6] =	sst s1  }
0xa: {  	[smem:$0x3FA7] =	sst s2  }
0xb: {  	[smem:$0x3FA8] =	sst s3  }
0xc: {  	[smem:$0x3FA9] =	sst s4  }
0xd: {  	[smem:$0x3FAA] =	sst s5  }
0xe: {  	[smem:$0x3FAB] =	sst s6  }
0xf: {  	[smem:$0x3FAC] =	sst s7  }
0x10: {  	[smem:$0x3FAD] =	sst s8  }
0x11: {  	[smem:$0x3FAE] =	sst s9;
	s0 =	simm.s32 @!p0 $0x0  }
0x12: {  	s1 =	sld [smem:$0x3F94];
	s0 =	simm.s32 @p0 $0x1  }
0x13: {  	[smem:$0x3FAF] =	sst s0;
	s0 =	simm.s32 @!p1 $0x0  }
0x14: {  	s2 =	sld [smem:$0x3F93];
	s0 =	simm.s32 @p1 $0x1  }
0x15: {  	[smem:$0x3FB0] =	sst s0;
	s0 =	simm.s32 @!p2 $0x0  }
0x16: {  	s3 =	sld [smem:$0x3FDB];
	s0 =	simm.s32 @p2 $0x1  }
0x17: {  	s4 =	simm.s32 $0x1BF5;
	[smem:$0x3FB2] =	sst s0  }
0x18: {  	s0 =	sld [smem:$0x3F95];
	_ =	swait.ge [sflag:s4], $0x0  }
0x19: {  	s7 =	sld [smem:$0x3F96]  }
0x1a: {  	s8 =	sadd.s32 $0xFFFFE003, lr  }
0x1b: {  	s9 =	sadd.s32 $0xFFFFFEF7, lr;
	s5 =	simm.s32 $0xFFFFFFFF;
	p2 =	slt.u32 s8, $0xFFFFF086  }
0x1c: {  	p1 =	slt.u32 s9, $0xF7A;
	s5 =	simm.s32 @!p2 $0x0  }
0x1d: {  	s5 =	simm.s32 @p1 $0x1;
	p0 =	seq.s32 s7, s2  }
0x1e: {  	s7 =	smul.u32 @!p0 $0xF7A, s2;
	p2 =	seq.s32 @!p0 s5, $0x0  }
0x1f: {  	s9 =	smul.u32 $0xF7A, s1;
	s8 =	simm.s32 @!p0 $0x1BF5;
	p2 =	por !p2, p0  }
0x20: {  	[sflag:s8] =	ssyncset.s32 @!p0 $0xFFFFF086;
	s6 =	sadd.s32 @!p0 s3, s7;
	s7 =	simm.s32 @!p0 $0x108  }
0x21: {  	s3 =	sadd.s32 s3, s9;
	s6 =	sadd.s32 @!p0 $0x88, s6;
	s7 =	simm.s32 @p2 $0x1082  }
0x22: {  	[simem:s7], [sflag:s8] =	dma.local @!p0 [hbm:s6], $0xF7A  }
0x23: {  	s9 =	sor.u32 $0xD0000000, s2;
	s6 =	simm.s32 $0x108;
	_ =	swait.ge @!p0 [sflag:s8], $0x0  }
0x24: {  	s3 =	sadd.s32 $0x88, s3;
	s6 =	simm.s32 @!p1 $0x1082;
	[sflag:s4] =	ssyncset.s32 $0xFFFFF086  }
0x25: {  	[simem:s6], [sflag:s4] =	dma.local [hbm:s3], $0xF7A  }
0x26: {  	[smem:$0x3F96] =	sst s1;
	(tag) =	ssettag s2;
	_ =	strace s9  }
0x27: {  	s1 =	sld [smem:$0x3FA6]  }
0x28: {  	s2 =	sld [smem:$0x3FA7]  }
0x29: {  	s4 =	sld [smem:$0x3FA9]  }
0x2a: {  	p0 =	seq.s32 s5, $0x0;
	s5 =	sld [smem:$0x3FAA]  }
0x2b: {  	s6 =	sld [smem:$0x3FAB]  }
0x2c: {  	s7 =	sld [smem:$0x3FAC]  }
0x2d: {  	s3 =	simm.s32 $0x108;
	s8 =	sld [smem:$0x3FAD]  }
0x2e: {  	s3 =	simm.s32 @!p0 $0x1082;
	s9 =	sld [smem:$0x3FAE]  }
0x2f: {  	lr =	sadd.s32 s0, s3;
	s0 =	sld [smem:$0x3FA5]  }
0x30: {  	s3 =	sld [smem:$0x3FA8]  }
0x31: {  	[smem:$0x3FB1] =	sst s10  }
0x32: {  	s10 =	sld [smem:$0x3FAF];
	_ =	sdelay $0x3  }
0x33: {  	p0 =	seq.s32 s10, $0x1;
	s10 =	sld [smem:$0x3FB1];
	_ =	sdelay $0x3  }
0x34: {  	[smem:$0x3FB1] =	sst s10  }
0x35: {  	s10 =	sld [smem:$0x3FB0];
	_ =	sdelay $0x3  }
0x36: {  	p1 =	seq.s32 s10, $0x1;
	s10 =	sld [smem:$0x3FB1];
	_ =	sdelay $0x3  }
0x37: {  	[smem:$0x3FB1] =	sst s10  }
0x38: {  	s10 =	sld [smem:$0x3FB2]  }
0x39: {  	_ = 	snop;
	(pc) =	sbr.ind lr, $3  }
0x3a: {  	_ = 	snop  }
0x3b: {  	_ = 	snop  }
0x3c: {  	p2 =	seq.s32 s10, $0x1;
	s10 =	sld [smem:$0x3FB1]  }
0x3d: {  	_ =	shalt  }
0x3e: {  	_ =	shalt  }
0x3f: {  	_ =	shalt  }
0x40: {  	_ =	shalt  }
0x41: {  	_ =	shalt  }
0x42: {  	_ =	shalt  }
0x43: {  	_ =	shalt  }
0x44: {  	_ =	shalt  }
0x45: {  	_ =	shalt  }
0x46: {  	_ =	shalt  }
0x47: {  	_ =	shalt  }
0x48: {  	_ =	shalt  }
0x49: {  	_ =	shalt  }
0x4a: {  	_ =	shalt  }
0x4b: {  	_ =	shalt  }
0x4c: {  	_ =	shalt  }
0x4d: {  	_ =	shalt  }
0x4e: {  	_ =	shalt  }
0x4f: {  	_ =	shalt  }
0x50: {  	_ =	shalt  }
0x51: {  	_ =	shalt  }
0x52: {  	_ =	shalt  }
0x53: {  	_ =	shalt  }
0x54: {  	_ =	shalt  }
0x55: {  	_ =	shalt  }
0x56: {  	_ =	shalt  }
0x57: {  	_ =	shalt  }
0x58: {  	_ =	shalt  }
0x59: {  	_ =	shalt  }
0x5a: {  	_ =	shalt  }
0x5b: {  	_ =	shalt  }
0x5c: {  	_ =	shalt  }
0x5d: {  	_ =	shalt  }
0x5e: {  	_ =	shalt  }
0x5f: {  	_ =	shalt  }
0x60: {  	_ =	shalt  }
0x61: {  	_ =	shalt  }
0x62: {  	_ =	shalt  }
0x63: {  	_ =	shalt  }
0x64: {  	_ =	shalt  }
0x65: {  	_ =	shalt  }
0x66: {  	_ =	shalt  }
0x67: {  	_ =	shalt  }
0x68: {  	_ =	shalt  }
0x69: {  	_ =	shalt  }
0x6a: {  	_ =	shalt  }
0x6b: {  	_ =	shalt  }
0x6c: {  	_ =	shalt  }
0x6d: {  	_ =	shalt  }
0x6e: {  	_ =	shalt  }
0x6f: {  	_ =	shalt  }
0x70: {  	_ =	shalt  }
0x71: {  	_ =	shalt  }
0x72: {  	_ =	shalt  }
0x73: {  	_ =	shalt  }
0x74: {  	_ =	shalt  }
0x75: {  	_ =	shalt  }
0x76: {  	_ =	shalt  }
0x77: {  	_ =	shalt  }
0x78: {  	_ =	shalt  }
0x79: {  	_ =	shalt  }
0x7a: {  	_ =	shalt  }
0x7b: {  	_ =	shalt  }
0x7c: {  	_ =	shalt  }
0x7d: {  	_ =	shalt  }
0x7e: {  	_ =	shalt  }
0x7f: {  	_ =	shalt  }
0x80: {  	_ =	shalt  }
0x81: {  	_ =	shalt  }
0x82: {  	_ =	shalt  }
0x83: {  	_ =	shalt  }
0x84: {  	_ =	shalt  }
0x85: {  	_ =	shalt  }
0x86: {  	_ =	shalt  }
0x87: {  	_ =	shalt  }
.Lfunc_end0:
.L_simem_size_0:
called_computation.1_lowered:
.L_overlay_start_0:
0x88: {  	s2 =	sld [smem:$0x3FD9]  }
0x89: {  	s3 =	sld [smem:$0x3FFE];
	_ =	sdelay $0x1  }
0x8a: {  	s1 =	srdreg.scid  }
0x8b: {  	s0 =	sand.u32 $0x1, s1  }
0x8c: {  	s16 =	sshll.u32 s0, $0xA;
	s2 =	sadd.s32 s3, s2  }
0x8d: {  	s2 =	sadd.s32 s2, s16  }
0x8e: {  	[smem:$0x3FBD] =	sst s2  }
0x8f: {  	_ = 	snop  }
0x90: {  	(tm) =	ssettm $0x1  }
0x91: {  	s17 =	sld [smem:$0x3FFB];
	_ =	sdelay $0x3  }
0x92: {  	_ =	strace s17  }
0x93: {  	s2 =	sld [smem:$0x3FFC];
	_ =	sdelay $0x3  }
0x94: {  	_ =	strace s2  }
0x95: {  	s2 =	sld [smem:$0x3FFD];
	_ =	sdelay $0x3  }
0x96: {  	_ =	strace s2  }
0x97: {  	_ =	strace $0x8FFFFFFF  }
0x98: {  	s18 =	sld [smem:$0x3FDB];
	_ =	sdelay $0x1  }
0x99: {  	s19 =	simm.s32 $_scs_section_size  }
0x9a: {  	s4 =	simm.s32 $_size__tile_overlayer_lowered;
	s5 =	simm.s32 $_tile_overlayer_lowered  }
0x9b: {  	s22 =	simm.s32 $0x1BFF;
	s21 =	sshll.u32 s5, $0x1;
	s2 =	sadd.s32 s19, s18  }
0x9c: {  	s6 =	simm.s32 $0x0;
	s20 =	sshll.u32 s4, $0x1;
	s4 =	sadd.s32 s21, s2  }
0x9d: {  	[timem:s6], [sflag:s22] =	dma.local [hbm:s4], s20  }
0x9e: {  	_ =	swait.ge [sflag:s22], s20  }
0x9f: {  	s3 =	ssub.s32 $0x0, s20;
	[sflag:s22] =	ssyncset.done $0x0  }
0xa0: {  	[sflag:s22] =	ssyncadd.s32 s3;
	_ =	sdelay $0x1  }
0xa1: {  	s23 =	simm.s32 $0x1B8B  }
0xa2: {  	_ =	swait.ge [sflag:s23], $0x1  }
0xa3: {  	[sflag:s23] =	ssyncset.done $0x0  }
0xa4: {  	s25 =	simm.s32 $0x1B8E;
	s24 =	sld [smem:$0x3FFE];
	[sflag:s23] =	ssyncadd.s32 $0xFFFFFFFF  }
0xa5: {  	s26 =	simm.s32 $execute0_lowered;
	[smem:$0x3FD2] =	sst s25  }
0xa6: {  	s4 =	sshll.u32 s26, $0x1;
	_ =	strace $0x80000049;
	[dreg:$0x1] =	wrdreg $0xFFFFFFFF  }
0xa7: {  	s28 =	simm.s32 $_size_execute0_lowered;
	s2 =	sadd.s32 s2, s4;
	[dreg:$0x0] =	wrdreg $0x0  }
0xa8: {  	s4 =	sshll.u32 s28, $0x1;
	[dreg:$0x2] =	wrdreg s2  }
0xa9: {  	[dreg:$0x3] =	wrdreg s4  }
0xaa: {  	[dreg:$0x4] =	wrdreg $0xC0  }
0xab: {  	_ =	task [dreg:s6], $0x5FFFF  }
0xac: {  	[dreg:$0x1] =	wrdreg $0xFFFFFFFF  }
0xad: {  	[dreg:$0x0] =	wrdreg $0x60  }
0xae: {  	[dreg:$0x2] =	wrdreg s24  }
0xaf: {  	[dreg:$0x3] =	wrdreg $0x0  }
0xb0: {  	[dreg:$0x4] =	wrdreg $0x9  }
0xb1: {  	_ =	task.clear_ibuf [dreg:s6], $0x5FFFF;
	_ =	strace $0x90000049  }
0xb2: {  	s29 =	simm.s32 $0x9;
	_ =	strace $0x8000004B  }
0xb3: {  	_ =	swait.ge [sflag:s29], $0x1  }
0xb4: {  	[sflag:s29] =	ssyncadd.s32 $0xFFFFFFFF  }
0xb5: {  	_ =	strace $0x9000004B  }
0xb6: {  	_ =	sfence  }
0xb7: {  	s30 =	sld [smem:$0x0];
	_ =	sdelay $0x2  }
0xb8: {  	s31 =	sshll.u32 s1, $0xD;
	s1 =	sshrl.u32 s1, $0x2  }
0xb9: {  	s3 =	sand.u32 $0x4000, s31;
	s1 =	sadd.s32 s1, s30  }
0xba: {  	s0 =	sor.u32 s3, s0;
	s1 =	sshll.u32 s1, $0x11  }
0xbb: {  	s0 =	sor.u32 s1, s0  }
0xbc: {  	s0 =	sadd.s32 $0x8F2B, s0  }
0xbd: {  	[sflag:s0] =	ssyncadd.remote.s32 $0x1  }
0xbe: {  	_ =	sfence.sel $0xFFFF  }
0xbf: {  	[dreg:$0x0] =	wrdreg $0xFFFFFFFF;
	(pc) =	sbr.abs _section_cstart, $3  }
0xc0: {  	[dreg:$0x1] =	wrdreg $0xFFFFFFFF  }
0xc1: {  	_ =	task.clear_ibuf [dreg:s6], $0x2FFFF;
	_ =	strace $0x9FFFFFFF  }
0xc2: {  	(tm) =	ssettm $0x7FFFFFFF  }
0xc3: {  	_ =	shalt  }
tec
execute0_lowered:
.L_overlay_start_1:
0x0: {  	(tag) =	ssettag $0x1  }
0x1: {  	s0 =	rddreg [dreg:$0x0]  }
0x2: {  	s1 =	rddreg [dreg:$0x1];
	s2 =	simm.s32 $0x0;
	s6 =	srdreg.scid  }
0x3: {  	s3 =	stileid.u32;
	s17 =	simm.s32 $0x3;
	s18 =	simm.s32 $0x13C00  }
0x4: {  	s19 =	simm.s32 $0x14C00;
	s20 =	simm.s32 $0x80;
	s21 =	simm.s32 $0x19C00  }
0x5: {  	s22 =	simm.s32 $0x1;
	s23 =	simm.s32 $0x2;
	s24 =	simm.s32 $0x14B80  }
0x6: {  	s28 =	simm.s32 $0x15B80;
	[smem:$0x7FF] =	sst s2;
	s4 =	sadd.s32 $0x65E00, s0  }
0x7: {  	s5 =	sadd.s32 $0x3C00, s0;
	s10 =	sand.u32 $0x1, s6;
	s7 =	smul.u32 $0x4F000, s3  }
0x8: {  	s6 =	sadd.s32 $0xDC00, s0;
	s0 =	sadd.s32 $0xB4000, s0;
	s12 =	smul.u32 $0x278, s3  }
0x9: {  	s26 =	sadd.s32 $0x128400, s1;
	p0 =	seq.s32 s3, $0xF;
	s8 =	ssub.s32 $0x2, s10  }
0xa: {  	_ =	strace $0x8000004A;
	s25 =	smul.u32 $0x2710, s10;
	s9 =	sshrl.u32 s8, $0x1  }
0xb: {  	s13 =	smul.u32 $0x138800, s10;
	s7 =	sshrl.u32 s7, $0x2;
	s15 =	ssub.s32 s8, s9  }
0xc: {  	s7 =	sadd.s32 s7, s1;
	s14 =	sadd.s32 s12, s25;
	s12 =	smul.u32 $0x5000, s3  }
0xd: {  	s16 =	sshrl.u32 s13, $0x3;
	v0 =	vmov s25;
	s25 =	sshrl.u32 @p0 s26, $0x3;
	s26 =	simm.s32 $0x15B00  }
0xe: {  	s30 =	sadd.s32 $0x4000, s7;
	s31 =	sadd.s32 $0x8000, s7;
	s10 =	sadd.s32 $0xC000, s7  }
0xf: {  	s11 =	sadd.s32 $0x10000, s7;
	s14 =	sshll.u32 s14, $0x4;
	s15 =	smax.u32 s15, $0x1  }
0x10: {  	[dreg:$0x3] =	wrdreg s30;
	s13 =	sadd.s32 s0, s14;
	s0 =	sadd.s32 s0, s16  }
0x11: {  	v1 =	vimm.f32 $0.0e+00;
	[dreg:$0x4] =	wrdreg s31;
	s16 =	simm.s32 $0x15C00;
	s14 =	sadd.s32 $0x25080, s0  }
.LBB2_1:
0x12: {  	s0 =	simm.s32 $0x0;
	s29 =	simm.s32 $0x200  }
.LBB2_2:
0x13: {  	p1 =	sne.s32 s29, $0xFE00;
	[tilespmem:s0+$0x15C70] =	vst v1  }
0x14: {  	[tilespmem:s0+$0x15C00] =	vst v1  }
0x15: {  	[tilespmem:s0+$0x15C10] =	vst v1  }
.Ltmp0:
0x16: {  	[tilespmem:s0+$0x15C20] =	vst v1;
	(pc) =	sbr.rel @p1 .LBB2_2-.Ltmp0, $4  }
0x17: {  	[tilespmem:s0+$0x15C30] =	vst v1  }
0x18: {  	[tilespmem:s0+$0x15C40] =	vst v1  }
0x19: {  	[tilespmem:s0+$0x15C50] =	vst v1  }
0x1a: {  	[tilespmem:s0+$0x15C60] =	vst v1;
	s0 =	sshra.s32 s29, $0x2;
	s29 =	sadd.s32 $0x200, s29  }
0x1b: {  	[tilespmem:s0+$0x15C70] =	vst v1  }
0x1c: {  	[tilespmem:s0+$0x15C00] =	vst v1  }
0x1d: {  	[tilespmem:s0+$0x15C10] =	vst v1  }
0x1e: {  	[tilespmem:s0+$0x15C20] =	vst v1  }
0x1f: {  	[tilespmem:s0+$0x15C30] =	vst v1  }
0x20: {  	[tilespmem:s0+$0x15C40] =	vst v1  }
0x21: {  	[tilespmem:s0+$0x15C50] =	vst v1  }
0x22: {  	[tilespmem:s0+$0x15C60] =	vst v1  }
0x23: {  	[spmem:s7] =	stream.linear.scatter [tilespmem:s16], [sflag:$0x3], $0x4000, $0x38;
	[tilespmem:$0x1DC00] =	vst v63  }
0x24: {  	_ =	swait.ge [sflag:s17], $0x4000  }
0x25: {  	[sflag:s17] =	ssyncset.done $0x0  }
0x26: {  	s9 =	rddreg [dreg:$0x3];
	[sflag:s17] =	ssyncadd.s32 $0xFFFFC000  }
0x27: {  	[spmem:s9] =	stream.linear.scatter [tilespmem:s16], [sflag:$0x3], $0x4000, $0x38;
	[tilespmem:$0x1DC00] =	vst v63  }
0x28: {  	_ =	swait.ge [sflag:s17], $0x4000  }
0x29: {  	[sflag:s17] =	ssyncset.done $0x0  }
0x2a: {  	s31 =	rddreg [dreg:$0x4];
	[sflag:s17] =	ssyncadd.s32 $0xFFFFC000  }
0x2b: {  	[spmem:s31] =	stream.linear.scatter [tilespmem:s16], [sflag:$0x3], $0x4000, $0x38;
	[tilespmem:$0x1DC00] =	vst v63  }
0x2c: {  	_ =	swait.ge [sflag:s17], $0x4000  }
0x2d: {  	[sflag:s17] =	ssyncset.done $0x0  }
0x2e: {  	[sflag:s17] =	ssyncadd.s32 $0xFFFFC000  }
0x2f: {  	[spmem:s10] =	stream.linear.scatter [tilespmem:s16], [sflag:$0x3], $0x4000, $0x38;
	[tilespmem:$0x1DC00] =	vst v63  }
0x30: {  	_ =	swait.ge [sflag:s17], $0x4000  }
0x31: {  	[sflag:s17] =	ssyncset.done $0x0  }
0x32: {  	[sflag:s17] =	ssyncadd.s32 $0xFFFFC000  }
0x33: {  	[spmem:s11] =	stream.linear.scatter [tilespmem:s16], [sflag:$0x3], $0x3C00, $0x38;
	[tilespmem:$0x1DC00] =	vst v63  }
0x34: {  	_ =	swait.ge [sflag:s17], $0x3C00  }
0x35: {  	[sflag:s17] =	ssyncset.done $0x0  }
0x36: {  	[sflag:s17] =	ssyncadd.s32 $0xFFFFC400  }
0x37: {  	s29 =	simm.s32 $0x0;
	s30 =	simm.s32 $0x0;
	[bflag:$0x0] =	sbarrier.arrive $0xFFFF  }
.LBB2_4:
0x38: {  	s0 =	sshll.u32 s30, $0xC  }
0x39: {  	s0 =	sadd.s32 s12, s0  }
0x3a: {  	s0 =	sshrl.u32 s0, $0x3  }
0x3b: {  	s31 =	sadd.s32 s5, s0  }
0x3c: {  	[tilespmem:s18], [sflag:$0x3] =	stream.linear.gather [hbm4b:s31+s29], $0x1000, $0x38;
	[tilespmem:$0x1DC00] =	vst v63  }
0x3d: {  	_ =	swait.ge [sflag:s17], $0x1000  }
0x3e: {  	[sflag:s17] =	ssyncset.done $0x0  }
0x3f: {  	s0 =	sadd.s32 s6, s0;
	[sflag:s17] =	ssyncadd.s32 $0xFFFFF000  }
0x40: {  	[tilespmem:s19], [sflag:$0x3] =	stream.linear.gather [hbm4b:s0+s29], $0x1000, $0x38;
	[tilespmem:$0x1DC00] =	vst v63  }
0x41: {  	_ =	swait.ge [sflag:s17], $0x1000  }
0x42: {  	[sflag:s17] =	ssyncset.done $0x0  }
0x43: {  	s31 =	simm.s32 $0x0;
	[sflag:s17] =	ssyncadd.s32 $0xFFFFF000  }
0x44: {  	v4 =	vld [tilespmem:s31+$0x13C00]  }
0x45: {  	v6 =	vld [tilespmem:s31+$0x13C10]  }
0x46: {  	v5 =	vld [tilespmem:s31+$0x13C20]  }
0x47: {  	v3 =	vld [tilespmem:s31+$0x13C30]  }
0x48: {  	v2 =	vld [tilespmem:s31+$0x13C40]  }
0x49: {  	v7 =	vadd.s32 v0, v4;
	v4 =	vld [tilespmem:s31+$0x13C50]  }
0x4a: {  	s0 =	simm.s32 $0x200;
	[tilespmem:s31+$0x13C00] =	vst v7;
	v7 =	vadd.s32 v0, v6;
	v6 =	vld [tilespmem:s31+$0x13C60]  }
.LBB2_5:
0x4b: {  	s3 =	sshra.s32 s0, $0x2;
	p1 =	sne.s32 s0, $0x3E00;
	[tilespmem:s31+$0x13C10] =	vst v7;
	v5 =	vadd.s32 v0, v5;
	v7 =	vld [tilespmem:s31+$0x13C70]  }
0x4c: {  	v8 =	vld [tilespmem:s3+$0x13C00];
	[tilespmem:s31+$0x13C20] =	vst v5;
	v3 =	vadd.s32 v0, v3  }
0x4d: {  	v9 =	vld [tilespmem:s3+$0x13C10];
	[tilespmem:s31+$0x13C30] =	vst v3;
	v2 =	vadd.s32 v0, v2  }
.Ltmp1:
0x4e: {  	v5 =	vld [tilespmem:s3+$0x13C20];
	[tilespmem:s31+$0x13C40] =	vst v2;
	v2 =	vadd.s32 v0, v4;
	(pc) =	sbr.rel @p1 .LBB2_5-.Ltmp1, $4  }
0x4f: {  	v3 =	vld [tilespmem:s3+$0x13C30];
	[tilespmem:s31+$0x13C50] =	vst v2;
	v4 =	vadd.s32 v0, v6  }
0x50: {  	v2 =	vld [tilespmem:s3+$0x13C40];
	[tilespmem:s31+$0x13C60] =	vst v4;
	v6 =	vadd.s32 v0, v7  }
0x51: {  	v7 =	vadd.s32 v0, v8;
	v4 =	vld [tilespmem:s3+$0x13C50];
	[tilespmem:s31+$0x13C70] =	vst v6;
	s31 =	smov.u32 s3  }
0x52: {  	s0 =	sadd.s32 $0x200, s0;
	[tilespmem:s31+$0x13C00] =	vst v7;
	v7 =	vadd.s32 v0, v9;
	v6 =	vld [tilespmem:s31+$0x13C60]  }
0x53: {  	[tilespmem:s31+$0x13C10] =	vst v7;
	v5 =	vadd.s32 v0, v5;
	v63 =	vld [tilespmem:s31+$0x13C70]  }
0x54: {  	[tilespmem:s31+$0x13C20] =	vst v5;
	v3 =	vadd.s32 v0, v3  }
0x55: {  	[tilespmem:s31+$0x13C30] =	vst v3;
	v2 =	vadd.s32 v0, v2  }
0x56: {  	[tilespmem:s31+$0x13C40] =	vst v2;
	v2 =	vadd.s32 v0, v4  }
0x57: {  	[tilespmem:s31+$0x13C50] =	vst v2;
	v2 =	vadd.s32 v0, v6  }
0x58: {  	[tilespmem:s31+$0x13C60] =	vst v2;
	v2 =	vadd.s32 v0, v63  }
0x59: {  	[tilespmem:s31+$0x13C70] =	vst v2  }
0x5a: {  	[tilespmem:s16], [sflag:$0x1] =	stream.indirect.gather [hbm4b:s4+s20], $0x80, s18, s20, $0xb8;
	[tilespmem:$0x1DC00] =	vst v63  }
0x5b: {  	s0 =	simm.s32 $0x13C80  }
0x5c: {  	[tilespmem:s21], [sflag:$0x2] =	stream.indirect.gather [hbm4b:s4+s20], $0x80, s0, s20, $0xb8;
	[tilespmem:$0x1DC00] =	vst v63  }
0x5d: {  	_ =	swait.ge [sflag:s22], $0x4000  }
0x5e: {  	[sflag:s22] =	ssyncset.done $0x0  }
0x5f: {  	s3 =	simm.s32 $0x14C00;
	[sflag:s22] =	ssyncadd.s32 $0xFFFFC000  }
0x60: {  	[spmem:s1] =	stream.indirect.scatter.add.f32 [tilespmem:s16], [sflag:$0x3], $0x80, s3, s20, $0xb8;
	[tilespmem:$0x1DC00] =	vst v63  }
0x61: {  	_ =	swait.ge [sflag:s17], $0x4000  }
0x62: {  	[sflag:s17] =	ssyncset.done $0x0  }
0x63: {  	s8 =	simm.s32 $0x13D00;
	[sflag:s17] =	ssyncadd.s32 $0xFFFFC000  }
0x64: {  	[tilespmem:s16], [sflag:$0x1] =	stream.indirect.gather [hbm4b:s4+s20], $0x80, s8, s20, $0xb8;
	[tilespmem:$0x1DC00] =	vst v63  }
0x65: {  	_ =	swait.ge [sflag:s23], $0x4000  }
0x66: {  	[sflag:s23] =	ssyncset.done $0x0  }
0x67: {  	s9 =	simm.s32 $0x14C80;
	[sflag:s23] =	ssyncadd.s32 $0xFFFFC000  }
0x68: {  	[spmem:s1] =	stream.indirect.scatter.add.f32 [tilespmem:s21], [sflag:$0x3], $0x80, s9, s20, $0xb8;
	[tilespmem:$0x1DC00] =	vst v63  }
0x69: {  	_ =	swait.ge [sflag:s17], $0x4000  }
0x6a: {  	s31 =	simm.s32 $0x100;
	s0 =	simm.s32 $0x800;
	[sflag:s17] =	ssyncset.done $0x0  }
.LBB2_7:
0x6b: {  	s3 =	sadd.s32 $0x13C80, s31  }
0x6c: {  	[sflag:s17] =	ssyncadd.s32 $0xFFFFC000;
	s8 =	smov.u32 s0;
	s9 =	sadd.s32 $0x400, s0  }
0x6d: {  	[tilespmem:s21], [sflag:$0x2] =	stream.indirect.gather [hbm4b:s4+s20], $0x80, s3, s20, $0xb8;
	[tilespmem:$0x1DC00] =	vst v63  }
0x6e: {  	p1 =	sne.s32 s0, $0x3800;
	_ =	swait.ge [sflag:s22], $0x4000  }
0x6f: {  	[sflag:s22] =	ssyncset.done $0x0  }
0x70: {  	s0 =	sadd.s32 $0x14C00, s31;
	[sflag:s22] =	ssyncadd.s32 $0xFFFFC000  }
0x71: {  	[spmem:s1] =	stream.indirect.scatter.add.f32 [tilespmem:s16], [sflag:$0x3], $0x80, s0, s20, $0xb8;
	[tilespmem:$0x1DC00] =	vst v63  }
0x72: {  	_ =	swait.ge [sflag:s17], $0x4000  }
0x73: {  	[sflag:s17] =	ssyncset.done $0x0  }
0x74: {  	s0 =	sadd.s32 $0x13D00, s31;
	[sflag:s17] =	ssyncadd.s32 $0xFFFFC000  }
0x75: {  	[tilespmem:s16], [sflag:$0x1] =	stream.indirect.gather [hbm4b:s4+s20], $0x80, s0, s20, $0xb8;
	[tilespmem:$0x1DC00] =	vst v63  }
0x76: {  	_ =	swait.ge [sflag:s23], $0x4000  }
.Ltmp2:
0x77: {  	[sflag:s23] =	ssyncset.done $0x0;
	(pc) =	sbr.rel @p1 .LBB2_7-.Ltmp2, $4  }
0x78: {  	s0 =	sadd.s32 $0x14C80, s31;
	[sflag:s23] =	ssyncadd.s32 $0xFFFFC000  }
0x79: {  	[spmem:s1] =	stream.indirect.scatter.add.f32 [tilespmem:s21], [sflag:$0x3], $0x80, s0, s20, $0xb8;
	[tilespmem:$0x1DC00] =	vst v63  }
0x7a: {  	_ =	swait.ge [sflag:s17], $0x4000  }
0x7b: {  	s31 =	sshra.s32 s8, $0x2;
	s0 =	smov.u32 s9;
	[sflag:s17] =	ssyncset.done $0x0  }
0x7c: {  	s0 =	sadd.s32 $0x13C80, s31;
	[sflag:s17] =	ssyncadd.s32 $0xFFFFC000  }
0x7d: {  	[tilespmem:s21], [sflag:$0x2] =	stream.indirect.gather [hbm4b:s4+s20], $0x80, s0, s20, $0xb8;
	[tilespmem:$0x1DC00] =	vst v63  }
0x7e: {  	_ =	swait.ge [sflag:s22], $0x4000  }
0x7f: {  	[sflag:s22] =	ssyncset.done $0x0  }
0x80: {  	s8 =	sadd.s32 $0x14C00, s31;
	[sflag:s22] =	ssyncadd.s32 $0xFFFFC000  }
0x81: {  	[spmem:s1] =	stream.indirect.scatter.add.f32 [tilespmem:s16], [sflag:$0x3], $0x80, s8, s20, $0xb8;
	[tilespmem:$0x1DC00] =	vst v63  }
0x82: {  	_ =	swait.ge [sflag:s17], $0x4000  }
0x83: {  	[sflag:s17] =	ssyncset.done $0x0  }
0x84: {  	s9 =	sadd.s32 $0x13D00, s31;
	[sflag:s17] =	ssyncadd.s32 $0xFFFFC000  }
0x85: {  	[tilespmem:s16], [sflag:$0x1] =	stream.indirect.gather [hbm4b:s4+s20], $0x80, s9, s20, $0xb8;
	[tilespmem:$0x1DC00] =	vst v63  }
0x86: {  	_ =	swait.ge [sflag:s23], $0x4000  }
0x87: {  	[sflag:s23] =	ssyncset.done $0x0  }
0x88: {  	s31 =	sadd.s32 $0x14C80, s31;
	[sflag:s23] =	ssyncadd.s32 $0xFFFFC000  }
0x89: {  	[spmem:s1] =	stream.indirect.scatter.add.f32 [tilespmem:s21], [sflag:$0x3], $0x80, s31, s20, $0xb8;
	[tilespmem:$0x1DC00] =	vst v63  }
0x8a: {  	_ =	swait.ge [sflag:s17], $0x4000  }
0x8b: {  	[sflag:s17] =	ssyncset.done $0x0  }
0x8c: {  	[sflag:s17] =	ssyncadd.s32 $0xFFFFC000  }
0x8d: {  	[tilespmem:s21], [sflag:$0x2] =	stream.indirect.gather [hbm4b:s4+s20], $0x80, s24, s20, $0xb8;
	[tilespmem:$0x1DC00] =	vst v63  }
0x8e: {  	_ =	swait.ge [sflag:s22], $0x4000  }
0x8f: {  	[sflag:s22] =	ssyncset.done $0x0  }
0x90: {  	[sflag:s22] =	ssyncadd.s32 $0xFFFFC000  }
0x91: {  	[spmem:s1] =	stream.indirect.scatter.add.f32 [tilespmem:s16], [sflag:$0x3], $0x80, s26, s20, $0xb8;
	[tilespmem:$0x1DC00] =	vst v63  }
0x92: {  	_ =	swait.ge [sflag:s17], $0x4000  }
0x93: {  	[sflag:s17] =	ssyncset.done $0x0  }
0x94: {  	[sflag:s17] =	ssyncadd.s32 $0xFFFFC000  }
0x95: {  	s30 =	sadd.s32 $0x1, s30;
	_ =	swait.ge [sflag:s23], $0x4000  }
0x96: {  	p1 =	sne.s32 s30, $0x5;
	[sflag:s23] =	ssyncset.done $0x0  }
.Ltmp3:
0x97: {  	[sflag:s23] =	ssyncadd.s32 $0xFFFFC000;
	(pc) =	sbr.rel @p1 .LBB2_4-.Ltmp3, $4  }
0x98: {  	[spmem:s1] =	stream.indirect.scatter.add.f32 [tilespmem:s21], [sflag:$0x3], $0x80, s28, s20, $0xb8;
	[tilespmem:$0x1DC00] =	vst v63  }
0x99: {  	_ =	swait.ge [sflag:s17], $0x4000  }
0x9a: {  	[sflag:s17] =	ssyncset.done $0x0  }
0x9b: {  	[sflag:s17] =	ssyncadd.s32 $0xFFFFC000  }
0x9c: {  	[bflag:$0x0] =	sbarrier.arrive $0xFFFF;
	s0 =	simm.s32 @p0 $0x1FC3  }
0x9d: {  	[hbm:s14], [sflag:s0] =	dma.local @p0 [spmem:s25], $0x2080  }
0x9e: {  	s0 =	simm.s32 @p0 $0x3  }
0x9f: {  	s3 =	stileid.u32;
	s2 =	sadd.s32 $0x1, s2;
	_ =	swait.ge @p0 [sflag:s0], $0x2080  }
0xa0: {  	s3 =	sshll.u32 @!p0 s3, $0x6;
	p1 =	sne.s32 s2, s15;
	[sflag:s0] =	ssyncset.done @p0 $0x0  }
0xa1: {  	[sflag:s0] =	ssyncadd.s32 @p0 $0xFFFFDF80;
	s0 =	sor.u32 @!p0 $0x1C03, s3;
	s3 =	sshrl.u32 @!p0 s7, $0x3  }
0xa2: {  	[hbm:s13], [sflag:s0] =	dma.local @!p0 [spmem:s3], $0x2780  }
.Ltmp4:
0xa3: {  	_ = 	snop;
	(pc) =	sbr.rel @p1 .LBB2_1-.Ltmp4, $4  }
0xa4: {  	s0 =	simm.s32 @!p0 $0x3  }
0xa5: {  	_ =	swait.ge @!p0 [sflag:s0], $0x2780  }
0xa6: {  	[sflag:s0] =	ssyncset.done @!p0 $0x0  }
0xa7: {  	[sflag:s0] =	ssyncadd.s32 @!p0 $0xFFFFD880  }
0xa8: {  	_ =	sfence.sel $0x180000  }
0xa9: {  	[bflag:$0x0] =	sbarrier.arrive $0xFFFF  }
0xaa: {  	_ =	strace $0x9000004A  }
0xab: {  	s0 =	stileid.u32;
	[bflag:$0x2] =	sbarrier.arrive $0xFFFF  }
0xac: {  	p0 =	sne.s32 s0, $0x0;
	s0 =	rddreg [dreg:$0x2]  }
0xad: {  	s0 =	sadd.s32 @!p0 $0x100000, s0  }
0xae: {  	[sflag:s0] =	ssyncadd.tile.s32 @!p0 $0x1;
	_ =	shalt  }
.Lfunc_end2:
_tile_overlayer_lowered:
.L_overlay_start_2:
0xaf: {  	(tag) =	ssettag $0x2  }
0xb0: {  	s0 =	rddreg [dreg:$0x0];
	s2 =	stileid.u32  }
0xb1: {  	s1 =	rddreg [dreg:$0x1];
	p0 =	sne.s32 s2, $0x0  }
0xb2: {  	s3 =	rddreg [dreg:$0x2];
	[bflag:$0x3] =	sbarrier.arrive $0xFFFF;
	s2 =	simm.s32 @!p0 $0x1C03  }
0xb3: {  	[timem:s3], [sflag:s2] =	dma.local @!p0 [hbm:s0], s1  }
0xb4: {  	s0 =	simm.s32 @!p0 $0x3  }
0xb5: {  	_ =	swait.ge @!p0 [sflag:s0], s1  }
0xb6: {  	s1 =	ssub.s32 @!p0 $0x0, s1;
	[sflag:s0] =	ssyncset.done @!p0 $0x0  }
0xb7: {  	[sflag:s0] =	ssyncadd.s32 @!p0 s1  }
0xb8: {  	[bflag:$0x3] =	sbarrier.arrive $0xFFFF  }
0xb9: {  	_ =	shalt  }

// kernel: kernel.16.cloned.1.call-start
scs
__scs_entry_jumppad:
0x0: {  	(pc) =	sbr.rel $0x88, $3  }
0x1: {  	(tag) =	ssettag $0x0;
	lr =	simm.s32 $0x1  }
0x2: {  	[smem:$0x3F96] =	sst lr;
	_ =	strace $0xD0000000  }
0x3: {  	_ = 	snop  }
0x4: {  	_ = 	snop  }
0x5: {  	_ = 	snop  }
0x6: {  	_ = 	snop  }
0x7: {  	_ = 	snop  }
__scs_overlays_trampoline_lowered:
0x8: {  	[smem:$0x3FA5] =	sst s0  }
0x9: {  	[smem:$0x3FA6] =	sst s1  }
0xa: {  	[smem:$0x3FA7] =	sst s2  }
0xb: {  	[smem:$0x3FA8] =	sst s3  }
0xc: {  	[smem:$0x3FA9] =	sst s4  }
0xd: {  	[smem:$0x3FAA] =	sst s5  }
0xe: {  	[smem:$0x3FAB] =	sst s6  }
0xf: {  	[smem:$0x3FAC] =	sst s7  }
0x10: {  	[smem:$0x3FAD] =	sst s8  }
0x11: {  	[smem:$0x3FAE] =	sst s9;
	s0 =	simm.s32 @!p0 $0x0  }
0x12: {  	s1 =	sld [smem:$0x3F94];
	s0 =	simm.s32 @p0 $0x1  }
0x13: {  	[smem:$0x3FAF] =	sst s0;
	s0 =	simm.s32 @!p1 $0x0  }
0x14: {  	s2 =	sld [smem:$0x3F93];
	s0 =	simm.s32 @p1 $0x1  }
0x15: {  	[smem:$0x3FB0] =	sst s0;
	s0 =	simm.s32 @!p2 $0x0  }
0x16: {  	s3 =	sld [smem:$0x3FDB];
	s0 =	simm.s32 @p2 $0x1  }
0x17: {  	s4 =	simm.s32 $0x1BF5;
	[smem:$0x3FB2] =	sst s0  }
0x18: {  	s0 =	sld [smem:$0x3F95];
	_ =	swait.ge [sflag:s4], $0x0  }
0x19: {  	s7 =	sld [smem:$0x3F96]  }
0x1a: {  	s8 =	sadd.s32 $0xFFFFE003, lr  }
0x1b: {  	s9 =	sadd.s32 $0xFFFFFEF7, lr;
	s5 =	simm.s32 $0xFFFFFFFF;
	p2 =	slt.u32 s8, $0xFFFFF086  }
0x1c: {  	p1 =	slt.u32 s9, $0xF7A;
	s5 =	simm.s32 @!p2 $0x0  }
0x1d: {  	s5 =	simm.s32 @p1 $0x1;
	p0 =	seq.s32 s7, s2  }
0x1e: {  	s7 =	smul.u32 @!p0 $0xF7A, s2;
	p2 =	seq.s32 @!p0 s5, $0x0  }
0x1f: {  	s9 =	smul.u32 $0xF7A, s1;
	s8 =	simm.s32 @!p0 $0x1BF5;
	p2 =	por !p2, p0  }
0x20: {  	[sflag:s8] =	ssyncset.s32 @!p0 $0xFFFFF086;
	s6 =	sadd.s32 @!p0 s3, s7;
	s7 =	simm.s32 @!p0 $0x108  }
0x21: {  	s3 =	sadd.s32 s3, s9;
	s6 =	sadd.s32 @!p0 $0x88, s6;
	s7 =	simm.s32 @p2 $0x1082  }
0x22: {  	[simem:s7], [sflag:s8] =	dma.local @!p0 [hbm:s6], $0xF7A  }
0x23: {  	s9 =	sor.u32 $0xD0000000, s2;
	s6 =	simm.s32 $0x108;
	_ =	swait.ge @!p0 [sflag:s8], $0x0  }
0x24: {  	s3 =	sadd.s32 $0x88, s3;
	s6 =	simm.s32 @!p1 $0x1082;
	[sflag:s4] =	ssyncset.s32 $0xFFFFF086  }
0x25: {  	[simem:s6], [sflag:s4] =	dma.local [hbm:s3], $0xF7A  }
0x26: {  	[smem:$0x3F96] =	sst s1;
	(tag) =	ssettag s2;
	_ =	strace s9  }
0x27: {  	s1 =	sld [smem:$0x3FA6]  }
0x28: {  	s2 =	sld [smem:$0x3FA7]  }
0x29: {  	s4 =	sld [smem:$0x3FA9]  }
0x2a: {  	p0 =	seq.s32 s5, $0x0;
	s5 =	sld [smem:$0x3FAA]  }
0x2b: {  	s6 =	sld [smem:$0x3FAB]  }
0x2c: {  	s7 =	sld [smem:$0x3FAC]  }
0x2d: {  	s3 =	simm.s32 $0x108;
	s8 =	sld [smem:$0x3FAD]  }
0x2e: {  	s3 =	simm.s32 @!p0 $0x1082;
	s9 =	sld [smem:$0x3FAE]  }
0x2f: {  	lr =	sadd.s32 s0, s3;
	s0 =	sld [smem:$0x3FA5]  }
0x30: {  	s3 =	sld [smem:$0x3FA8]  }
0x31: {  	[smem:$0x3FB1] =	sst s10  }
0x32: {  	s10 =	sld [smem:$0x3FAF];
	_ =	sdelay $0x3  }
0x33: {  	p0 =	seq.s32 s10, $0x1;
	s10 =	sld [smem:$0x3FB1];
	_ =	sdelay $0x3  }
0x34: {  	[smem:$0x3FB1] =	sst s10  }
0x35: {  	s10 =	sld [smem:$0x3FB0];
	_ =	sdelay $0x3  }
0x36: {  	p1 =	seq.s32 s10, $0x1;
	s10 =	sld [smem:$0x3FB1];
	_ =	sdelay $0x3  }
0x37: {  	[smem:$0x3FB1] =	sst s10  }
0x38: {  	s10 =	sld [smem:$0x3FB2]  }
0x39: {  	_ = 	snop;
	(pc) =	sbr.ind lr, $3  }
0x3a: {  	_ = 	snop  }
0x3b: {  	_ = 	snop  }
0x3c: {  	p2 =	seq.s32 s10, $0x1;
	s10 =	sld [smem:$0x3FB1]  }
0x3d: {  	_ =	shalt  }
0x3e: {  	_ =	shalt  }
0x3f: {  	_ =	shalt  }
0x40: {  	_ =	shalt  }
0x41: {  	_ =	shalt  }
0x42: {  	_ =	shalt  }
0x43: {  	_ =	shalt  }
0x44: {  	_ =	shalt  }
0x45: {  	_ =	shalt  }
0x46: {  	_ =	shalt  }
0x47: {  	_ =	shalt  }
0x48: {  	_ =	shalt  }
0x49: {  	_ =	shalt  }
0x4a: {  	_ =	shalt  }
0x4b: {  	_ =	shalt  }
0x4c: {  	_ =	shalt  }
0x4d: {  	_ =	shalt  }
0x4e: {  	_ =	shalt  }
0x4f: {  	_ =	shalt  }
0x50: {  	_ =	shalt  }
0x51: {  	_ =	shalt  }
0x52: {  	_ =	shalt  }
0x53: {  	_ =	shalt  }
0x54: {  	_ =	shalt  }
0x55: {  	_ =	shalt  }
0x56: {  	_ =	shalt  }
0x57: {  	_ =	shalt  }
0x58: {  	_ =	shalt  }
0x59: {  	_ =	shalt  }
0x5a: {  	_ =	shalt  }
0x5b: {  	_ =	shalt  }
0x5c: {  	_ =	shalt  }
0x5d: {  	_ =	shalt  }
0x5e: {  	_ =	shalt  }
0x5f: {  	_ =	shalt  }
0x60: {  	_ =	shalt  }
0x61: {  	_ =	shalt  }
0x62: {  	_ =	shalt  }
0x63: {  	_ =	shalt  }
0x64: {  	_ =	shalt  }
0x65: {  	_ =	shalt  }
0x66: {  	_ =	shalt  }
0x67: {  	_ =	shalt  }
0x68: {  	_ =	shalt  }
0x69: {  	_ =	shalt  }
0x6a: {  	_ =	shalt  }
0x6b: {  	_ =	shalt  }
0x6c: {  	_ =	shalt  }
0x6d: {  	_ =	shalt  }
0x6e: {  	_ =	shalt  }
0x6f: {  	_ =	shalt  }
0x70: {  	_ =	shalt  }
0x71: {  	_ =	shalt  }
0x72: {  	_ =	shalt  }
0x73: {  	_ =	shalt  }
0x74: {  	_ =	shalt  }
0x75: {  	_ =	shalt  }
0x76: {  	_ =	shalt  }
0x77: {  	_ =	shalt  }
0x78: {  	_ =	shalt  }
0x79: {  	_ =	shalt  }
0x7a: {  	_ =	shalt  }
0x7b: {  	_ =	shalt  }
0x7c: {  	_ =	shalt  }
0x7d: {  	_ =	shalt  }
0x7e: {  	_ =	shalt  }
0x7f: {  	_ =	shalt  }
0x80: {  	_ =	shalt  }
0x81: {  	_ =	shalt  }
0x82: {  	_ =	shalt  }
0x83: {  	_ =	shalt  }
0x84: {  	_ =	shalt  }
0x85: {  	_ =	shalt  }
0x86: {  	_ =	shalt  }
0x87: {  	_ =	shalt  }
.Lfunc_end0:
.L_simem_size_0:
called_computation.2_lowered:
.L_overlay_start_0:
0x88: {  	s2 =	sld [smem:$0x3FD9]  }
0x89: {  	s3 =	sld [smem:$0x3FFE];
	_ =	sdelay $0x1  }
0x8a: {  	s1 =	srdreg.scid  }
0x8b: {  	s0 =	sand.u32 $0x1, s1  }
0x8c: {  	s16 =	sshll.u32 s0, $0xA;
	s2 =	sadd.s32 s3, s2  }
0x8d: {  	s2 =	sadd.s32 s2, s16  }
0x8e: {  	[smem:$0x3FBD] =	sst s2  }
0x8f: {  	_ = 	snop  }
0x90: {  	(tm) =	ssettm $0x1  }
0x91: {  	s17 =	sld [smem:$0x3FFB];
	_ =	sdelay $0x3  }
0x92: {  	_ =	strace s17  }
0x93: {  	s2 =	sld [smem:$0x3FFC];
	_ =	sdelay $0x3  }
0x94: {  	_ =	strace s2  }
0x95: {  	s2 =	sld [smem:$0x3FFD];
	_ =	sdelay $0x3  }
0x96: {  	_ =	strace s2  }
0x97: {  	_ =	strace $0x8FFFFFFF  }
0x98: {  	s18 =	sld [smem:$0x3FDB];
	_ =	sdelay $0x1  }
0x99: {  	s19 =	simm.s32 $_scs_section_size  }
0x9a: {  	s4 =	simm.s32 $_size__tile_overlayer_lowered;
	s5 =	simm.s32 $_tile_overlayer_lowered  }
0x9b: {  	s22 =	simm.s32 $0x1BFF;
	s21 =	sshll.u32 s5, $0x1;
	s2 =	sadd.s32 s19, s18  }
0x9c: {  	s6 =	simm.s32 $0x0;
	s20 =	sshll.u32 s4, $0x1;
	s4 =	sadd.s32 s21, s2  }
0x9d: {  	[timem:s6], [sflag:s22] =	dma.local [hbm:s4], s20  }
0x9e: {  	_ =	swait.ge [sflag:s22], s20  }
0x9f: {  	s3 =	ssub.s32 $0x0, s20;
	[sflag:s22] =	ssyncset.done $0x0  }
0xa0: {  	[sflag:s22] =	ssyncadd.s32 s3;
	_ =	sdelay $0x1  }
0xa1: {  	s23 =	simm.s32 $0x1B8B  }
0xa2: {  	_ =	swait.ge [sflag:s23], $0x1  }
0xa3: {  	[sflag:s23] =	ssyncset.done $0x0  }
0xa4: {  	s25 =	simm.s32 $0x1B8E;
	s24 =	sld [smem:$0x3FFE];
	[sflag:s23] =	ssyncadd.s32 $0xFFFFFFFF  }
0xa5: {  	s26 =	simm.s32 $execute0_lowered;
	[smem:$0x3FD2] =	sst s25  }
0xa6: {  	s4 =	sshll.u32 s26, $0x1;
	_ =	strace $0x8000004C;
	[dreg:$0x1] =	wrdreg $0xFFFFFFFF  }
0xa7: {  	s28 =	simm.s32 $_size_execute0_lowered;
	s2 =	sadd.s32 s2, s4;
	[dreg:$0x0] =	wrdreg $0x0  }
0xa8: {  	s4 =	sshll.u32 s28, $0x1;
	[dreg:$0x2] =	wrdreg s2  }
0xa9: {  	[dreg:$0x3] =	wrdreg s4  }
0xaa: {  	[dreg:$0x4] =	wrdreg $0xC0  }
0xab: {  	_ =	task [dreg:s6], $0x5FFFF  }
0xac: {  	[dreg:$0x1] =	wrdreg $0xFFFFFFFF  }
0xad: {  	[dreg:$0x0] =	wrdreg $0x60  }
0xae: {  	[dreg:$0x2] =	wrdreg s24  }
0xaf: {  	[dreg:$0x3] =	wrdreg $0x0  }
0xb0: {  	[dreg:$0x4] =	wrdreg $0x9  }
0xb1: {  	_ =	task.clear_ibuf [dreg:s6], $0x5FFFF;
	_ =	strace $0x9000004C  }
0xb2: {  	s29 =	simm.s32 $0x9;
	_ =	strace $0x8000004E  }
0xb3: {  	_ =	swait.ge [sflag:s29], $0x1  }
0xb4: {  	[sflag:s29] =	ssyncadd.s32 $0xFFFFFFFF  }
0xb5: {  	_ =	strace $0x9000004E  }
0xb6: {  	_ =	sfence  }
0xb7: {  	s30 =	sld [smem:$0x0];
	_ =	sdelay $0x2  }
0xb8: {  	s31 =	sshll.u32 s1, $0xD;
	s1 =	sshrl.u32 s1, $0x2  }
0xb9: {  	s3 =	sand.u32 $0x4000, s31;
	s1 =	sadd.s32 s1, s30  }
0xba: {  	s0 =	sor.u32 s3, s0;
	s1 =	sshll.u32 s1, $0x11  }
0xbb: {  	s0 =	sor.u32 s1, s0  }
0xbc: {  	s0 =	sadd.s32 $0x8F2B, s0  }
0xbd: {  	[sflag:s0] =	ssyncadd.remote.s32 $0x1  }
0xbe: {  	_ =	sfence.sel $0xFFFF  }
0xbf: {  	[dreg:$0x0] =	wrdreg $0xFFFFFFFF;
	(pc) =	sbr.abs _section_cstart, $3  }
0xc0: {  	[dreg:$0x1] =	wrdreg $0xFFFFFFFF  }
0xc1: {  	_ =	task.clear_ibuf [dreg:s6], $0x2FFFF;
	_ =	strace $0x9FFFFFFF  }
0xc2: {  	(tm) =	ssettm $0x7FFFFFFF  }
0xc3: {  	_ =	shalt  }
tec
execute0_lowered:
.L_overlay_start_1:
0x0: {  	(tag) =	ssettag $0x1  }
0x1: {  	s0 =	rddreg [dreg:$0x0]  }
0x2: {  	s1 =	rddreg [dreg:$0x1];
	s2 =	simm.s32 $0x0;
	s6 =	srdreg.scid  }
0x3: {  	s3 =	stileid.u32;
	s17 =	simm.s32 $0x3;
	s18 =	simm.s32 $0x13C00  }
0x4: {  	s19 =	simm.s32 $0x14C00;
	s20 =	simm.s32 $0x80;
	s21 =	simm.s32 $0x19C00  }
0x5: {  	s22 =	simm.s32 $0x1;
	s23 =	simm.s32 $0x2;
	s24 =	simm.s32 $0x14B80  }
0x6: {  	s28 =	simm.s32 $0x15B80;
	[smem:$0x7FF] =	sst s2;
	s4 =	sadd.s32 $0x65E00, s0  }
0x7: {  	s5 =	sadd.s32 $0x3C00, s0;
	s10 =	sand.u32 $0x1, s6;
	s7 =	smul.u32 $0x4F000, s3  }
0x8: {  	s6 =	sadd.s32 $0xDC00, s0;
	s0 =	sadd.s32 $0xB4000, s0;
	s12 =	smul.u32 $0x278, s3  }
0x9: {  	s26 =	sadd.s32 $0x128400, s1;
	p0 =	seq.s32 s3, $0xF;
	s8 =	ssub.s32 $0x2, s10  }
0xa: {  	_ =	strace $0x8000004D;
	s25 =	smul.u32 $0x2710, s10;
	s9 =	sshrl.u32 s8, $0x1  }
0xb: {  	s13 =	smul.u32 $0x138800, s10;
	s7 =	sshrl.u32 s7, $0x2;
	s15 =	ssub.s32 s8, s9  }
0xc: {  	s7 =	sadd.s32 s7, s1;
	s14 =	sadd.s32 s12, s25;
	s12 =	smul.u32 $0x5000, s3  }
0xd: {  	s16 =	sshrl.u32 s13, $0x3;
	v0 =	vmov s25;
	s25 =	sshrl.u32 @p0 s26, $0x3;
	s26 =	simm.s32 $0x15B00  }
0xe: {  	s30 =	sadd.s32 $0x4000, s7;
	s31 =	sadd.s32 $0x8000, s7;
	s10 =	sadd.s32 $0xC000, s7  }
0xf: {  	s11 =	sadd.s32 $0x10000, s7;
	s14 =	sshll.u32 s14, $0x4;
	s15 =	smax.u32 s15, $0x1  }
0x10: {  	[dreg:$0x3] =	wrdreg s30;
	s13 =	sadd.s32 s0, s14;
	s0 =	sadd.s32 s0, s16  }
0x11: {  	v1 =	vimm.f32 $0.0e+00;
	[dreg:$0x4] =	wrdreg s31;
	s16 =	simm.s32 $0x15C00;
	s14 =	sadd.s32 $0x25080, s0  }
.LBB2_1:
0x12: {  	s0 =	simm.s32 $0x0;
	s29 =	simm.s32 $0x200  }
.LBB2_2:
0x13: {  	p1 =	sne.s32 s29, $0xFE00;
	[tilespmem:s0+$0x15C70] =	vst v1  }
0x14: {  	[tilespmem:s0+$0x15C00] =	vst v1  }
0x15: {  	[tilespmem:s0+$0x15C10] =	vst v1  }
.Ltmp0:
0x16: {  	[tilespmem:s0+$0x15C20] =	vst v1;
	(pc) =	sbr.rel @p1 .LBB2_2-.Ltmp0, $4  }
0x17: {  	[tilespmem:s0+$0x15C30] =	vst v1  }
0x18: {  	[tilespmem:s0+$0x15C40] =	vst v1  }
0x19: {  	[tilespmem:s0+$0x15C50] =	vst v1  }
0x1a: {  	[tilespmem:s0+$0x15C60] =	vst v1;
	s0 =	sshra.s32 s29, $0x2;
	s29 =	sadd.s32 $0x200, s29  }
0x1b: {  	[tilespmem:s0+$0x15C70] =	vst v1  }
0x1c: {  	[tilespmem:s0+$0x15C00] =	vst v1  }
0x1d: {  	[tilespmem:s0+$0x15C10] =	vst v1  }
0x1e: {  	[tilespmem:s0+$0x15C20] =	vst v1  }
0x1f: {  	[tilespmem:s0+$0x15C30] =	vst v1  }
0x20: {  	[tilespmem:s0+$0x15C40] =	vst v1  }
0x21: {  	[tilespmem:s0+$0x15C50] =	vst v1  }
0x22: {  	[tilespmem:s0+$0x15C60] =	vst v1  }
0x23: {  	[spmem:s7] =	stream.linear.scatter [tilespmem:s16], [sflag:$0x3], $0x4000, $0x38;
	[tilespmem:$0x1DC00] =	vst v63  }
0x24: {  	_ =	swait.ge [sflag:s17], $0x4000  }
0x25: {  	[sflag:s17] =	ssyncset.done $0x0  }
0x26: {  	s9 =	rddreg [dreg:$0x3];
	[sflag:s17] =	ssyncadd.s32 $0xFFFFC000  }
0x27: {  	[spmem:s9] =	stream.linear.scatter [tilespmem:s16], [sflag:$0x3], $0x4000, $0x38;
	[tilespmem:$0x1DC00] =	vst v63  }
0x28: {  	_ =	swait.ge [sflag:s17], $0x4000  }
0x29: {  	[sflag:s17] =	ssyncset.done $0x0  }
0x2a: {  	s31 =	rddreg [dreg:$0x4];
	[sflag:s17] =	ssyncadd.s32 $0xFFFFC000  }
0x2b: {  	[spmem:s31] =	stream.linear.scatter [tilespmem:s16], [sflag:$0x3], $0x4000, $0x38;
	[tilespmem:$0x1DC00] =	vst v63  }
0x2c: {  	_ =	swait.ge [sflag:s17], $0x4000  }
0x2d: {  	[sflag:s17] =	ssyncset.done $0x0  }
0x2e: {  	[sflag:s17] =	ssyncadd.s32 $0xFFFFC000  }
0x2f: {  	[spmem:s10] =	stream.linear.scatter [tilespmem:s16], [sflag:$0x3], $0x4000, $0x38;
	[tilespmem:$0x1DC00] =	vst v63  }
0x30: {  	_ =	swait.ge [sflag:s17], $0x4000  }
0x31: {  	[sflag:s17] =	ssyncset.done $0x0  }
0x32: {  	[sflag:s17] =	ssyncadd.s32 $0xFFFFC000  }
0x33: {  	[spmem:s11] =	stream.linear.scatter [tilespmem:s16], [sflag:$0x3], $0x3C00, $0x38;
	[tilespmem:$0x1DC00] =	vst v63  }
0x34: {  	_ =	swait.ge [sflag:s17], $0x3C00  }
0x35: {  	[sflag:s17] =	ssyncset.done $0x0  }
0x36: {  	[sflag:s17] =	ssyncadd.s32 $0xFFFFC400  }
0x37: {  	s29 =	simm.s32 $0x0;
	s30 =	simm.s32 $0x0;
	[bflag:$0x0] =	sbarrier.arrive $0xFFFF  }
.LBB2_4:
0x38: {  	s0 =	sshll.u32 s30, $0xC  }
0x39: {  	s0 =	sadd.s32 s12, s0  }
0x3a: {  	s0 =	sshrl.u32 s0, $0x3  }
0x3b: {  	s31 =	sadd.s32 s5, s0  }
0x3c: {  	[tilespmem:s18], [sflag:$0x3] =	stream.linear.gather [hbm4b:s31+s29], $0x1000, $0x38;
	[tilespmem:$0x1DC00] =	vst v63  }
0x3d: {  	_ =	swait.ge [sflag:s17], $0x1000  }
0x3e: {  	[sflag:s17] =	ssyncset.done $0x0  }
0x3f: {  	s0 =	sadd.s32 s6, s0;
	[sflag:s17] =	ssyncadd.s32 $0xFFFFF000  }
0x40: {  	[tilespmem:s19], [sflag:$0x3] =	stream.linear.gather [hbm4b:s0+s29], $0x1000, $0x38;
	[tilespmem:$0x1DC00] =	vst v63  }
0x41: {  	_ =	swait.ge [sflag:s17], $0x1000  }
0x42: {  	[sflag:s17] =	ssyncset.done $0x0  }
0x43: {  	s31 =	simm.s32 $0x0;
	[sflag:s17] =	ssyncadd.s32 $0xFFFFF000  }
0x44: {  	v4 =	vld [tilespmem:s31+$0x13C00]  }
0x45: {  	v6 =	vld [tilespmem:s31+$0x13C10]  }
0x46: {  	v5 =	vld [tilespmem:s31+$0x13C20]  }
0x47: {  	v3 =	vld [tilespmem:s31+$0x13C30]  }
0x48: {  	v2 =	vld [tilespmem:s31+$0x13C40]  }
0x49: {  	v7 =	vadd.s32 v0, v4;
	v4 =	vld [tilespmem:s31+$0x13C50]  }
0x4a: {  	s0 =	simm.s32 $0x200;
	[tilespmem:s31+$0x13C00] =	vst v7;
	v7 =	vadd.s32 v0, v6;
	v6 =	vld [tilespmem:s31+$0x13C60]  }
.LBB2_5:
0x4b: {  	s3 =	sshra.s32 s0, $0x2;
	p1 =	sne.s32 s0, $0x3E00;
	[tilespmem:s31+$0x13C10] =	vst v7;
	v5 =	vadd.s32 v0, v5;
	v7 =	vld [tilespmem:s31+$0x13C70]  }
0x4c: {  	v8 =	vld [tilespmem:s3+$0x13C00];
	[tilespmem:s31+$0x13C20] =	vst v5;
	v3 =	vadd.s32 v0, v3  }
0x4d: {  	v9 =	vld [tilespmem:s3+$0x13C10];
	[tilespmem:s31+$0x13C30] =	vst v3;
	v2 =	vadd.s32 v0, v2  }
.Ltmp1:
0x4e: {  	v5 =	vld [tilespmem:s3+$0x13C20];
	[tilespmem:s31+$0x13C40] =	vst v2;
	v2 =	vadd.s32 v0, v4;
	(pc) =	sbr.rel @p1 .LBB2_5-.Ltmp1, $4  }
0x4f: {  	v3 =	vld [tilespmem:s3+$0x13C30];
	[tilespmem:s31+$0x13C50] =	vst v2;
	v4 =	vadd.s32 v0, v6  }
0x50: {  	v2 =	vld [tilespmem:s3+$0x13C40];
	[tilespmem:s31+$0x13C60] =	vst v4;
	v6 =	vadd.s32 v0, v7  }
0x51: {  	v7 =	vadd.s32 v0, v8;
	v4 =	vld [tilespmem:s3+$0x13C50];
	[tilespmem:s31+$0x13C70] =	vst v6;
	s31 =	smov.u32 s3  }
0x52: {  	s0 =	sadd.s32 $0x200, s0;
	[tilespmem:s31+$0x13C00] =	vst v7;
	v7 =	vadd.s32 v0, v9;
	v6 =	vld [tilespmem:s31+$0x13C60]  }
0x53: {  	[tilespmem:s31+$0x13C10] =	vst v7;
	v5 =	vadd.s32 v0, v5;
	v63 =	vld [tilespmem:s31+$0x13C70]  }
0x54: {  	[tilespmem:s31+$0x13C20] =	vst v5;
	v3 =	vadd.s32 v0, v3  }
0x55: {  	[tilespmem:s31+$0x13C30] =	vst v3;
	v2 =	vadd.s32 v0, v2  }
0x56: {  	[tilespmem:s31+$0x13C40] =	vst v2;
	v2 =	vadd.s32 v0, v4  }
0x57: {  	[tilespmem:s31+$0x13C50] =	vst v2;
	v2 =	vadd.s32 v0, v6  }
0x58: {  	[tilespmem:s31+$0x13C60] =	vst v2;
	v2 =	vadd.s32 v0, v63  }
0x59: {  	[tilespmem:s31+$0x13C70] =	vst v2  }
0x5a: {  	[tilespmem:s16], [sflag:$0x1] =	stream.indirect.gather [hbm4b:s4+s20], $0x80, s18, s20, $0xb8;
	[tilespmem:$0x1DC00] =	vst v63  }
0x5b: {  	s0 =	simm.s32 $0x13C80  }
0x5c: {  	[tilespmem:s21], [sflag:$0x2] =	stream.indirect.gather [hbm4b:s4+s20], $0x80, s0, s20, $0xb8;
	[tilespmem:$0x1DC00] =	vst v63  }
0x5d: {  	_ =	swait.ge [sflag:s22], $0x4000  }
0x5e: {  	[sflag:s22] =	ssyncset.done $0x0  }
0x5f: {  	s3 =	simm.s32 $0x14C00;
	[sflag:s22] =	ssyncadd.s32 $0xFFFFC000  }
0x60: {  	[spmem:s1] =	stream.indirect.scatter.add.f32 [tilespmem:s16], [sflag:$0x3], $0x80, s3, s20, $0xb8;
	[tilespmem:$0x1DC00] =	vst v63  }
0x61: {  	_ =	swait.ge [sflag:s17], $0x4000  }
0x62: {  	[sflag:s17] =	ssyncset.done $0x0  }
0x63: {  	s8 =	simm.s32 $0x13D00;
	[sflag:s17] =	ssyncadd.s32 $0xFFFFC000  }
0x64: {  	[tilespmem:s16], [sflag:$0x1] =	stream.indirect.gather [hbm4b:s4+s20], $0x80, s8, s20, $0xb8;
	[tilespmem:$0x1DC00] =	vst v63  }
0x65: {  	_ =	swait.ge [sflag:s23], $0x4000  }
0x66: {  	[sflag:s23] =	ssyncset.done $0x0  }
0x67: {  	s9 =	simm.s32 $0x14C80;
	[sflag:s23] =	ssyncadd.s32 $0xFFFFC000  }
0x68: {  	[spmem:s1] =	stream.indirect.scatter.add.f32 [tilespmem:s21], [sflag:$0x3], $0x80, s9, s20, $0xb8;
	[tilespmem:$0x1DC00] =	vst v63  }
0x69: {  	_ =	swait.ge [sflag:s17], $0x4000  }
0x6a: {  	s31 =	simm.s32 $0x100;
	s0 =	simm.s32 $0x800;
	[sflag:s17] =	ssyncset.done $0x0  }
.LBB2_7:
0x6b: {  	s3 =	sadd.s32 $0x13C80, s31  }
0x6c: {  	[sflag:s17] =	ssyncadd.s32 $0xFFFFC000;
	s8 =	smov.u32 s0;
	s9 =	sadd.s32 $0x400, s0  }
0x6d: {  	[tilespmem:s21], [sflag:$0x2] =	stream.indirect.gather [hbm4b:s4+s20], $0x80, s3, s20, $0xb8;
	[tilespmem:$0x1DC00] =	vst v63  }
0x6e: {  	p1 =	sne.s32 s0, $0x3800;
	_ =	swait.ge [sflag:s22], $0x4000  }
0x6f: {  	[sflag:s22] =	ssyncset.done $0x0  }
0x70: {  	s0 =	sadd.s32 $0x14C00, s31;
	[sflag:s22] =	ssyncadd.s32 $0xFFFFC000  }
0x71: {  	[spmem:s1] =	stream.indirect.scatter.add.f32 [tilespmem:s16], [sflag:$0x3], $0x80, s0, s20, $0xb8;
	[tilespmem:$0x1DC00] =	vst v63  }
0x72: {  	_ =	swait.ge [sflag:s17], $0x4000  }
0x73: {  	[sflag:s17] =	ssyncset.done $0x0  }
0x74: {  	s0 =	sadd.s32 $0x13D00, s31;
	[sflag:s17] =	ssyncadd.s32 $0xFFFFC000  }
0x75: {  	[tilespmem:s16], [sflag:$0x1] =	stream.indirect.gather [hbm4b:s4+s20], $0x80, s0, s20, $0xb8;
	[tilespmem:$0x1DC00] =	vst v63  }
0x76: {  	_ =	swait.ge [sflag:s23], $0x4000  }
.Ltmp2:
0x77: {  	[sflag:s23] =	ssyncset.done $0x0;
	(pc) =	sbr.rel @p1 .LBB2_7-.Ltmp2, $4  }
0x78: {  	s0 =	sadd.s32 $0x14C80, s31;
	[sflag:s23] =	ssyncadd.s32 $0xFFFFC000  }
0x79: {  	[spmem:s1] =	stream.indirect.scatter.add.f32 [tilespmem:s21], [sflag:$0x3], $0x80, s0, s20, $0xb8;
	[tilespmem:$0x1DC00] =	vst v63  }
0x7a: {  	_ =	swait.ge [sflag:s17], $0x4000  }
0x7b: {  	s31 =	sshra.s32 s8, $0x2;
	s0 =	smov.u32 s9;
	[sflag:s17] =	ssyncset.done $0x0  }
0x7c: {  	s0 =	sadd.s32 $0x13C80, s31;
	[sflag:s17] =	ssyncadd.s32 $0xFFFFC000  }
0x7d: {  	[tilespmem:s21], [sflag:$0x2] =	stream.indirect.gather [hbm4b:s4+s20], $0x80, s0, s20, $0xb8;
	[tilespmem:$0x1DC00] =	vst v63  }
0x7e: {  	_ =	swait.ge [sflag:s22], $0x4000  }
0x7f: {  	[sflag:s22] =	ssyncset.done $0x0  }
0x80: {  	s8 =	sadd.s32 $0x14C00, s31;
	[sflag:s22] =	ssyncadd.s32 $0xFFFFC000  }
0x81: {  	[spmem:s1] =	stream.indirect.scatter.add.f32 [tilespmem:s16], [sflag:$0x3], $0x80, s8, s20, $0xb8;
	[tilespmem:$0x1DC00] =	vst v63  }
0x82: {  	_ =	swait.ge [sflag:s17], $0x4000  }
0x83: {  	[sflag:s17] =	ssyncset.done $0x0  }
0x84: {  	s9 =	sadd.s32 $0x13D00, s31;
	[sflag:s17] =	ssyncadd.s32 $0xFFFFC000  }
0x85: {  	[tilespmem:s16], [sflag:$0x1] =	stream.indirect.gather [hbm4b:s4+s20], $0x80, s9, s20, $0xb8;
	[tilespmem:$0x1DC00] =	vst v63  }
0x86: {  	_ =	swait.ge [sflag:s23], $0x4000  }
0x87: {  	[sflag:s23] =	ssyncset.done $0x0  }
0x88: {  	s31 =	sadd.s32 $0x14C80, s31;
	[sflag:s23] =	ssyncadd.s32 $0xFFFFC000  }
0x89: {  	[spmem:s1] =	stream.indirect.scatter.add.f32 [tilespmem:s21], [sflag:$0x3], $0x80, s31, s20, $0xb8;
	[tilespmem:$0x1DC00] =	vst v63  }
0x8a: {  	_ =	swait.ge [sflag:s17], $0x4000  }
0x8b: {  	[sflag:s17] =	ssyncset.done $0x0  }
0x8c: {  	[sflag:s17] =	ssyncadd.s32 $0xFFFFC000  }
0x8d: {  	[tilespmem:s21], [sflag:$0x2] =	stream.indirect.gather [hbm4b:s4+s20], $0x80, s24, s20, $0xb8;
	[tilespmem:$0x1DC00] =	vst v63  }
0x8e: {  	_ =	swait.ge [sflag:s22], $0x4000  }
0x8f: {  	[sflag:s22] =	ssyncset.done $0x0  }
0x90: {  	[sflag:s22] =	ssyncadd.s32 $0xFFFFC000  }
0x91: {  	[spmem:s1] =	stream.indirect.scatter.add.f32 [tilespmem:s16], [sflag:$0x3], $0x80, s26, s20, $0xb8;
	[tilespmem:$0x1DC00] =	vst v63  }
0x92: {  	_ =	swait.ge [sflag:s17], $0x4000  }
0x93: {  	[sflag:s17] =	ssyncset.done $0x0  }
0x94: {  	[sflag:s17] =	ssyncadd.s32 $0xFFFFC000  }
0x95: {  	s30 =	sadd.s32 $0x1, s30;
	_ =	swait.ge [sflag:s23], $0x4000  }
0x96: {  	p1 =	sne.s32 s30, $0x5;
	[sflag:s23] =	ssyncset.done $0x0  }
.Ltmp3:
0x97: {  	[sflag:s23] =	ssyncadd.s32 $0xFFFFC000;
	(pc) =	sbr.rel @p1 .LBB2_4-.Ltmp3, $4  }
0x98: {  	[spmem:s1] =	stream.indirect.scatter.add.f32 [tilespmem:s21], [sflag:$0x3], $0x80, s28, s20, $0xb8;
	[tilespmem:$0x1DC00] =	vst v63  }
0x99: {  	_ =	swait.ge [sflag:s17], $0x4000  }
0x9a: {  	[sflag:s17] =	ssyncset.done $0x0  }
0x9b: {  	[sflag:s17] =	ssyncadd.s32 $0xFFFFC000  }
0x9c: {  	[bflag:$0x0] =	sbarrier.arrive $0xFFFF;
	s0 =	simm.s32 @p0 $0x1FC3  }
0x9d: {  	[hbm:s14], [sflag:s0] =	dma.local @p0 [spmem:s25], $0x2080  }
0x9e: {  	s0 =	simm.s32 @p0 $0x3  }
0x9f: {  	s3 =	stileid.u32;
	s2 =	sadd.s32 $0x1, s2;
	_ =	swait.ge @p0 [sflag:s0], $0x2080  }
0xa0: {  	s3 =	sshll.u32 @!p0 s3, $0x6;
	p1 =	sne.s32 s2, s15;
	[sflag:s0] =	ssyncset.done @p0 $0x0  }
0xa1: {  	[sflag:s0] =	ssyncadd.s32 @p0 $0xFFFFDF80;
	s0 =	sor.u32 @!p0 $0x1C03, s3;
	s3 =	sshrl.u32 @!p0 s7, $0x3  }
0xa2: {  	[hbm:s13], [sflag:s0] =	dma.local @!p0 [spmem:s3], $0x2780  }
.Ltmp4:
0xa3: {  	_ = 	snop;
	(pc) =	sbr.rel @p1 .LBB2_1-.Ltmp4, $4  }
0xa4: {  	s0 =	simm.s32 @!p0 $0x3  }
0xa5: {  	_ =	swait.ge @!p0 [sflag:s0], $0x2780  }
0xa6: {  	[sflag:s0] =	ssyncset.done @!p0 $0x0  }
0xa7: {  	[sflag:s0] =	ssyncadd.s32 @!p0 $0xFFFFD880  }
0xa8: {  	_ =	sfence.sel $0x180000  }
0xa9: {  	[bflag:$0x0] =	sbarrier.arrive $0xFFFF  }
0xaa: {  	_ =	strace $0x9000004D  }
0xab: {  	s0 =	stileid.u32;
	[bflag:$0x2] =	sbarrier.arrive $0xFFFF  }
0xac: {  	p0 =	sne.s32 s0, $0x0;
	s0 =	rddreg [dreg:$0x2]  }
0xad: {  	s0 =	sadd.s32 @!p0 $0x100000, s0  }
0xae: {  	[sflag:s0] =	ssyncadd.tile.s32 @!p0 $0x1;
	_ =	shalt  }
.Lfunc_end2:
_tile_overlayer_lowered:
.L_overlay_start_2:
0xaf: {  	(tag) =	ssettag $0x2  }
0xb0: {  	s0 =	rddreg [dreg:$0x0];
	s2 =	stileid.u32  }
0xb1: {  	s1 =	rddreg [dreg:$0x1];
	p0 =	sne.s32 s2, $0x0  }
0xb2: {  	s3 =	rddreg [dreg:$0x2];
	[bflag:$0x3] =	sbarrier.arrive $0xFFFF;
	s2 =	simm.s32 @!p0 $0x1C03  }
0xb3: {  	[timem:s3], [sflag:s2] =	dma.local @!p0 [hbm:s0], s1  }
0xb4: {  	s0 =	simm.s32 @!p0 $0x3  }
0xb5: {  	_ =	swait.ge @!p0 [sflag:s0], s1  }
0xb6: {  	s1 =	ssub.s32 @!p0 $0x0, s1;
	[sflag:s0] =	ssyncset.done @!p0 $0x0  }
0xb7: {  	[sflag:s0] =	ssyncadd.s32 @!p0 s1  }
0xb8: {  	[bflag:$0x3] =	sbarrier.arrive $0xFFFF  }
0xb9: {  	_ =	shalt  }

// kernel: kernel.19.cloned.1.call-start
scs
__scs_entry_jumppad:
0x0: {  	(pc) =	sbr.rel $0x88, $3  }
0x1: {  	(tag) =	ssettag $0x0;
	lr =	simm.s32 $0x1  }
0x2: {  	[smem:$0x3F96] =	sst lr;
	_ =	strace $0xD0000000  }
0x3: {  	_ = 	snop  }
0x4: {  	_ = 	snop  }
0x5: {  	_ = 	snop  }
0x6: {  	_ = 	snop  }
0x7: {  	_ = 	snop  }
__scs_overlays_trampoline_lowered:
0x8: {  	[smem:$0x3FA5] =	sst s0  }
0x9: {  	[smem:$0x3FA6] =	sst s1  }
0xa: {  	[smem:$0x3FA7] =	sst s2  }
0xb: {  	[smem:$0x3FA8] =	sst s3  }
0xc: {  	[smem:$0x3FA9] =	sst s4  }
0xd: {  	[smem:$0x3FAA] =	sst s5  }
0xe: {  	[smem:$0x3FAB] =	sst s6  }
0xf: {  	[smem:$0x3FAC] =	sst s7  }
0x10: {  	[smem:$0x3FAD] =	sst s8  }
0x11: {  	[smem:$0x3FAE] =	sst s9;
	s0 =	simm.s32 @!p0 $0x0  }
0x12: {  	s1 =	sld [smem:$0x3F94];
	s0 =	simm.s32 @p0 $0x1  }
0x13: {  	[smem:$0x3FAF] =	sst s0;
	s0 =	simm.s32 @!p1 $0x0  }
0x14: {  	s2 =	sld [smem:$0x3F93];
	s0 =	simm.s32 @p1 $0x1  }
0x15: {  	[smem:$0x3FB0] =	sst s0;
	s0 =	simm.s32 @!p2 $0x0  }
0x16: {  	s3 =	sld [smem:$0x3FDB];
	s0 =	simm.s32 @p2 $0x1  }
0x17: {  	s4 =	simm.s32 $0x1BF5;
	[smem:$0x3FB2] =	sst s0  }
0x18: {  	s0 =	sld [smem:$0x3F95];
	_ =	swait.ge [sflag:s4], $0x0  }
0x19: {  	s7 =	sld [smem:$0x3F96]  }
0x1a: {  	s8 =	sadd.s32 $0xFFFFE003, lr  }
0x1b: {  	s9 =	sadd.s32 $0xFFFFFEF7, lr;
	s5 =	simm.s32 $0xFFFFFFFF;
	p2 =	slt.u32 s8, $0xFFFFF086  }
0x1c: {  	p1 =	slt.u32 s9, $0xF7A;
	s5 =	simm.s32 @!p2 $0x0  }
0x1d: {  	s5 =	simm.s32 @p1 $0x1;
	p0 =	seq.s32 s7, s2  }
0x1e: {  	s7 =	smul.u32 @!p0 $0xF7A, s2;
	p2 =	seq.s32 @!p0 s5, $0x0  }
0x1f: {  	s9 =	smul.u32 $0xF7A, s1;
	s8 =	simm.s32 @!p0 $0x1BF5;
	p2 =	por !p2, p0  }
0x20: {  	[sflag:s8] =	ssyncset.s32 @!p0 $0xFFFFF086;
	s6 =	sadd.s32 @!p0 s3, s7;
	s7 =	simm.s32 @!p0 $0x108  }
0x21: {  	s3 =	sadd.s32 s3, s9;
	s6 =	sadd.s32 @!p0 $0x88, s6;
	s7 =	simm.s32 @p2 $0x1082  }
0x22: {  	[simem:s7], [sflag:s8] =	dma.local @!p0 [hbm:s6], $0xF7A  }
0x23: {  	s9 =	sor.u32 $0xD0000000, s2;
	s6 =	simm.s32 $0x108;
	_ =	swait.ge @!p0 [sflag:s8], $0x0  }
0x24: {  	s3 =	sadd.s32 $0x88, s3;
	s6 =	simm.s32 @!p1 $0x1082;
	[sflag:s4] =	ssyncset.s32 $0xFFFFF086  }
0x25: {  	[simem:s6], [sflag:s4] =	dma.local [hbm:s3], $0xF7A  }
0x26: {  	[smem:$0x3F96] =	sst s1;
	(tag) =	ssettag s2;
	_ =	strace s9  }
0x27: {  	s1 =	sld [smem:$0x3FA6]  }
0x28: {  	s2 =	sld [smem:$0x3FA7]  }
0x29: {  	s4 =	sld [smem:$0x3FA9]  }
0x2a: {  	p0 =	seq.s32 s5, $0x0;
	s5 =	sld [smem:$0x3FAA]  }
0x2b: {  	s6 =	sld [smem:$0x3FAB]  }
0x2c: {  	s7 =	sld [smem:$0x3FAC]  }
0x2d: {  	s3 =	simm.s32 $0x108;
	s8 =	sld [smem:$0x3FAD]  }
0x2e: {  	s3 =	simm.s32 @!p0 $0x1082;
	s9 =	sld [smem:$0x3FAE]  }
0x2f: {  	lr =	sadd.s32 s0, s3;
	s0 =	sld [smem:$0x3FA5]  }
0x30: {  	s3 =	sld [smem:$0x3FA8]  }
0x31: {  	[smem:$0x3FB1] =	sst s10  }
0x32: {  	s10 =	sld [smem:$0x3FAF];
	_ =	sdelay $0x3  }
0x33: {  	p0 =	seq.s32 s10, $0x1;
	s10 =	sld [smem:$0x3FB1];
	_ =	sdelay $0x3  }
0x34: {  	[smem:$0x3FB1] =	sst s10  }
0x35: {  	s10 =	sld [smem:$0x3FB0];
	_ =	sdelay $0x3  }
0x36: {  	p1 =	seq.s32 s10, $0x1;
	s10 =	sld [smem:$0x3FB1];
	_ =	sdelay $0x3  }
0x37: {  	[smem:$0x3FB1] =	sst s10  }
0x38: {  	s10 =	sld [smem:$0x3FB2]  }
0x39: {  	_ = 	snop;
	(pc) =	sbr.ind lr, $3  }
0x3a: {  	_ = 	snop  }
0x3b: {  	_ = 	snop  }
0x3c: {  	p2 =	seq.s32 s10, $0x1;
	s10 =	sld [smem:$0x3FB1]  }
0x3d: {  	_ =	shalt  }
0x3e: {  	_ =	shalt  }
0x3f: {  	_ =	shalt  }
0x40: {  	_ =	shalt  }
0x41: {  	_ =	shalt  }
0x42: {  	_ =	shalt  }
0x43: {  	_ =	shalt  }
0x44: {  	_ =	shalt  }
0x45: {  	_ =	shalt  }
0x46: {  	_ =	shalt  }
0x47: {  	_ =	shalt  }
0x48: {  	_ =	shalt  }
0x49: {  	_ =	shalt  }
0x4a: {  	_ =	shalt  }
0x4b: {  	_ =	shalt  }
0x4c: {  	_ =	shalt  }
0x4d: {  	_ =	shalt  }
0x4e: {  	_ =	shalt  }
0x4f: {  	_ =	shalt  }
0x50: {  	_ =	shalt  }
0x51: {  	_ =	shalt  }
0x52: {  	_ =	shalt  }
0x53: {  	_ =	shalt  }
0x54: {  	_ =	shalt  }
0x55: {  	_ =	shalt  }
0x56: {  	_ =	shalt  }
0x57: {  	_ =	shalt  }
0x58: {  	_ =	shalt  }
0x59: {  	_ =	shalt  }
0x5a: {  	_ =	shalt  }
0x5b: {  	_ =	shalt  }
0x5c: {  	_ =	shalt  }
0x5d: {  	_ =	shalt  }
0x5e: {  	_ =	shalt  }
0x5f: {  	_ =	shalt  }
0x60: {  	_ =	shalt  }
0x61: {  	_ =	shalt  }
0x62: {  	_ =	shalt  }
0x63: {  	_ =	shalt  }
0x64: {  	_ =	shalt  }
0x65: {  	_ =	shalt  }
0x66: {  	_ =	shalt  }
0x67: {  	_ =	shalt  }
0x68: {  	_ =	shalt  }
0x69: {  	_ =	shalt  }
0x6a: {  	_ =	shalt  }
0x6b: {  	_ =	shalt  }
0x6c: {  	_ =	shalt  }
0x6d: {  	_ =	shalt  }
0x6e: {  	_ =	shalt  }
0x6f: {  	_ =	shalt  }
0x70: {  	_ =	shalt  }
0x71: {  	_ =	shalt  }
0x72: {  	_ =	shalt  }
0x73: {  	_ =	shalt  }
0x74: {  	_ =	shalt  }
0x75: {  	_ =	shalt  }
0x76: {  	_ =	shalt  }
0x77: {  	_ =	shalt  }
0x78: {  	_ =	shalt  }
0x79: {  	_ =	shalt  }
0x7a: {  	_ =	shalt  }
0x7b: {  	_ =	shalt  }
0x7c: {  	_ =	shalt  }
0x7d: {  	_ =	shalt  }
0x7e: {  	_ =	shalt  }
0x7f: {  	_ =	shalt  }
0x80: {  	_ =	shalt  }
0x81: {  	_ =	shalt  }
0x82: {  	_ =	shalt  }
0x83: {  	_ =	shalt  }
0x84: {  	_ =	shalt  }
0x85: {  	_ =	shalt  }
0x86: {  	_ =	shalt  }
0x87: {  	_ =	shalt  }
.Lfunc_end0:
.L_simem_size_0:
called_computation.3_lowered:
.L_overlay_start_0:
0x88: {  	s2 =	sld [smem:$0x3FD9]  }
0x89: {  	s3 =	sld [smem:$0x3FFE];
	_ =	sdelay $0x1  }
0x8a: {  	s1 =	srdreg.scid  }
0x8b: {  	s0 =	sand.u32 $0x1, s1  }
0x8c: {  	s16 =	sshll.u32 s0, $0xA;
	s2 =	sadd.s32 s3, s2  }
0x8d: {  	s2 =	sadd.s32 s2, s16  }
0x8e: {  	[smem:$0x3FBD] =	sst s2  }
0x8f: {  	_ = 	snop  }
0x90: {  	(tm) =	ssettm $0x1  }
0x91: {  	s17 =	sld [smem:$0x3FFB];
	_ =	sdelay $0x3  }
0x92: {  	_ =	strace s17  }
0x93: {  	s2 =	sld [smem:$0x3FFC];
	_ =	sdelay $0x3  }
0x94: {  	_ =	strace s2  }
0x95: {  	s2 =	sld [smem:$0x3FFD];
	_ =	sdelay $0x3  }
0x96: {  	_ =	strace s2  }
0x97: {  	_ =	strace $0x8FFFFFFF  }
0x98: {  	s18 =	sld [smem:$0x3FDB];
	_ =	sdelay $0x1  }
0x99: {  	s19 =	simm.s32 $_scs_section_size  }
0x9a: {  	s4 =	simm.s32 $_size__tile_overlayer_lowered;
	s5 =	simm.s32 $_tile_overlayer_lowered  }
0x9b: {  	s22 =	simm.s32 $0x1BFF;
	s21 =	sshll.u32 s5, $0x1;
	s2 =	sadd.s32 s19, s18  }
0x9c: {  	s6 =	simm.s32 $0x0;
	s20 =	sshll.u32 s4, $0x1;
	s4 =	sadd.s32 s21, s2  }
0x9d: {  	[timem:s6], [sflag:s22] =	dma.local [hbm:s4], s20  }
0x9e: {  	_ =	swait.ge [sflag:s22], s20  }
0x9f: {  	s3 =	ssub.s32 $0x0, s20;
	[sflag:s22] =	ssyncset.done $0x0  }
0xa0: {  	[sflag:s22] =	ssyncadd.s32 s3;
	_ =	sdelay $0x1  }
0xa1: {  	s23 =	simm.s32 $0x1B8B  }
0xa2: {  	_ =	swait.ge [sflag:s23], $0x1  }
0xa3: {  	[sflag:s23] =	ssyncset.done $0x0  }
0xa4: {  	s25 =	simm.s32 $0x1B8E;
	s24 =	sld [smem:$0x3FFE];
	[sflag:s23] =	ssyncadd.s32 $0xFFFFFFFF  }
0xa5: {  	s26 =	simm.s32 $execute0_lowered;
	[smem:$0x3FD2] =	sst s25  }
0xa6: {  	s4 =	sshll.u32 s26, $0x1;
	_ =	strace $0x8000004F;
	[dreg:$0x1] =	wrdreg $0xFFFFFFFF  }
0xa7: {  	s28 =	simm.s32 $_size_execute0_lowered;
	s2 =	sadd.s32 s2, s4;
	[dreg:$0x0] =	wrdreg $0x0  }
0xa8: {  	s4 =	sshll.u32 s28, $0x1;
	[dreg:$0x2] =	wrdreg s2  }
0xa9: {  	[dreg:$0x3] =	wrdreg s4  }
0xaa: {  	[dreg:$0x4] =	wrdreg $0xC0  }
0xab: {  	_ =	task [dreg:s6], $0x5FFFF  }
0xac: {  	[dreg:$0x1] =	wrdreg $0xFFFFFFFF  }
0xad: {  	[dreg:$0x0] =	wrdreg $0x60  }
0xae: {  	[dreg:$0x2] =	wrdreg s24  }
0xaf: {  	[dreg:$0x3] =	wrdreg $0x0  }
0xb0: {  	[dreg:$0x4] =	wrdreg $0x9  }
0xb1: {  	_ =	task.clear_ibuf [dreg:s6], $0x5FFFF;
	_ =	strace $0x9000004F  }
0xb2: {  	s29 =	simm.s32 $0x9;
	_ =	strace $0x80000051  }
0xb3: {  	_ =	swait.ge [sflag:s29], $0x1  }
0xb4: {  	[sflag:s29] =	ssyncadd.s32 $0xFFFFFFFF  }
0xb5: {  	_ =	strace $0x90000051  }
0xb6: {  	_ =	sfence  }
0xb7: {  	s30 =	sld [smem:$0x0];
	_ =	sdelay $0x2  }
0xb8: {  	s31 =	sshll.u32 s1, $0xD;
	s1 =	sshrl.u32 s1, $0x2  }
0xb9: {  	s3 =	sand.u32 $0x4000, s31;
	s1 =	sadd.s32 s1, s30  }
0xba: {  	s0 =	sor.u32 s3, s0;
	s1 =	sshll.u32 s1, $0x11  }
0xbb: {  	s0 =	sor.u32 s1, s0  }
0xbc: {  	s0 =	sadd.s32 $0x8F2B, s0  }
0xbd: {  	[sflag:s0] =	ssyncadd.remote.s32 $0x1  }
0xbe: {  	_ =	sfence.sel $0xFFFF  }
0xbf: {  	[dreg:$0x0] =	wrdreg $0xFFFFFFFF;
	(pc) =	sbr.abs _section_cstart, $3  }
0xc0: {  	[dreg:$0x1] =	wrdreg $0xFFFFFFFF  }
0xc1: {  	_ =	task.clear_ibuf [dreg:s6], $0x2FFFF;
	_ =	strace $0x9FFFFFFF  }
0xc2: {  	(tm) =	ssettm $0x7FFFFFFF  }
0xc3: {  	_ =	shalt  }
tec
execute0_lowered:
.L_overlay_start_1:
0x0: {  	(tag) =	ssettag $0x1  }
0x1: {  	s0 =	rddreg [dreg:$0x0]  }
0x2: {  	s1 =	rddreg [dreg:$0x1];
	s2 =	simm.s32 $0x0;
	s6 =	srdreg.scid  }
0x3: {  	s3 =	stileid.u32;
	s17 =	simm.s32 $0x3;
	s18 =	simm.s32 $0x13C00  }
0x4: {  	s19 =	simm.s32 $0x14C00;
	s20 =	simm.s32 $0x80;
	s21 =	simm.s32 $0x19C00  }
0x5: {  	s22 =	simm.s32 $0x1;
	s23 =	simm.s32 $0x2;
	s24 =	simm.s32 $0x14B80  }
0x6: {  	s28 =	simm.s32 $0x15B80;
	[smem:$0x7FF] =	sst s2;
	s4 =	sadd.s32 $0x65E00, s0  }
0x7: {  	s5 =	sadd.s32 $0x3C00, s0;
	s10 =	sand.u32 $0x1, s6;
	s7 =	smul.u32 $0x4F000, s3  }
0x8: {  	s6 =	sadd.s32 $0xDC00, s0;
	s0 =	sadd.s32 $0xB4000, s0;
	s12 =	smul.u32 $0x278, s3  }
0x9: {  	s26 =	sadd.s32 $0x128400, s1;
	p0 =	seq.s32 s3, $0xF;
	s8 =	ssub.s32 $0x2, s10  }
0xa: {  	_ =	strace $0x80000050;
	s25 =	smul.u32 $0x2710, s10;
	s9 =	sshrl.u32 s8, $0x1  }
0xb: {  	s13 =	smul.u32 $0x138800, s10;
	s7 =	sshrl.u32 s7, $0x2;
	s15 =	ssub.s32 s8, s9  }
0xc: {  	s7 =	sadd.s32 s7, s1;
	s14 =	sadd.s32 s12, s25;
	s12 =	smul.u32 $0x5000, s3  }
0xd: {  	s16 =	sshrl.u32 s13, $0x3;
	v0 =	vmov s25;
	s25 =	sshrl.u32 @p0 s26, $0x3;
	s26 =	simm.s32 $0x15B00  }
0xe: {  	s30 =	sadd.s32 $0x4000, s7;
	s31 =	sadd.s32 $0x8000, s7;
	s10 =	sadd.s32 $0xC000, s7  }
0xf: {  	s11 =	sadd.s32 $0x10000, s7;
	s14 =	sshll.u32 s14, $0x4;
	s15 =	smax.u32 s15, $0x1  }
0x10: {  	[dreg:$0x3] =	wrdreg s30;
	s13 =	sadd.s32 s0, s14;
	s0 =	sadd.s32 s0, s16  }
0x11: {  	v1 =	vimm.f32 $0.0e+00;
	[dreg:$0x4] =	wrdreg s31;
	s16 =	simm.s32 $0x15C00;
	s14 =	sadd.s32 $0x25080, s0  }
.LBB2_1:
0x12: {  	s0 =	simm.s32 $0x0;
	s29 =	simm.s32 $0x200  }
.LBB2_2:
0x13: {  	p1 =	sne.s32 s29, $0xFE00;
	[tilespmem:s0+$0x15C70] =	vst v1  }
0x14: {  	[tilespmem:s0+$0x15C00] =	vst v1  }
0x15: {  	[tilespmem:s0+$0x15C10] =	vst v1  }
.Ltmp0:
0x16: {  	[tilespmem:s0+$0x15C20] =	vst v1;
	(pc) =	sbr.rel @p1 .LBB2_2-.Ltmp0, $4  }
0x17: {  	[tilespmem:s0+$0x15C30] =	vst v1  }
0x18: {  	[tilespmem:s0+$0x15C40] =	vst v1  }
0x19: {  	[tilespmem:s0+$0x15C50] =	vst v1  }
0x1a: {  	[tilespmem:s0+$0x15C60] =	vst v1;
	s0 =	sshra.s32 s29, $0x2;
	s29 =	sadd.s32 $0x200, s29  }
0x1b: {  	[tilespmem:s0+$0x15C70] =	vst v1  }
0x1c: {  	[tilespmem:s0+$0x15C00] =	vst v1  }
0x1d: {  	[tilespmem:s0+$0x15C10] =	vst v1  }
0x1e: {  	[tilespmem:s0+$0x15C20] =	vst v1  }
0x1f: {  	[tilespmem:s0+$0x15C30] =	vst v1  }
0x20: {  	[tilespmem:s0+$0x15C40] =	vst v1  }
0x21: {  	[tilespmem:s0+$0x15C50] =	vst v1  }
0x22: {  	[tilespmem:s0+$0x15C60] =	vst v1  }
0x23: {  	[spmem:s7] =	stream.linear.scatter [tilespmem:s16], [sflag:$0x3], $0x4000, $0x38;
	[tilespmem:$0x1DC00] =	vst v63  }
0x24: {  	_ =	swait.ge [sflag:s17], $0x4000  }
0x25: {  	[sflag:s17] =	ssyncset.done $0x0  }
0x26: {  	s9 =	rddreg [dreg:$0x3];
	[sflag:s17] =	ssyncadd.s32 $0xFFFFC000  }
0x27: {  	[spmem:s9] =	stream.linear.scatter [tilespmem:s16], [sflag:$0x3], $0x4000, $0x38;
	[tilespmem:$0x1DC00] =	vst v63  }
0x28: {  	_ =	swait.ge [sflag:s17], $0x4000  }
0x29: {  	[sflag:s17] =	ssyncset.done $0x0  }
0x2a: {  	s31 =	rddreg [dreg:$0x4];
	[sflag:s17] =	ssyncadd.s32 $0xFFFFC000  }
0x2b: {  	[spmem:s31] =	stream.linear.scatter [tilespmem:s16], [sflag:$0x3], $0x4000, $0x38;
	[tilespmem:$0x1DC00] =	vst v63  }
0x2c: {  	_ =	swait.ge [sflag:s17], $0x4000  }
0x2d: {  	[sflag:s17] =	ssyncset.done $0x0  }
0x2e: {  	[sflag:s17] =	ssyncadd.s32 $0xFFFFC000  }
0x2f: {  	[spmem:s10] =	stream.linear.scatter [tilespmem:s16], [sflag:$0x3], $0x4000, $0x38;
	[tilespmem:$0x1DC00] =	vst v63  }
0x30: {  	_ =	swait.ge [sflag:s17], $0x4000  }
0x31: {  	[sflag:s17] =	ssyncset.done $0x0  }
0x32: {  	[sflag:s17] =	ssyncadd.s32 $0xFFFFC000  }
0x33: {  	[spmem:s11] =	stream.linear.scatter [tilespmem:s16], [sflag:$0x3], $0x3C00, $0x38;
	[tilespmem:$0x1DC00] =	vst v63  }
0x34: {  	_ =	swait.ge [sflag:s17], $0x3C00  }
0x35: {  	[sflag:s17] =	ssyncset.done $0x0  }
0x36: {  	[sflag:s17] =	ssyncadd.s32 $0xFFFFC400  }
0x37: {  	s29 =	simm.s32 $0x0;
	s30 =	simm.s32 $0x0;
	[bflag:$0x0] =	sbarrier.arrive $0xFFFF  }
.LBB2_4:
0x38: {  	s0 =	sshll.u32 s30, $0xC  }
0x39: {  	s0 =	sadd.s32 s12, s0  }
0x3a: {  	s0 =	sshrl.u32 s0, $0x3  }
0x3b: {  	s31 =	sadd.s32 s5, s0  }
0x3c: {  	[tilespmem:s18], [sflag:$0x3] =	stream.linear.gather [hbm4b:s31+s29], $0x1000, $0x38;
	[tilespmem:$0x1DC00] =	vst v63  }
0x3d: {  	_ =	swait.ge [sflag:s17], $0x1000  }
0x3e: {  	[sflag:s17] =	ssyncset.done $0x0  }
0x3f: {  	s0 =	sadd.s32 s6, s0;
	[sflag:s17] =	ssyncadd.s32 $0xFFFFF000  }
0x40: {  	[tilespmem:s19], [sflag:$0x3] =	stream.linear.gather [hbm4b:s0+s29], $0x1000, $0x38;
	[tilespmem:$0x1DC00] =	vst v63  }
0x41: {  	_ =	swait.ge [sflag:s17], $0x1000  }
0x42: {  	[sflag:s17] =	ssyncset.done $0x0  }
0x43: {  	s31 =	simm.s32 $0x0;
	[sflag:s17] =	ssyncadd.s32 $0xFFFFF000  }
0x44: {  	v4 =	vld [tilespmem:s31+$0x13C00]  }
0x45: {  	v6 =	vld [tilespmem:s31+$0x13C10]  }
0x46: {  	v5 =	vld [tilespmem:s31+$0x13C20]  }
0x47: {  	v3 =	vld [tilespmem:s31+$0x13C30]  }
0x48: {  	v2 =	vld [tilespmem:s31+$0x13C40]  }
0x49: {  	v7 =	vadd.s32 v0, v4;
	v4 =	vld [tilespmem:s31+$0x13C50]  }
0x4a: {  	s0 =	simm.s32 $0x200;
	[tilespmem:s31+$0x13C00] =	vst v7;
	v7 =	vadd.s32 v0, v6;
	v6 =	vld [tilespmem:s31+$0x13C60]  }
.LBB2_5:
0x4b: {  	s3 =	sshra.s32 s0, $0x2;
	p1 =	sne.s32 s0, $0x3E00;
	[tilespmem:s31+$0x13C10] =	vst v7;
	v5 =	vadd.s32 v0, v5;
	v7 =	vld [tilespmem:s31+$0x13C70]  }
0x4c: {  	v8 =	vld [tilespmem:s3+$0x13C00];
	[tilespmem:s31+$0x13C20] =	vst v5;
	v3 =	vadd.s32 v0, v3  }
0x4d: {  	v9 =	vld [tilespmem:s3+$0x13C10];
	[tilespmem:s31+$0x13C30] =	vst v3;
	v2 =	vadd.s32 v0, v2  }
.Ltmp1:
0x4e: {  	v5 =	vld [tilespmem:s3+$0x13C20];
	[tilespmem:s31+$0x13C40] =	vst v2;
	v2 =	vadd.s32 v0, v4;
	(pc) =	sbr.rel @p1 .LBB2_5-.Ltmp1, $4  }
0x4f: {  	v3 =	vld [tilespmem:s3+$0x13C30];
	[tilespmem:s31+$0x13C50] =	vst v2;
	v4 =	vadd.s32 v0, v6  }
0x50: {  	v2 =	vld [tilespmem:s3+$0x13C40];
	[tilespmem:s31+$0x13C60] =	vst v4;
	v6 =	vadd.s32 v0, v7  }
0x51: {  	v7 =	vadd.s32 v0, v8;
	v4 =	vld [tilespmem:s3+$0x13C50];
	[tilespmem:s31+$0x13C70] =	vst v6;
	s31 =	smov.u32 s3  }
0x52: {  	s0 =	sadd.s32 $0x200, s0;
	[tilespmem:s31+$0x13C00] =	vst v7;
	v7 =	vadd.s32 v0, v9;
	v6 =	vld [tilespmem:s31+$0x13C60]  }
0x53: {  	[tilespmem:s31+$0x13C10] =	vst v7;
	v5 =	vadd.s32 v0, v5;
	v63 =	vld [tilespmem:s31+$0x13C70]  }
0x54: {  	[tilespmem:s31+$0x13C20] =	vst v5;
	v3 =	vadd.s32 v0, v3  }
0x55: {  	[tilespmem:s31+$0x13C30] =	vst v3;
	v2 =	vadd.s32 v0, v2  }
0x56: {  	[tilespmem:s31+$0x13C40] =	vst v2;
	v2 =	vadd.s32 v0, v4  }
0x57: {  	[tilespmem:s31+$0x13C50] =	vst v2;
	v2 =	vadd.s32 v0, v6  }
0x58: {  	[tilespmem:s31+$0x13C60] =	vst v2;
	v2 =	vadd.s32 v0, v63  }
0x59: {  	[tilespmem:s31+$0x13C70] =	vst v2  }
0x5a: {  	[tilespmem:s16], [sflag:$0x1] =	stream.indirect.gather [hbm4b:s4+s20], $0x80, s18, s20, $0xb8;
	[tilespmem:$0x1DC00] =	vst v63  }
0x5b: {  	s0 =	simm.s32 $0x13C80  }
0x5c: {  	[tilespmem:s21], [sflag:$0x2] =	stream.indirect.gather [hbm4b:s4+s20], $0x80, s0, s20, $0xb8;
	[tilespmem:$0x1DC00] =	vst v63  }
0x5d: {  	_ =	swait.ge [sflag:s22], $0x4000  }
0x5e: {  	[sflag:s22] =	ssyncset.done $0x0  }
0x5f: {  	s3 =	simm.s32 $0x14C00;
	[sflag:s22] =	ssyncadd.s32 $0xFFFFC000  }
0x60: {  	[spmem:s1] =	stream.indirect.scatter.add.f32 [tilespmem:s16], [sflag:$0x3], $0x80, s3, s20, $0xb8;
	[tilespmem:$0x1DC00] =	vst v63  }
0x61: {  	_ =	swait.ge [sflag:s17], $0x4000  }
0x62: {  	[sflag:s17] =	ssyncset.done $0x0  }
0x63: {  	s8 =	simm.s32 $0x13D00;
	[sflag:s17] =	ssyncadd.s32 $0xFFFFC000  }
0x64: {  	[tilespmem:s16], [sflag:$0x1] =	stream.indirect.gather [hbm4b:s4+s20], $0x80, s8, s20, $0xb8;
	[tilespmem:$0x1DC00] =	vst v63  }
0x65: {  	_ =	swait.ge [sflag:s23], $0x4000  }
0x66: {  	[sflag:s23] =	ssyncset.done $0x0  }
0x67: {  	s9 =	simm.s32 $0x14C80;
	[sflag:s23] =	ssyncadd.s32 $0xFFFFC000  }
0x68: {  	[spmem:s1] =	stream.indirect.scatter.add.f32 [tilespmem:s21], [sflag:$0x3], $0x80, s9, s20, $0xb8;
	[tilespmem:$0x1DC00] =	vst v63  }
0x69: {  	_ =	swait.ge [sflag:s17], $0x4000  }
0x6a: {  	s31 =	simm.s32 $0x100;
	s0 =	simm.s32 $0x800;
	[sflag:s17] =	ssyncset.done $0x0  }
.LBB2_7:
0x6b: {  	s3 =	sadd.s32 $0x13C80, s31  }
0x6c: {  	[sflag:s17] =	ssyncadd.s32 $0xFFFFC000;
	s8 =	smov.u32 s0;
	s9 =	sadd.s32 $0x400, s0  }
0x6d: {  	[tilespmem:s21], [sflag:$0x2] =	stream.indirect.gather [hbm4b:s4+s20], $0x80, s3, s20, $0xb8;
	[tilespmem:$0x1DC00] =	vst v63  }
0x6e: {  	p1 =	sne.s32 s0, $0x3800;
	_ =	swait.ge [sflag:s22], $0x4000  }
0x6f: {  	[sflag:s22] =	ssyncset.done $0x0  }
0x70: {  	s0 =	sadd.s32 $0x14C00, s31;
	[sflag:s22] =	ssyncadd.s32 $0xFFFFC000  }
0x71: {  	[spmem:s1] =	stream.indirect.scatter.add.f32 [tilespmem:s16], [sflag:$0x3], $0x80, s0, s20, $0xb8;
	[tilespmem:$0x1DC00] =	vst v63  }
0x72: {  	_ =	swait.ge [sflag:s17], $0x4000  }
0x73: {  	[sflag:s17] =	ssyncset.done $0x0  }
0x74: {  	s0 =	sadd.s32 $0x13D00, s31;
	[sflag:s17] =	ssyncadd.s32 $0xFFFFC000  }
0x75: {  	[tilespmem:s16], [sflag:$0x1] =	stream.indirect.gather [hbm4b:s4+s20], $0x80, s0, s20, $0xb8;
	[tilespmem:$0x1DC00] =	vst v63  }
0x76: {  	_ =	swait.ge [sflag:s23], $0x4000  }
.Ltmp2:
0x77: {  	[sflag:s23] =	ssyncset.done $0x0;
	(pc) =	sbr.rel @p1 .LBB2_7-.Ltmp2, $4  }
0x78: {  	s0 =	sadd.s32 $0x14C80, s31;
	[sflag:s23] =	ssyncadd.s32 $0xFFFFC000  }
0x79: {  	[spmem:s1] =	stream.indirect.scatter.add.f32 [tilespmem:s21], [sflag:$0x3], $0x80, s0, s20, $0xb8;
	[tilespmem:$0x1DC00] =	vst v63  }
0x7a: {  	_ =	swait.ge [sflag:s17], $0x4000  }
0x7b: {  	s31 =	sshra.s32 s8, $0x2;
	s0 =	smov.u32 s9;
	[sflag:s17] =	ssyncset.done $0x0  }
0x7c: {  	s0 =	sadd.s32 $0x13C80, s31;
	[sflag:s17] =	ssyncadd.s32 $0xFFFFC000  }
0x7d: {  	[tilespmem:s21], [sflag:$0x2] =	stream.indirect.gather [hbm4b:s4+s20], $0x80, s0, s20, $0xb8;
	[tilespmem:$0x1DC00] =	vst v63  }
0x7e: {  	_ =	swait.ge [sflag:s22], $0x4000  }
0x7f: {  	[sflag:s22] =	ssyncset.done $0x0  }
0x80: {  	s8 =	sadd.s32 $0x14C00, s31;
	[sflag:s22] =	ssyncadd.s32 $0xFFFFC000  }
0x81: {  	[spmem:s1] =	stream.indirect.scatter.add.f32 [tilespmem:s16], [sflag:$0x3], $0x80, s8, s20, $0xb8;
	[tilespmem:$0x1DC00] =	vst v63  }
0x82: {  	_ =	swait.ge [sflag:s17], $0x4000  }
0x83: {  	[sflag:s17] =	ssyncset.done $0x0  }
0x84: {  	s9 =	sadd.s32 $0x13D00, s31;
	[sflag:s17] =	ssyncadd.s32 $0xFFFFC000  }
0x85: {  	[tilespmem:s16], [sflag:$0x1] =	stream.indirect.gather [hbm4b:s4+s20], $0x80, s9, s20, $0xb8;
	[tilespmem:$0x1DC00] =	vst v63  }
0x86: {  	_ =	swait.ge [sflag:s23], $0x4000  }
0x87: {  	[sflag:s23] =	ssyncset.done $0x0  }
0x88: {  	s31 =	sadd.s32 $0x14C80, s31;
	[sflag:s23] =	ssyncadd.s32 $0xFFFFC000  }
0x89: {  	[spmem:s1] =	stream.indirect.scatter.add.f32 [tilespmem:s21], [sflag:$0x3], $0x80, s31, s20, $0xb8;
	[tilespmem:$0x1DC00] =	vst v63  }
0x8a: {  	_ =	swait.ge [sflag:s17], $0x4000  }
0x8b: {  	[sflag:s17] =	ssyncset.done $0x0  }
0x8c: {  	[sflag:s17] =	ssyncadd.s32 $0xFFFFC000  }
0x8d: {  	[tilespmem:s21], [sflag:$0x2] =	stream.indirect.gather [hbm4b:s4+s20], $0x80, s24, s20, $0xb8;
	[tilespmem:$0x1DC00] =	vst v63  }
0x8e: {  	_ =	swait.ge [sflag:s22], $0x4000  }
0x8f: {  	[sflag:s22] =	ssyncset.done $0x0  }
0x90: {  	[sflag:s22] =	ssyncadd.s32 $0xFFFFC000  }
0x91: {  	[spmem:s1] =	stream.indirect.scatter.add.f32 [tilespmem:s16], [sflag:$0x3], $0x80, s26, s20, $0xb8;
	[tilespmem:$0x1DC00] =	vst v63  }
0x92: {  	_ =	swait.ge [sflag:s17], $0x4000  }
0x93: {  	[sflag:s17] =	ssyncset.done $0x0  }
0x94: {  	[sflag:s17] =	ssyncadd.s32 $0xFFFFC000  }
0x95: {  	s30 =	sadd.s32 $0x1, s30;
	_ =	swait.ge [sflag:s23], $0x4000  }
0x96: {  	p1 =	sne.s32 s30, $0x5;
	[sflag:s23] =	ssyncset.done $0x0  }
.Ltmp3:
0x97: {  	[sflag:s23] =	ssyncadd.s32 $0xFFFFC000;
	(pc) =	sbr.rel @p1 .LBB2_4-.Ltmp3, $4  }
0x98: {  	[spmem:s1] =	stream.indirect.scatter.add.f32 [tilespmem:s21], [sflag:$0x3], $0x80, s28, s20, $0xb8;
	[tilespmem:$0x1DC00] =	vst v63  }
0x99: {  	_ =	swait.ge [sflag:s17], $0x4000  }
0x9a: {  	[sflag:s17] =	ssyncset.done $0x0  }
0x9b: {  	[sflag:s17] =	ssyncadd.s32 $0xFFFFC000  }
0x9c: {  	[bflag:$0x0] =	sbarrier.arrive $0xFFFF;
	s0 =	simm.s32 @p0 $0x1FC3  }
0x9d: {  	[hbm:s14], [sflag:s0] =	dma.local @p0 [spmem:s25], $0x2080  }
0x9e: {  	s0 =	simm.s32 @p0 $0x3  }
0x9f: {  	s3 =	stileid.u32;
	s2 =	sadd.s32 $0x1, s2;
	_ =	swait.ge @p0 [sflag:s0], $0x2080  }
0xa0: {  	s3 =	sshll.u32 @!p0 s3, $0x6;
	p1 =	sne.s32 s2, s15;
	[sflag:s0] =	ssyncset.done @p0 $0x0  }
0xa1: {  	[sflag:s0] =	ssyncadd.s32 @p0 $0xFFFFDF80;
	s0 =	sor.u32 @!p0 $0x1C03, s3;
	s3 =	sshrl.u32 @!p0 s7, $0x3  }
0xa2: {  	[hbm:s13], [sflag:s0] =	dma.local @!p0 [spmem:s3], $0x2780  }
.Ltmp4:
0xa3: {  	_ = 	snop;
	(pc) =	sbr.rel @p1 .LBB2_1-.Ltmp4, $4  }
0xa4: {  	s0 =	simm.s32 @!p0 $0x3  }
0xa5: {  	_ =	swait.ge @!p0 [sflag:s0], $0x2780  }
0xa6: {  	[sflag:s0] =	ssyncset.done @!p0 $0x0  }
0xa7: {  	[sflag:s0] =	ssyncadd.s32 @!p0 $0xFFFFD880  }
0xa8: {  	_ =	sfence.sel $0x180000  }
0xa9: {  	[bflag:$0x0] =	sbarrier.arrive $0xFFFF  }
0xaa: {  	_ =	strace $0x90000050  }
0xab: {  	s0 =	stileid.u32;
	[bflag:$0x2] =	sbarrier.arrive $0xFFFF  }
0xac: {  	p0 =	sne.s32 s0, $0x0;
	s0 =	rddreg [dreg:$0x2]  }
0xad: {  	s0 =	sadd.s32 @!p0 $0x100000, s0  }
0xae: {  	[sflag:s0] =	ssyncadd.tile.s32 @!p0 $0x1;
	_ =	shalt  }
.Lfunc_end2:
_tile_overlayer_lowered:
.L_overlay_start_2:
0xaf: {  	(tag) =	ssettag $0x2  }
0xb0: {  	s0 =	rddreg [dreg:$0x0];
	s2 =	stileid.u32  }
0xb1: {  	s1 =	rddreg [dreg:$0x1];
	p0 =	sne.s32 s2, $0x0  }
0xb2: {  	s3 =	rddreg [dreg:$0x2];
	[bflag:$0x3] =	sbarrier.arrive $0xFFFF;
	s2 =	simm.s32 @!p0 $0x1C03  }
0xb3: {  	[timem:s3], [sflag:s2] =	dma.local @!p0 [hbm:s0], s1  }
0xb4: {  	s0 =	simm.s32 @!p0 $0x3  }
0xb5: {  	_ =	swait.ge @!p0 [sflag:s0], s1  }
0xb6: {  	s1 =	ssub.s32 @!p0 $0x0, s1;
	[sflag:s0] =	ssyncset.done @!p0 $0x0  }
0xb7: {  	[sflag:s0] =	ssyncadd.s32 @!p0 s1  }
0xb8: {  	[bflag:$0x3] =	sbarrier.arrive $0xFFFF  }
0xb9: {  	_ =	shalt  }

</sc_bundles>
